<compile_context>
chip_gen: v7x
topology: tpu7x:2x2x1
jax: 0.10.2.dev20260603
libtpu: 0.0.44.dev20260713+nightly
codegen_flags: <defaults>
</compile_context>

<pallas_src>
import functools

import jax
import jax.numpy as jnp
from jax import lax
from jax.experimental import pallas as pl
from jax.experimental.pallas import tpu as pltpu
from jax.experimental.pallas import tpu_sc as plsc

N_NODES = 10000
D_IN = 128
N_CLS = 3
E_TOTAL = 320000

NC = 2
NS = 16
N_PAD = 10240

ROWS_C0 = 640
RCHUNK = 80

EDGES_C0 = 12000
EDGES_C1 = 8000
ECHUNK = 800
NSLOT = 4
ROWS_OUT = N_PAD // NS

_sc_mesh = plsc.VectorSubcoreMesh(core_axis_name="c", subcore_axis_name="s")
_sc_params = pltpu.CompilerParams(use_tc_tiling_on_sc=False)


@functools.partial(
    pl.kernel,
    out_type=jax.ShapeDtypeStruct((N_PAD, D_IN), jnp.float32),
    mesh=_sc_mesh,
    scratch_types=[
        pltpu.VMEM((ROWS_C0,), jnp.int32),
        pltpu.VMEM((ROWS_C0, D_IN), jnp.float32),
        pltpu.SemaphoreType.DMA,
        pltpu.SemaphoreType.DMA,
    ],
    compiler_params=_sc_params,
)
def _gather_rows(x_hbm, nid_hbm, xs_hbm, idx_v, rows_v, gsem, wsem):
    cid = lax.axis_index("c")
    sid = lax.axis_index("s")

    def work(base, n):
        nb = n // RCHUNK
        pltpu.sync_copy(nid_hbm.at[pl.ds(base, n)], idx_v.at[pl.ds(0, n)])
        for i in range(nb):
            pltpu.async_copy(x_hbm.at[idx_v.at[pl.ds(i * RCHUNK, RCHUNK)]],
                             rows_v.at[pl.ds(i * RCHUNK, RCHUNK)], gsem)
        for i in range(nb):
            pltpu.make_async_copy(
                x_hbm.at[idx_v.at[pl.ds(i * RCHUNK, RCHUNK)]],
                rows_v.at[pl.ds(i * RCHUNK, RCHUNK)], gsem).wait()
            pltpu.async_copy(rows_v.at[pl.ds(i * RCHUNK, RCHUNK)],
                             xs_hbm.at[pl.ds(base + i * RCHUNK, RCHUNK)], wsem)
        for i in range(nb):
            pltpu.make_async_copy(
                rows_v.at[pl.ds(i * RCHUNK, RCHUNK)],
                xs_hbm.at[pl.ds(base + i * RCHUNK, RCHUNK)], wsem).wait()

    @pl.when(cid == 0)
    def _():
        work(sid * ROWS_C0, ROWS_C0)


def _project_body(xs_ref, w_sage_ref, w_cls_ref, z8_ref):
    w_fused = jnp.dot(w_sage_ref[...], w_cls_ref[...],
                      preferred_element_type=jnp.float32)
    z = jnp.dot(xs_ref[...], w_fused, preferred_element_type=jnp.float32)
    z8_ref[:, 0:N_CLS] = z
    z8_ref[:, N_CLS:4] = jnp.ones((z.shape[0], 1), jnp.float32)
    z8_ref[:, 4:8] = jnp.zeros((z.shape[0], 4), jnp.float32)


def _project(xs, w_sage, w_cls):
    return pl.pallas_call(
        _project_body,
        out_shape=jax.ShapeDtypeStruct((N_PAD, 8), jnp.float32),
    )(xs, w_sage, w_cls)


@functools.partial(
    pl.kernel,
    out_type=jax.ShapeDtypeStruct((NC, N_PAD, 8), jnp.float32),
    mesh=_sc_mesh,
    scratch_types=[
        pltpu.VMEM((EDGES_C0,), jnp.int32),
        pltpu.VMEM((EDGES_C0 // ECHUNK, ECHUNK), jnp.int32),
        pltpu.VMEM((NSLOT, ECHUNK, 8), jnp.float32),
        pltpu.VMEM_SHARED((N_PAD, 8), jnp.float32),
        pltpu.SemaphoreType.DMA,
        pltpu.SemaphoreType.DMA((NSLOT,)),
        pltpu.SemaphoreType.DMA((NSLOT,)),
    ],
    compiler_params=_sc_params,
)
def _edge_aggregate(ei_hbm, zeros_hbm, z8_hbm, acc_hbm,
                    src_v, dst_v, upd_v, acc_sh, isem, gsems, ssems):
    cid = lax.axis_index("c")
    sid = lax.axis_index("s")

    pltpu.sync_copy(zeros_hbm.at[pl.ds(sid * ROWS_OUT, ROWS_OUT)],
                    acc_sh.at[pl.ds(sid * ROWS_OUT, ROWS_OUT)])

    def work(e_base, n_edges):
        nb = n_edges // ECHUNK
        pltpu.async_copy(ei_hbm.at[0].at[pl.ds(e_base, n_edges)],
                         src_v.at[pl.ds(0, n_edges)], isem)
        for j in range(nb):
            pltpu.async_copy(ei_hbm.at[1].at[pl.ds(e_base + j * ECHUNK, ECHUNK)],
                             dst_v.at[j], isem)
        pltpu.make_async_copy(ei_hbm.at[0].at[pl.ds(e_base, n_edges)],
                              src_v.at[pl.ds(0, n_edges)], isem).wait()
        for j in range(nb):
            pltpu.make_async_copy(
                ei_hbm.at[1].at[pl.ds(e_base + j * ECHUNK, ECHUNK)],
                dst_v.at[j], isem).wait()
        plsc.subcore_barrier()

        def gather_desc(j, slot):
            return pltpu.make_async_copy(
                z8_hbm.at[src_v.at[pl.ds(j * ECHUNK, ECHUNK)]],
                upd_v.at[slot], gsems.at[slot])

        def scatter_desc(j, slot):
            return pltpu.make_async_copy(
                upd_v.at[slot], acc_sh.at[dst_v.at[j]], ssems.at[slot])

        for i in range(nb + 2):
            if i < nb:
                slot = i % NSLOT
                if i >= NSLOT:
                    scatter_desc(i - NSLOT, slot).wait()
                gather_desc(i, slot).start()
            k = i - 2
            if 0 <= k < nb:
                slot = k % NSLOT
                gather_desc(k, slot).wait()
                pltpu.async_copy(upd_v.at[slot], acc_sh.at[dst_v.at[k]],
                                 ssems.at[slot], add=True)
        for k in range(max(0, nb - NSLOT), nb):
            scatter_desc(k, k % NSLOT).wait()

    @pl.when(cid == 0)
    def _():
        work(sid * EDGES_C0, EDGES_C0)

    @pl.when(cid == 1)
    def _():
        work(NS * EDGES_C0 + sid * EDGES_C1, EDGES_C1)

    plsc.subcore_barrier()
    pltpu.sync_copy(acc_sh.at[pl.ds(sid * ROWS_OUT, ROWS_OUT)],
                    acc_hbm.at[cid].at[pl.ds(sid * ROWS_OUT, ROWS_OUT)])


def _roll(x, k):
    k = k % x.shape[1]
    return jnp.concatenate([x[:, -k:], x[:, :-k]], axis=1)


def _finalize_body(acc_ref, w_cls_ref, b_sage_ref, b_cls_ref, out_ref):
    a = acc_ref[0] + acc_ref[1]
    lane = lax.broadcasted_iota(jnp.int32, (1, 128), 1) % 8
    b_eff = (jnp.dot(b_sage_ref[...].reshape(1, -1), w_cls_ref[...],
                     preferred_element_type=jnp.float32)
             + b_cls_ref[...].reshape(1, -1))
    b_tile = (jnp.where(lane == 0, b_eff[0, 0], 0.0)
              + jnp.where(lane == 1, b_eff[0, 1], 0.0)
              + jnp.where(lane == 2, b_eff[0, 2], 0.0))
    cnt = jnp.where(lane == 0, _roll(a, -3),
                    jnp.where(lane == 1, _roll(a, -2), _roll(a, -1)))
    cnt = jnp.clip(cnt, 1.0, None)
    s = a / cnt + b_tile
    is_logit = lane < N_CLS
    sm = jnp.where(is_logit, s, -jnp.inf)
    m = jnp.maximum(
        jnp.maximum(jnp.maximum(_roll(sm, -2), _roll(sm, -1)), sm),
        jnp.maximum(_roll(sm, 1), _roll(sm, 2)))
    e = jnp.where(is_logit, jnp.exp(sm - m), 0.0)
    d = _roll(e, -2) + _roll(e, -1) + e + _roll(e, 1) + _roll(e, 2)
    out_ref[...] = jnp.where(is_logit, sm - m - jnp.log(d), 0.0)


def _finalize(acc_iv, w_cls, b_sage, b_cls):
    return pl.pallas_call(
        _finalize_body,
        out_shape=jax.ShapeDtypeStruct((N_PAD // 16, 128), jnp.float32),
    )(acc_iv, w_cls, b_sage, b_cls)


def kernel(x, n_id, edge_index, W_sage, b_sage, W_cls, b_cls):
    nid_pad = jnp.concatenate(
        [n_id, jnp.zeros((N_PAD - N_NODES,), jnp.int32)])
    zeros_init = jnp.zeros((N_PAD, 8), jnp.float32)

    xs = _gather_rows(x, nid_pad)
    z8 = _project(xs, W_sage, W_cls)
    acc = _edge_aggregate(edge_index, zeros_init, z8)
    res = _finalize(acc.reshape(NC, N_PAD // 16, 128), W_cls, b_sage, b_cls)
    return res.reshape(N_PAD, 8)[:N_NODES, :N_CLS]

# --- scband reference (transcript-rebuilt; emitter-appended) ---
"""Pipeline reference for scband-fully-supervised-graph-sage-model-67293547593882 (READ-ONLY COPY).

The authoritative reference and input builder live on the scoring server;
editing this copy changes nothing except your own understanding.
"""

import jax, jax.numpy as jnp
import numpy as np

N_FULL = 100000
N = 10000
E = 320000
D_IN = 128
D_HID = 256
N_CLS = 3

def _xavier(key, fan_in, fan_out):
    lim = np.sqrt(6.0 / (fan_in + fan_out))
    return jax.random.uniform(key, (fan_in, fan_out), dtype=jnp.float32, minval=-lim, maxval=lim)

def setup_inputs(seed: int = 0) -> dict:
    key = jax.random.key(seed)
    ks = jax.random.split(key, 8)
    x = jax.random.normal(ks[0], (N_FULL, D_IN), dtype=jnp.float32)
    n_id = jax.random.randint(ks[1], (N,), 0, N_FULL, dtype=jnp.int32)
    edge_index = jax.random.randint(ks[2], (2, E), 0, N, dtype=jnp.int32)
    W_sage = _xavier(ks[3], D_IN, D_HID)
    b_sage = jnp.zeros((D_HID,), dtype=jnp.float32)
    W_cls = _xavier(ks[4], D_HID, N_CLS)
    b_cls = jnp.zeros((N_CLS,), dtype=jnp.float32)
    return {"x": x, "n_id": n_id, "edge_index": edge_index, "W_sage": W_sage, "b_sage": b_sage, "W_cls": W_cls, "b_cls": b_cls}

def reference(x, n_id, edge_index, W_sage, b_sage, W_cls, b_cls):
    # x = x[data.n_id]: gather sampled-node features from full feature matrix
    xs = jnp.take(x, n_id, axis=0)  # [N, D_IN]
    src = edge_index[0]
    dst = edge_index[1]
    # SAGEConv (PyG legacy, aggr='mean', concat=False, normalize=False):
    # mean-aggregate neighbor messages x_j onto dst nodes, then linear transform
    msgs = jnp.take(xs, src, axis=0)  # [E, D_IN] gather
    summed = jax.ops.segment_sum(msgs, dst, num_segments=N)  # scatter-add
    cnt = jax.ops.segment_sum(jnp.ones((E,), dtype=jnp.float32), dst, num_segments=N)
    aggr = summed / jnp.clip(cnt, 1.0, None)[:, None]  # mean aggregation
    h = aggr @ W_sage + b_sage  # [N, 256]
    scores = h @ W_cls + b_cls  # [N, 3]
    return jax.nn.log_softmax(scores, axis=1)

if __name__ == "__main__":
    import jax
    _d = setup_inputs()
    print(jax.jit(kernel)(*tuple(_d.values())))

</pallas_src>

<mosaic_0001>
#map = affine_map<(d0, d1) -> (0, 0)>
#map1 = affine_map<(d0, d1) -> (0, 0, 0)>
module attributes {stable_mosaic.version = 14 : i64} {
  func.func @_edge_aggregate(%arg0: i32, %arg1: i32, %arg2: memref<2x320000xi32, #tpu.memory_space<hbm>>, %arg3: memref<10240x8xf32, #tpu.memory_space<hbm>>, %arg4: memref<10240x8xf32, #tpu.memory_space<hbm>>, %arg5: memref<2x10240x8xf32, #tpu.memory_space<hbm>>, %arg6: memref<12000xi32, #tpu.memory_space<vmem>>, %arg7: memref<15x800xi32, #tpu.memory_space<vmem>>, %arg8: memref<4x800x8xf32, #tpu.memory_space<vmem>>, %arg9: memref<10240x8xf32, #tpu.memory_space<vmem_shared>>, %arg10: memref<!tpu.dma_semaphore, #tpu.memory_space<semaphore_mem>>, %arg11: memref<4x!tpu.dma_semaphore, #tpu.memory_space<semaphore_mem>>, %arg12: memref<4x!tpu.dma_semaphore, #tpu.memory_space<semaphore_mem>>) attributes {dimension_semantics = [#tpu.dimension_semantics<core_parallel>, #tpu.dimension_semantics<subcore_parallel>], iteration_bounds = array<i64: 2, 16>, scalar_prefetch = 0 : i64, scratch_operands = 7 : i64, tpu.core_type = #tpu.core_type<sc_vector_subcore>, window_params = [{transform_indices = #map}, {transform_indices = #map}, {transform_indices = #map}, {transform_indices = #map1}]} {
    %mul3A = arith.constant 640 : i32
    %mul3A_0 = arith.muli %arg1, %mul3A : i32
    %mul3A_1 = arith.constant 640 : i32
    %mul3A_2 = arith.muli %arg1, %mul3A_1 : i32
    "tpu.region"() ({
      %run_scoped3A = tpu.sem_alloc : memref<!tpu.dma_semaphore, #tpu.memory_space<semaphore_mem>>
      %dma_start3A = arith.constant 0 : i32
      %dma_start3A_14 = tpu.memref_slice %arg9[%mul3A_2, %dma_start3A] : memref<10240x8xf32, #tpu.memory_space<vmem_shared>> -> memref<640x8xf32, #tpu.memory_space<vmem_shared>>
      %dma_start3A_15 = arith.constant 0 : i32
      %dma_start3A_16 = tpu.memref_slice %arg3[%mul3A_0, %dma_start3A_15] : memref<10240x8xf32, #tpu.memory_space<hbm>> -> memref<640x8xf32, #tpu.memory_space<hbm>>
      tpu.enqueue_dma source(%dma_start3A_16 : memref<640x8xf32, #tpu.memory_space<hbm>>) target(%dma_start3A_14 : memref<640x8xf32, #tpu.memory_space<vmem_shared>>) target_semaphore(%run_scoped3A : memref<!tpu.dma_semaphore, #tpu.memory_space<semaphore_mem>>)
      %dma_wait3A = arith.constant 0 : i32
      %dma_wait3A_17 = tpu.memref_slice %arg9[%mul3A_2, %dma_wait3A] : memref<10240x8xf32, #tpu.memory_space<vmem_shared>> -> memref<640x8xf32, #tpu.memory_space<vmem_shared>>
      %dma_wait3A_18 = arith.constant 0 : i32
      %dma_wait3A_19 = tpu.memref_slice %arg3[%mul3A_0, %dma_wait3A_18] : memref<10240x8xf32, #tpu.memory_space<hbm>> -> memref<640x8xf32, #tpu.memory_space<hbm>>
      tpu.wait_dma2 semaphore(%run_scoped3A : memref<!tpu.dma_semaphore, #tpu.memory_space<semaphore_mem>>) src(%dma_wait3A_19 : memref<640x8xf32, #tpu.memory_space<hbm>>) dst(%dma_wait3A_17 : memref<640x8xf32, #tpu.memory_space<vmem_shared>>)
      tpu.yield
    }) : () -> ()
    %eq3A = arith.constant 0 : i32
    %eq3A_3 = arith.cmpi eq, %arg0, %eq3A : i32
    %convert_element_type3A = arith.extui %eq3A_3 : i1 to i32
    %cond3A = arith.constant 0 : i32
    %cond3A_4 = arith.cmpi ne, %convert_element_type3A, %cond3A : i32
    scf.if %cond3A_4 {
      %mul3A_14 = arith.constant 12000 : i32
      %mul3A_15 = arith.muli %arg1, %mul3A_14 : i32
      %dma_start3A = arith.constant 0 : i32
      %dma_start3A_16 = arith.constant 0 : i32
      %dma_start3A_17 = tpu.memref_slice %arg6[%dma_start3A_16] : memref<12000xi32, #tpu.memory_space<vmem>> -> memref<12000xi32, #tpu.memory_space<vmem>>
      %dma_start3A_18 = arith.constant 0 : i32
      %dma_start3A_19 = tpu.memref_slice %arg2[%dma_start3A, %dma_start3A_18] : memref<2x320000xi32, #tpu.memory_space<hbm>> -> memref<1x320000xi32, #tpu.memory_space<hbm>>
      %dma_start3A_20 = tpu.memref_squeeze %dma_start3A_19 : memref<1x320000xi32, #tpu.memory_space<hbm>> -> memref<320000xi32, #tpu.memory_space<hbm>>
      %dma_start3A_21 = tpu.memref_slice %dma_start3A_20[%mul3A_15] : memref<320000xi32, #tpu.memory_space<hbm>> -> memref<12000xi32, #tpu.memory_space<hbm>>
      %dma_start3A_22 = arith.constant 0 : i32
      %dma_start3A_23 = tpu.memref_slice %arg6[%dma_start3A_22] : memref<12000xi32, #tpu.memory_space<vmem>> -> memref<12000xi32, #tpu.memory_space<vmem>>
      %dma_start3A_24 = arith.constant 0 : i32
      %dma_start3A_25 = tpu.memref_slice %arg2[%dma_start3A, %dma_start3A_24] : memref<2x320000xi32, #tpu.memory_space<hbm>> -> memref<1x320000xi32, #tpu.memory_space<hbm>>
      %dma_start3A_26 = tpu.memref_squeeze %dma_start3A_25 : memref<1x320000xi32, #tpu.memory_space<hbm>> -> memref<320000xi32, #tpu.memory_space<hbm>>
      %dma_start3A_27 = tpu.memref_slice %dma_start3A_26[%mul3A_15] : memref<320000xi32, #tpu.memory_space<hbm>> -> memref<12000xi32, #tpu.memory_space<hbm>>
      tpu.enqueue_dma source(%dma_start3A_27 : memref<12000xi32, #tpu.memory_space<hbm>>) target(%dma_start3A_23 : memref<12000xi32, #tpu.memory_space<vmem>>) target_semaphore(%arg10 : memref<!tpu.dma_semaphore, #tpu.memory_space<semaphore_mem>>)
      %add3A = arith.constant 0 : i32
      %add3A_28 = arith.addi %mul3A_15, %add3A : i32
      %dma_start3A_29 = arith.constant 1 : i32
      %dma_start3A_30 = arith.constant 0 : i32
      %dma_start3A_31 = arith.constant 0 : i32
      %dma_start3A_32 = tpu.memref_slice %arg7[%dma_start3A_30, %dma_start3A_31] : memref<15x800xi32, #tpu.memory_space<vmem>> -> memref<1x800xi32, #tpu.memory_space<vmem>>
      %dma_start3A_33 = tpu.memref_squeeze %dma_start3A_32 : memref<1x800xi32, #tpu.memory_space<vmem>> -> memref<800xi32, #tpu.memory_space<vmem>>
      %dma_start3A_34 = arith.constant 0 : i32
      %dma_start3A_35 = tpu.memref_slice %arg2[%dma_start3A_29, %dma_start3A_34] : memref<2x320000xi32, #tpu.memory_space<hbm>> -> memref<1x320000xi32, #tpu.memory_space<hbm>>
      %dma_start3A_36 = tpu.memref_squeeze %dma_start3A_35 : memref<1x320000xi32, #tpu.memory_space<hbm>> -> memref<320000xi32, #tpu.memory_space<hbm>>
      %dma_start3A_37 = tpu.memref_slice %dma_start3A_36[%add3A_28] : memref<320000xi32, #tpu.memory_space<hbm>> -> memref<800xi32, #tpu.memory_space<hbm>>
      %dma_start3A_38 = arith.constant 0 : i32
      %dma_start3A_39 = tpu.memref_slice %arg7[%dma_start3A_30, %dma_start3A_38] : memref<15x800xi32, #tpu.memory_space<vmem>> -> memref<1x800xi32, #tpu.memory_space<vmem>>
      %dma_start3A_40 = tpu.memref_squeeze %dma_start3A_39 : memref<1x800xi32, #tpu.memory_space<vmem>> -> memref<800xi32, #tpu.memory_space<vmem>>
      %dma_start3A_41 = arith.constant 0 : i32
      %dma_start3A_42 = tpu.memref_slice %arg2[%dma_start3A_29, %dma_start3A_41] : memref<2x320000xi32, #tpu.memory_space<hbm>> -> memref<1x320000xi32, #tpu.memory_space<hbm>>
      %dma_start3A_43 = tpu.memref_squeeze %dma_start3A_42 : memref<1x320000xi32, #tpu.memory_space<hbm>> -> memref<320000xi32, #tpu.memory_space<hbm>>
      %dma_start3A_44 = tpu.memref_slice %dma_start3A_43[%add3A_28] : memref<320000xi32, #tpu.memory_space<hbm>> -> memref<800xi32, #tpu.memory_space<hbm>>
      tpu.enqueue_dma source(%dma_start3A_44 : memref<800xi32, #tpu.memory_space<hbm>>) target(%dma_start3A_40 : memref<800xi32, #tpu.memory_space<vmem>>) target_semaphore(%arg10 : memref<!tpu.dma_semaphore, #tpu.memory_space<semaphore_mem>>)
      %add3A_45 = arith.constant 800 : i32
      %add3A_46 = arith.addi %mul3A_15, %add3A_45 : i32
      %dma_start3A_47 = arith.constant 1 : i32
      %dma_start3A_48 = arith.constant 1 : i32
      %dma_start3A_49 = arith.constant 0 : i32
      %dma_start3A_50 = tpu.memref_slice %arg7[%dma_start3A_48, %dma_start3A_49] : memref<15x800xi32, #tpu.memory_space<vmem>> -> memref<1x800xi32, #tpu.memory_space<vmem>>
      %dma_start3A_51 = tpu.memref_squeeze %dma_start3A_50 : memref<1x800xi32, #tpu.memory_space<vmem>> -> memref<800xi32, #tpu.memory_space<vmem>>
      %dma_start3A_52 = arith.constant 0 : i32
      %dma_start3A_53 = tpu.memref_slice %arg2[%dma_start3A_47, %dma_start3A_52] : memref<2x320000xi32, #tpu.memory_space<hbm>> -> memref<1x320000xi32, #tpu.memory_space<hbm>>
      %dma_start3A_54 = tpu.memref_squeeze %dma_start3A_53 : memref<1x320000xi32, #tpu.memory_space<hbm>> -> memref<320000xi32, #tpu.memory_space<hbm>>
      %dma_start3A_55 = tpu.memref_slice %dma_start3A_54[%add3A_46] : memref<320000xi32, #tpu.memory_space<hbm>> -> memref<800xi32, #tpu.memory_space<hbm>>
      %dma_start3A_56 = arith.constant 0 : i32
      %dma_start3A_57 = tpu.memref_slice %arg7[%dma_start3A_48, %dma_start3A_56] : memref<15x800xi32, #tpu.memory_space<vmem>> -> memref<1x800xi32, #tpu.memory_space<vmem>>
      %dma_start3A_58 = tpu.memref_squeeze %dma_start3A_57 : memref<1x800xi32, #tpu.memory_space<vmem>> -> memref<800xi32, #tpu.memory_space<vmem>>
      %dma_start3A_59 = arith.constant 0 : i32
      %dma_start3A_60 = tpu.memref_slice %arg2[%dma_start3A_47, %dma_start3A_59] : memref<2x320000xi32, #tpu.memory_space<hbm>> -> memref<1x320000xi32, #tpu.memory_space<hbm>>
      %dma_start3A_61 = tpu.memref_squeeze %dma_start3A_60 : memref<1x320000xi32, #tpu.memory_space<hbm>> -> memref<320000xi32, #tpu.memory_space<hbm>>
      %dma_start3A_62 = tpu.memref_slice %dma_start3A_61[%add3A_46] : memref<320000xi32, #tpu.memory_space<hbm>> -> memref<800xi32, #tpu.memory_space<hbm>>
      tpu.enqueue_dma source(%dma_start3A_62 : memref<800xi32, #tpu.memory_space<hbm>>) target(%dma_start3A_58 : memref<800xi32, #tpu.memory_space<vmem>>) target_semaphore(%arg10 : memref<!tpu.dma_semaphore, #tpu.memory_space<semaphore_mem>>)
      %add3A_63 = arith.constant 1600 : i32
      %add3A_64 = arith.addi %mul3A_15, %add3A_63 : i32
      %dma_start3A_65 = arith.constant 1 : i32
      %dma_start3A_66 = arith.constant 2 : i32
      %dma_start3A_67 = arith.constant 0 : i32
      %dma_start3A_68 = tpu.memref_slice %arg7[%dma_start3A_66, %dma_start3A_67] : memref<15x800xi32, #tpu.memory_space<vmem>> -> memref<1x800xi32, #tpu.memory_space<vmem>>
      %dma_start3A_69 = tpu.memref_squeeze %dma_start3A_68 : memref<1x800xi32, #tpu.memory_space<vmem>> -> memref<800xi32, #tpu.memory_space<vmem>>
      %dma_start3A_70 = arith.constant 0 : i32
      %dma_start3A_71 = tpu.memref_slice %arg2[%dma_start3A_65, %dma_start3A_70] : memref<2x320000xi32, #tpu.memory_space<hbm>> -> memref<1x320000xi32, #tpu.memory_space<hbm>>
      %dma_start3A_72 = tpu.memref_squeeze %dma_start3A_71 : memref<1x320000xi32, #tpu.memory_space<hbm>> -> memref<320000xi32, #tpu.memory_space<hbm>>
      %dma_start3A_73 = tpu.memref_slice %dma_start3A_72[%add3A_64] : memref<320000xi32, #tpu.memory_space<hbm>> -> memref<800xi32, #tpu.memory_space<hbm>>
      %dma_start3A_74 = arith.constant 0 : i32
      %dma_start3A_75 = tpu.memref_slice %arg7[%dma_start3A_66, %dma_start3A_74] : memref<15x800xi32, #tpu.memory_space<vmem>> -> memref<1x800xi32, #tpu.memory_space<vmem>>
      %dma_start3A_76 = tpu.memref_squeeze %dma_start3A_75 : memref<1x800xi32, #tpu.memory_space<vmem>> -> memref<800xi32, #tpu.memory_space<vmem>>
      %dma_start3A_77 = arith.constant 0 : i32
      %dma_start3A_78 = tpu.memref_slice %arg2[%dma_start3A_65, %dma_start3A_77] : memref<2x320000xi32, #tpu.memory_space<hbm>> -> memref<1x320000xi32, #tpu.memory_space<hbm>>
      %dma_start3A_79 = tpu.memref_squeeze %dma_start3A_78 : memref<1x320000xi32, #tpu.memory_space<hbm>> -> memref<320000xi32, #tpu.memory_space<hbm>>
      %dma_start3A_80 = tpu.memref_slice %dma_start3A_79[%add3A_64] : memref<320000xi32, #tpu.memory_space<hbm>> -> memref<800xi32, #tpu.memory_space<hbm>>
      tpu.enqueue_dma source(%dma_start3A_80 : memref<800xi32, #tpu.memory_space<hbm>>) target(%dma_start3A_76 : memref<800xi32, #tpu.memory_space<vmem>>) target_semaphore(%arg10 : memref<!tpu.dma_semaphore, #tpu.memory_space<semaphore_mem>>)
      %add3A_81 = arith.constant 2400 : i32
      %add3A_82 = arith.addi %mul3A_15, %add3A_81 : i32
      %dma_start3A_83 = arith.constant 1 : i32
      %dma_start3A_84 = arith.constant 3 : i32
      %dma_start3A_85 = arith.constant 0 : i32
      %dma_start3A_86 = tpu.memref_slice %arg7[%dma_start3A_84, %dma_start3A_85] : memref<15x800xi32, #tpu.memory_space<vmem>> -> memref<1x800xi32, #tpu.memory_space<vmem>>
      %dma_start3A_87 = tpu.memref_squeeze %dma_start3A_86 : memref<1x800xi32, #tpu.memory_space<vmem>> -> memref<800xi32, #tpu.memory_space<vmem>>
      %dma_start3A_88 = arith.constant 0 : i32
      %dma_start3A_89 = tpu.memref_slice %arg2[%dma_start3A_83, %dma_start3A_88] : memref<2x320000xi32, #tpu.memory_space<hbm>> -> memref<1x320000xi32, #tpu.memory_space<hbm>>
      %dma_start3A_90 = tpu.memref_squeeze %dma_start3A_89 : memref<1x320000xi32, #tpu.memory_space<hbm>> -> memref<320000xi32, #tpu.memory_space<hbm>>
      %dma_start3A_91 = tpu.memref_slice %dma_start3A_90[%add3A_82] : memref<320000xi32, #tpu.memory_space<hbm>> -> memref<800xi32, #tpu.memory_space<hbm>>
      %dma_start3A_92 = arith.constant 0 : i32
      %dma_start3A_93 = tpu.memref_slice %arg7[%dma_start3A_84, %dma_start3A_92] : memref<15x800xi32, #tpu.memory_space<vmem>> -> memref<1x800xi32, #tpu.memory_space<vmem>>
      %dma_start3A_94 = tpu.memref_squeeze %dma_start3A_93 : memref<1x800xi32, #tpu.memory_space<vmem>> -> memref<800xi32, #tpu.memory_space<vmem>>
      %dma_start3A_95 = arith.constant 0 : i32
      %dma_start3A_96 = tpu.memref_slice %arg2[%dma_start3A_83, %dma_start3A_95] : memref<2x320000xi32, #tpu.memory_space<hbm>> -> memref<1x320000xi32, #tpu.memory_space<hbm>>
      %dma_start3A_97 = tpu.memref_squeeze %dma_start3A_96 : memref<1x320000xi32, #tpu.memory_space<hbm>> -> memref<320000xi32, #tpu.memory_space<hbm>>
      %dma_start3A_98 = tpu.memref_slice %dma_start3A_97[%add3A_82] : memref<320000xi32, #tpu.memory_space<hbm>> -> memref<800xi32, #tpu.memory_space<hbm>>
      tpu.enqueue_dma source(%dma_start3A_98 : memref<800xi32, #tpu.memory_space<hbm>>) target(%dma_start3A_94 : memref<800xi32, #tpu.memory_space<vmem>>) target_semaphore(%arg10 : memref<!tpu.dma_semaphore, #tpu.memory_space<semaphore_mem>>)
      %add3A_99 = arith.constant 3200 : i32
      %add3A_100 = arith.addi %mul3A_15, %add3A_99 : i32
      %dma_start3A_101 = arith.constant 1 : i32
      %dma_start3A_102 = arith.constant 4 : i32
      %dma_start3A_103 = arith.constant 0 : i32
      %dma_start3A_104 = tpu.memref_slice %arg7[%dma_start3A_102, %dma_start3A_103] : memref<15x800xi32, #tpu.memory_space<vmem>> -> memref<1x800xi32, #tpu.memory_space<vmem>>
      %dma_start3A_105 = tpu.memref_squeeze %dma_start3A_104 : memref<1x800xi32, #tpu.memory_space<vmem>> -> memref<800xi32, #tpu.memory_space<vmem>>
      %dma_start3A_106 = arith.constant 0 : i32
      %dma_start3A_107 = tpu.memref_slice %arg2[%dma_start3A_101, %dma_start3A_106] : memref<2x320000xi32, #tpu.memory_space<hbm>> -> memref<1x320000xi32, #tpu.memory_space<hbm>>
      %dma_start3A_108 = tpu.memref_squeeze %dma_start3A_107 : memref<1x320000xi32, #tpu.memory_space<hbm>> -> memref<320000xi32, #tpu.memory_space<hbm>>
      %dma_start3A_109 = tpu.memref_slice %dma_start3A_108[%add3A_100] : memref<320000xi32, #tpu.memory_space<hbm>> -> memref<800xi32, #tpu.memory_space<hbm>>
      %dma_start3A_110 = arith.constant 0 : i32
      %dma_start3A_111 = tpu.memref_slice %arg7[%dma_start3A_102, %dma_start3A_110] : memref<15x800xi32, #tpu.memory_space<vmem>> -> memref<1x800xi32, #tpu.memory_space<vmem>>
      %dma_start3A_112 = tpu.memref_squeeze %dma_start3A_111 : memref<1x800xi32, #tpu.memory_space<vmem>> -> memref<800xi32, #tpu.memory_space<vmem>>
      %dma_start3A_113 = arith.constant 0 : i32
      %dma_start3A_114 = tpu.memref_slice %arg2[%dma_start3A_101, %dma_start3A_113] : memref<2x320000xi32, #tpu.memory_space<hbm>> -> memref<1x320000xi32, #tpu.memory_space<hbm>>
      %dma_start3A_115 = tpu.memref_squeeze %dma_start3A_114 : memref<1x320000xi32, #tpu.memory_space<hbm>> -> memref<320000xi32, #tpu.memory_space<hbm>>
      %dma_start3A_116 = tpu.memref_slice %dma_start3A_115[%add3A_100] : memref<320000xi32, #tpu.memory_space<hbm>> -> memref<800xi32, #tpu.memory_space<hbm>>
      tpu.enqueue_dma source(%dma_start3A_116 : memref<800xi32, #tpu.memory_space<hbm>>) target(%dma_start3A_112 : memref<800xi32, #tpu.memory_space<vmem>>) target_semaphore(%arg10 : memref<!tpu.dma_semaphore, #tpu.memory_space<semaphore_mem>>)
      %add3A_117 = arith.constant 4000 : i32
      %add3A_118 = arith.addi %mul3A_15, %add3A_117 : i32
      %dma_start3A_119 = arith.constant 1 : i32
      %dma_start3A_120 = arith.constant 5 : i32
      %dma_start3A_121 = arith.constant 0 : i32
      %dma_start3A_122 = tpu.memref_slice %arg7[%dma_start3A_120, %dma_start3A_121] : memref<15x800xi32, #tpu.memory_space<vmem>> -> memref<1x800xi32, #tpu.memory_space<vmem>>
      %dma_start3A_123 = tpu.memref_squeeze %dma_start3A_122 : memref<1x800xi32, #tpu.memory_space<vmem>> -> memref<800xi32, #tpu.memory_space<vmem>>
      %dma_start3A_124 = arith.constant 0 : i32
      %dma_start3A_125 = tpu.memref_slice %arg2[%dma_start3A_119, %dma_start3A_124] : memref<2x320000xi32, #tpu.memory_space<hbm>> -> memref<1x320000xi32, #tpu.memory_space<hbm>>
      %dma_start3A_126 = tpu.memref_squeeze %dma_start3A_125 : memref<1x320000xi32, #tpu.memory_space<hbm>> -> memref<320000xi32, #tpu.memory_space<hbm>>
      %dma_start3A_127 = tpu.memref_slice %dma_start3A_126[%add3A_118] : memref<320000xi32, #tpu.memory_space<hbm>> -> memref<800xi32, #tpu.memory_space<hbm>>
      %dma_start3A_128 = arith.constant 0 : i32
      %dma_start3A_129 = tpu.memref_slice %arg7[%dma_start3A_120, %dma_start3A_128] : memref<15x800xi32, #tpu.memory_space<vmem>> -> memref<1x800xi32, #tpu.memory_space<vmem>>
      %dma_start3A_130 = tpu.memref_squeeze %dma_start3A_129 : memref<1x800xi32, #tpu.memory_space<vmem>> -> memref<800xi32, #tpu.memory_space<vmem>>
      %dma_start3A_131 = arith.constant 0 : i32
      %dma_start3A_132 = tpu.memref_slice %arg2[%dma_start3A_119, %dma_start3A_131] : memref<2x320000xi32, #tpu.memory_space<hbm>> -> memref<1x320000xi32, #tpu.memory_space<hbm>>
      %dma_start3A_133 = tpu.memref_squeeze %dma_start3A_132 : memref<1x320000xi32, #tpu.memory_space<hbm>> -> memref<320000xi32, #tpu.memory_space<hbm>>
      %dma_start3A_134 = tpu.memref_slice %dma_start3A_133[%add3A_118] : memref<320000xi32, #tpu.memory_space<hbm>> -> memref<800xi32, #tpu.memory_space<hbm>>
      tpu.enqueue_dma source(%dma_start3A_134 : memref<800xi32, #tpu.memory_space<hbm>>) target(%dma_start3A_130 : memref<800xi32, #tpu.memory_space<vmem>>) target_semaphore(%arg10 : memref<!tpu.dma_semaphore, #tpu.memory_space<semaphore_mem>>)
      %add3A_135 = arith.constant 4800 : i32
      %add3A_136 = arith.addi %mul3A_15, %add3A_135 : i32
      %dma_start3A_137 = arith.constant 1 : i32
      %dma_start3A_138 = arith.constant 6 : i32
      %dma_start3A_139 = arith.constant 0 : i32
      %dma_start3A_140 = tpu.memref_slice %arg7[%dma_start3A_138, %dma_start3A_139] : memref<15x800xi32, #tpu.memory_space<vmem>> -> memref<1x800xi32, #tpu.memory_space<vmem>>
      %dma_start3A_141 = tpu.memref_squeeze %dma_start3A_140 : memref<1x800xi32, #tpu.memory_space<vmem>> -> memref<800xi32, #tpu.memory_space<vmem>>
      %dma_start3A_142 = arith.constant 0 : i32
      %dma_start3A_143 = tpu.memref_slice %arg2[%dma_start3A_137, %dma_start3A_142] : memref<2x320000xi32, #tpu.memory_space<hbm>> -> memref<1x320000xi32, #tpu.memory_space<hbm>>
      %dma_start3A_144 = tpu.memref_squeeze %dma_start3A_143 : memref<1x320000xi32, #tpu.memory_space<hbm>> -> memref<320000xi32, #tpu.memory_space<hbm>>
      %dma_start3A_145 = tpu.memref_slice %dma_start3A_144[%add3A_136] : memref<320000xi32, #tpu.memory_space<hbm>> -> memref<800xi32, #tpu.memory_space<hbm>>
      %dma_start3A_146 = arith.constant 0 : i32
      %dma_start3A_147 = tpu.memref_slice %arg7[%dma_start3A_138, %dma_start3A_146] : memref<15x800xi32, #tpu.memory_space<vmem>> -> memref<1x800xi32, #tpu.memory_space<vmem>>
      %dma_start3A_148 = tpu.memref_squeeze %dma_start3A_147 : memref<1x800xi32, #tpu.memory_space<vmem>> -> memref<800xi32, #tpu.memory_space<vmem>>
      %dma_start3A_149 = arith.constant 0 : i32
      %dma_start3A_150 = tpu.memref_slice %arg2[%dma_start3A_137, %dma_start3A_149] : memref<2x320000xi32, #tpu.memory_space<hbm>> -> memref<1x320000xi32, #tpu.memory_space<hbm>>
      %dma_start3A_151 = tpu.memref_squeeze %dma_start3A_150 : memref<1x320000xi32, #tpu.memory_space<hbm>> -> memref<320000xi32, #tpu.memory_space<hbm>>
      %dma_start3A_152 = tpu.memref_slice %dma_start3A_151[%add3A_136] : memref<320000xi32, #tpu.memory_space<hbm>> -> memref<800xi32, #tpu.memory_space<hbm>>
      tpu.enqueue_dma source(%dma_start3A_152 : memref<800xi32, #tpu.memory_space<hbm>>) target(%dma_start3A_148 : memref<800xi32, #tpu.memory_space<vmem>>) target_semaphore(%arg10 : memref<!tpu.dma_semaphore, #tpu.memory_space<semaphore_mem>>)
      %add3A_153 = arith.constant 5600 : i32
      %add3A_154 = arith.addi %mul3A_15, %add3A_153 : i32
      %dma_start3A_155 = arith.constant 1 : i32
      %dma_start3A_156 = arith.constant 7 : i32
      %dma_start3A_157 = arith.constant 0 : i32
      %dma_start3A_158 = tpu.memref_slice %arg7[%dma_start3A_156, %dma_start3A_157] : memref<15x800xi32, #tpu.memory_space<vmem>> -> memref<1x800xi32, #tpu.memory_space<vmem>>
      %dma_start3A_159 = tpu.memref_squeeze %dma_start3A_158 : memref<1x800xi32, #tpu.memory_space<vmem>> -> memref<800xi32, #tpu.memory_space<vmem>>
      %dma_start3A_160 = arith.constant 0 : i32
      %dma_start3A_161 = tpu.memref_slice %arg2[%dma_start3A_155, %dma_start3A_160] : memref<2x320000xi32, #tpu.memory_space<hbm>> -> memref<1x320000xi32, #tpu.memory_space<hbm>>
      %dma_start3A_162 = tpu.memref_squeeze %dma_start3A_161 : memref<1x320000xi32, #tpu.memory_space<hbm>> -> memref<320000xi32, #tpu.memory_space<hbm>>
      %dma_start3A_163 = tpu.memref_slice %dma_start3A_162[%add3A_154] : memref<320000xi32, #tpu.memory_space<hbm>> -> memref<800xi32, #tpu.memory_space<hbm>>
      %dma_start3A_164 = arith.constant 0 : i32
      %dma_start3A_165 = tpu.memref_slice %arg7[%dma_start3A_156, %dma_start3A_164] : memref<15x800xi32, #tpu.memory_space<vmem>> -> memref<1x800xi32, #tpu.memory_space<vmem>>
      %dma_start3A_166 = tpu.memref_squeeze %dma_start3A_165 : memref<1x800xi32, #tpu.memory_space<vmem>> -> memref<800xi32, #tpu.memory_space<vmem>>
      %dma_start3A_167 = arith.constant 0 : i32
      %dma_start3A_168 = tpu.memref_slice %arg2[%dma_start3A_155, %dma_start3A_167] : memref<2x320000xi32, #tpu.memory_space<hbm>> -> memref<1x320000xi32, #tpu.memory_space<hbm>>
      %dma_start3A_169 = tpu.memref_squeeze %dma_start3A_168 : memref<1x320000xi32, #tpu.memory_space<hbm>> -> memref<320000xi32, #tpu.memory_space<hbm>>
      %dma_start3A_170 = tpu.memref_slice %dma_start3A_169[%add3A_154] : memref<320000xi32, #tpu.memory_space<hbm>> -> memref<800xi32, #tpu.memory_space<hbm>>
      tpu.enqueue_dma source(%dma_start3A_170 : memref<800xi32, #tpu.memory_space<hbm>>) target(%dma_start3A_166 : memref<800xi32, #tpu.memory_space<vmem>>) target_semaphore(%arg10 : memref<!tpu.dma_semaphore, #tpu.memory_space<semaphore_mem>>)
      %add3A_171 = arith.constant 6400 : i32
      %add3A_172 = arith.addi %mul3A_15, %add3A_171 : i32
      %dma_start3A_173 = arith.constant 1 : i32
      %dma_start3A_174 = arith.constant 8 : i32
      %dma_start3A_175 = arith.constant 0 : i32
      %dma_start3A_176 = tpu.memref_slice %arg7[%dma_start3A_174, %dma_start3A_175] : memref<15x800xi32, #tpu.memory_space<vmem>> -> memref<1x800xi32, #tpu.memory_space<vmem>>
      %dma_start3A_177 = tpu.memref_squeeze %dma_start3A_176 : memref<1x800xi32, #tpu.memory_space<vmem>> -> memref<800xi32, #tpu.memory_space<vmem>>
      %dma_start3A_178 = arith.constant 0 : i32
      %dma_start3A_179 = tpu.memref_slice %arg2[%dma_start3A_173, %dma_start3A_178] : memref<2x320000xi32, #tpu.memory_space<hbm>> -> memref<1x320000xi32, #tpu.memory_space<hbm>>
      %dma_start3A_180 = tpu.memref_squeeze %dma_start3A_179 : memref<1x320000xi32, #tpu.memory_space<hbm>> -> memref<320000xi32, #tpu.memory_space<hbm>>
      %dma_start3A_181 = tpu.memref_slice %dma_start3A_180[%add3A_172] : memref<320000xi32, #tpu.memory_space<hbm>> -> memref<800xi32, #tpu.memory_space<hbm>>
      %dma_start3A_182 = arith.constant 0 : i32
      %dma_start3A_183 = tpu.memref_slice %arg7[%dma_start3A_174, %dma_start3A_182] : memref<15x800xi32, #tpu.memory_space<vmem>> -> memref<1x800xi32, #tpu.memory_space<vmem>>
      %dma_start3A_184 = tpu.memref_squeeze %dma_start3A_183 : memref<1x800xi32, #tpu.memory_space<vmem>> -> memref<800xi32, #tpu.memory_space<vmem>>
      %dma_start3A_185 = arith.constant 0 : i32
      %dma_start3A_186 = tpu.memref_slice %arg2[%dma_start3A_173, %dma_start3A_185] : memref<2x320000xi32, #tpu.memory_space<hbm>> -> memref<1x320000xi32, #tpu.memory_space<hbm>>
      %dma_start3A_187 = tpu.memref_squeeze %dma_start3A_186 : memref<1x320000xi32, #tpu.memory_space<hbm>> -> memref<320000xi32, #tpu.memory_space<hbm>>
      %dma_start3A_188 = tpu.memref_slice %dma_start3A_187[%add3A_172] : memref<320000xi32, #tpu.memory_space<hbm>> -> memref<800xi32, #tpu.memory_space<hbm>>
      tpu.enqueue_dma source(%dma_start3A_188 : memref<800xi32, #tpu.memory_space<hbm>>) target(%dma_start3A_184 : memref<800xi32, #tpu.memory_space<vmem>>) target_semaphore(%arg10 : memref<!tpu.dma_semaphore, #tpu.memory_space<semaphore_mem>>)
      %add3A_189 = arith.constant 7200 : i32
      %add3A_190 = arith.addi %mul3A_15, %add3A_189 : i32
      %dma_start3A_191 = arith.constant 1 : i32
      %dma_start3A_192 = arith.constant 9 : i32
      %dma_start3A_193 = arith.constant 0 : i32
      %dma_start3A_194 = tpu.memref_slice %arg7[%dma_start3A_192, %dma_start3A_193] : memref<15x800xi32, #tpu.memory_space<vmem>> -> memref<1x800xi32, #tpu.memory_space<vmem>>
      %dma_start3A_195 = tpu.memref_squeeze %dma_start3A_194 : memref<1x800xi32, #tpu.memory_space<vmem>> -> memref<800xi32, #tpu.memory_space<vmem>>
      %dma_start3A_196 = arith.constant 0 : i32
      %dma_start3A_197 = tpu.memref_slice %arg2[%dma_start3A_191, %dma_start3A_196] : memref<2x320000xi32, #tpu.memory_space<hbm>> -> memref<1x320000xi32, #tpu.memory_space<hbm>>
      %dma_start3A_198 = tpu.memref_squeeze %dma_start3A_197 : memref<1x320000xi32, #tpu.memory_space<hbm>> -> memref<320000xi32, #tpu.memory_space<hbm>>
      %dma_start3A_199 = tpu.memref_slice %dma_start3A_198[%add3A_190] : memref<320000xi32, #tpu.memory_space<hbm>> -> memref<800xi32, #tpu.memory_space<hbm>>
      %dma_start3A_200 = arith.constant 0 : i32
      %dma_start3A_201 = tpu.memref_slice %arg7[%dma_start3A_192, %dma_start3A_200] : memref<15x800xi32, #tpu.memory_space<vmem>> -> memref<1x800xi32, #tpu.memory_space<vmem>>
      %dma_start3A_202 = tpu.memref_squeeze %dma_start3A_201 : memref<1x800xi32, #tpu.memory_space<vmem>> -> memref<800xi32, #tpu.memory_space<vmem>>
      %dma_start3A_203 = arith.constant 0 : i32
      %dma_start3A_204 = tpu.memref_slice %arg2[%dma_start3A_191, %dma_start3A_203] : memref<2x320000xi32, #tpu.memory_space<hbm>> -> memref<1x320000xi32, #tpu.memory_space<hbm>>
      %dma_start3A_205 = tpu.memref_squeeze %dma_start3A_204 : memref<1x320000xi32, #tpu.memory_space<hbm>> -> memref<320000xi32, #tpu.memory_space<hbm>>
      %dma_start3A_206 = tpu.memref_slice %dma_start3A_205[%add3A_190] : memref<320000xi32, #tpu.memory_space<hbm>> -> memref<800xi32, #tpu.memory_space<hbm>>
      tpu.enqueue_dma source(%dma_start3A_206 : memref<800xi32, #tpu.memory_space<hbm>>) target(%dma_start3A_202 : memref<800xi32, #tpu.memory_space<vmem>>) target_semaphore(%arg10 : memref<!tpu.dma_semaphore, #tpu.memory_space<semaphore_mem>>)
      %add3A_207 = arith.constant 8000 : i32
      %add3A_208 = arith.addi %mul3A_15, %add3A_207 : i32
      %dma_start3A_209 = arith.constant 1 : i32
      %dma_start3A_210 = arith.constant 10 : i32
      %dma_start3A_211 = arith.constant 0 : i32
      %dma_start3A_212 = tpu.memref_slice %arg7[%dma_start3A_210, %dma_start3A_211] : memref<15x800xi32, #tpu.memory_space<vmem>> -> memref<1x800xi32, #tpu.memory_space<vmem>>
      %dma_start3A_213 = tpu.memref_squeeze %dma_start3A_212 : memref<1x800xi32, #tpu.memory_space<vmem>> -> memref<800xi32, #tpu.memory_space<vmem>>
      %dma_start3A_214 = arith.constant 0 : i32
      %dma_start3A_215 = tpu.memref_slice %arg2[%dma_start3A_209, %dma_start3A_214] : memref<2x320000xi32, #tpu.memory_space<hbm>> -> memref<1x320000xi32, #tpu.memory_space<hbm>>
      %dma_start3A_216 = tpu.memref_squeeze %dma_start3A_215 : memref<1x320000xi32, #tpu.memory_space<hbm>> -> memref<320000xi32, #tpu.memory_space<hbm>>
      %dma_start3A_217 = tpu.memref_slice %dma_start3A_216[%add3A_208] : memref<320000xi32, #tpu.memory_space<hbm>> -> memref<800xi32, #tpu.memory_space<hbm>>
      %dma_start3A_218 = arith.constant 0 : i32
      %dma_start3A_219 = tpu.memref_slice %arg7[%dma_start3A_210, %dma_start3A_218] : memref<15x800xi32, #tpu.memory_space<vmem>> -> memref<1x800xi32, #tpu.memory_space<vmem>>
      %dma_start3A_220 = tpu.memref_squeeze %dma_start3A_219 : memref<1x800xi32, #tpu.memory_space<vmem>> -> memref<800xi32, #tpu.memory_space<vmem>>
      %dma_start3A_221 = arith.constant 0 : i32
      %dma_start3A_222 = tpu.memref_slice %arg2[%dma_start3A_209, %dma_start3A_221] : memref<2x320000xi32, #tpu.memory_space<hbm>> -> memref<1x320000xi32, #tpu.memory_space<hbm>>
      %dma_start3A_223 = tpu.memref_squeeze %dma_start3A_222 : memref<1x320000xi32, #tpu.memory_space<hbm>> -> memref<320000xi32, #tpu.memory_space<hbm>>
      %dma_start3A_224 = tpu.memref_slice %dma_start3A_223[%add3A_208] : memref<320000xi32, #tpu.memory_space<hbm>> -> memref<800xi32, #tpu.memory_space<hbm>>
      tpu.enqueue_dma source(%dma_start3A_224 : memref<800xi32, #tpu.memory_space<hbm>>) target(%dma_start3A_220 : memref<800xi32, #tpu.memory_space<vmem>>) target_semaphore(%arg10 : memref<!tpu.dma_semaphore, #tpu.memory_space<semaphore_mem>>)
      %add3A_225 = arith.constant 8800 : i32
      %add3A_226 = arith.addi %mul3A_15, %add3A_225 : i32
      %dma_start3A_227 = arith.constant 1 : i32
      %dma_start3A_228 = arith.constant 11 : i32
      %dma_start3A_229 = arith.constant 0 : i32
      %dma_start3A_230 = tpu.memref_slice %arg7[%dma_start3A_228, %dma_start3A_229] : memref<15x800xi32, #tpu.memory_space<vmem>> -> memref<1x800xi32, #tpu.memory_space<vmem>>
      %dma_start3A_231 = tpu.memref_squeeze %dma_start3A_230 : memref<1x800xi32, #tpu.memory_space<vmem>> -> memref<800xi32, #tpu.memory_space<vmem>>
      %dma_start3A_232 = arith.constant 0 : i32
      %dma_start3A_233 = tpu.memref_slice %arg2[%dma_start3A_227, %dma_start3A_232] : memref<2x320000xi32, #tpu.memory_space<hbm>> -> memref<1x320000xi32, #tpu.memory_space<hbm>>
      %dma_start3A_234 = tpu.memref_squeeze %dma_start3A_233 : memref<1x320000xi32, #tpu.memory_space<hbm>> -> memref<320000xi32, #tpu.memory_space<hbm>>
      %dma_start3A_235 = tpu.memref_slice %dma_start3A_234[%add3A_226] : memref<320000xi32, #tpu.memory_space<hbm>> -> memref<800xi32, #tpu.memory_space<hbm>>
      %dma_start3A_236 = arith.constant 0 : i32
      %dma_start3A_237 = tpu.memref_slice %arg7[%dma_start3A_228, %dma_start3A_236] : memref<15x800xi32, #tpu.memory_space<vmem>> -> memref<1x800xi32, #tpu.memory_space<vmem>>
      %dma_start3A_238 = tpu.memref_squeeze %dma_start3A_237 : memref<1x800xi32, #tpu.memory_space<vmem>> -> memref<800xi32, #tpu.memory_space<vmem>>
      %dma_start3A_239 = arith.constant 0 : i32
      %dma_start3A_240 = tpu.memref_slice %arg2[%dma_start3A_227, %dma_start3A_239] : memref<2x320000xi32, #tpu.memory_space<hbm>> -> memref<1x320000xi32, #tpu.memory_space<hbm>>
      %dma_start3A_241 = tpu.memref_squeeze %dma_start3A_240 : memref<1x320000xi32, #tpu.memory_space<hbm>> -> memref<320000xi32, #tpu.memory_space<hbm>>
      %dma_start3A_242 = tpu.memref_slice %dma_start3A_241[%add3A_226] : memref<320000xi32, #tpu.memory_space<hbm>> -> memref<800xi32, #tpu.memory_space<hbm>>
      tpu.enqueue_dma source(%dma_start3A_242 : memref<800xi32, #tpu.memory_space<hbm>>) target(%dma_start3A_238 : memref<800xi32, #tpu.memory_space<vmem>>) target_semaphore(%arg10 : memref<!tpu.dma_semaphore, #tpu.memory_space<semaphore_mem>>)
      %add3A_243 = arith.constant 9600 : i32
      %add3A_244 = arith.addi %mul3A_15, %add3A_243 : i32
      %dma_start3A_245 = arith.constant 1 : i32
      %dma_start3A_246 = arith.constant 12 : i32
      %dma_start3A_247 = arith.constant 0 : i32
      %dma_start3A_248 = tpu.memref_slice %arg7[%dma_start3A_246, %dma_start3A_247] : memref<15x800xi32, #tpu.memory_space<vmem>> -> memref<1x800xi32, #tpu.memory_space<vmem>>
      %dma_start3A_249 = tpu.memref_squeeze %dma_start3A_248 : memref<1x800xi32, #tpu.memory_space<vmem>> -> memref<800xi32, #tpu.memory_space<vmem>>
      %dma_start3A_250 = arith.constant 0 : i32
      %dma_start3A_251 = tpu.memref_slice %arg2[%dma_start3A_245, %dma_start3A_250] : memref<2x320000xi32, #tpu.memory_space<hbm>> -> memref<1x320000xi32, #tpu.memory_space<hbm>>
      %dma_start3A_252 = tpu.memref_squeeze %dma_start3A_251 : memref<1x320000xi32, #tpu.memory_space<hbm>> -> memref<320000xi32, #tpu.memory_space<hbm>>
      %dma_start3A_253 = tpu.memref_slice %dma_start3A_252[%add3A_244] : memref<320000xi32, #tpu.memory_space<hbm>> -> memref<800xi32, #tpu.memory_space<hbm>>
      %dma_start3A_254 = arith.constant 0 : i32
      %dma_start3A_255 = tpu.memref_slice %arg7[%dma_start3A_246, %dma_start3A_254] : memref<15x800xi32, #tpu.memory_space<vmem>> -> memref<1x800xi32, #tpu.memory_space<vmem>>
      %dma_start3A_256 = tpu.memref_squeeze %dma_start3A_255 : memref<1x800xi32, #tpu.memory_space<vmem>> -> memref<800xi32, #tpu.memory_space<vmem>>
      %dma_start3A_257 = arith.constant 0 : i32
      %dma_start3A_258 = tpu.memref_slice %arg2[%dma_start3A_245, %dma_start3A_257] : memref<2x320000xi32, #tpu.memory_space<hbm>> -> memref<1x320000xi32, #tpu.memory_space<hbm>>
      %dma_start3A_259 = tpu.memref_squeeze %dma_start3A_258 : memref<1x320000xi32, #tpu.memory_space<hbm>> -> memref<320000xi32, #tpu.memory_space<hbm>>
      %dma_start3A_260 = tpu.memref_slice %dma_start3A_259[%add3A_244] : memref<320000xi32, #tpu.memory_space<hbm>> -> memref<800xi32, #tpu.memory_space<hbm>>
      tpu.enqueue_dma source(%dma_start3A_260 : memref<800xi32, #tpu.memory_space<hbm>>) target(%dma_start3A_256 : memref<800xi32, #tpu.memory_space<vmem>>) target_semaphore(%arg10 : memref<!tpu.dma_semaphore, #tpu.memory_space<semaphore_mem>>)
      %add3A_261 = arith.constant 10400 : i32
      %add3A_262 = arith.addi %mul3A_15, %add3A_261 : i32
      %dma_start3A_263 = arith.constant 1 : i32
      %dma_start3A_264 = arith.constant 13 : i32
      %dma_start3A_265 = arith.constant 0 : i32
      %dma_start3A_266 = tpu.memref_slice %arg7[%dma_start3A_264, %dma_start3A_265] : memref<15x800xi32, #tpu.memory_space<vmem>> -> memref<1x800xi32, #tpu.memory_space<vmem>>
      %dma_start3A_267 = tpu.memref_squeeze %dma_start3A_266 : memref<1x800xi32, #tpu.memory_space<vmem>> -> memref<800xi32, #tpu.memory_space<vmem>>
      %dma_start3A_268 = arith.constant 0 : i32
      %dma_start3A_269 = tpu.memref_slice %arg2[%dma_start3A_263, %dma_start3A_268] : memref<2x320000xi32, #tpu.memory_space<hbm>> -> memref<1x320000xi32, #tpu.memory_space<hbm>>
      %dma_start3A_270 = tpu.memref_squeeze %dma_start3A_269 : memref<1x320000xi32, #tpu.memory_space<hbm>> -> memref<320000xi32, #tpu.memory_space<hbm>>
      %dma_start3A_271 = tpu.memref_slice %dma_start3A_270[%add3A_262] : memref<320000xi32, #tpu.memory_space<hbm>> -> memref<800xi32, #tpu.memory_space<hbm>>
      %dma_start3A_272 = arith.constant 0 : i32
      %dma_start3A_273 = tpu.memref_slice %arg7[%dma_start3A_264, %dma_start3A_272] : memref<15x800xi32, #tpu.memory_space<vmem>> -> memref<1x800xi32, #tpu.memory_space<vmem>>
      %dma_start3A_274 = tpu.memref_squeeze %dma_start3A_273 : memref<1x800xi32, #tpu.memory_space<vmem>> -> memref<800xi32, #tpu.memory_space<vmem>>
      %dma_start3A_275 = arith.constant 0 : i32
      %dma_start3A_276 = tpu.memref_slice %arg2[%dma_start3A_263, %dma_start3A_275] : memref<2x320000xi32, #tpu.memory_space<hbm>> -> memref<1x320000xi32, #tpu.memory_space<hbm>>
      %dma_start3A_277 = tpu.memref_squeeze %dma_start3A_276 : memref<1x320000xi32, #tpu.memory_space<hbm>> -> memref<320000xi32, #tpu.memory_space<hbm>>
      %dma_start3A_278 = tpu.memref_slice %dma_start3A_277[%add3A_262] : memref<320000xi32, #tpu.memory_space<hbm>> -> memref<800xi32, #tpu.memory_space<hbm>>
      tpu.enqueue_dma source(%dma_start3A_278 : memref<800xi32, #tpu.memory_space<hbm>>) target(%dma_start3A_274 : memref<800xi32, #tpu.memory_space<vmem>>) target_semaphore(%arg10 : memref<!tpu.dma_semaphore, #tpu.memory_space<semaphore_mem>>)
      %add3A_279 = arith.constant 11200 : i32
      %add3A_280 = arith.addi %mul3A_15, %add3A_279 : i32
      %dma_start3A_281 = arith.constant 1 : i32
      %dma_start3A_282 = arith.constant 14 : i32
      %dma_start3A_283 = arith.constant 0 : i32
      %dma_start3A_284 = tpu.memref_slice %arg7[%dma_start3A_282, %dma_start3A_283] : memref<15x800xi32, #tpu.memory_space<vmem>> -> memref<1x800xi32, #tpu.memory_space<vmem>>
      %dma_start3A_285 = tpu.memref_squeeze %dma_start3A_284 : memref<1x800xi32, #tpu.memory_space<vmem>> -> memref<800xi32, #tpu.memory_space<vmem>>
      %dma_start3A_286 = arith.constant 0 : i32
      %dma_start3A_287 = tpu.memref_slice %arg2[%dma_start3A_281, %dma_start3A_286] : memref<2x320000xi32, #tpu.memory_space<hbm>> -> memref<1x320000xi32, #tpu.memory_space<hbm>>
      %dma_start3A_288 = tpu.memref_squeeze %dma_start3A_287 : memref<1x320000xi32, #tpu.memory_space<hbm>> -> memref<320000xi32, #tpu.memory_space<hbm>>
      %dma_start3A_289 = tpu.memref_slice %dma_start3A_288[%add3A_280] : memref<320000xi32, #tpu.memory_space<hbm>> -> memref<800xi32, #tpu.memory_space<hbm>>
      %dma_start3A_290 = arith.constant 0 : i32
      %dma_start3A_291 = tpu.memref_slice %arg7[%dma_start3A_282, %dma_start3A_290] : memref<15x800xi32, #tpu.memory_space<vmem>> -> memref<1x800xi32, #tpu.memory_space<vmem>>
      %dma_start3A_292 = tpu.memref_squeeze %dma_start3A_291 : memref<1x800xi32, #tpu.memory_space<vmem>> -> memref<800xi32, #tpu.memory_space<vmem>>
      %dma_start3A_293 = arith.constant 0 : i32
      %dma_start3A_294 = tpu.memref_slice %arg2[%dma_start3A_281, %dma_start3A_293] : memref<2x320000xi32, #tpu.memory_space<hbm>> -> memref<1x320000xi32, #tpu.memory_space<hbm>>
      %dma_start3A_295 = tpu.memref_squeeze %dma_start3A_294 : memref<1x320000xi32, #tpu.memory_space<hbm>> -> memref<320000xi32, #tpu.memory_space<hbm>>
      %dma_start3A_296 = tpu.memref_slice %dma_start3A_295[%add3A_280] : memref<320000xi32, #tpu.memory_space<hbm>> -> memref<800xi32, #tpu.memory_space<hbm>>
      tpu.enqueue_dma source(%dma_start3A_296 : memref<800xi32, #tpu.memory_space<hbm>>) target(%dma_start3A_292 : memref<800xi32, #tpu.memory_space<vmem>>) target_semaphore(%arg10 : memref<!tpu.dma_semaphore, #tpu.memory_space<semaphore_mem>>)
      %dma_wait3A = arith.constant 0 : i32
      %dma_wait3A_297 = arith.constant 0 : i32
      %dma_wait3A_298 = tpu.memref_slice %arg6[%dma_wait3A_297] : memref<12000xi32, #tpu.memory_space<vmem>> -> memref<12000xi32, #tpu.memory_space<vmem>>
      %dma_wait3A_299 = arith.constant 0 : i32
      %dma_wait3A_300 = tpu.memref_slice %arg2[%dma_wait3A, %dma_wait3A_299] : memref<2x320000xi32, #tpu.memory_space<hbm>> -> memref<1x320000xi32, #tpu.memory_space<hbm>>
      %dma_wait3A_301 = tpu.memref_squeeze %dma_wait3A_300 : memref<1x320000xi32, #tpu.memory_space<hbm>> -> memref<320000xi32, #tpu.memory_space<hbm>>
      %dma_wait3A_302 = tpu.memref_slice %dma_wait3A_301[%mul3A_15] : memref<320000xi32, #tpu.memory_space<hbm>> -> memref<12000xi32, #tpu.memory_space<hbm>>
      %dma_wait3A_303 = arith.constant 0 : i32
      %dma_wait3A_304 = tpu.memref_slice %arg6[%dma_wait3A_303] : memref<12000xi32, #tpu.memory_space<vmem>> -> memref<12000xi32, #tpu.memory_space<vmem>>
      %dma_wait3A_305 = arith.constant 0 : i32
      %dma_wait3A_306 = tpu.memref_slice %arg2[%dma_wait3A, %dma_wait3A_305] : memref<2x320000xi32, #tpu.memory_space<hbm>> -> memref<1x320000xi32, #tpu.memory_space<hbm>>
      %dma_wait3A_307 = tpu.memref_squeeze %dma_wait3A_306 : memref<1x320000xi32, #tpu.memory_space<hbm>> -> memref<320000xi32, #tpu.memory_space<hbm>>
      %dma_wait3A_308 = tpu.memref_slice %dma_wait3A_307[%mul3A_15] : memref<320000xi32, #tpu.memory_space<hbm>> -> memref<12000xi32, #tpu.memory_space<hbm>>
      tpu.wait_dma2 semaphore(%arg10 : memref<!tpu.dma_semaphore, #tpu.memory_space<semaphore_mem>>) src(%dma_wait3A_308 : memref<12000xi32, #tpu.memory_space<hbm>>) dst(%dma_wait3A_304 : memref<12000xi32, #tpu.memory_space<vmem>>)
      %add3A_309 = arith.constant 0 : i32
      %add3A_310 = arith.addi %mul3A_15, %add3A_309 : i32
      %dma_wait3A_311 = arith.constant 1 : i32
      %dma_wait3A_312 = arith.constant 0 : i32
      %dma_wait3A_313 = arith.constant 0 : i32
      %dma_wait3A_314 = tpu.memref_slice %arg7[%dma_wait3A_312, %dma_wait3A_313] : memref<15x800xi32, #tpu.memory_space<vmem>> -> memref<1x800xi32, #tpu.memory_space<vmem>>
      %dma_wait3A_315 = tpu.memref_squeeze %dma_wait3A_314 : memref<1x800xi32, #tpu.memory_space<vmem>> -> memref<800xi32, #tpu.memory_space<vmem>>
      %dma_wait3A_316 = arith.constant 0 : i32
      %dma_wait3A_317 = tpu.memref_slice %arg2[%dma_wait3A_311, %dma_wait3A_316] : memref<2x320000xi32, #tpu.memory_space<hbm>> -> memref<1x320000xi32, #tpu.memory_space<hbm>>
      %dma_wait3A_318 = tpu.memref_squeeze %dma_wait3A_317 : memref<1x320000xi32, #tpu.memory_space<hbm>> -> memref<320000xi32, #tpu.memory_space<hbm>>
      %dma_wait3A_319 = tpu.memref_slice %dma_wait3A_318[%add3A_310] : memref<320000xi32, #tpu.memory_space<hbm>> -> memref<800xi32, #tpu.memory_space<hbm>>
      %dma_wait3A_320 = arith.constant 0 : i32
      %dma_wait3A_321 = tpu.memref_slice %arg7[%dma_wait3A_312, %dma_wait3A_320] : memref<15x800xi32, #tpu.memory_space<vmem>> -> memref<1x800xi32, #tpu.memory_space<vmem>>
      %dma_wait3A_322 = tpu.memref_squeeze %dma_wait3A_321 : memref<1x800xi32, #tpu.memory_space<vmem>> -> memref<800xi32, #tpu.memory_space<vmem>>
      %dma_wait3A_323 = arith.constant 0 : i32
      %dma_wait3A_324 = tpu.memref_slice %arg2[%dma_wait3A_311, %dma_wait3A_323] : memref<2x320000xi32, #tpu.memory_space<hbm>> -> memref<1x320000xi32, #tpu.memory_space<hbm>>
      %dma_wait3A_325 = tpu.memref_squeeze %dma_wait3A_324 : memref<1x320000xi32, #tpu.memory_space<hbm>> -> memref<320000xi32, #tpu.memory_space<hbm>>
      %dma_wait3A_326 = tpu.memref_slice %dma_wait3A_325[%add3A_310] : memref<320000xi32, #tpu.memory_space<hbm>> -> memref<800xi32, #tpu.memory_space<hbm>>
      tpu.wait_dma2 semaphore(%arg10 : memref<!tpu.dma_semaphore, #tpu.memory_space<semaphore_mem>>) src(%dma_wait3A_326 : memref<800xi32, #tpu.memory_space<hbm>>) dst(%dma_wait3A_322 : memref<800xi32, #tpu.memory_space<vmem>>)
      %add3A_327 = arith.constant 800 : i32
      %add3A_328 = arith.addi %mul3A_15, %add3A_327 : i32
      %dma_wait3A_329 = arith.constant 1 : i32
      %dma_wait3A_330 = arith.constant 1 : i32
      %dma_wait3A_331 = arith.constant 0 : i32
      %dma_wait3A_332 = tpu.memref_slice %arg7[%dma_wait3A_330, %dma_wait3A_331] : memref<15x800xi32, #tpu.memory_space<vmem>> -> memref<1x800xi32, #tpu.memory_space<vmem>>
      %dma_wait3A_333 = tpu.memref_squeeze %dma_wait3A_332 : memref<1x800xi32, #tpu.memory_space<vmem>> -> memref<800xi32, #tpu.memory_space<vmem>>
      %dma_wait3A_334 = arith.constant 0 : i32
      %dma_wait3A_335 = tpu.memref_slice %arg2[%dma_wait3A_329, %dma_wait3A_334] : memref<2x320000xi32, #tpu.memory_space<hbm>> -> memref<1x320000xi32, #tpu.memory_space<hbm>>
      %dma_wait3A_336 = tpu.memref_squeeze %dma_wait3A_335 : memref<1x320000xi32, #tpu.memory_space<hbm>> -> memref<320000xi32, #tpu.memory_space<hbm>>
      %dma_wait3A_337 = tpu.memref_slice %dma_wait3A_336[%add3A_328] : memref<320000xi32, #tpu.memory_space<hbm>> -> memref<800xi32, #tpu.memory_space<hbm>>
      %dma_wait3A_338 = arith.constant 0 : i32
      %dma_wait3A_339 = tpu.memref_slice %arg7[%dma_wait3A_330, %dma_wait3A_338] : memref<15x800xi32, #tpu.memory_space<vmem>> -> memref<1x800xi32, #tpu.memory_space<vmem>>
      %dma_wait3A_340 = tpu.memref_squeeze %dma_wait3A_339 : memref<1x800xi32, #tpu.memory_space<vmem>> -> memref<800xi32, #tpu.memory_space<vmem>>
      %dma_wait3A_341 = arith.constant 0 : i32
      %dma_wait3A_342 = tpu.memref_slice %arg2[%dma_wait3A_329, %dma_wait3A_341] : memref<2x320000xi32, #tpu.memory_space<hbm>> -> memref<1x320000xi32, #tpu.memory_space<hbm>>
      %dma_wait3A_343 = tpu.memref_squeeze %dma_wait3A_342 : memref<1x320000xi32, #tpu.memory_space<hbm>> -> memref<320000xi32, #tpu.memory_space<hbm>>
      %dma_wait3A_344 = tpu.memref_slice %dma_wait3A_343[%add3A_328] : memref<320000xi32, #tpu.memory_space<hbm>> -> memref<800xi32, #tpu.memory_space<hbm>>
      tpu.wait_dma2 semaphore(%arg10 : memref<!tpu.dma_semaphore, #tpu.memory_space<semaphore_mem>>) src(%dma_wait3A_344 : memref<800xi32, #tpu.memory_space<hbm>>) dst(%dma_wait3A_340 : memref<800xi32, #tpu.memory_space<vmem>>)
      %add3A_345 = arith.constant 1600 : i32
      %add3A_346 = arith.addi %mul3A_15, %add3A_345 : i32
      %dma_wait3A_347 = arith.constant 1 : i32
      %dma_wait3A_348 = arith.constant 2 : i32
      %dma_wait3A_349 = arith.constant 0 : i32
      %dma_wait3A_350 = tpu.memref_slice %arg7[%dma_wait3A_348, %dma_wait3A_349] : memref<15x800xi32, #tpu.memory_space<vmem>> -> memref<1x800xi32, #tpu.memory_space<vmem>>
      %dma_wait3A_351 = tpu.memref_squeeze %dma_wait3A_350 : memref<1x800xi32, #tpu.memory_space<vmem>> -> memref<800xi32, #tpu.memory_space<vmem>>
      %dma_wait3A_352 = arith.constant 0 : i32
      %dma_wait3A_353 = tpu.memref_slice %arg2[%dma_wait3A_347, %dma_wait3A_352] : memref<2x320000xi32, #tpu.memory_space<hbm>> -> memref<1x320000xi32, #tpu.memory_space<hbm>>
      %dma_wait3A_354 = tpu.memref_squeeze %dma_wait3A_353 : memref<1x320000xi32, #tpu.memory_space<hbm>> -> memref<320000xi32, #tpu.memory_space<hbm>>
      %dma_wait3A_355 = tpu.memref_slice %dma_wait3A_354[%add3A_346] : memref<320000xi32, #tpu.memory_space<hbm>> -> memref<800xi32, #tpu.memory_space<hbm>>
      %dma_wait3A_356 = arith.constant 0 : i32
      %dma_wait3A_357 = tpu.memref_slice %arg7[%dma_wait3A_348, %dma_wait3A_356] : memref<15x800xi32, #tpu.memory_space<vmem>> -> memref<1x800xi32, #tpu.memory_space<vmem>>
      %dma_wait3A_358 = tpu.memref_squeeze %dma_wait3A_357 : memref<1x800xi32, #tpu.memory_space<vmem>> -> memref<800xi32, #tpu.memory_space<vmem>>
      %dma_wait3A_359 = arith.constant 0 : i32
      %dma_wait3A_360 = tpu.memref_slice %arg2[%dma_wait3A_347, %dma_wait3A_359] : memref<2x320000xi32, #tpu.memory_space<hbm>> -> memref<1x320000xi32, #tpu.memory_space<hbm>>
      %dma_wait3A_361 = tpu.memref_squeeze %dma_wait3A_360 : memref<1x320000xi32, #tpu.memory_space<hbm>> -> memref<320000xi32, #tpu.memory_space<hbm>>
      %dma_wait3A_362 = tpu.memref_slice %dma_wait3A_361[%add3A_346] : memref<320000xi32, #tpu.memory_space<hbm>> -> memref<800xi32, #tpu.memory_space<hbm>>
      tpu.wait_dma2 semaphore(%arg10 : memref<!tpu.dma_semaphore, #tpu.memory_space<semaphore_mem>>) src(%dma_wait3A_362 : memref<800xi32, #tpu.memory_space<hbm>>) dst(%dma_wait3A_358 : memref<800xi32, #tpu.memory_space<vmem>>)
      %add3A_363 = arith.constant 2400 : i32
      %add3A_364 = arith.addi %mul3A_15, %add3A_363 : i32
      %dma_wait3A_365 = arith.constant 1 : i32
      %dma_wait3A_366 = arith.constant 3 : i32
      %dma_wait3A_367 = arith.constant 0 : i32
      %dma_wait3A_368 = tpu.memref_slice %arg7[%dma_wait3A_366, %dma_wait3A_367] : memref<15x800xi32, #tpu.memory_space<vmem>> -> memref<1x800xi32, #tpu.memory_space<vmem>>
      %dma_wait3A_369 = tpu.memref_squeeze %dma_wait3A_368 : memref<1x800xi32, #tpu.memory_space<vmem>> -> memref<800xi32, #tpu.memory_space<vmem>>
      %dma_wait3A_370 = arith.constant 0 : i32
      %dma_wait3A_371 = tpu.memref_slice %arg2[%dma_wait3A_365, %dma_wait3A_370] : memref<2x320000xi32, #tpu.memory_space<hbm>> -> memref<1x320000xi32, #tpu.memory_space<hbm>>
      %dma_wait3A_372 = tpu.memref_squeeze %dma_wait3A_371 : memref<1x320000xi32, #tpu.memory_space<hbm>> -> memref<320000xi32, #tpu.memory_space<hbm>>
      %dma_wait3A_373 = tpu.memref_slice %dma_wait3A_372[%add3A_364] : memref<320000xi32, #tpu.memory_space<hbm>> -> memref<800xi32, #tpu.memory_space<hbm>>
      %dma_wait3A_374 = arith.constant 0 : i32
      %dma_wait3A_375 = tpu.memref_slice %arg7[%dma_wait3A_366, %dma_wait3A_374] : memref<15x800xi32, #tpu.memory_space<vmem>> -> memref<1x800xi32, #tpu.memory_space<vmem>>
      %dma_wait3A_376 = tpu.memref_squeeze %dma_wait3A_375 : memref<1x800xi32, #tpu.memory_space<vmem>> -> memref<800xi32, #tpu.memory_space<vmem>>
      %dma_wait3A_377 = arith.constant 0 : i32
      %dma_wait3A_378 = tpu.memref_slice %arg2[%dma_wait3A_365, %dma_wait3A_377] : memref<2x320000xi32, #tpu.memory_space<hbm>> -> memref<1x320000xi32, #tpu.memory_space<hbm>>
      %dma_wait3A_379 = tpu.memref_squeeze %dma_wait3A_378 : memref<1x320000xi32, #tpu.memory_space<hbm>> -> memref<320000xi32, #tpu.memory_space<hbm>>
      %dma_wait3A_380 = tpu.memref_slice %dma_wait3A_379[%add3A_364] : memref<320000xi32, #tpu.memory_space<hbm>> -> memref<800xi32, #tpu.memory_space<hbm>>
      tpu.wait_dma2 semaphore(%arg10 : memref<!tpu.dma_semaphore, #tpu.memory_space<semaphore_mem>>) src(%dma_wait3A_380 : memref<800xi32, #tpu.memory_space<hbm>>) dst(%dma_wait3A_376 : memref<800xi32, #tpu.memory_space<vmem>>)
      %add3A_381 = arith.constant 3200 : i32
      %add3A_382 = arith.addi %mul3A_15, %add3A_381 : i32
      %dma_wait3A_383 = arith.constant 1 : i32
      %dma_wait3A_384 = arith.constant 4 : i32
      %dma_wait3A_385 = arith.constant 0 : i32
      %dma_wait3A_386 = tpu.memref_slice %arg7[%dma_wait3A_384, %dma_wait3A_385] : memref<15x800xi32, #tpu.memory_space<vmem>> -> memref<1x800xi32, #tpu.memory_space<vmem>>
      %dma_wait3A_387 = tpu.memref_squeeze %dma_wait3A_386 : memref<1x800xi32, #tpu.memory_space<vmem>> -> memref<800xi32, #tpu.memory_space<vmem>>
      %dma_wait3A_388 = arith.constant 0 : i32
      %dma_wait3A_389 = tpu.memref_slice %arg2[%dma_wait3A_383, %dma_wait3A_388] : memref<2x320000xi32, #tpu.memory_space<hbm>> -> memref<1x320000xi32, #tpu.memory_space<hbm>>
      %dma_wait3A_390 = tpu.memref_squeeze %dma_wait3A_389 : memref<1x320000xi32, #tpu.memory_space<hbm>> -> memref<320000xi32, #tpu.memory_space<hbm>>
      %dma_wait3A_391 = tpu.memref_slice %dma_wait3A_390[%add3A_382] : memref<320000xi32, #tpu.memory_space<hbm>> -> memref<800xi32, #tpu.memory_space<hbm>>
      %dma_wait3A_392 = arith.constant 0 : i32
      %dma_wait3A_393 = tpu.memref_slice %arg7[%dma_wait3A_384, %dma_wait3A_392] : memref<15x800xi32, #tpu.memory_space<vmem>> -> memref<1x800xi32, #tpu.memory_space<vmem>>
      %dma_wait3A_394 = tpu.memref_squeeze %dma_wait3A_393 : memref<1x800xi32, #tpu.memory_space<vmem>> -> memref<800xi32, #tpu.memory_space<vmem>>
      %dma_wait3A_395 = arith.constant 0 : i32
      %dma_wait3A_396 = tpu.memref_slice %arg2[%dma_wait3A_383, %dma_wait3A_395] : memref<2x320000xi32, #tpu.memory_space<hbm>> -> memref<1x320000xi32, #tpu.memory_space<hbm>>
      %dma_wait3A_397 = tpu.memref_squeeze %dma_wait3A_396 : memref<1x320000xi32, #tpu.memory_space<hbm>> -> memref<320000xi32, #tpu.memory_space<hbm>>
      %dma_wait3A_398 = tpu.memref_slice %dma_wait3A_397[%add3A_382] : memref<320000xi32, #tpu.memory_space<hbm>> -> memref<800xi32, #tpu.memory_space<hbm>>
      tpu.wait_dma2 semaphore(%arg10 : memref<!tpu.dma_semaphore, #tpu.memory_space<semaphore_mem>>) src(%dma_wait3A_398 : memref<800xi32, #tpu.memory_space<hbm>>) dst(%dma_wait3A_394 : memref<800xi32, #tpu.memory_space<vmem>>)
      %add3A_399 = arith.constant 4000 : i32
      %add3A_400 = arith.addi %mul3A_15, %add3A_399 : i32
      %dma_wait3A_401 = arith.constant 1 : i32
      %dma_wait3A_402 = arith.constant 5 : i32
      %dma_wait3A_403 = arith.constant 0 : i32
      %dma_wait3A_404 = tpu.memref_slice %arg7[%dma_wait3A_402, %dma_wait3A_403] : memref<15x800xi32, #tpu.memory_space<vmem>> -> memref<1x800xi32, #tpu.memory_space<vmem>>
      %dma_wait3A_405 = tpu.memref_squeeze %dma_wait3A_404 : memref<1x800xi32, #tpu.memory_space<vmem>> -> memref<800xi32, #tpu.memory_space<vmem>>
      %dma_wait3A_406 = arith.constant 0 : i32
      %dma_wait3A_407 = tpu.memref_slice %arg2[%dma_wait3A_401, %dma_wait3A_406] : memref<2x320000xi32, #tpu.memory_space<hbm>> -> memref<1x320000xi32, #tpu.memory_space<hbm>>
      %dma_wait3A_408 = tpu.memref_squeeze %dma_wait3A_407 : memref<1x320000xi32, #tpu.memory_space<hbm>> -> memref<320000xi32, #tpu.memory_space<hbm>>
      %dma_wait3A_409 = tpu.memref_slice %dma_wait3A_408[%add3A_400] : memref<320000xi32, #tpu.memory_space<hbm>> -> memref<800xi32, #tpu.memory_space<hbm>>
      %dma_wait3A_410 = arith.constant 0 : i32
      %dma_wait3A_411 = tpu.memref_slice %arg7[%dma_wait3A_402, %dma_wait3A_410] : memref<15x800xi32, #tpu.memory_space<vmem>> -> memref<1x800xi32, #tpu.memory_space<vmem>>
      %dma_wait3A_412 = tpu.memref_squeeze %dma_wait3A_411 : memref<1x800xi32, #tpu.memory_space<vmem>> -> memref<800xi32, #tpu.memory_space<vmem>>
      %dma_wait3A_413 = arith.constant 0 : i32
      %dma_wait3A_414 = tpu.memref_slice %arg2[%dma_wait3A_401, %dma_wait3A_413] : memref<2x320000xi32, #tpu.memory_space<hbm>> -> memref<1x320000xi32, #tpu.memory_space<hbm>>
      %dma_wait3A_415 = tpu.memref_squeeze %dma_wait3A_414 : memref<1x320000xi32, #tpu.memory_space<hbm>> -> memref<320000xi32, #tpu.memory_space<hbm>>
      %dma_wait3A_416 = tpu.memref_slice %dma_wait3A_415[%add3A_400] : memref<320000xi32, #tpu.memory_space<hbm>> -> memref<800xi32, #tpu.memory_space<hbm>>
      tpu.wait_dma2 semaphore(%arg10 : memref<!tpu.dma_semaphore, #tpu.memory_space<semaphore_mem>>) src(%dma_wait3A_416 : memref<800xi32, #tpu.memory_space<hbm>>) dst(%dma_wait3A_412 : memref<800xi32, #tpu.memory_space<vmem>>)
      %add3A_417 = arith.constant 4800 : i32
      %add3A_418 = arith.addi %mul3A_15, %add3A_417 : i32
      %dma_wait3A_419 = arith.constant 1 : i32
      %dma_wait3A_420 = arith.constant 6 : i32
      %dma_wait3A_421 = arith.constant 0 : i32
      %dma_wait3A_422 = tpu.memref_slice %arg7[%dma_wait3A_420, %dma_wait3A_421] : memref<15x800xi32, #tpu.memory_space<vmem>> -> memref<1x800xi32, #tpu.memory_space<vmem>>
      %dma_wait3A_423 = tpu.memref_squeeze %dma_wait3A_422 : memref<1x800xi32, #tpu.memory_space<vmem>> -> memref<800xi32, #tpu.memory_space<vmem>>
      %dma_wait3A_424 = arith.constant 0 : i32
      %dma_wait3A_425 = tpu.memref_slice %arg2[%dma_wait3A_419, %dma_wait3A_424] : memref<2x320000xi32, #tpu.memory_space<hbm>> -> memref<1x320000xi32, #tpu.memory_space<hbm>>
      %dma_wait3A_426 = tpu.memref_squeeze %dma_wait3A_425 : memref<1x320000xi32, #tpu.memory_space<hbm>> -> memref<320000xi32, #tpu.memory_space<hbm>>
      %dma_wait3A_427 = tpu.memref_slice %dma_wait3A_426[%add3A_418] : memref<320000xi32, #tpu.memory_space<hbm>> -> memref<800xi32, #tpu.memory_space<hbm>>
      %dma_wait3A_428 = arith.constant 0 : i32
      %dma_wait3A_429 = tpu.memref_slice %arg7[%dma_wait3A_420, %dma_wait3A_428] : memref<15x800xi32, #tpu.memory_space<vmem>> -> memref<1x800xi32, #tpu.memory_space<vmem>>
      %dma_wait3A_430 = tpu.memref_squeeze %dma_wait3A_429 : memref<1x800xi32, #tpu.memory_space<vmem>> -> memref<800xi32, #tpu.memory_space<vmem>>
      %dma_wait3A_431 = arith.constant 0 : i32
      %dma_wait3A_432 = tpu.memref_slice %arg2[%dma_wait3A_419, %dma_wait3A_431] : memref<2x320000xi32, #tpu.memory_space<hbm>> -> memref<1x320000xi32, #tpu.memory_space<hbm>>
      %dma_wait3A_433 = tpu.memref_squeeze %dma_wait3A_432 : memref<1x320000xi32, #tpu.memory_space<hbm>> -> memref<320000xi32, #tpu.memory_space<hbm>>
      %dma_wait3A_434 = tpu.memref_slice %dma_wait3A_433[%add3A_418] : memref<320000xi32, #tpu.memory_space<hbm>> -> memref<800xi32, #tpu.memory_space<hbm>>
      tpu.wait_dma2 semaphore(%arg10 : memref<!tpu.dma_semaphore, #tpu.memory_space<semaphore_mem>>) src(%dma_wait3A_434 : memref<800xi32, #tpu.memory_space<hbm>>) dst(%dma_wait3A_430 : memref<800xi32, #tpu.memory_space<vmem>>)
      %add3A_435 = arith.constant 5600 : i32
      %add3A_436 = arith.addi %mul3A_15, %add3A_435 : i32
      %dma_wait3A_437 = arith.constant 1 : i32
      %dma_wait3A_438 = arith.constant 7 : i32
      %dma_wait3A_439 = arith.constant 0 : i32
      %dma_wait3A_440 = tpu.memref_slice %arg7[%dma_wait3A_438, %dma_wait3A_439] : memref<15x800xi32, #tpu.memory_space<vmem>> -> memref<1x800xi32, #tpu.memory_space<vmem>>
      %dma_wait3A_441 = tpu.memref_squeeze %dma_wait3A_440 : memref<1x800xi32, #tpu.memory_space<vmem>> -> memref<800xi32, #tpu.memory_space<vmem>>
      %dma_wait3A_442 = arith.constant 0 : i32
      %dma_wait3A_443 = tpu.memref_slice %arg2[%dma_wait3A_437, %dma_wait3A_442] : memref<2x320000xi32, #tpu.memory_space<hbm>> -> memref<1x320000xi32, #tpu.memory_space<hbm>>
      %dma_wait3A_444 = tpu.memref_squeeze %dma_wait3A_443 : memref<1x320000xi32, #tpu.memory_space<hbm>> -> memref<320000xi32, #tpu.memory_space<hbm>>
      %dma_wait3A_445 = tpu.memref_slice %dma_wait3A_444[%add3A_436] : memref<320000xi32, #tpu.memory_space<hbm>> -> memref<800xi32, #tpu.memory_space<hbm>>
      %dma_wait3A_446 = arith.constant 0 : i32
      %dma_wait3A_447 = tpu.memref_slice %arg7[%dma_wait3A_438, %dma_wait3A_446] : memref<15x800xi32, #tpu.memory_space<vmem>> -> memref<1x800xi32, #tpu.memory_space<vmem>>
      %dma_wait3A_448 = tpu.memref_squeeze %dma_wait3A_447 : memref<1x800xi32, #tpu.memory_space<vmem>> -> memref<800xi32, #tpu.memory_space<vmem>>
      %dma_wait3A_449 = arith.constant 0 : i32
      %dma_wait3A_450 = tpu.memref_slice %arg2[%dma_wait3A_437, %dma_wait3A_449] : memref<2x320000xi32, #tpu.memory_space<hbm>> -> memref<1x320000xi32, #tpu.memory_space<hbm>>
      %dma_wait3A_451 = tpu.memref_squeeze %dma_wait3A_450 : memref<1x320000xi32, #tpu.memory_space<hbm>> -> memref<320000xi32, #tpu.memory_space<hbm>>
      %dma_wait3A_452 = tpu.memref_slice %dma_wait3A_451[%add3A_436] : memref<320000xi32, #tpu.memory_space<hbm>> -> memref<800xi32, #tpu.memory_space<hbm>>
      tpu.wait_dma2 semaphore(%arg10 : memref<!tpu.dma_semaphore, #tpu.memory_space<semaphore_mem>>) src(%dma_wait3A_452 : memref<800xi32, #tpu.memory_space<hbm>>) dst(%dma_wait3A_448 : memref<800xi32, #tpu.memory_space<vmem>>)
      %add3A_453 = arith.constant 6400 : i32
      %add3A_454 = arith.addi %mul3A_15, %add3A_453 : i32
      %dma_wait3A_455 = arith.constant 1 : i32
      %dma_wait3A_456 = arith.constant 8 : i32
      %dma_wait3A_457 = arith.constant 0 : i32
      %dma_wait3A_458 = tpu.memref_slice %arg7[%dma_wait3A_456, %dma_wait3A_457] : memref<15x800xi32, #tpu.memory_space<vmem>> -> memref<1x800xi32, #tpu.memory_space<vmem>>
      %dma_wait3A_459 = tpu.memref_squeeze %dma_wait3A_458 : memref<1x800xi32, #tpu.memory_space<vmem>> -> memref<800xi32, #tpu.memory_space<vmem>>
      %dma_wait3A_460 = arith.constant 0 : i32
      %dma_wait3A_461 = tpu.memref_slice %arg2[%dma_wait3A_455, %dma_wait3A_460] : memref<2x320000xi32, #tpu.memory_space<hbm>> -> memref<1x320000xi32, #tpu.memory_space<hbm>>
      %dma_wait3A_462 = tpu.memref_squeeze %dma_wait3A_461 : memref<1x320000xi32, #tpu.memory_space<hbm>> -> memref<320000xi32, #tpu.memory_space<hbm>>
      %dma_wait3A_463 = tpu.memref_slice %dma_wait3A_462[%add3A_454] : memref<320000xi32, #tpu.memory_space<hbm>> -> memref<800xi32, #tpu.memory_space<hbm>>
      %dma_wait3A_464 = arith.constant 0 : i32
      %dma_wait3A_465 = tpu.memref_slice %arg7[%dma_wait3A_456, %dma_wait3A_464] : memref<15x800xi32, #tpu.memory_space<vmem>> -> memref<1x800xi32, #tpu.memory_space<vmem>>
      %dma_wait3A_466 = tpu.memref_squeeze %dma_wait3A_465 : memref<1x800xi32, #tpu.memory_space<vmem>> -> memref<800xi32, #tpu.memory_space<vmem>>
      %dma_wait3A_467 = arith.constant 0 : i32
      %dma_wait3A_468 = tpu.memref_slice %arg2[%dma_wait3A_455, %dma_wait3A_467] : memref<2x320000xi32, #tpu.memory_space<hbm>> -> memref<1x320000xi32, #tpu.memory_space<hbm>>
      %dma_wait3A_469 = tpu.memref_squeeze %dma_wait3A_468 : memref<1x320000xi32, #tpu.memory_space<hbm>> -> memref<320000xi32, #tpu.memory_space<hbm>>
      %dma_wait3A_470 = tpu.memref_slice %dma_wait3A_469[%add3A_454] : memref<320000xi32, #tpu.memory_space<hbm>> -> memref<800xi32, #tpu.memory_space<hbm>>
      tpu.wait_dma2 semaphore(%arg10 : memref<!tpu.dma_semaphore, #tpu.memory_space<semaphore_mem>>) src(%dma_wait3A_470 : memref<800xi32, #tpu.memory_space<hbm>>) dst(%dma_wait3A_466 : memref<800xi32, #tpu.memory_space<vmem>>)
      %add3A_471 = arith.constant 7200 : i32
      %add3A_472 = arith.addi %mul3A_15, %add3A_471 : i32
      %dma_wait3A_473 = arith.constant 1 : i32
      %dma_wait3A_474 = arith.constant 9 : i32
      %dma_wait3A_475 = arith.constant 0 : i32
      %dma_wait3A_476 = tpu.memref_slice %arg7[%dma_wait3A_474, %dma_wait3A_475] : memref<15x800xi32, #tpu.memory_space<vmem>> -> memref<1x800xi32, #tpu.memory_space<vmem>>
      %dma_wait3A_477 = tpu.memref_squeeze %dma_wait3A_476 : memref<1x800xi32, #tpu.memory_space<vmem>> -> memref<800xi32, #tpu.memory_space<vmem>>
      %dma_wait3A_478 = arith.constant 0 : i32
      %dma_wait3A_479 = tpu.memref_slice %arg2[%dma_wait3A_473, %dma_wait3A_478] : memref<2x320000xi32, #tpu.memory_space<hbm>> -> memref<1x320000xi32, #tpu.memory_space<hbm>>
      %dma_wait3A_480 = tpu.memref_squeeze %dma_wait3A_479 : memref<1x320000xi32, #tpu.memory_space<hbm>> -> memref<320000xi32, #tpu.memory_space<hbm>>
      %dma_wait3A_481 = tpu.memref_slice %dma_wait3A_480[%add3A_472] : memref<320000xi32, #tpu.memory_space<hbm>> -> memref<800xi32, #tpu.memory_space<hbm>>
      %dma_wait3A_482 = arith.constant 0 : i32
      %dma_wait3A_483 = tpu.memref_slice %arg7[%dma_wait3A_474, %dma_wait3A_482] : memref<15x800xi32, #tpu.memory_space<vmem>> -> memref<1x800xi32, #tpu.memory_space<vmem>>
      %dma_wait3A_484 = tpu.memref_squeeze %dma_wait3A_483 : memref<1x800xi32, #tpu.memory_space<vmem>> -> memref<800xi32, #tpu.memory_space<vmem>>
      %dma_wait3A_485 = arith.constant 0 : i32
      %dma_wait3A_486 = tpu.memref_slice %arg2[%dma_wait3A_473, %dma_wait3A_485] : memref<2x320000xi32, #tpu.memory_space<hbm>> -> memref<1x320000xi32, #tpu.memory_space<hbm>>
      %dma_wait3A_487 = tpu.memref_squeeze %dma_wait3A_486 : memref<1x320000xi32, #tpu.memory_space<hbm>> -> memref<320000xi32, #tpu.memory_space<hbm>>
      %dma_wait3A_488 = tpu.memref_slice %dma_wait3A_487[%add3A_472] : memref<320000xi32, #tpu.memory_space<hbm>> -> memref<800xi32, #tpu.memory_space<hbm>>
      tpu.wait_dma2 semaphore(%arg10 : memref<!tpu.dma_semaphore, #tpu.memory_space<semaphore_mem>>) src(%dma_wait3A_488 : memref<800xi32, #tpu.memory_space<hbm>>) dst(%dma_wait3A_484 : memref<800xi32, #tpu.memory_space<vmem>>)
      %add3A_489 = arith.constant 8000 : i32
      %add3A_490 = arith.addi %mul3A_15, %add3A_489 : i32
      %dma_wait3A_491 = arith.constant 1 : i32
      %dma_wait3A_492 = arith.constant 10 : i32
      %dma_wait3A_493 = arith.constant 0 : i32
      %dma_wait3A_494 = tpu.memref_slice %arg7[%dma_wait3A_492, %dma_wait3A_493] : memref<15x800xi32, #tpu.memory_space<vmem>> -> memref<1x800xi32, #tpu.memory_space<vmem>>
      %dma_wait3A_495 = tpu.memref_squeeze %dma_wait3A_494 : memref<1x800xi32, #tpu.memory_space<vmem>> -> memref<800xi32, #tpu.memory_space<vmem>>
      %dma_wait3A_496 = arith.constant 0 : i32
      %dma_wait3A_497 = tpu.memref_slice %arg2[%dma_wait3A_491, %dma_wait3A_496] : memref<2x320000xi32, #tpu.memory_space<hbm>> -> memref<1x320000xi32, #tpu.memory_space<hbm>>
      %dma_wait3A_498 = tpu.memref_squeeze %dma_wait3A_497 : memref<1x320000xi32, #tpu.memory_space<hbm>> -> memref<320000xi32, #tpu.memory_space<hbm>>
      %dma_wait3A_499 = tpu.memref_slice %dma_wait3A_498[%add3A_490] : memref<320000xi32, #tpu.memory_space<hbm>> -> memref<800xi32, #tpu.memory_space<hbm>>
      %dma_wait3A_500 = arith.constant 0 : i32
      %dma_wait3A_501 = tpu.memref_slice %arg7[%dma_wait3A_492, %dma_wait3A_500] : memref<15x800xi32, #tpu.memory_space<vmem>> -> memref<1x800xi32, #tpu.memory_space<vmem>>
      %dma_wait3A_502 = tpu.memref_squeeze %dma_wait3A_501 : memref<1x800xi32, #tpu.memory_space<vmem>> -> memref<800xi32, #tpu.memory_space<vmem>>
      %dma_wait3A_503 = arith.constant 0 : i32
      %dma_wait3A_504 = tpu.memref_slice %arg2[%dma_wait3A_491, %dma_wait3A_503] : memref<2x320000xi32, #tpu.memory_space<hbm>> -> memref<1x320000xi32, #tpu.memory_space<hbm>>
      %dma_wait3A_505 = tpu.memref_squeeze %dma_wait3A_504 : memref<1x320000xi32, #tpu.memory_space<hbm>> -> memref<320000xi32, #tpu.memory_space<hbm>>
      %dma_wait3A_506 = tpu.memref_slice %dma_wait3A_505[%add3A_490] : memref<320000xi32, #tpu.memory_space<hbm>> -> memref<800xi32, #tpu.memory_space<hbm>>
      tpu.wait_dma2 semaphore(%arg10 : memref<!tpu.dma_semaphore, #tpu.memory_space<semaphore_mem>>) src(%dma_wait3A_506 : memref<800xi32, #tpu.memory_space<hbm>>) dst(%dma_wait3A_502 : memref<800xi32, #tpu.memory_space<vmem>>)
      %add3A_507 = arith.constant 8800 : i32
      %add3A_508 = arith.addi %mul3A_15, %add3A_507 : i32
      %dma_wait3A_509 = arith.constant 1 : i32
      %dma_wait3A_510 = arith.constant 11 : i32
      %dma_wait3A_511 = arith.constant 0 : i32
      %dma_wait3A_512 = tpu.memref_slice %arg7[%dma_wait3A_510, %dma_wait3A_511] : memref<15x800xi32, #tpu.memory_space<vmem>> -> memref<1x800xi32, #tpu.memory_space<vmem>>
      %dma_wait3A_513 = tpu.memref_squeeze %dma_wait3A_512 : memref<1x800xi32, #tpu.memory_space<vmem>> -> memref<800xi32, #tpu.memory_space<vmem>>
      %dma_wait3A_514 = arith.constant 0 : i32
      %dma_wait3A_515 = tpu.memref_slice %arg2[%dma_wait3A_509, %dma_wait3A_514] : memref<2x320000xi32, #tpu.memory_space<hbm>> -> memref<1x320000xi32, #tpu.memory_space<hbm>>
      %dma_wait3A_516 = tpu.memref_squeeze %dma_wait3A_515 : memref<1x320000xi32, #tpu.memory_space<hbm>> -> memref<320000xi32, #tpu.memory_space<hbm>>
      %dma_wait3A_517 = tpu.memref_slice %dma_wait3A_516[%add3A_508] : memref<320000xi32, #tpu.memory_space<hbm>> -> memref<800xi32, #tpu.memory_space<hbm>>
      %dma_wait3A_518 = arith.constant 0 : i32
      %dma_wait3A_519 = tpu.memref_slice %arg7[%dma_wait3A_510, %dma_wait3A_518] : memref<15x800xi32, #tpu.memory_space<vmem>> -> memref<1x800xi32, #tpu.memory_space<vmem>>
      %dma_wait3A_520 = tpu.memref_squeeze %dma_wait3A_519 : memref<1x800xi32, #tpu.memory_space<vmem>> -> memref<800xi32, #tpu.memory_space<vmem>>
      %dma_wait3A_521 = arith.constant 0 : i32
      %dma_wait3A_522 = tpu.memref_slice %arg2[%dma_wait3A_509, %dma_wait3A_521] : memref<2x320000xi32, #tpu.memory_space<hbm>> -> memref<1x320000xi32, #tpu.memory_space<hbm>>
      %dma_wait3A_523 = tpu.memref_squeeze %dma_wait3A_522 : memref<1x320000xi32, #tpu.memory_space<hbm>> -> memref<320000xi32, #tpu.memory_space<hbm>>
      %dma_wait3A_524 = tpu.memref_slice %dma_wait3A_523[%add3A_508] : memref<320000xi32, #tpu.memory_space<hbm>> -> memref<800xi32, #tpu.memory_space<hbm>>
      tpu.wait_dma2 semaphore(%arg10 : memref<!tpu.dma_semaphore, #tpu.memory_space<semaphore_mem>>) src(%dma_wait3A_524 : memref<800xi32, #tpu.memory_space<hbm>>) dst(%dma_wait3A_520 : memref<800xi32, #tpu.memory_space<vmem>>)
      %add3A_525 = arith.constant 9600 : i32
      %add3A_526 = arith.addi %mul3A_15, %add3A_525 : i32
      %dma_wait3A_527 = arith.constant 1 : i32
      %dma_wait3A_528 = arith.constant 12 : i32
      %dma_wait3A_529 = arith.constant 0 : i32
      %dma_wait3A_530 = tpu.memref_slice %arg7[%dma_wait3A_528, %dma_wait3A_529] : memref<15x800xi32, #tpu.memory_space<vmem>> -> memref<1x800xi32, #tpu.memory_space<vmem>>
      %dma_wait3A_531 = tpu.memref_squeeze %dma_wait3A_530 : memref<1x800xi32, #tpu.memory_space<vmem>> -> memref<800xi32, #tpu.memory_space<vmem>>
      %dma_wait3A_532 = arith.constant 0 : i32
      %dma_wait3A_533 = tpu.memref_slice %arg2[%dma_wait3A_527, %dma_wait3A_532] : memref<2x320000xi32, #tpu.memory_space<hbm>> -> memref<1x320000xi32, #tpu.memory_space<hbm>>
      %dma_wait3A_534 = tpu.memref_squeeze %dma_wait3A_533 : memref<1x320000xi32, #tpu.memory_space<hbm>> -> memref<320000xi32, #tpu.memory_space<hbm>>
      %dma_wait3A_535 = tpu.memref_slice %dma_wait3A_534[%add3A_526] : memref<320000xi32, #tpu.memory_space<hbm>> -> memref<800xi32, #tpu.memory_space<hbm>>
      %dma_wait3A_536 = arith.constant 0 : i32
      %dma_wait3A_537 = tpu.memref_slice %arg7[%dma_wait3A_528, %dma_wait3A_536] : memref<15x800xi32, #tpu.memory_space<vmem>> -> memref<1x800xi32, #tpu.memory_space<vmem>>
      %dma_wait3A_538 = tpu.memref_squeeze %dma_wait3A_537 : memref<1x800xi32, #tpu.memory_space<vmem>> -> memref<800xi32, #tpu.memory_space<vmem>>
      %dma_wait3A_539 = arith.constant 0 : i32
      %dma_wait3A_540 = tpu.memref_slice %arg2[%dma_wait3A_527, %dma_wait3A_539] : memref<2x320000xi32, #tpu.memory_space<hbm>> -> memref<1x320000xi32, #tpu.memory_space<hbm>>
      %dma_wait3A_541 = tpu.memref_squeeze %dma_wait3A_540 : memref<1x320000xi32, #tpu.memory_space<hbm>> -> memref<320000xi32, #tpu.memory_space<hbm>>
      %dma_wait3A_542 = tpu.memref_slice %dma_wait3A_541[%add3A_526] : memref<320000xi32, #tpu.memory_space<hbm>> -> memref<800xi32, #tpu.memory_space<hbm>>
      tpu.wait_dma2 semaphore(%arg10 : memref<!tpu.dma_semaphore, #tpu.memory_space<semaphore_mem>>) src(%dma_wait3A_542 : memref<800xi32, #tpu.memory_space<hbm>>) dst(%dma_wait3A_538 : memref<800xi32, #tpu.memory_space<vmem>>)
      %add3A_543 = arith.constant 10400 : i32
      %add3A_544 = arith.addi %mul3A_15, %add3A_543 : i32
      %dma_wait3A_545 = arith.constant 1 : i32
      %dma_wait3A_546 = arith.constant 13 : i32
      %dma_wait3A_547 = arith.constant 0 : i32
      %dma_wait3A_548 = tpu.memref_slice %arg7[%dma_wait3A_546, %dma_wait3A_547] : memref<15x800xi32, #tpu.memory_space<vmem>> -> memref<1x800xi32, #tpu.memory_space<vmem>>
      %dma_wait3A_549 = tpu.memref_squeeze %dma_wait3A_548 : memref<1x800xi32, #tpu.memory_space<vmem>> -> memref<800xi32, #tpu.memory_space<vmem>>
      %dma_wait3A_550 = arith.constant 0 : i32
      %dma_wait3A_551 = tpu.memref_slice %arg2[%dma_wait3A_545, %dma_wait3A_550] : memref<2x320000xi32, #tpu.memory_space<hbm>> -> memref<1x320000xi32, #tpu.memory_space<hbm>>
      %dma_wait3A_552 = tpu.memref_squeeze %dma_wait3A_551 : memref<1x320000xi32, #tpu.memory_space<hbm>> -> memref<320000xi32, #tpu.memory_space<hbm>>
      %dma_wait3A_553 = tpu.memref_slice %dma_wait3A_552[%add3A_544] : memref<320000xi32, #tpu.memory_space<hbm>> -> memref<800xi32, #tpu.memory_space<hbm>>
      %dma_wait3A_554 = arith.constant 0 : i32
      %dma_wait3A_555 = tpu.memref_slice %arg7[%dma_wait3A_546, %dma_wait3A_554] : memref<15x800xi32, #tpu.memory_space<vmem>> -> memref<1x800xi32, #tpu.memory_space<vmem>>
      %dma_wait3A_556 = tpu.memref_squeeze %dma_wait3A_555 : memref<1x800xi32, #tpu.memory_space<vmem>> -> memref<800xi32, #tpu.memory_space<vmem>>
      %dma_wait3A_557 = arith.constant 0 : i32
      %dma_wait3A_558 = tpu.memref_slice %arg2[%dma_wait3A_545, %dma_wait3A_557] : memref<2x320000xi32, #tpu.memory_space<hbm>> -> memref<1x320000xi32, #tpu.memory_space<hbm>>
      %dma_wait3A_559 = tpu.memref_squeeze %dma_wait3A_558 : memref<1x320000xi32, #tpu.memory_space<hbm>> -> memref<320000xi32, #tpu.memory_space<hbm>>
      %dma_wait3A_560 = tpu.memref_slice %dma_wait3A_559[%add3A_544] : memref<320000xi32, #tpu.memory_space<hbm>> -> memref<800xi32, #tpu.memory_space<hbm>>
      tpu.wait_dma2 semaphore(%arg10 : memref<!tpu.dma_semaphore, #tpu.memory_space<semaphore_mem>>) src(%dma_wait3A_560 : memref<800xi32, #tpu.memory_space<hbm>>) dst(%dma_wait3A_556 : memref<800xi32, #tpu.memory_space<vmem>>)
      %add3A_561 = arith.constant 11200 : i32
      %add3A_562 = arith.addi %mul3A_15, %add3A_561 : i32
      %dma_wait3A_563 = arith.constant 1 : i32
      %dma_wait3A_564 = arith.constant 14 : i32
      %dma_wait3A_565 = arith.constant 0 : i32
      %dma_wait3A_566 = tpu.memref_slice %arg7[%dma_wait3A_564, %dma_wait3A_565] : memref<15x800xi32, #tpu.memory_space<vmem>> -> memref<1x800xi32, #tpu.memory_space<vmem>>
      %dma_wait3A_567 = tpu.memref_squeeze %dma_wait3A_566 : memref<1x800xi32, #tpu.memory_space<vmem>> -> memref<800xi32, #tpu.memory_space<vmem>>
      %dma_wait3A_568 = arith.constant 0 : i32
      %dma_wait3A_569 = tpu.memref_slice %arg2[%dma_wait3A_563, %dma_wait3A_568] : memref<2x320000xi32, #tpu.memory_space<hbm>> -> memref<1x320000xi32, #tpu.memory_space<hbm>>
      %dma_wait3A_570 = tpu.memref_squeeze %dma_wait3A_569 : memref<1x320000xi32, #tpu.memory_space<hbm>> -> memref<320000xi32, #tpu.memory_space<hbm>>
      %dma_wait3A_571 = tpu.memref_slice %dma_wait3A_570[%add3A_562] : memref<320000xi32, #tpu.memory_space<hbm>> -> memref<800xi32, #tpu.memory_space<hbm>>
      %dma_wait3A_572 = arith.constant 0 : i32
      %dma_wait3A_573 = tpu.memref_slice %arg7[%dma_wait3A_564, %dma_wait3A_572] : memref<15x800xi32, #tpu.memory_space<vmem>> -> memref<1x800xi32, #tpu.memory_space<vmem>>
      %dma_wait3A_574 = tpu.memref_squeeze %dma_wait3A_573 : memref<1x800xi32, #tpu.memory_space<vmem>> -> memref<800xi32, #tpu.memory_space<vmem>>
      %dma_wait3A_575 = arith.constant 0 : i32
      %dma_wait3A_576 = tpu.memref_slice %arg2[%dma_wait3A_563, %dma_wait3A_575] : memref<2x320000xi32, #tpu.memory_space<hbm>> -> memref<1x320000xi32, #tpu.memory_space<hbm>>
      %dma_wait3A_577 = tpu.memref_squeeze %dma_wait3A_576 : memref<1x320000xi32, #tpu.memory_space<hbm>> -> memref<320000xi32, #tpu.memory_space<hbm>>
      %dma_wait3A_578 = tpu.memref_slice %dma_wait3A_577[%add3A_562] : memref<320000xi32, #tpu.memory_space<hbm>> -> memref<800xi32, #tpu.memory_space<hbm>>
      tpu.wait_dma2 semaphore(%arg10 : memref<!tpu.dma_semaphore, #tpu.memory_space<semaphore_mem>>) src(%dma_wait3A_578 : memref<800xi32, #tpu.memory_space<hbm>>) dst(%dma_wait3A_574 : memref<800xi32, #tpu.memory_space<vmem>>)
      %barrier3A_579 = arith.constant 0 : index
      tpu.barrier barrier_id(%barrier3A_579)
      %dma_start3A_580 = arith.constant 0 : i32
      %dma_start3A_581 = arith.constant 0 : i32
      %dma_start3A_582 = arith.constant 0 : i32
      %dma_start3A_583 = arith.constant 0 : i32
      %dma_start3A_584 = tpu.memref_slice %arg8[%dma_start3A_580, %dma_start3A_582, %dma_start3A_583] : memref<4x800x8xf32, #tpu.memory_space<vmem>> -> memref<1x800x8xf32, #tpu.memory_space<vmem>>
      %dma_start3A_585 = tpu.memref_squeeze %dma_start3A_584 : memref<1x800x8xf32, #tpu.memory_space<vmem>> -> memref<800x8xf32, #tpu.memory_space<vmem>>
      %dma_start3A_586 = arith.constant 0 : i32
      %dma_start3A_587 = tpu.memref_slice %arg6[%dma_start3A_586] : memref<12000xi32, #tpu.memory_space<vmem>> -> memref<800xi32, #tpu.memory_space<vmem>>
      %dma_start3A_588 = arith.constant 0 : i32
      %dma_start3A_589 = arith.constant 0 : i32
      %dma_start3A_590 = tpu.memref_slice %arg4[%dma_start3A_588, %dma_start3A_589] : memref<10240x8xf32, #tpu.memory_space<hbm>> -> memref<10240x8xf32, #tpu.memory_space<hbm>>
      %dma_start3A_591 = tpu.memref_slice %arg11[%dma_start3A_581] : memref<4x!tpu.dma_semaphore, #tpu.memory_space<semaphore_mem>> -> memref<1x!tpu.dma_semaphore, #tpu.memory_space<semaphore_mem>>
      %dma_start3A_592 = tpu.memref_squeeze %dma_start3A_591 : memref<1x!tpu.dma_semaphore, #tpu.memory_space<semaphore_mem>> -> memref<!tpu.dma_semaphore, #tpu.memory_space<semaphore_mem>>
      tpu.enqueue_indirect_dma source(%dma_start3A_590 : memref<10240x8xf32, #tpu.memory_space<hbm>>) target(%dma_start3A_585 : memref<800x8xf32, #tpu.memory_space<vmem>>) offsets(%dma_start3A_587 : memref<800xi32, #tpu.memory_space<vmem>>) semaphore(%dma_start3A_592 : memref<!tpu.dma_semaphore, #tpu.memory_space<semaphore_mem>>)
      %dma_start3A_593 = arith.constant 1 : i32
      %dma_start3A_594 = arith.constant 1 : i32
      %dma_start3A_595 = arith.constant 0 : i32
      %dma_start3A_596 = arith.constant 0 : i32
      %dma_start3A_597 = tpu.memref_slice %arg8[%dma_start3A_593, %dma_start3A_595, %dma_start3A_596] : memref<4x800x8xf32, #tpu.memory_space<vmem>> -> memref<1x800x8xf32, #tpu.memory_space<vmem>>
      %dma_start3A_598 = tpu.memref_squeeze %dma_start3A_597 : memref<1x800x8xf32, #tpu.memory_space<vmem>> -> memref<800x8xf32, #tpu.memory_space<vmem>>
      %dma_start3A_599 = arith.constant 800 : i32
      %dma_start3A_600 = tpu.memref_slice %arg6[%dma_start3A_599] : memref<12000xi32, #tpu.memory_space<vmem>> -> memref<800xi32, #tpu.memory_space<vmem>>
      %dma_start3A_601 = arith.constant 0 : i32
      %dma_start3A_602 = arith.constant 0 : i32
      %dma_start3A_603 = tpu.memref_slice %arg4[%dma_start3A_601, %dma_start3A_602] : memref<10240x8xf32, #tpu.memory_space<hbm>> -> memref<10240x8xf32, #tpu.memory_space<hbm>>
      %dma_start3A_604 = tpu.memref_slice %arg11[%dma_start3A_594] : memref<4x!tpu.dma_semaphore, #tpu.memory_space<semaphore_mem>> -> memref<1x!tpu.dma_semaphore, #tpu.memory_space<semaphore_mem>>
      %dma_start3A_605 = tpu.memref_squeeze %dma_start3A_604 : memref<1x!tpu.dma_semaphore, #tpu.memory_space<semaphore_mem>> -> memref<!tpu.dma_semaphore, #tpu.memory_space<semaphore_mem>>
      tpu.enqueue_indirect_dma source(%dma_start3A_603 : memref<10240x8xf32, #tpu.memory_space<hbm>>) target(%dma_start3A_598 : memref<800x8xf32, #tpu.memory_space<vmem>>) offsets(%dma_start3A_600 : memref<800xi32, #tpu.memory_space<vmem>>) semaphore(%dma_start3A_605 : memref<!tpu.dma_semaphore, #tpu.memory_space<semaphore_mem>>)
      %dma_start3A_606 = arith.constant 2 : i32
      %dma_start3A_607 = arith.constant 2 : i32
      %dma_start3A_608 = arith.constant 0 : i32
      %dma_start3A_609 = arith.constant 0 : i32
      %dma_start3A_610 = tpu.memref_slice %arg8[%dma_start3A_606, %dma_start3A_608, %dma_start3A_609] : memref<4x800x8xf32, #tpu.memory_space<vmem>> -> memref<1x800x8xf32, #tpu.memory_space<vmem>>
      %dma_start3A_611 = tpu.memref_squeeze %dma_start3A_610 : memref<1x800x8xf32, #tpu.memory_space<vmem>> -> memref<800x8xf32, #tpu.memory_space<vmem>>
      %dma_start3A_612 = arith.constant 1600 : i32
      %dma_start3A_613 = tpu.memref_slice %arg6[%dma_start3A_612] : memref<12000xi32, #tpu.memory_space<vmem>> -> memref<800xi32, #tpu.memory_space<vmem>>
      %dma_start3A_614 = arith.constant 0 : i32
      %dma_start3A_615 = arith.constant 0 : i32
      %dma_start3A_616 = tpu.memref_slice %arg4[%dma_start3A_614, %dma_start3A_615] : memref<10240x8xf32, #tpu.memory_space<hbm>> -> memref<10240x8xf32, #tpu.memory_space<hbm>>
      %dma_start3A_617 = tpu.memref_slice %arg11[%dma_start3A_607] : memref<4x!tpu.dma_semaphore, #tpu.memory_space<semaphore_mem>> -> memref<1x!tpu.dma_semaphore, #tpu.memory_space<semaphore_mem>>
      %dma_start3A_618 = tpu.memref_squeeze %dma_start3A_617 : memref<1x!tpu.dma_semaphore, #tpu.memory_space<semaphore_mem>> -> memref<!tpu.dma_semaphore, #tpu.memory_space<semaphore_mem>>
      tpu.enqueue_indirect_dma source(%dma_start3A_616 : memref<10240x8xf32, #tpu.memory_space<hbm>>) target(%dma_start3A_611 : memref<800x8xf32, #tpu.memory_space<vmem>>) offsets(%dma_start3A_613 : memref<800xi32, #tpu.memory_space<vmem>>) semaphore(%dma_start3A_618 : memref<!tpu.dma_semaphore, #tpu.memory_space<semaphore_mem>>)
      %dma_wait3A_619 = arith.constant 0 : i32
      %dma_wait3A_620 = arith.constant 0 : i32
      %dma_wait3A_621 = arith.constant 0 : i32
      %dma_wait3A_622 = arith.constant 0 : i32
      %dma_wait3A_623 = tpu.memref_slice %arg8[%dma_wait3A_619, %dma_wait3A_621, %dma_wait3A_622] : memref<4x800x8xf32, #tpu.memory_space<vmem>> -> memref<1x800x8xf32, #tpu.memory_space<vmem>>
      %dma_wait3A_624 = tpu.memref_squeeze %dma_wait3A_623 : memref<1x800x8xf32, #tpu.memory_space<vmem>> -> memref<800x8xf32, #tpu.memory_space<vmem>>
      %dma_wait3A_625 = arith.constant 0 : i32
      %dma_wait3A_626 = tpu.memref_slice %arg6[%dma_wait3A_625] : memref<12000xi32, #tpu.memory_space<vmem>> -> memref<800xi32, #tpu.memory_space<vmem>>
      %dma_wait3A_627 = arith.constant 0 : i32
      %dma_wait3A_628 = arith.constant 0 : i32
      %dma_wait3A_629 = tpu.memref_slice %arg4[%dma_wait3A_627, %dma_wait3A_628] : memref<10240x8xf32, #tpu.memory_space<hbm>> -> memref<10240x8xf32, #tpu.memory_space<hbm>>
      %dma_wait3A_630 = tpu.memref_slice %arg11[%dma_wait3A_620] : memref<4x!tpu.dma_semaphore, #tpu.memory_space<semaphore_mem>> -> memref<1x!tpu.dma_semaphore, #tpu.memory_space<semaphore_mem>>
      %dma_wait3A_631 = tpu.memref_squeeze %dma_wait3A_630 : memref<1x!tpu.dma_semaphore, #tpu.memory_space<semaphore_mem>> -> memref<!tpu.dma_semaphore, #tpu.memory_space<semaphore_mem>>
      tpu.wait_indirect_dma semaphore(%dma_wait3A_631 : memref<!tpu.dma_semaphore, #tpu.memory_space<semaphore_mem>>) src(%dma_wait3A_629 : memref<10240x8xf32, #tpu.memory_space<hbm>>) dst(%dma_wait3A_624 : memref<800x8xf32, #tpu.memory_space<vmem>>)
      %dma_start3A_632 = arith.constant 0 : i32
      %dma_start3A_633 = arith.constant 0 : i32
      %dma_start3A_634 = arith.constant 0 : i32
      %dma_start3A_635 = arith.constant 0 : i32
      %dma_start3A_636 = arith.constant 0 : i32
      %dma_start3A_637 = tpu.memref_slice %arg8[%dma_start3A_632, %dma_start3A_635, %dma_start3A_636] : memref<4x800x8xf32, #tpu.memory_space<vmem>> -> memref<1x800x8xf32, #tpu.memory_space<vmem>>
      %dma_start3A_638 = tpu.memref_squeeze %dma_start3A_637 : memref<1x800x8xf32, #tpu.memory_space<vmem>> -> memref<800x8xf32, #tpu.memory_space<vmem>>
      %dma_start3A_639 = arith.constant 0 : i32
      %dma_start3A_640 = tpu.memref_slice %arg7[%dma_start3A_633, %dma_start3A_639] : memref<15x800xi32, #tpu.memory_space<vmem>> -> memref<1x800xi32, #tpu.memory_space<vmem>>
      %dma_start3A_641 = tpu.memref_squeeze %dma_start3A_640 : memref<1x800xi32, #tpu.memory_space<vmem>> -> memref<800xi32, #tpu.memory_space<vmem>>
      %dma_start3A_642 = arith.constant 0 : i32
      %dma_start3A_643 = arith.constant 0 : i32
      %dma_start3A_644 = tpu.memref_slice %arg9[%dma_start3A_642, %dma_start3A_643] : memref<10240x8xf32, #tpu.memory_space<vmem_shared>> -> memref<10240x8xf32, #tpu.memory_space<vmem_shared>>
      %dma_start3A_645 = tpu.memref_slice %arg12[%dma_start3A_634] : memref<4x!tpu.dma_semaphore, #tpu.memory_space<semaphore_mem>> -> memref<1x!tpu.dma_semaphore, #tpu.memory_space<semaphore_mem>>
      %dma_start3A_646 = tpu.memref_squeeze %dma_start3A_645 : memref<1x!tpu.dma_semaphore, #tpu.memory_space<semaphore_mem>> -> memref<!tpu.dma_semaphore, #tpu.memory_space<semaphore_mem>>
      tpu.enqueue_indirect_dma source(%dma_start3A_638 : memref<800x8xf32, #tpu.memory_space<vmem>>) target(%dma_start3A_644 : memref<10240x8xf32, #tpu.memory_space<vmem_shared>>) offsets(%dma_start3A_641 : memref<800xi32, #tpu.memory_space<vmem>>) semaphore(%dma_start3A_646 : memref<!tpu.dma_semaphore, #tpu.memory_space<semaphore_mem>>) {add = true}
      %dma_start3A_647 = arith.constant 3 : i32
      %dma_start3A_648 = arith.constant 3 : i32
      %dma_start3A_649 = arith.constant 0 : i32
      %dma_start3A_650 = arith.constant 0 : i32
      %dma_start3A_651 = tpu.memref_slice %arg8[%dma_start3A_647, %dma_start3A_649, %dma_start3A_650] : memref<4x800x8xf32, #tpu.memory_space<vmem>> -> memref<1x800x8xf32, #tpu.memory_space<vmem>>
      %dma_start3A_652 = tpu.memref_squeeze %dma_start3A_651 : memref<1x800x8xf32, #tpu.memory_space<vmem>> -> memref<800x8xf32, #tpu.memory_space<vmem>>
      %dma_start3A_653 = arith.constant 2400 : i32
      %dma_start3A_654 = tpu.memref_slice %arg6[%dma_start3A_653] : memref<12000xi32, #tpu.memory_space<vmem>> -> memref<800xi32, #tpu.memory_space<vmem>>
      %dma_start3A_655 = arith.constant 0 : i32
      %dma_start3A_656 = arith.constant 0 : i32
      %dma_start3A_657 = tpu.memref_slice %arg4[%dma_start3A_655, %dma_start3A_656] : memref<10240x8xf32, #tpu.memory_space<hbm>> -> memref<10240x8xf32, #tpu.memory_space<hbm>>
      %dma_start3A_658 = tpu.memref_slice %arg11[%dma_start3A_648] : memref<4x!tpu.dma_semaphore, #tpu.memory_space<semaphore_mem>> -> memref<1x!tpu.dma_semaphore, #tpu.memory_space<semaphore_mem>>
      %dma_start3A_659 = tpu.memref_squeeze %dma_start3A_658 : memref<1x!tpu.dma_semaphore, #tpu.memory_space<semaphore_mem>> -> memref<!tpu.dma_semaphore, #tpu.memory_space<semaphore_mem>>
      tpu.enqueue_indirect_dma source(%dma_start3A_657 : memref<10240x8xf32, #tpu.memory_space<hbm>>) target(%dma_start3A_652 : memref<800x8xf32, #tpu.memory_space<vmem>>) offsets(%dma_start3A_654 : memref<800xi32, #tpu.memory_space<vmem>>) semaphore(%dma_start3A_659 : memref<!tpu.dma_semaphore, #tpu.memory_space<semaphore_mem>>)
      %dma_wait3A_660 = arith.constant 1 : i32
      %dma_wait3A_661 = arith.constant 1 : i32
      %dma_wait3A_662 = arith.constant 0 : i32
      %dma_wait3A_663 = arith.constant 0 : i32
      %dma_wait3A_664 = tpu.memref_slice %arg8[%dma_wait3A_660, %dma_wait3A_662, %dma_wait3A_663] : memref<4x800x8xf32, #tpu.memory_space<vmem>> -> memref<1x800x8xf32, #tpu.memory_space<vmem>>
      %dma_wait3A_665 = tpu.memref_squeeze %dma_wait3A_664 : memref<1x800x8xf32, #tpu.memory_space<vmem>> -> memref<800x8xf32, #tpu.memory_space<vmem>>
      %dma_wait3A_666 = arith.constant 800 : i32
      %dma_wait3A_667 = tpu.memref_slice %arg6[%dma_wait3A_666] : memref<12000xi32, #tpu.memory_space<vmem>> -> memref<800xi32, #tpu.memory_space<vmem>>
      %dma_wait3A_668 = arith.constant 0 : i32
      %dma_wait3A_669 = arith.constant 0 : i32
      %dma_wait3A_670 = tpu.memref_slice %arg4[%dma_wait3A_668, %dma_wait3A_669] : memref<10240x8xf32, #tpu.memory_space<hbm>> -> memref<10240x8xf32, #tpu.memory_space<hbm>>
      %dma_wait3A_671 = tpu.memref_slice %arg11[%dma_wait3A_661] : memref<4x!tpu.dma_semaphore, #tpu.memory_space<semaphore_mem>> -> memref<1x!tpu.dma_semaphore, #tpu.memory_space<semaphore_mem>>
      %dma_wait3A_672 = tpu.memref_squeeze %dma_wait3A_671 : memref<1x!tpu.dma_semaphore, #tpu.memory_space<semaphore_mem>> -> memref<!tpu.dma_semaphore, #tpu.memory_space<semaphore_mem>>
      tpu.wait_indirect_dma semaphore(%dma_wait3A_672 : memref<!tpu.dma_semaphore, #tpu.memory_space<semaphore_mem>>) src(%dma_wait3A_670 : memref<10240x8xf32, #tpu.memory_space<hbm>>) dst(%dma_wait3A_665 : memref<800x8xf32, #tpu.memory_space<vmem>>)
      %dma_start3A_673 = arith.constant 1 : i32
      %dma_start3A_674 = arith.constant 1 : i32
      %dma_start3A_675 = arith.constant 1 : i32
      %dma_start3A_676 = arith.constant 0 : i32
      %dma_start3A_677 = arith.constant 0 : i32
      %dma_start3A_678 = tpu.memref_slice %arg8[%dma_start3A_673, %dma_start3A_676, %dma_start3A_677] : memref<4x800x8xf32, #tpu.memory_space<vmem>> -> memref<1x800x8xf32, #tpu.memory_space<vmem>>
      %dma_start3A_679 = tpu.memref_squeeze %dma_start3A_678 : memref<1x800x8xf32, #tpu.memory_space<vmem>> -> memref<800x8xf32, #tpu.memory_space<vmem>>
      %dma_start3A_680 = arith.constant 0 : i32
      %dma_start3A_681 = tpu.memref_slice %arg7[%dma_start3A_674, %dma_start3A_680] : memref<15x800xi32, #tpu.memory_space<vmem>> -> memref<1x800xi32, #tpu.memory_space<vmem>>
      %dma_start3A_682 = tpu.memref_squeeze %dma_start3A_681 : memref<1x800xi32, #tpu.memory_space<vmem>> -> memref<800xi32, #tpu.memory_space<vmem>>
      %dma_start3A_683 = arith.constant 0 : i32
      %dma_start3A_684 = arith.constant 0 : i32
      %dma_start3A_685 = tpu.memref_slice %arg9[%dma_start3A_683, %dma_start3A_684] : memref<10240x8xf32, #tpu.memory_space<vmem_shared>> -> memref<10240x8xf32, #tpu.memory_space<vmem_shared>>
      %dma_start3A_686 = tpu.memref_slice %arg12[%dma_start3A_675] : memref<4x!tpu.dma_semaphore, #tpu.memory_space<semaphore_mem>> -> memref<1x!tpu.dma_semaphore, #tpu.memory_space<semaphore_mem>>
      %dma_start3A_687 = tpu.memref_squeeze %dma_start3A_686 : memref<1x!tpu.dma_semaphore, #tpu.memory_space<semaphore_mem>> -> memref<!tpu.dma_semaphore, #tpu.memory_space<semaphore_mem>>
      tpu.enqueue_indirect_dma source(%dma_start3A_679 : memref<800x8xf32, #tpu.memory_space<vmem>>) target(%dma_start3A_685 : memref<10240x8xf32, #tpu.memory_space<vmem_shared>>) offsets(%dma_start3A_682 : memref<800xi32, #tpu.memory_space<vmem>>) semaphore(%dma_start3A_687 : memref<!tpu.dma_semaphore, #tpu.memory_space<semaphore_mem>>) {add = true}
      %dma_wait3A_688 = arith.constant 0 : i32
      %dma_wait3A_689 = arith.constant 0 : i32
      %dma_wait3A_690 = arith.constant 0 : i32
      %dma_wait3A_691 = arith.constant 0 : i32
      %dma_wait3A_692 = arith.constant 0 : i32
      %dma_wait3A_693 = tpu.memref_slice %arg8[%dma_wait3A_688, %dma_wait3A_691, %dma_wait3A_692] : memref<4x800x8xf32, #tpu.memory_space<vmem>> -> memref<1x800x8xf32, #tpu.memory_space<vmem>>
      %dma_wait3A_694 = tpu.memref_squeeze %dma_wait3A_693 : memref<1x800x8xf32, #tpu.memory_space<vmem>> -> memref<800x8xf32, #tpu.memory_space<vmem>>
      %dma_wait3A_695 = arith.constant 0 : i32
      %dma_wait3A_696 = tpu.memref_slice %arg7[%dma_wait3A_689, %dma_wait3A_695] : memref<15x800xi32, #tpu.memory_space<vmem>> -> memref<1x800xi32, #tpu.memory_space<vmem>>
      %dma_wait3A_697 = tpu.memref_squeeze %dma_wait3A_696 : memref<1x800xi32, #tpu.memory_space<vmem>> -> memref<800xi32, #tpu.memory_space<vmem>>
      %dma_wait3A_698 = arith.constant 0 : i32
      %dma_wait3A_699 = arith.constant 0 : i32
      %dma_wait3A_700 = tpu.memref_slice %arg9[%dma_wait3A_698, %dma_wait3A_699] : memref<10240x8xf32, #tpu.memory_space<vmem_shared>> -> memref<10240x8xf32, #tpu.memory_space<vmem_shared>>
      %dma_wait3A_701 = tpu.memref_slice %arg12[%dma_wait3A_690] : memref<4x!tpu.dma_semaphore, #tpu.memory_space<semaphore_mem>> -> memref<1x!tpu.dma_semaphore, #tpu.memory_space<semaphore_mem>>
      %dma_wait3A_702 = tpu.memref_squeeze %dma_wait3A_701 : memref<1x!tpu.dma_semaphore, #tpu.memory_space<semaphore_mem>> -> memref<!tpu.dma_semaphore, #tpu.memory_space<semaphore_mem>>
      tpu.wait_indirect_dma semaphore(%dma_wait3A_702 : memref<!tpu.dma_semaphore, #tpu.memory_space<semaphore_mem>>) src(%dma_wait3A_694 : memref<800x8xf32, #tpu.memory_space<vmem>>) dst(%dma_wait3A_700 : memref<10240x8xf32, #tpu.memory_space<vmem_shared>>)
      %dma_start3A_703 = arith.constant 0 : i32
      %dma_start3A_704 = arith.constant 0 : i32
      %dma_start3A_705 = arith.constant 0 : i32
      %dma_start3A_706 = arith.constant 0 : i32
      %dma_start3A_707 = tpu.memref_slice %arg8[%dma_start3A_703, %dma_start3A_705, %dma_start3A_706] : memref<4x800x8xf32, #tpu.memory_space<vmem>> -> memref<1x800x8xf32, #tpu.memory_space<vmem>>
      %dma_start3A_708 = tpu.memref_squeeze %dma_start3A_707 : memref<1x800x8xf32, #tpu.memory_space<vmem>> -> memref<800x8xf32, #tpu.memory_space<vmem>>
      %dma_start3A_709 = arith.constant 3200 : i32
      %dma_start3A_710 = tpu.memref_slice %arg6[%dma_start3A_709] : memref<12000xi32, #tpu.memory_space<vmem>> -> memref<800xi32, #tpu.memory_space<vmem>>
      %dma_start3A_711 = arith.constant 0 : i32
      %dma_start3A_712 = arith.constant 0 : i32
      %dma_start3A_713 = tpu.memref_slice %arg4[%dma_start3A_711, %dma_start3A_712] : memref<10240x8xf32, #tpu.memory_space<hbm>> -> memref<10240x8xf32, #tpu.memory_space<hbm>>
      %dma_start3A_714 = tpu.memref_slice %arg11[%dma_start3A_704] : memref<4x!tpu.dma_semaphore, #tpu.memory_space<semaphore_mem>> -> memref<1x!tpu.dma_semaphore, #tpu.memory_space<semaphore_mem>>
      %dma_start3A_715 = tpu.memref_squeeze %dma_start3A_714 : memref<1x!tpu.dma_semaphore, #tpu.memory_space<semaphore_mem>> -> memref<!tpu.dma_semaphore, #tpu.memory_space<semaphore_mem>>
      tpu.enqueue_indirect_dma source(%dma_start3A_713 : memref<10240x8xf32, #tpu.memory_space<hbm>>) target(%dma_start3A_708 : memref<800x8xf32, #tpu.memory_space<vmem>>) offsets(%dma_start3A_710 : memref<800xi32, #tpu.memory_space<vmem>>) semaphore(%dma_start3A_715 : memref<!tpu.dma_semaphore, #tpu.memory_space<semaphore_mem>>)
      %dma_wait3A_716 = arith.constant 2 : i32
      %dma_wait3A_717 = arith.constant 2 : i32
      %dma_wait3A_718 = arith.constant 0 : i32
      %dma_wait3A_719 = arith.constant 0 : i32
      %dma_wait3A_720 = tpu.memref_slice %arg8[%dma_wait3A_716, %dma_wait3A_718, %dma_wait3A_719] : memref<4x800x8xf32, #tpu.memory_space<vmem>> -> memref<1x800x8xf32, #tpu.memory_space<vmem>>
      %dma_wait3A_721 = tpu.memref_squeeze %dma_wait3A_720 : memref<1x800x8xf32, #tpu.memory_space<vmem>> -> memref<800x8xf32, #tpu.memory_space<vmem>>
      %dma_wait3A_722 = arith.constant 1600 : i32
      %dma_wait3A_723 = tpu.memref_slice %arg6[%dma_wait3A_722] : memref<12000xi32, #tpu.memory_space<vmem>> -> memref<800xi32, #tpu.memory_space<vmem>>
      %dma_wait3A_724 = arith.constant 0 : i32
      %dma_wait3A_725 = arith.constant 0 : i32
      %dma_wait3A_726 = tpu.memref_slice %arg4[%dma_wait3A_724, %dma_wait3A_725] : memref<10240x8xf32, #tpu.memory_space<hbm>> -> memref<10240x8xf32, #tpu.memory_space<hbm>>
      %dma_wait3A_727 = tpu.memref_slice %arg11[%dma_wait3A_717] : memref<4x!tpu.dma_semaphore, #tpu.memory_space<semaphore_mem>> -> memref<1x!tpu.dma_semaphore, #tpu.memory_space<semaphore_mem>>
      %dma_wait3A_728 = tpu.memref_squeeze %dma_wait3A_727 : memref<1x!tpu.dma_semaphore, #tpu.memory_space<semaphore_mem>> -> memref<!tpu.dma_semaphore, #tpu.memory_space<semaphore_mem>>
      tpu.wait_indirect_dma semaphore(%dma_wait3A_728 : memref<!tpu.dma_semaphore, #tpu.memory_space<semaphore_mem>>) src(%dma_wait3A_726 : memref<10240x8xf32, #tpu.memory_space<hbm>>) dst(%dma_wait3A_721 : memref<800x8xf32, #tpu.memory_space<vmem>>)
      %dma_start3A_729 = arith.constant 2 : i32
      %dma_start3A_730 = arith.constant 2 : i32
      %dma_start3A_731 = arith.constant 2 : i32
      %dma_start3A_732 = arith.constant 0 : i32
      %dma_start3A_733 = arith.constant 0 : i32
      %dma_start3A_734 = tpu.memref_slice %arg8[%dma_start3A_729, %dma_start3A_732, %dma_start3A_733] : memref<4x800x8xf32, #tpu.memory_space<vmem>> -> memref<1x800x8xf32, #tpu.memory_space<vmem>>
      %dma_start3A_735 = tpu.memref_squeeze %dma_start3A_734 : memref<1x800x8xf32, #tpu.memory_space<vmem>> -> memref<800x8xf32, #tpu.memory_space<vmem>>
      %dma_start3A_736 = arith.constant 0 : i32
      %dma_start3A_737 = tpu.memref_slice %arg7[%dma_start3A_730, %dma_start3A_736] : memref<15x800xi32, #tpu.memory_space<vmem>> -> memref<1x800xi32, #tpu.memory_space<vmem>>
      %dma_start3A_738 = tpu.memref_squeeze %dma_start3A_737 : memref<1x800xi32, #tpu.memory_space<vmem>> -> memref<800xi32, #tpu.memory_space<vmem>>
      %dma_start3A_739 = arith.constant 0 : i32
      %dma_start3A_740 = arith.constant 0 : i32
      %dma_start3A_741 = tpu.memref_slice %arg9[%dma_start3A_739, %dma_start3A_740] : memref<10240x8xf32, #tpu.memory_space<vmem_shared>> -> memref<10240x8xf32, #tpu.memory_space<vmem_shared>>
      %dma_start3A_742 = tpu.memref_slice %arg12[%dma_start3A_731] : memref<4x!tpu.dma_semaphore, #tpu.memory_space<semaphore_mem>> -> memref<1x!tpu.dma_semaphore, #tpu.memory_space<semaphore_mem>>
      %dma_start3A_743 = tpu.memref_squeeze %dma_start3A_742 : memref<1x!tpu.dma_semaphore, #tpu.memory_space<semaphore_mem>> -> memref<!tpu.dma_semaphore, #tpu.memory_space<semaphore_mem>>
      tpu.enqueue_indirect_dma source(%dma_start3A_735 : memref<800x8xf32, #tpu.memory_space<vmem>>) target(%dma_start3A_741 : memref<10240x8xf32, #tpu.memory_space<vmem_shared>>) offsets(%dma_start3A_738 : memref<800xi32, #tpu.memory_space<vmem>>) semaphore(%dma_start3A_743 : memref<!tpu.dma_semaphore, #tpu.memory_space<semaphore_mem>>) {add = true}
      %dma_wait3A_744 = arith.constant 1 : i32
      %dma_wait3A_745 = arith.constant 1 : i32
      %dma_wait3A_746 = arith.constant 1 : i32
      %dma_wait3A_747 = arith.constant 0 : i32
      %dma_wait3A_748 = arith.constant 0 : i32
      %dma_wait3A_749 = tpu.memref_slice %arg8[%dma_wait3A_744, %dma_wait3A_747, %dma_wait3A_748] : memref<4x800x8xf32, #tpu.memory_space<vmem>> -> memref<1x800x8xf32, #tpu.memory_space<vmem>>
      %dma_wait3A_750 = tpu.memref_squeeze %dma_wait3A_749 : memref<1x800x8xf32, #tpu.memory_space<vmem>> -> memref<800x8xf32, #tpu.memory_space<vmem>>
      %dma_wait3A_751 = arith.constant 0 : i32
      %dma_wait3A_752 = tpu.memref_slice %arg7[%dma_wait3A_745, %dma_wait3A_751] : memref<15x800xi32, #tpu.memory_space<vmem>> -> memref<1x800xi32, #tpu.memory_space<vmem>>
      %dma_wait3A_753 = tpu.memref_squeeze %dma_wait3A_752 : memref<1x800xi32, #tpu.memory_space<vmem>> -> memref<800xi32, #tpu.memory_space<vmem>>
      %dma_wait3A_754 = arith.constant 0 : i32
      %dma_wait3A_755 = arith.constant 0 : i32
      %dma_wait3A_756 = tpu.memref_slice %arg9[%dma_wait3A_754, %dma_wait3A_755] : memref<10240x8xf32, #tpu.memory_space<vmem_shared>> -> memref<10240x8xf32, #tpu.memory_space<vmem_shared>>
      %dma_wait3A_757 = tpu.memref_slice %arg12[%dma_wait3A_746] : memref<4x!tpu.dma_semaphore, #tpu.memory_space<semaphore_mem>> -> memref<1x!tpu.dma_semaphore, #tpu.memory_space<semaphore_mem>>
      %dma_wait3A_758 = tpu.memref_squeeze %dma_wait3A_757 : memref<1x!tpu.dma_semaphore, #tpu.memory_space<semaphore_mem>> -> memref<!tpu.dma_semaphore, #tpu.memory_space<semaphore_mem>>
      tpu.wait_indirect_dma semaphore(%dma_wait3A_758 : memref<!tpu.dma_semaphore, #tpu.memory_space<semaphore_mem>>) src(%dma_wait3A_750 : memref<800x8xf32, #tpu.memory_space<vmem>>) dst(%dma_wait3A_756 : memref<10240x8xf32, #tpu.memory_space<vmem_shared>>)
      %dma_start3A_759 = arith.constant 1 : i32
      %dma_start3A_760 = arith.constant 1 : i32
      %dma_start3A_761 = arith.constant 0 : i32
      %dma_start3A_762 = arith.constant 0 : i32
      %dma_start3A_763 = tpu.memref_slice %arg8[%dma_start3A_759, %dma_start3A_761, %dma_start3A_762] : memref<4x800x8xf32, #tpu.memory_space<vmem>> -> memref<1x800x8xf32, #tpu.memory_space<vmem>>
      %dma_start3A_764 = tpu.memref_squeeze %dma_start3A_763 : memref<1x800x8xf32, #tpu.memory_space<vmem>> -> memref<800x8xf32, #tpu.memory_space<vmem>>
      %dma_start3A_765 = arith.constant 4000 : i32
      %dma_start3A_766 = tpu.memref_slice %arg6[%dma_start3A_765] : memref<12000xi32, #tpu.memory_space<vmem>> -> memref<800xi32, #tpu.memory_space<vmem>>
      %dma_start3A_767 = arith.constant 0 : i32
      %dma_start3A_768 = arith.constant 0 : i32
      %dma_start3A_769 = tpu.memref_slice %arg4[%dma_start3A_767, %dma_start3A_768] : memref<10240x8xf32, #tpu.memory_space<hbm>> -> memref<10240x8xf32, #tpu.memory_space<hbm>>
      %dma_start3A_770 = tpu.memref_slice %arg11[%dma_start3A_760] : memref<4x!tpu.dma_semaphore, #tpu.memory_space<semaphore_mem>> -> memref<1x!tpu.dma_semaphore, #tpu.memory_space<semaphore_mem>>
      %dma_start3A_771 = tpu.memref_squeeze %dma_start3A_770 : memref<1x!tpu.dma_semaphore, #tpu.memory_space<semaphore_mem>> -> memref<!tpu.dma_semaphore, #tpu.memory_space<semaphore_mem>>
      tpu.enqueue_indirect_dma source(%dma_start3A_769 : memref<10240x8xf32, #tpu.memory_space<hbm>>) target(%dma_start3A_764 : memref<800x8xf32, #tpu.memory_space<vmem>>) offsets(%dma_start3A_766 : memref<800xi32, #tpu.memory_space<vmem>>) semaphore(%dma_start3A_771 : memref<!tpu.dma_semaphore, #tpu.memory_space<semaphore_mem>>)
      %dma_wait3A_772 = arith.constant 3 : i32
      %dma_wait3A_773 = arith.constant 3 : i32
      %dma_wait3A_774 = arith.constant 0 : i32
      %dma_wait3A_775 = arith.constant 0 : i32
      %dma_wait3A_776 = tpu.memref_slice %arg8[%dma_wait3A_772, %dma_wait3A_774, %dma_wait3A_775] : memref<4x800x8xf32, #tpu.memory_space<vmem>> -> memref<1x800x8xf32, #tpu.memory_space<vmem>>
      %dma_wait3A_777 = tpu.memref_squeeze %dma_wait3A_776 : memref<1x800x8xf32, #tpu.memory_space<vmem>> -> memref<800x8xf32, #tpu.memory_space<vmem>>
      %dma_wait3A_778 = arith.constant 2400 : i32
      %dma_wait3A_779 = tpu.memref_slice %arg6[%dma_wait3A_778] : memref<12000xi32, #tpu.memory_space<vmem>> -> memref<800xi32, #tpu.memory_space<vmem>>
      %dma_wait3A_780 = arith.constant 0 : i32
      %dma_wait3A_781 = arith.constant 0 : i32
      %dma_wait3A_782 = tpu.memref_slice %arg4[%dma_wait3A_780, %dma_wait3A_781] : memref<10240x8xf32, #tpu.memory_space<hbm>> -> memref<10240x8xf32, #tpu.memory_space<hbm>>
      %dma_wait3A_783 = tpu.memref_slice %arg11[%dma_wait3A_773] : memref<4x!tpu.dma_semaphore, #tpu.memory_space<semaphore_mem>> -> memref<1x!tpu.dma_semaphore, #tpu.memory_space<semaphore_mem>>
      %dma_wait3A_784 = tpu.memref_squeeze %dma_wait3A_783 : memref<1x!tpu.dma_semaphore, #tpu.memory_space<semaphore_mem>> -> memref<!tpu.dma_semaphore, #tpu.memory_space<semaphore_mem>>
      tpu.wait_indirect_dma semaphore(%dma_wait3A_784 : memref<!tpu.dma_semaphore, #tpu.memory_space<semaphore_mem>>) src(%dma_wait3A_782 : memref<10240x8xf32, #tpu.memory_space<hbm>>) dst(%dma_wait3A_777 : memref<800x8xf32, #tpu.memory_space<vmem>>)
      %dma_start3A_785 = arith.constant 3 : i32
      %dma_start3A_786 = arith.constant 3 : i32
      %dma_start3A_787 = arith.constant 3 : i32
      %dma_start3A_788 = arith.constant 0 : i32
      %dma_start3A_789 = arith.constant 0 : i32
      %dma_start3A_790 = tpu.memref_slice %arg8[%dma_start3A_785, %dma_start3A_788, %dma_start3A_789] : memref<4x800x8xf32, #tpu.memory_space<vmem>> -> memref<1x800x8xf32, #tpu.memory_space<vmem>>
      %dma_start3A_791 = tpu.memref_squeeze %dma_start3A_790 : memref<1x800x8xf32, #tpu.memory_space<vmem>> -> memref<800x8xf32, #tpu.memory_space<vmem>>
      %dma_start3A_792 = arith.constant 0 : i32
      %dma_start3A_793 = tpu.memref_slice %arg7[%dma_start3A_786, %dma_start3A_792] : memref<15x800xi32, #tpu.memory_space<vmem>> -> memref<1x800xi32, #tpu.memory_space<vmem>>
      %dma_start3A_794 = tpu.memref_squeeze %dma_start3A_793 : memref<1x800xi32, #tpu.memory_space<vmem>> -> memref<800xi32, #tpu.memory_space<vmem>>
      %dma_start3A_795 = arith.constant 0 : i32
      %dma_start3A_796 = arith.constant 0 : i32
      %dma_start3A_797 = tpu.memref_slice %arg9[%dma_start3A_795, %dma_start3A_796] : memref<10240x8xf32, #tpu.memory_space<vmem_shared>> -> memref<10240x8xf32, #tpu.memory_space<vmem_shared>>
      %dma_start3A_798 = tpu.memref_slice %arg12[%dma_start3A_787] : memref<4x!tpu.dma_semaphore, #tpu.memory_space<semaphore_mem>> -> memref<1x!tpu.dma_semaphore, #tpu.memory_space<semaphore_mem>>
      %dma_start3A_799 = tpu.memref_squeeze %dma_start3A_798 : memref<1x!tpu.dma_semaphore, #tpu.memory_space<semaphore_mem>> -> memref<!tpu.dma_semaphore, #tpu.memory_space<semaphore_mem>>
      tpu.enqueue_indirect_dma source(%dma_start3A_791 : memref<800x8xf32, #tpu.memory_space<vmem>>) target(%dma_start3A_797 : memref<10240x8xf32, #tpu.memory_space<vmem_shared>>) offsets(%dma_start3A_794 : memref<800xi32, #tpu.memory_space<vmem>>) semaphore(%dma_start3A_799 : memref<!tpu.dma_semaphore, #tpu.memory_space<semaphore_mem>>) {add = true}
      %dma_wait3A_800 = arith.constant 2 : i32
      %dma_wait3A_801 = arith.constant 2 : i32
      %dma_wait3A_802 = arith.constant 2 : i32
      %dma_wait3A_803 = arith.constant 0 : i32
      %dma_wait3A_804 = arith.constant 0 : i32
      %dma_wait3A_805 = tpu.memref_slice %arg8[%dma_wait3A_800, %dma_wait3A_803, %dma_wait3A_804] : memref<4x800x8xf32, #tpu.memory_space<vmem>> -> memref<1x800x8xf32, #tpu.memory_space<vmem>>
      %dma_wait3A_806 = tpu.memref_squeeze %dma_wait3A_805 : memref<1x800x8xf32, #tpu.memory_space<vmem>> -> memref<800x8xf32, #tpu.memory_space<vmem>>
      %dma_wait3A_807 = arith.constant 0 : i32
      %dma_wait3A_808 = tpu.memref_slice %arg7[%dma_wait3A_801, %dma_wait3A_807] : memref<15x800xi32, #tpu.memory_space<vmem>> -> memref<1x800xi32, #tpu.memory_space<vmem>>
      %dma_wait3A_809 = tpu.memref_squeeze %dma_wait3A_808 : memref<1x800xi32, #tpu.memory_space<vmem>> -> memref<800xi32, #tpu.memory_space<vmem>>
      %dma_wait3A_810 = arith.constant 0 : i32
      %dma_wait3A_811 = arith.constant 0 : i32
      %dma_wait3A_812 = tpu.memref_slice %arg9[%dma_wait3A_810, %dma_wait3A_811] : memref<10240x8xf32, #tpu.memory_space<vmem_shared>> -> memref<10240x8xf32, #tpu.memory_space<vmem_shared>>
      %dma_wait3A_813 = tpu.memref_slice %arg12[%dma_wait3A_802] : memref<4x!tpu.dma_semaphore, #tpu.memory_space<semaphore_mem>> -> memref<1x!tpu.dma_semaphore, #tpu.memory_space<semaphore_mem>>
      %dma_wait3A_814 = tpu.memref_squeeze %dma_wait3A_813 : memref<1x!tpu.dma_semaphore, #tpu.memory_space<semaphore_mem>> -> memref<!tpu.dma_semaphore, #tpu.memory_space<semaphore_mem>>
      tpu.wait_indirect_dma semaphore(%dma_wait3A_814 : memref<!tpu.dma_semaphore, #tpu.memory_space<semaphore_mem>>) src(%dma_wait3A_806 : memref<800x8xf32, #tpu.memory_space<vmem>>) dst(%dma_wait3A_812 : memref<10240x8xf32, #tpu.memory_space<vmem_shared>>)
      %dma_start3A_815 = arith.constant 2 : i32
      %dma_start3A_816 = arith.constant 2 : i32
      %dma_start3A_817 = arith.constant 0 : i32
      %dma_start3A_818 = arith.constant 0 : i32
      %dma_start3A_819 = tpu.memref_slice %arg8[%dma_start3A_815, %dma_start3A_817, %dma_start3A_818] : memref<4x800x8xf32, #tpu.memory_space<vmem>> -> memref<1x800x8xf32, #tpu.memory_space<vmem>>
      %dma_start3A_820 = tpu.memref_squeeze %dma_start3A_819 : memref<1x800x8xf32, #tpu.memory_space<vmem>> -> memref<800x8xf32, #tpu.memory_space<vmem>>
      %dma_start3A_821 = arith.constant 4800 : i32
      %dma_start3A_822 = tpu.memref_slice %arg6[%dma_start3A_821] : memref<12000xi32, #tpu.memory_space<vmem>> -> memref<800xi32, #tpu.memory_space<vmem>>
      %dma_start3A_823 = arith.constant 0 : i32
      %dma_start3A_824 = arith.constant 0 : i32
      %dma_start3A_825 = tpu.memref_slice %arg4[%dma_start3A_823, %dma_start3A_824] : memref<10240x8xf32, #tpu.memory_space<hbm>> -> memref<10240x8xf32, #tpu.memory_space<hbm>>
      %dma_start3A_826 = tpu.memref_slice %arg11[%dma_start3A_816] : memref<4x!tpu.dma_semaphore, #tpu.memory_space<semaphore_mem>> -> memref<1x!tpu.dma_semaphore, #tpu.memory_space<semaphore_mem>>
      %dma_start3A_827 = tpu.memref_squeeze %dma_start3A_826 : memref<1x!tpu.dma_semaphore, #tpu.memory_space<semaphore_mem>> -> memref<!tpu.dma_semaphore, #tpu.memory_space<semaphore_mem>>
      tpu.enqueue_indirect_dma source(%dma_start3A_825 : memref<10240x8xf32, #tpu.memory_space<hbm>>) target(%dma_start3A_820 : memref<800x8xf32, #tpu.memory_space<vmem>>) offsets(%dma_start3A_822 : memref<800xi32, #tpu.memory_space<vmem>>) semaphore(%dma_start3A_827 : memref<!tpu.dma_semaphore, #tpu.memory_space<semaphore_mem>>)
      %dma_wait3A_828 = arith.constant 0 : i32
      %dma_wait3A_829 = arith.constant 0 : i32
      %dma_wait3A_830 = arith.constant 0 : i32
      %dma_wait3A_831 = arith.constant 0 : i32
      %dma_wait3A_832 = tpu.memref_slice %arg8[%dma_wait3A_828, %dma_wait3A_830, %dma_wait3A_831] : memref<4x800x8xf32, #tpu.memory_space<vmem>> -> memref<1x800x8xf32, #tpu.memory_space<vmem>>
      %dma_wait3A_833 = tpu.memref_squeeze %dma_wait3A_832 : memref<1x800x8xf32, #tpu.memory_space<vmem>> -> memref<800x8xf32, #tpu.memory_space<vmem>>
      %dma_wait3A_834 = arith.constant 3200 : i32
      %dma_wait3A_835 = tpu.memref_slice %arg6[%dma_wait3A_834] : memref<12000xi32, #tpu.memory_space<vmem>> -> memref<800xi32, #tpu.memory_space<vmem>>
      %dma_wait3A_836 = arith.constant 0 : i32
      %dma_wait3A_837 = arith.constant 0 : i32
      %dma_wait3A_838 = tpu.memref_slice %arg4[%dma_wait3A_836, %dma_wait3A_837] : memref<10240x8xf32, #tpu.memory_space<hbm>> -> memref<10240x8xf32, #tpu.memory_space<hbm>>
      %dma_wait3A_839 = tpu.memref_slice %arg11[%dma_wait3A_829] : memref<4x!tpu.dma_semaphore, #tpu.memory_space<semaphore_mem>> -> memref<1x!tpu.dma_semaphore, #tpu.memory_space<semaphore_mem>>
      %dma_wait3A_840 = tpu.memref_squeeze %dma_wait3A_839 : memref<1x!tpu.dma_semaphore, #tpu.memory_space<semaphore_mem>> -> memref<!tpu.dma_semaphore, #tpu.memory_space<semaphore_mem>>
      tpu.wait_indirect_dma semaphore(%dma_wait3A_840 : memref<!tpu.dma_semaphore, #tpu.memory_space<semaphore_mem>>) src(%dma_wait3A_838 : memref<10240x8xf32, #tpu.memory_space<hbm>>) dst(%dma_wait3A_833 : memref<800x8xf32, #tpu.memory_space<vmem>>)
      %dma_start3A_841 = arith.constant 0 : i32
      %dma_start3A_842 = arith.constant 4 : i32
      %dma_start3A_843 = arith.constant 0 : i32
      %dma_start3A_844 = arith.constant 0 : i32
      %dma_start3A_845 = arith.constant 0 : i32
      %dma_start3A_846 = tpu.memref_slice %arg8[%dma_start3A_841, %dma_start3A_844, %dma_start3A_845] : memref<4x800x8xf32, #tpu.memory_space<vmem>> -> memref<1x800x8xf32, #tpu.memory_space<vmem>>
      %dma_start3A_847 = tpu.memref_squeeze %dma_start3A_846 : memref<1x800x8xf32, #tpu.memory_space<vmem>> -> memref<800x8xf32, #tpu.memory_space<vmem>>
      %dma_start3A_848 = arith.constant 0 : i32
      %dma_start3A_849 = tpu.memref_slice %arg7[%dma_start3A_842, %dma_start3A_848] : memref<15x800xi32, #tpu.memory_space<vmem>> -> memref<1x800xi32, #tpu.memory_space<vmem>>
      %dma_start3A_850 = tpu.memref_squeeze %dma_start3A_849 : memref<1x800xi32, #tpu.memory_space<vmem>> -> memref<800xi32, #tpu.memory_space<vmem>>
      %dma_start3A_851 = arith.constant 0 : i32
      %dma_start3A_852 = arith.constant 0 : i32
      %dma_start3A_853 = tpu.memref_slice %arg9[%dma_start3A_851, %dma_start3A_852] : memref<10240x8xf32, #tpu.memory_space<vmem_shared>> -> memref<10240x8xf32, #tpu.memory_space<vmem_shared>>
      %dma_start3A_854 = tpu.memref_slice %arg12[%dma_start3A_843] : memref<4x!tpu.dma_semaphore, #tpu.memory_space<semaphore_mem>> -> memref<1x!tpu.dma_semaphore, #tpu.memory_space<semaphore_mem>>
      %dma_start3A_855 = tpu.memref_squeeze %dma_start3A_854 : memref<1x!tpu.dma_semaphore, #tpu.memory_space<semaphore_mem>> -> memref<!tpu.dma_semaphore, #tpu.memory_space<semaphore_mem>>
      tpu.enqueue_indirect_dma source(%dma_start3A_847 : memref<800x8xf32, #tpu.memory_space<vmem>>) target(%dma_start3A_853 : memref<10240x8xf32, #tpu.memory_space<vmem_shared>>) offsets(%dma_start3A_850 : memref<800xi32, #tpu.memory_space<vmem>>) semaphore(%dma_start3A_855 : memref<!tpu.dma_semaphore, #tpu.memory_space<semaphore_mem>>) {add = true}
      %dma_wait3A_856 = arith.constant 3 : i32
      %dma_wait3A_857 = arith.constant 3 : i32
      %dma_wait3A_858 = arith.constant 3 : i32
      %dma_wait3A_859 = arith.constant 0 : i32
      %dma_wait3A_860 = arith.constant 0 : i32
      %dma_wait3A_861 = tpu.memref_slice %arg8[%dma_wait3A_856, %dma_wait3A_859, %dma_wait3A_860] : memref<4x800x8xf32, #tpu.memory_space<vmem>> -> memref<1x800x8xf32, #tpu.memory_space<vmem>>
      %dma_wait3A_862 = tpu.memref_squeeze %dma_wait3A_861 : memref<1x800x8xf32, #tpu.memory_space<vmem>> -> memref<800x8xf32, #tpu.memory_space<vmem>>
      %dma_wait3A_863 = arith.constant 0 : i32
      %dma_wait3A_864 = tpu.memref_slice %arg7[%dma_wait3A_857, %dma_wait3A_863] : memref<15x800xi32, #tpu.memory_space<vmem>> -> memref<1x800xi32, #tpu.memory_space<vmem>>
      %dma_wait3A_865 = tpu.memref_squeeze %dma_wait3A_864 : memref<1x800xi32, #tpu.memory_space<vmem>> -> memref<800xi32, #tpu.memory_space<vmem>>
      %dma_wait3A_866 = arith.constant 0 : i32
      %dma_wait3A_867 = arith.constant 0 : i32
      %dma_wait3A_868 = tpu.memref_slice %arg9[%dma_wait3A_866, %dma_wait3A_867] : memref<10240x8xf32, #tpu.memory_space<vmem_shared>> -> memref<10240x8xf32, #tpu.memory_space<vmem_shared>>
      %dma_wait3A_869 = tpu.memref_slice %arg12[%dma_wait3A_858] : memref<4x!tpu.dma_semaphore, #tpu.memory_space<semaphore_mem>> -> memref<1x!tpu.dma_semaphore, #tpu.memory_space<semaphore_mem>>
      %dma_wait3A_870 = tpu.memref_squeeze %dma_wait3A_869 : memref<1x!tpu.dma_semaphore, #tpu.memory_space<semaphore_mem>> -> memref<!tpu.dma_semaphore, #tpu.memory_space<semaphore_mem>>
      tpu.wait_indirect_dma semaphore(%dma_wait3A_870 : memref<!tpu.dma_semaphore, #tpu.memory_space<semaphore_mem>>) src(%dma_wait3A_862 : memref<800x8xf32, #tpu.memory_space<vmem>>) dst(%dma_wait3A_868 : memref<10240x8xf32, #tpu.memory_space<vmem_shared>>)
      %dma_start3A_871 = arith.constant 3 : i32
      %dma_start3A_872 = arith.constant 3 : i32
      %dma_start3A_873 = arith.constant 0 : i32
      %dma_start3A_874 = arith.constant 0 : i32
      %dma_start3A_875 = tpu.memref_slice %arg8[%dma_start3A_871, %dma_start3A_873, %dma_start3A_874] : memref<4x800x8xf32, #tpu.memory_space<vmem>> -> memref<1x800x8xf32, #tpu.memory_space<vmem>>
      %dma_start3A_876 = tpu.memref_squeeze %dma_start3A_875 : memref<1x800x8xf32, #tpu.memory_space<vmem>> -> memref<800x8xf32, #tpu.memory_space<vmem>>
      %dma_start3A_877 = arith.constant 5600 : i32
      %dma_start3A_878 = tpu.memref_slice %arg6[%dma_start3A_877] : memref<12000xi32, #tpu.memory_space<vmem>> -> memref<800xi32, #tpu.memory_space<vmem>>
      %dma_start3A_879 = arith.constant 0 : i32
      %dma_start3A_880 = arith.constant 0 : i32
      %dma_start3A_881 = tpu.memref_slice %arg4[%dma_start3A_879, %dma_start3A_880] : memref<10240x8xf32, #tpu.memory_space<hbm>> -> memref<10240x8xf32, #tpu.memory_space<hbm>>
      %dma_start3A_882 = tpu.memref_slice %arg11[%dma_start3A_872] : memref<4x!tpu.dma_semaphore, #tpu.memory_space<semaphore_mem>> -> memref<1x!tpu.dma_semaphore, #tpu.memory_space<semaphore_mem>>
      %dma_start3A_883 = tpu.memref_squeeze %dma_start3A_882 : memref<1x!tpu.dma_semaphore, #tpu.memory_space<semaphore_mem>> -> memref<!tpu.dma_semaphore, #tpu.memory_space<semaphore_mem>>
      tpu.enqueue_indirect_dma source(%dma_start3A_881 : memref<10240x8xf32, #tpu.memory_space<hbm>>) target(%dma_start3A_876 : memref<800x8xf32, #tpu.memory_space<vmem>>) offsets(%dma_start3A_878 : memref<800xi32, #tpu.memory_space<vmem>>) semaphore(%dma_start3A_883 : memref<!tpu.dma_semaphore, #tpu.memory_space<semaphore_mem>>)
      %dma_wait3A_884 = arith.constant 1 : i32
      %dma_wait3A_885 = arith.constant 1 : i32
      %dma_wait3A_886 = arith.constant 0 : i32
      %dma_wait3A_887 = arith.constant 0 : i32
      %dma_wait3A_888 = tpu.memref_slice %arg8[%dma_wait3A_884, %dma_wait3A_886, %dma_wait3A_887] : memref<4x800x8xf32, #tpu.memory_space<vmem>> -> memref<1x800x8xf32, #tpu.memory_space<vmem>>
      %dma_wait3A_889 = tpu.memref_squeeze %dma_wait3A_888 : memref<1x800x8xf32, #tpu.memory_space<vmem>> -> memref<800x8xf32, #tpu.memory_space<vmem>>
      %dma_wait3A_890 = arith.constant 4000 : i32
      %dma_wait3A_891 = tpu.memref_slice %arg6[%dma_wait3A_890] : memref<12000xi32, #tpu.memory_space<vmem>> -> memref<800xi32, #tpu.memory_space<vmem>>
      %dma_wait3A_892 = arith.constant 0 : i32
      %dma_wait3A_893 = arith.constant 0 : i32
      %dma_wait3A_894 = tpu.memref_slice %arg4[%dma_wait3A_892, %dma_wait3A_893] : memref<10240x8xf32, #tpu.memory_space<hbm>> -> memref<10240x8xf32, #tpu.memory_space<hbm>>
      %dma_wait3A_895 = tpu.memref_slice %arg11[%dma_wait3A_885] : memref<4x!tpu.dma_semaphore, #tpu.memory_space<semaphore_mem>> -> memref<1x!tpu.dma_semaphore, #tpu.memory_space<semaphore_mem>>
      %dma_wait3A_896 = tpu.memref_squeeze %dma_wait3A_895 : memref<1x!tpu.dma_semaphore, #tpu.memory_space<semaphore_mem>> -> memref<!tpu.dma_semaphore, #tpu.memory_space<semaphore_mem>>
      tpu.wait_indirect_dma semaphore(%dma_wait3A_896 : memref<!tpu.dma_semaphore, #tpu.memory_space<semaphore_mem>>) src(%dma_wait3A_894 : memref<10240x8xf32, #tpu.memory_space<hbm>>) dst(%dma_wait3A_889 : memref<800x8xf32, #tpu.memory_space<vmem>>)
      %dma_start3A_897 = arith.constant 1 : i32
      %dma_start3A_898 = arith.constant 5 : i32
      %dma_start3A_899 = arith.constant 1 : i32
      %dma_start3A_900 = arith.constant 0 : i32
      %dma_start3A_901 = arith.constant 0 : i32
      %dma_start3A_902 = tpu.memref_slice %arg8[%dma_start3A_897, %dma_start3A_900, %dma_start3A_901] : memref<4x800x8xf32, #tpu.memory_space<vmem>> -> memref<1x800x8xf32, #tpu.memory_space<vmem>>
      %dma_start3A_903 = tpu.memref_squeeze %dma_start3A_902 : memref<1x800x8xf32, #tpu.memory_space<vmem>> -> memref<800x8xf32, #tpu.memory_space<vmem>>
      %dma_start3A_904 = arith.constant 0 : i32
      %dma_start3A_905 = tpu.memref_slice %arg7[%dma_start3A_898, %dma_start3A_904] : memref<15x800xi32, #tpu.memory_space<vmem>> -> memref<1x800xi32, #tpu.memory_space<vmem>>
      %dma_start3A_906 = tpu.memref_squeeze %dma_start3A_905 : memref<1x800xi32, #tpu.memory_space<vmem>> -> memref<800xi32, #tpu.memory_space<vmem>>
      %dma_start3A_907 = arith.constant 0 : i32
      %dma_start3A_908 = arith.constant 0 : i32
      %dma_start3A_909 = tpu.memref_slice %arg9[%dma_start3A_907, %dma_start3A_908] : memref<10240x8xf32, #tpu.memory_space<vmem_shared>> -> memref<10240x8xf32, #tpu.memory_space<vmem_shared>>
      %dma_start3A_910 = tpu.memref_slice %arg12[%dma_start3A_899] : memref<4x!tpu.dma_semaphore, #tpu.memory_space<semaphore_mem>> -> memref<1x!tpu.dma_semaphore, #tpu.memory_space<semaphore_mem>>
      %dma_start3A_911 = tpu.memref_squeeze %dma_start3A_910 : memref<1x!tpu.dma_semaphore, #tpu.memory_space<semaphore_mem>> -> memref<!tpu.dma_semaphore, #tpu.memory_space<semaphore_mem>>
      tpu.enqueue_indirect_dma source(%dma_start3A_903 : memref<800x8xf32, #tpu.memory_space<vmem>>) target(%dma_start3A_909 : memref<10240x8xf32, #tpu.memory_space<vmem_shared>>) offsets(%dma_start3A_906 : memref<800xi32, #tpu.memory_space<vmem>>) semaphore(%dma_start3A_911 : memref<!tpu.dma_semaphore, #tpu.memory_space<semaphore_mem>>) {add = true}
      %dma_wait3A_912 = arith.constant 0 : i32
      %dma_wait3A_913 = arith.constant 4 : i32
      %dma_wait3A_914 = arith.constant 0 : i32
      %dma_wait3A_915 = arith.constant 0 : i32
      %dma_wait3A_916 = arith.constant 0 : i32
      %dma_wait3A_917 = tpu.memref_slice %arg8[%dma_wait3A_912, %dma_wait3A_915, %dma_wait3A_916] : memref<4x800x8xf32, #tpu.memory_space<vmem>> -> memref<1x800x8xf32, #tpu.memory_space<vmem>>
      %dma_wait3A_918 = tpu.memref_squeeze %dma_wait3A_917 : memref<1x800x8xf32, #tpu.memory_space<vmem>> -> memref<800x8xf32, #tpu.memory_space<vmem>>
      %dma_wait3A_919 = arith.constant 0 : i32
      %dma_wait3A_920 = tpu.memref_slice %arg7[%dma_wait3A_913, %dma_wait3A_919] : memref<15x800xi32, #tpu.memory_space<vmem>> -> memref<1x800xi32, #tpu.memory_space<vmem>>
      %dma_wait3A_921 = tpu.memref_squeeze %dma_wait3A_920 : memref<1x800xi32, #tpu.memory_space<vmem>> -> memref<800xi32, #tpu.memory_space<vmem>>
      %dma_wait3A_922 = arith.constant 0 : i32
      %dma_wait3A_923 = arith.constant 0 : i32
      %dma_wait3A_924 = tpu.memref_slice %arg9[%dma_wait3A_922, %dma_wait3A_923] : memref<10240x8xf32, #tpu.memory_space<vmem_shared>> -> memref<10240x8xf32, #tpu.memory_space<vmem_shared>>
      %dma_wait3A_925 = tpu.memref_slice %arg12[%dma_wait3A_914] : memref<4x!tpu.dma_semaphore, #tpu.memory_space<semaphore_mem>> -> memref<1x!tpu.dma_semaphore, #tpu.memory_space<semaphore_mem>>
      %dma_wait3A_926 = tpu.memref_squeeze %dma_wait3A_925 : memref<1x!tpu.dma_semaphore, #tpu.memory_space<semaphore_mem>> -> memref<!tpu.dma_semaphore, #tpu.memory_space<semaphore_mem>>
      tpu.wait_indirect_dma semaphore(%dma_wait3A_926 : memref<!tpu.dma_semaphore, #tpu.memory_space<semaphore_mem>>) src(%dma_wait3A_918 : memref<800x8xf32, #tpu.memory_space<vmem>>) dst(%dma_wait3A_924 : memref<10240x8xf32, #tpu.memory_space<vmem_shared>>)
      %dma_start3A_927 = arith.constant 0 : i32
      %dma_start3A_928 = arith.constant 0 : i32
      %dma_start3A_929 = arith.constant 0 : i32
      %dma_start3A_930 = arith.constant 0 : i32
      %dma_start3A_931 = tpu.memref_slice %arg8[%dma_start3A_927, %dma_start3A_929, %dma_start3A_930] : memref<4x800x8xf32, #tpu.memory_space<vmem>> -> memref<1x800x8xf32, #tpu.memory_space<vmem>>
      %dma_start3A_932 = tpu.memref_squeeze %dma_start3A_931 : memref<1x800x8xf32, #tpu.memory_space<vmem>> -> memref<800x8xf32, #tpu.memory_space<vmem>>
      %dma_start3A_933 = arith.constant 6400 : i32
      %dma_start3A_934 = tpu.memref_slice %arg6[%dma_start3A_933] : memref<12000xi32, #tpu.memory_space<vmem>> -> memref<800xi32, #tpu.memory_space<vmem>>
      %dma_start3A_935 = arith.constant 0 : i32
      %dma_start3A_936 = arith.constant 0 : i32
      %dma_start3A_937 = tpu.memref_slice %arg4[%dma_start3A_935, %dma_start3A_936] : memref<10240x8xf32, #tpu.memory_space<hbm>> -> memref<10240x8xf32, #tpu.memory_space<hbm>>
      %dma_start3A_938 = tpu.memref_slice %arg11[%dma_start3A_928] : memref<4x!tpu.dma_semaphore, #tpu.memory_space<semaphore_mem>> -> memref<1x!tpu.dma_semaphore, #tpu.memory_space<semaphore_mem>>
      %dma_start3A_939 = tpu.memref_squeeze %dma_start3A_938 : memref<1x!tpu.dma_semaphore, #tpu.memory_space<semaphore_mem>> -> memref<!tpu.dma_semaphore, #tpu.memory_space<semaphore_mem>>
      tpu.enqueue_indirect_dma source(%dma_start3A_937 : memref<10240x8xf32, #tpu.memory_space<hbm>>) target(%dma_start3A_932 : memref<800x8xf32, #tpu.memory_space<vmem>>) offsets(%dma_start3A_934 : memref<800xi32, #tpu.memory_space<vmem>>) semaphore(%dma_start3A_939 : memref<!tpu.dma_semaphore, #tpu.memory_space<semaphore_mem>>)
      %dma_wait3A_940 = arith.constant 2 : i32
      %dma_wait3A_941 = arith.constant 2 : i32
      %dma_wait3A_942 = arith.constant 0 : i32
      %dma_wait3A_943 = arith.constant 0 : i32
      %dma_wait3A_944 = tpu.memref_slice %arg8[%dma_wait3A_940, %dma_wait3A_942, %dma_wait3A_943] : memref<4x800x8xf32, #tpu.memory_space<vmem>> -> memref<1x800x8xf32, #tpu.memory_space<vmem>>
      %dma_wait3A_945 = tpu.memref_squeeze %dma_wait3A_944 : memref<1x800x8xf32, #tpu.memory_space<vmem>> -> memref<800x8xf32, #tpu.memory_space<vmem>>
      %dma_wait3A_946 = arith.constant 4800 : i32
      %dma_wait3A_947 = tpu.memref_slice %arg6[%dma_wait3A_946] : memref<12000xi32, #tpu.memory_space<vmem>> -> memref<800xi32, #tpu.memory_space<vmem>>
      %dma_wait3A_948 = arith.constant 0 : i32
      %dma_wait3A_949 = arith.constant 0 : i32
      %dma_wait3A_950 = tpu.memref_slice %arg4[%dma_wait3A_948, %dma_wait3A_949] : memref<10240x8xf32, #tpu.memory_space<hbm>> -> memref<10240x8xf32, #tpu.memory_space<hbm>>
      %dma_wait3A_951 = tpu.memref_slice %arg11[%dma_wait3A_941] : memref<4x!tpu.dma_semaphore, #tpu.memory_space<semaphore_mem>> -> memref<1x!tpu.dma_semaphore, #tpu.memory_space<semaphore_mem>>
      %dma_wait3A_952 = tpu.memref_squeeze %dma_wait3A_951 : memref<1x!tpu.dma_semaphore, #tpu.memory_space<semaphore_mem>> -> memref<!tpu.dma_semaphore, #tpu.memory_space<semaphore_mem>>
      tpu.wait_indirect_dma semaphore(%dma_wait3A_952 : memref<!tpu.dma_semaphore, #tpu.memory_space<semaphore_mem>>) src(%dma_wait3A_950 : memref<10240x8xf32, #tpu.memory_space<hbm>>) dst(%dma_wait3A_945 : memref<800x8xf32, #tpu.memory_space<vmem>>)
      %dma_start3A_953 = arith.constant 2 : i32
      %dma_start3A_954 = arith.constant 6 : i32
      %dma_start3A_955 = arith.constant 2 : i32
      %dma_start3A_956 = arith.constant 0 : i32
      %dma_start3A_957 = arith.constant 0 : i32
      %dma_start3A_958 = tpu.memref_slice %arg8[%dma_start3A_953, %dma_start3A_956, %dma_start3A_957] : memref<4x800x8xf32, #tpu.memory_space<vmem>> -> memref<1x800x8xf32, #tpu.memory_space<vmem>>
      %dma_start3A_959 = tpu.memref_squeeze %dma_start3A_958 : memref<1x800x8xf32, #tpu.memory_space<vmem>> -> memref<800x8xf32, #tpu.memory_space<vmem>>
      %dma_start3A_960 = arith.constant 0 : i32
      %dma_start3A_961 = tpu.memref_slice %arg7[%dma_start3A_954, %dma_start3A_960] : memref<15x800xi32, #tpu.memory_space<vmem>> -> memref<1x800xi32, #tpu.memory_space<vmem>>
      %dma_start3A_962 = tpu.memref_squeeze %dma_start3A_961 : memref<1x800xi32, #tpu.memory_space<vmem>> -> memref<800xi32, #tpu.memory_space<vmem>>
      %dma_start3A_963 = arith.constant 0 : i32
      %dma_start3A_964 = arith.constant 0 : i32
      %dma_start3A_965 = tpu.memref_slice %arg9[%dma_start3A_963, %dma_start3A_964] : memref<10240x8xf32, #tpu.memory_space<vmem_shared>> -> memref<10240x8xf32, #tpu.memory_space<vmem_shared>>
      %dma_start3A_966 = tpu.memref_slice %arg12[%dma_start3A_955] : memref<4x!tpu.dma_semaphore, #tpu.memory_space<semaphore_mem>> -> memref<1x!tpu.dma_semaphore, #tpu.memory_space<semaphore_mem>>
      %dma_start3A_967 = tpu.memref_squeeze %dma_start3A_966 : memref<1x!tpu.dma_semaphore, #tpu.memory_space<semaphore_mem>> -> memref<!tpu.dma_semaphore, #tpu.memory_space<semaphore_mem>>
      tpu.enqueue_indirect_dma source(%dma_start3A_959 : memref<800x8xf32, #tpu.memory_space<vmem>>) target(%dma_start3A_965 : memref<10240x8xf32, #tpu.memory_space<vmem_shared>>) offsets(%dma_start3A_962 : memref<800xi32, #tpu.memory_space<vmem>>) semaphore(%dma_start3A_967 : memref<!tpu.dma_semaphore, #tpu.memory_space<semaphore_mem>>) {add = true}
      %dma_wait3A_968 = arith.constant 1 : i32
      %dma_wait3A_969 = arith.constant 5 : i32
      %dma_wait3A_970 = arith.constant 1 : i32
      %dma_wait3A_971 = arith.constant 0 : i32
      %dma_wait3A_972 = arith.constant 0 : i32
      %dma_wait3A_973 = tpu.memref_slice %arg8[%dma_wait3A_968, %dma_wait3A_971, %dma_wait3A_972] : memref<4x800x8xf32, #tpu.memory_space<vmem>> -> memref<1x800x8xf32, #tpu.memory_space<vmem>>
      %dma_wait3A_974 = tpu.memref_squeeze %dma_wait3A_973 : memref<1x800x8xf32, #tpu.memory_space<vmem>> -> memref<800x8xf32, #tpu.memory_space<vmem>>
      %dma_wait3A_975 = arith.constant 0 : i32
      %dma_wait3A_976 = tpu.memref_slice %arg7[%dma_wait3A_969, %dma_wait3A_975] : memref<15x800xi32, #tpu.memory_space<vmem>> -> memref<1x800xi32, #tpu.memory_space<vmem>>
      %dma_wait3A_977 = tpu.memref_squeeze %dma_wait3A_976 : memref<1x800xi32, #tpu.memory_space<vmem>> -> memref<800xi32, #tpu.memory_space<vmem>>
      %dma_wait3A_978 = arith.constant 0 : i32
      %dma_wait3A_979 = arith.constant 0 : i32
      %dma_wait3A_980 = tpu.memref_slice %arg9[%dma_wait3A_978, %dma_wait3A_979] : memref<10240x8xf32, #tpu.memory_space<vmem_shared>> -> memref<10240x8xf32, #tpu.memory_space<vmem_shared>>
      %dma_wait3A_981 = tpu.memref_slice %arg12[%dma_wait3A_970] : memref<4x!tpu.dma_semaphore, #tpu.memory_space<semaphore_mem>> -> memref<1x!tpu.dma_semaphore, #tpu.memory_space<semaphore_mem>>
      %dma_wait3A_982 = tpu.memref_squeeze %dma_wait3A_981 : memref<1x!tpu.dma_semaphore, #tpu.memory_space<semaphore_mem>> -> memref<!tpu.dma_semaphore, #tpu.memory_space<semaphore_mem>>
      tpu.wait_indirect_dma semaphore(%dma_wait3A_982 : memref<!tpu.dma_semaphore, #tpu.memory_space<semaphore_mem>>) src(%dma_wait3A_974 : memref<800x8xf32, #tpu.memory_space<vmem>>) dst(%dma_wait3A_980 : memref<10240x8xf32, #tpu.memory_space<vmem_shared>>)
      %dma_start3A_983 = arith.constant 1 : i32
      %dma_start3A_984 = arith.constant 1 : i32
      %dma_start3A_985 = arith.constant 0 : i32
      %dma_start3A_986 = arith.constant 0 : i32
      %dma_start3A_987 = tpu.memref_slice %arg8[%dma_start3A_983, %dma_start3A_985, %dma_start3A_986] : memref<4x800x8xf32, #tpu.memory_space<vmem>> -> memref<1x800x8xf32, #tpu.memory_space<vmem>>
      %dma_start3A_988 = tpu.memref_squeeze %dma_start3A_987 : memref<1x800x8xf32, #tpu.memory_space<vmem>> -> memref<800x8xf32, #tpu.memory_space<vmem>>
      %dma_start3A_989 = arith.constant 7200 : i32
      %dma_start3A_990 = tpu.memref_slice %arg6[%dma_start3A_989] : memref<12000xi32, #tpu.memory_space<vmem>> -> memref<800xi32, #tpu.memory_space<vmem>>
      %dma_start3A_991 = arith.constant 0 : i32
      %dma_start3A_992 = arith.constant 0 : i32
      %dma_start3A_993 = tpu.memref_slice %arg4[%dma_start3A_991, %dma_start3A_992] : memref<10240x8xf32, #tpu.memory_space<hbm>> -> memref<10240x8xf32, #tpu.memory_space<hbm>>
      %dma_start3A_994 = tpu.memref_slice %arg11[%dma_start3A_984] : memref<4x!tpu.dma_semaphore, #tpu.memory_space<semaphore_mem>> -> memref<1x!tpu.dma_semaphore, #tpu.memory_space<semaphore_mem>>
      %dma_start3A_995 = tpu.memref_squeeze %dma_start3A_994 : memref<1x!tpu.dma_semaphore, #tpu.memory_space<semaphore_mem>> -> memref<!tpu.dma_semaphore, #tpu.memory_space<semaphore_mem>>
      tpu.enqueue_indirect_dma source(%dma_start3A_993 : memref<10240x8xf32, #tpu.memory_space<hbm>>) target(%dma_start3A_988 : memref<800x8xf32, #tpu.memory_space<vmem>>) offsets(%dma_start3A_990 : memref<800xi32, #tpu.memory_space<vmem>>) semaphore(%dma_start3A_995 : memref<!tpu.dma_semaphore, #tpu.memory_space<semaphore_mem>>)
      %dma_wait3A_996 = arith.constant 3 : i32
      %dma_wait3A_997 = arith.constant 3 : i32
      %dma_wait3A_998 = arith.constant 0 : i32
      %dma_wait3A_999 = arith.constant 0 : i32
      %dma_wait3A_1000 = tpu.memref_slice %arg8[%dma_wait3A_996, %dma_wait3A_998, %dma_wait3A_999] : memref<4x800x8xf32, #tpu.memory_space<vmem>> -> memref<1x800x8xf32, #tpu.memory_space<vmem>>
      %dma_wait3A_1001 = tpu.memref_squeeze %dma_wait3A_1000 : memref<1x800x8xf32, #tpu.memory_space<vmem>> -> memref<800x8xf32, #tpu.memory_space<vmem>>
      %dma_wait3A_1002 = arith.constant 5600 : i32
      %dma_wait3A_1003 = tpu.memref_slice %arg6[%dma_wait3A_1002] : memref<12000xi32, #tpu.memory_space<vmem>> -> memref<800xi32, #tpu.memory_space<vmem>>
      %dma_wait3A_1004 = arith.constant 0 : i32
      %dma_wait3A_1005 = arith.constant 0 : i32
      %dma_wait3A_1006 = tpu.memref_slice %arg4[%dma_wait3A_1004, %dma_wait3A_1005] : memref<10240x8xf32, #tpu.memory_space<hbm>> -> memref<10240x8xf32, #tpu.memory_space<hbm>>
      %dma_wait3A_1007 = tpu.memref_slice %arg11[%dma_wait3A_997] : memref<4x!tpu.dma_semaphore, #tpu.memory_space<semaphore_mem>> -> memref<1x!tpu.dma_semaphore, #tpu.memory_space<semaphore_mem>>
      %dma_wait3A_1008 = tpu.memref_squeeze %dma_wait3A_1007 : memref<1x!tpu.dma_semaphore, #tpu.memory_space<semaphore_mem>> -> memref<!tpu.dma_semaphore, #tpu.memory_space<semaphore_mem>>
      tpu.wait_indirect_dma semaphore(%dma_wait3A_1008 : memref<!tpu.dma_semaphore, #tpu.memory_space<semaphore_mem>>) src(%dma_wait3A_1006 : memref<10240x8xf32, #tpu.memory_space<hbm>>) dst(%dma_wait3A_1001 : memref<800x8xf32, #tpu.memory_space<vmem>>)
      %dma_start3A_1009 = arith.constant 3 : i32
      %dma_start3A_1010 = arith.constant 7 : i32
      %dma_start3A_1011 = arith.constant 3 : i32
      %dma_start3A_1012 = arith.constant 0 : i32
      %dma_start3A_1013 = arith.constant 0 : i32
      %dma_start3A_1014 = tpu.memref_slice %arg8[%dma_start3A_1009, %dma_start3A_1012, %dma_start3A_1013] : memref<4x800x8xf32, #tpu.memory_space<vmem>> -> memref<1x800x8xf32, #tpu.memory_space<vmem>>
      %dma_start3A_1015 = tpu.memref_squeeze %dma_start3A_1014 : memref<1x800x8xf32, #tpu.memory_space<vmem>> -> memref<800x8xf32, #tpu.memory_space<vmem>>
      %dma_start3A_1016 = arith.constant 0 : i32
      %dma_start3A_1017 = tpu.memref_slice %arg7[%dma_start3A_1010, %dma_start3A_1016] : memref<15x800xi32, #tpu.memory_space<vmem>> -> memref<1x800xi32, #tpu.memory_space<vmem>>
      %dma_start3A_1018 = tpu.memref_squeeze %dma_start3A_1017 : memref<1x800xi32, #tpu.memory_space<vmem>> -> memref<800xi32, #tpu.memory_space<vmem>>
      %dma_start3A_1019 = arith.constant 0 : i32
      %dma_start3A_1020 = arith.constant 0 : i32
      %dma_start3A_1021 = tpu.memref_slice %arg9[%dma_start3A_1019, %dma_start3A_1020] : memref<10240x8xf32, #tpu.memory_space<vmem_shared>> -> memref<10240x8xf32, #tpu.memory_space<vmem_shared>>
      %dma_start3A_1022 = tpu.memref_slice %arg12[%dma_start3A_1011] : memref<4x!tpu.dma_semaphore, #tpu.memory_space<semaphore_mem>> -> memref<1x!tpu.dma_semaphore, #tpu.memory_space<semaphore_mem>>
      %dma_start3A_1023 = tpu.memref_squeeze %dma_start3A_1022 : memref<1x!tpu.dma_semaphore, #tpu.memory_space<semaphore_mem>> -> memref<!tpu.dma_semaphore, #tpu.memory_space<semaphore_mem>>
      tpu.enqueue_indirect_dma source(%dma_start3A_1015 : memref<800x8xf32, #tpu.memory_space<vmem>>) target(%dma_start3A_1021 : memref<10240x8xf32, #tpu.memory_space<vmem_shared>>) offsets(%dma_start3A_1018 : memref<800xi32, #tpu.memory_space<vmem>>) semaphore(%dma_start3A_1023 : memref<!tpu.dma_semaphore, #tpu.memory_space<semaphore_mem>>) {add = true}
      %dma_wait3A_1024 = arith.constant 2 : i32
      %dma_wait3A_1025 = arith.constant 6 : i32
      %dma_wait3A_1026 = arith.constant 2 : i32
      %dma_wait3A_1027 = arith.constant 0 : i32
      %dma_wait3A_1028 = arith.constant 0 : i32
      %dma_wait3A_1029 = tpu.memref_slice %arg8[%dma_wait3A_1024, %dma_wait3A_1027, %dma_wait3A_1028] : memref<4x800x8xf32, #tpu.memory_space<vmem>> -> memref<1x800x8xf32, #tpu.memory_space<vmem>>
      %dma_wait3A_1030 = tpu.memref_squeeze %dma_wait3A_1029 : memref<1x800x8xf32, #tpu.memory_space<vmem>> -> memref<800x8xf32, #tpu.memory_space<vmem>>
      %dma_wait3A_1031 = arith.constant 0 : i32
      %dma_wait3A_1032 = tpu.memref_slice %arg7[%dma_wait3A_1025, %dma_wait3A_1031] : memref<15x800xi32, #tpu.memory_space<vmem>> -> memref<1x800xi32, #tpu.memory_space<vmem>>
      %dma_wait3A_1033 = tpu.memref_squeeze %dma_wait3A_1032 : memref<1x800xi32, #tpu.memory_space<vmem>> -> memref<800xi32, #tpu.memory_space<vmem>>
      %dma_wait3A_1034 = arith.constant 0 : i32
      %dma_wait3A_1035 = arith.constant 0 : i32
      %dma_wait3A_1036 = tpu.memref_slice %arg9[%dma_wait3A_1034, %dma_wait3A_1035] : memref<10240x8xf32, #tpu.memory_space<vmem_shared>> -> memref<10240x8xf32, #tpu.memory_space<vmem_shared>>
      %dma_wait3A_1037 = tpu.memref_slice %arg12[%dma_wait3A_1026] : memref<4x!tpu.dma_semaphore, #tpu.memory_space<semaphore_mem>> -> memref<1x!tpu.dma_semaphore, #tpu.memory_space<semaphore_mem>>
      %dma_wait3A_1038 = tpu.memref_squeeze %dma_wait3A_1037 : memref<1x!tpu.dma_semaphore, #tpu.memory_space<semaphore_mem>> -> memref<!tpu.dma_semaphore, #tpu.memory_space<semaphore_mem>>
      tpu.wait_indirect_dma semaphore(%dma_wait3A_1038 : memref<!tpu.dma_semaphore, #tpu.memory_space<semaphore_mem>>) src(%dma_wait3A_1030 : memref<800x8xf32, #tpu.memory_space<vmem>>) dst(%dma_wait3A_1036 : memref<10240x8xf32, #tpu.memory_space<vmem_shared>>)
      %dma_start3A_1039 = arith.constant 2 : i32
      %dma_start3A_1040 = arith.constant 2 : i32
      %dma_start3A_1041 = arith.constant 0 : i32
      %dma_start3A_1042 = arith.constant 0 : i32
      %dma_start3A_1043 = tpu.memref_slice %arg8[%dma_start3A_1039, %dma_start3A_1041, %dma_start3A_1042] : memref<4x800x8xf32, #tpu.memory_space<vmem>> -> memref<1x800x8xf32, #tpu.memory_space<vmem>>
      %dma_start3A_1044 = tpu.memref_squeeze %dma_start3A_1043 : memref<1x800x8xf32, #tpu.memory_space<vmem>> -> memref<800x8xf32, #tpu.memory_space<vmem>>
      %dma_start3A_1045 = arith.constant 8000 : i32
      %dma_start3A_1046 = tpu.memref_slice %arg6[%dma_start3A_1045] : memref<12000xi32, #tpu.memory_space<vmem>> -> memref<800xi32, #tpu.memory_space<vmem>>
      %dma_start3A_1047 = arith.constant 0 : i32
      %dma_start3A_1048 = arith.constant 0 : i32
      %dma_start3A_1049 = tpu.memref_slice %arg4[%dma_start3A_1047, %dma_start3A_1048] : memref<10240x8xf32, #tpu.memory_space<hbm>> -> memref<10240x8xf32, #tpu.memory_space<hbm>>
      %dma_start3A_1050 = tpu.memref_slice %arg11[%dma_start3A_1040] : memref<4x!tpu.dma_semaphore, #tpu.memory_space<semaphore_mem>> -> memref<1x!tpu.dma_semaphore, #tpu.memory_space<semaphore_mem>>
      %dma_start3A_1051 = tpu.memref_squeeze %dma_start3A_1050 : memref<1x!tpu.dma_semaphore, #tpu.memory_space<semaphore_mem>> -> memref<!tpu.dma_semaphore, #tpu.memory_space<semaphore_mem>>
      tpu.enqueue_indirect_dma source(%dma_start3A_1049 : memref<10240x8xf32, #tpu.memory_space<hbm>>) target(%dma_start3A_1044 : memref<800x8xf32, #tpu.memory_space<vmem>>) offsets(%dma_start3A_1046 : memref<800xi32, #tpu.memory_space<vmem>>) semaphore(%dma_start3A_1051 : memref<!tpu.dma_semaphore, #tpu.memory_space<semaphore_mem>>)
      %dma_wait3A_1052 = arith.constant 0 : i32
      %dma_wait3A_1053 = arith.constant 0 : i32
      %dma_wait3A_1054 = arith.constant 0 : i32
      %dma_wait3A_1055 = arith.constant 0 : i32
      %dma_wait3A_1056 = tpu.memref_slice %arg8[%dma_wait3A_1052, %dma_wait3A_1054, %dma_wait3A_1055] : memref<4x800x8xf32, #tpu.memory_space<vmem>> -> memref<1x800x8xf32, #tpu.memory_space<vmem>>
      %dma_wait3A_1057 = tpu.memref_squeeze %dma_wait3A_1056 : memref<1x800x8xf32, #tpu.memory_space<vmem>> -> memref<800x8xf32, #tpu.memory_space<vmem>>
      %dma_wait3A_1058 = arith.constant 6400 : i32
      %dma_wait3A_1059 = tpu.memref_slice %arg6[%dma_wait3A_1058] : memref<12000xi32, #tpu.memory_space<vmem>> -> memref<800xi32, #tpu.memory_space<vmem>>
      %dma_wait3A_1060 = arith.constant 0 : i32
      %dma_wait3A_1061 = arith.constant 0 : i32
      %dma_wait3A_1062 = tpu.memref_slice %arg4[%dma_wait3A_1060, %dma_wait3A_1061] : memref<10240x8xf32, #tpu.memory_space<hbm>> -> memref<10240x8xf32, #tpu.memory_space<hbm>>
      %dma_wait3A_1063 = tpu.memref_slice %arg11[%dma_wait3A_1053] : memref<4x!tpu.dma_semaphore, #tpu.memory_space<semaphore_mem>> -> memref<1x!tpu.dma_semaphore, #tpu.memory_space<semaphore_mem>>
      %dma_wait3A_1064 = tpu.memref_squeeze %dma_wait3A_1063 : memref<1x!tpu.dma_semaphore, #tpu.memory_space<semaphore_mem>> -> memref<!tpu.dma_semaphore, #tpu.memory_space<semaphore_mem>>
      tpu.wait_indirect_dma semaphore(%dma_wait3A_1064 : memref<!tpu.dma_semaphore, #tpu.memory_space<semaphore_mem>>) src(%dma_wait3A_1062 : memref<10240x8xf32, #tpu.memory_space<hbm>>) dst(%dma_wait3A_1057 : memref<800x8xf32, #tpu.memory_space<vmem>>)
      %dma_start3A_1065 = arith.constant 0 : i32
      %dma_start3A_1066 = arith.constant 8 : i32
      %dma_start3A_1067 = arith.constant 0 : i32
      %dma_start3A_1068 = arith.constant 0 : i32
      %dma_start3A_1069 = arith.constant 0 : i32
      %dma_start3A_1070 = tpu.memref_slice %arg8[%dma_start3A_1065, %dma_start3A_1068, %dma_start3A_1069] : memref<4x800x8xf32, #tpu.memory_space<vmem>> -> memref<1x800x8xf32, #tpu.memory_space<vmem>>
      %dma_start3A_1071 = tpu.memref_squeeze %dma_start3A_1070 : memref<1x800x8xf32, #tpu.memory_space<vmem>> -> memref<800x8xf32, #tpu.memory_space<vmem>>
      %dma_start3A_1072 = arith.constant 0 : i32
      %dma_start3A_1073 = tpu.memref_slice %arg7[%dma_start3A_1066, %dma_start3A_1072] : memref<15x800xi32, #tpu.memory_space<vmem>> -> memref<1x800xi32, #tpu.memory_space<vmem>>
      %dma_start3A_1074 = tpu.memref_squeeze %dma_start3A_1073 : memref<1x800xi32, #tpu.memory_space<vmem>> -> memref<800xi32, #tpu.memory_space<vmem>>
      %dma_start3A_1075 = arith.constant 0 : i32
      %dma_start3A_1076 = arith.constant 0 : i32
      %dma_start3A_1077 = tpu.memref_slice %arg9[%dma_start3A_1075, %dma_start3A_1076] : memref<10240x8xf32, #tpu.memory_space<vmem_shared>> -> memref<10240x8xf32, #tpu.memory_space<vmem_shared>>
      %dma_start3A_1078 = tpu.memref_slice %arg12[%dma_start3A_1067] : memref<4x!tpu.dma_semaphore, #tpu.memory_space<semaphore_mem>> -> memref<1x!tpu.dma_semaphore, #tpu.memory_space<semaphore_mem>>
      %dma_start3A_1079 = tpu.memref_squeeze %dma_start3A_1078 : memref<1x!tpu.dma_semaphore, #tpu.memory_space<semaphore_mem>> -> memref<!tpu.dma_semaphore, #tpu.memory_space<semaphore_mem>>
      tpu.enqueue_indirect_dma source(%dma_start3A_1071 : memref<800x8xf32, #tpu.memory_space<vmem>>) target(%dma_start3A_1077 : memref<10240x8xf32, #tpu.memory_space<vmem_shared>>) offsets(%dma_start3A_1074 : memref<800xi32, #tpu.memory_space<vmem>>) semaphore(%dma_start3A_1079 : memref<!tpu.dma_semaphore, #tpu.memory_space<semaphore_mem>>) {add = true}
      %dma_wait3A_1080 = arith.constant 3 : i32
      %dma_wait3A_1081 = arith.constant 7 : i32
      %dma_wait3A_1082 = arith.constant 3 : i32
      %dma_wait3A_1083 = arith.constant 0 : i32
      %dma_wait3A_1084 = arith.constant 0 : i32
      %dma_wait3A_1085 = tpu.memref_slice %arg8[%dma_wait3A_1080, %dma_wait3A_1083, %dma_wait3A_1084] : memref<4x800x8xf32, #tpu.memory_space<vmem>> -> memref<1x800x8xf32, #tpu.memory_space<vmem>>
      %dma_wait3A_1086 = tpu.memref_squeeze %dma_wait3A_1085 : memref<1x800x8xf32, #tpu.memory_space<vmem>> -> memref<800x8xf32, #tpu.memory_space<vmem>>
      %dma_wait3A_1087 = arith.constant 0 : i32
      %dma_wait3A_1088 = tpu.memref_slice %arg7[%dma_wait3A_1081, %dma_wait3A_1087] : memref<15x800xi32, #tpu.memory_space<vmem>> -> memref<1x800xi32, #tpu.memory_space<vmem>>
      %dma_wait3A_1089 = tpu.memref_squeeze %dma_wait3A_1088 : memref<1x800xi32, #tpu.memory_space<vmem>> -> memref<800xi32, #tpu.memory_space<vmem>>
      %dma_wait3A_1090 = arith.constant 0 : i32
      %dma_wait3A_1091 = arith.constant 0 : i32
      %dma_wait3A_1092 = tpu.memref_slice %arg9[%dma_wait3A_1090, %dma_wait3A_1091] : memref<10240x8xf32, #tpu.memory_space<vmem_shared>> -> memref<10240x8xf32, #tpu.memory_space<vmem_shared>>
      %dma_wait3A_1093 = tpu.memref_slice %arg12[%dma_wait3A_1082] : memref<4x!tpu.dma_semaphore, #tpu.memory_space<semaphore_mem>> -> memref<1x!tpu.dma_semaphore, #tpu.memory_space<semaphore_mem>>
      %dma_wait3A_1094 = tpu.memref_squeeze %dma_wait3A_1093 : memref<1x!tpu.dma_semaphore, #tpu.memory_space<semaphore_mem>> -> memref<!tpu.dma_semaphore, #tpu.memory_space<semaphore_mem>>
      tpu.wait_indirect_dma semaphore(%dma_wait3A_1094 : memref<!tpu.dma_semaphore, #tpu.memory_space<semaphore_mem>>) src(%dma_wait3A_1086 : memref<800x8xf32, #tpu.memory_space<vmem>>) dst(%dma_wait3A_1092 : memref<10240x8xf32, #tpu.memory_space<vmem_shared>>)
      %dma_start3A_1095 = arith.constant 3 : i32
      %dma_start3A_1096 = arith.constant 3 : i32
      %dma_start3A_1097 = arith.constant 0 : i32
      %dma_start3A_1098 = arith.constant 0 : i32
      %dma_start3A_1099 = tpu.memref_slice %arg8[%dma_start3A_1095, %dma_start3A_1097, %dma_start3A_1098] : memref<4x800x8xf32, #tpu.memory_space<vmem>> -> memref<1x800x8xf32, #tpu.memory_space<vmem>>
      %dma_start3A_1100 = tpu.memref_squeeze %dma_start3A_1099 : memref<1x800x8xf32, #tpu.memory_space<vmem>> -> memref<800x8xf32, #tpu.memory_space<vmem>>
      %dma_start3A_1101 = arith.constant 8800 : i32
      %dma_start3A_1102 = tpu.memref_slice %arg6[%dma_start3A_1101] : memref<12000xi32, #tpu.memory_space<vmem>> -> memref<800xi32, #tpu.memory_space<vmem>>
      %dma_start3A_1103 = arith.constant 0 : i32
      %dma_start3A_1104 = arith.constant 0 : i32
      %dma_start3A_1105 = tpu.memref_slice %arg4[%dma_start3A_1103, %dma_start3A_1104] : memref<10240x8xf32, #tpu.memory_space<hbm>> -> memref<10240x8xf32, #tpu.memory_space<hbm>>
      %dma_start3A_1106 = tpu.memref_slice %arg11[%dma_start3A_1096] : memref<4x!tpu.dma_semaphore, #tpu.memory_space<semaphore_mem>> -> memref<1x!tpu.dma_semaphore, #tpu.memory_space<semaphore_mem>>
      %dma_start3A_1107 = tpu.memref_squeeze %dma_start3A_1106 : memref<1x!tpu.dma_semaphore, #tpu.memory_space<semaphore_mem>> -> memref<!tpu.dma_semaphore, #tpu.memory_space<semaphore_mem>>
      tpu.enqueue_indirect_dma source(%dma_start3A_1105 : memref<10240x8xf32, #tpu.memory_space<hbm>>) target(%dma_start3A_1100 : memref<800x8xf32, #tpu.memory_space<vmem>>) offsets(%dma_start3A_1102 : memref<800xi32, #tpu.memory_space<vmem>>) semaphore(%dma_start3A_1107 : memref<!tpu.dma_semaphore, #tpu.memory_space<semaphore_mem>>)
      %dma_wait3A_1108 = arith.constant 1 : i32
      %dma_wait3A_1109 = arith.constant 1 : i32
      %dma_wait3A_1110 = arith.constant 0 : i32
      %dma_wait3A_1111 = arith.constant 0 : i32
      %dma_wait3A_1112 = tpu.memref_slice %arg8[%dma_wait3A_1108, %dma_wait3A_1110, %dma_wait3A_1111] : memref<4x800x8xf32, #tpu.memory_space<vmem>> -> memref<1x800x8xf32, #tpu.memory_space<vmem>>
      %dma_wait3A_1113 = tpu.memref_squeeze %dma_wait3A_1112 : memref<1x800x8xf32, #tpu.memory_space<vmem>> -> memref<800x8xf32, #tpu.memory_space<vmem>>
      %dma_wait3A_1114 = arith.constant 7200 : i32
      %dma_wait3A_1115 = tpu.memref_slice %arg6[%dma_wait3A_1114] : memref<12000xi32, #tpu.memory_space<vmem>> -> memref<800xi32, #tpu.memory_space<vmem>>
      %dma_wait3A_1116 = arith.constant 0 : i32
      %dma_wait3A_1117 = arith.constant 0 : i32
      %dma_wait3A_1118 = tpu.memref_slice %arg4[%dma_wait3A_1116, %dma_wait3A_1117] : memref<10240x8xf32, #tpu.memory_space<hbm>> -> memref<10240x8xf32, #tpu.memory_space<hbm>>
      %dma_wait3A_1119 = tpu.memref_slice %arg11[%dma_wait3A_1109] : memref<4x!tpu.dma_semaphore, #tpu.memory_space<semaphore_mem>> -> memref<1x!tpu.dma_semaphore, #tpu.memory_space<semaphore_mem>>
      %dma_wait3A_1120 = tpu.memref_squeeze %dma_wait3A_1119 : memref<1x!tpu.dma_semaphore, #tpu.memory_space<semaphore_mem>> -> memref<!tpu.dma_semaphore, #tpu.memory_space<semaphore_mem>>
      tpu.wait_indirect_dma semaphore(%dma_wait3A_1120 : memref<!tpu.dma_semaphore, #tpu.memory_space<semaphore_mem>>) src(%dma_wait3A_1118 : memref<10240x8xf32, #tpu.memory_space<hbm>>) dst(%dma_wait3A_1113 : memref<800x8xf32, #tpu.memory_space<vmem>>)
      %dma_start3A_1121 = arith.constant 1 : i32
      %dma_start3A_1122 = arith.constant 9 : i32
      %dma_start3A_1123 = arith.constant 1 : i32
      %dma_start3A_1124 = arith.constant 0 : i32
      %dma_start3A_1125 = arith.constant 0 : i32
      %dma_start3A_1126 = tpu.memref_slice %arg8[%dma_start3A_1121, %dma_start3A_1124, %dma_start3A_1125] : memref<4x800x8xf32, #tpu.memory_space<vmem>> -> memref<1x800x8xf32, #tpu.memory_space<vmem>>
      %dma_start3A_1127 = tpu.memref_squeeze %dma_start3A_1126 : memref<1x800x8xf32, #tpu.memory_space<vmem>> -> memref<800x8xf32, #tpu.memory_space<vmem>>
      %dma_start3A_1128 = arith.constant 0 : i32
      %dma_start3A_1129 = tpu.memref_slice %arg7[%dma_start3A_1122, %dma_start3A_1128] : memref<15x800xi32, #tpu.memory_space<vmem>> -> memref<1x800xi32, #tpu.memory_space<vmem>>
      %dma_start3A_1130 = tpu.memref_squeeze %dma_start3A_1129 : memref<1x800xi32, #tpu.memory_space<vmem>> -> memref<800xi32, #tpu.memory_space<vmem>>
      %dma_start3A_1131 = arith.constant 0 : i32
      %dma_start3A_1132 = arith.constant 0 : i32
      %dma_start3A_1133 = tpu.memref_slice %arg9[%dma_start3A_1131, %dma_start3A_1132] : memref<10240x8xf32, #tpu.memory_space<vmem_shared>> -> memref<10240x8xf32, #tpu.memory_space<vmem_shared>>
      %dma_start3A_1134 = tpu.memref_slice %arg12[%dma_start3A_1123] : memref<4x!tpu.dma_semaphore, #tpu.memory_space<semaphore_mem>> -> memref<1x!tpu.dma_semaphore, #tpu.memory_space<semaphore_mem>>
      %dma_start3A_1135 = tpu.memref_squeeze %dma_start3A_1134 : memref<1x!tpu.dma_semaphore, #tpu.memory_space<semaphore_mem>> -> memref<!tpu.dma_semaphore, #tpu.memory_space<semaphore_mem>>
      tpu.enqueue_indirect_dma source(%dma_start3A_1127 : memref<800x8xf32, #tpu.memory_space<vmem>>) target(%dma_start3A_1133 : memref<10240x8xf32, #tpu.memory_space<vmem_shared>>) offsets(%dma_start3A_1130 : memref<800xi32, #tpu.memory_space<vmem>>) semaphore(%dma_start3A_1135 : memref<!tpu.dma_semaphore, #tpu.memory_space<semaphore_mem>>) {add = true}
      %dma_wait3A_1136 = arith.constant 0 : i32
      %dma_wait3A_1137 = arith.constant 8 : i32
      %dma_wait3A_1138 = arith.constant 0 : i32
      %dma_wait3A_1139 = arith.constant 0 : i32
      %dma_wait3A_1140 = arith.constant 0 : i32
      %dma_wait3A_1141 = tpu.memref_slice %arg8[%dma_wait3A_1136, %dma_wait3A_1139, %dma_wait3A_1140] : memref<4x800x8xf32, #tpu.memory_space<vmem>> -> memref<1x800x8xf32, #tpu.memory_space<vmem>>
      %dma_wait3A_1142 = tpu.memref_squeeze %dma_wait3A_1141 : memref<1x800x8xf32, #tpu.memory_space<vmem>> -> memref<800x8xf32, #tpu.memory_space<vmem>>
      %dma_wait3A_1143 = arith.constant 0 : i32
      %dma_wait3A_1144 = tpu.memref_slice %arg7[%dma_wait3A_1137, %dma_wait3A_1143] : memref<15x800xi32, #tpu.memory_space<vmem>> -> memref<1x800xi32, #tpu.memory_space<vmem>>
      %dma_wait3A_1145 = tpu.memref_squeeze %dma_wait3A_1144 : memref<1x800xi32, #tpu.memory_space<vmem>> -> memref<800xi32, #tpu.memory_space<vmem>>
      %dma_wait3A_1146 = arith.constant 0 : i32
      %dma_wait3A_1147 = arith.constant 0 : i32
      %dma_wait3A_1148 = tpu.memref_slice %arg9[%dma_wait3A_1146, %dma_wait3A_1147] : memref<10240x8xf32, #tpu.memory_space<vmem_shared>> -> memref<10240x8xf32, #tpu.memory_space<vmem_shared>>
      %dma_wait3A_1149 = tpu.memref_slice %arg12[%dma_wait3A_1138] : memref<4x!tpu.dma_semaphore, #tpu.memory_space<semaphore_mem>> -> memref<1x!tpu.dma_semaphore, #tpu.memory_space<semaphore_mem>>
      %dma_wait3A_1150 = tpu.memref_squeeze %dma_wait3A_1149 : memref<1x!tpu.dma_semaphore, #tpu.memory_space<semaphore_mem>> -> memref<!tpu.dma_semaphore, #tpu.memory_space<semaphore_mem>>
      tpu.wait_indirect_dma semaphore(%dma_wait3A_1150 : memref<!tpu.dma_semaphore, #tpu.memory_space<semaphore_mem>>) src(%dma_wait3A_1142 : memref<800x8xf32, #tpu.memory_space<vmem>>) dst(%dma_wait3A_1148 : memref<10240x8xf32, #tpu.memory_space<vmem_shared>>)
      %dma_start3A_1151 = arith.constant 0 : i32
      %dma_start3A_1152 = arith.constant 0 : i32
      %dma_start3A_1153 = arith.constant 0 : i32
      %dma_start3A_1154 = arith.constant 0 : i32
      %dma_start3A_1155 = tpu.memref_slice %arg8[%dma_start3A_1151, %dma_start3A_1153, %dma_start3A_1154] : memref<4x800x8xf32, #tpu.memory_space<vmem>> -> memref<1x800x8xf32, #tpu.memory_space<vmem>>
      %dma_start3A_1156 = tpu.memref_squeeze %dma_start3A_1155 : memref<1x800x8xf32, #tpu.memory_space<vmem>> -> memref<800x8xf32, #tpu.memory_space<vmem>>
      %dma_start3A_1157 = arith.constant 9600 : i32
      %dma_start3A_1158 = tpu.memref_slice %arg6[%dma_start3A_1157] : memref<12000xi32, #tpu.memory_space<vmem>> -> memref<800xi32, #tpu.memory_space<vmem>>
      %dma_start3A_1159 = arith.constant 0 : i32
      %dma_start3A_1160 = arith.constant 0 : i32
      %dma_start3A_1161 = tpu.memref_slice %arg4[%dma_start3A_1159, %dma_start3A_1160] : memref<10240x8xf32, #tpu.memory_space<hbm>> -> memref<10240x8xf32, #tpu.memory_space<hbm>>
      %dma_start3A_1162 = tpu.memref_slice %arg11[%dma_start3A_1152] : memref<4x!tpu.dma_semaphore, #tpu.memory_space<semaphore_mem>> -> memref<1x!tpu.dma_semaphore, #tpu.memory_space<semaphore_mem>>
      %dma_start3A_1163 = tpu.memref_squeeze %dma_start3A_1162 : memref<1x!tpu.dma_semaphore, #tpu.memory_space<semaphore_mem>> -> memref<!tpu.dma_semaphore, #tpu.memory_space<semaphore_mem>>
      tpu.enqueue_indirect_dma source(%dma_start3A_1161 : memref<10240x8xf32, #tpu.memory_space<hbm>>) target(%dma_start3A_1156 : memref<800x8xf32, #tpu.memory_space<vmem>>) offsets(%dma_start3A_1158 : memref<800xi32, #tpu.memory_space<vmem>>) semaphore(%dma_start3A_1163 : memref<!tpu.dma_semaphore, #tpu.memory_space<semaphore_mem>>)
      %dma_wait3A_1164 = arith.constant 2 : i32
      %dma_wait3A_1165 = arith.constant 2 : i32
      %dma_wait3A_1166 = arith.constant 0 : i32
      %dma_wait3A_1167 = arith.constant 0 : i32
      %dma_wait3A_1168 = tpu.memref_slice %arg8[%dma_wait3A_1164, %dma_wait3A_1166, %dma_wait3A_1167] : memref<4x800x8xf32, #tpu.memory_space<vmem>> -> memref<1x800x8xf32, #tpu.memory_space<vmem>>
      %dma_wait3A_1169 = tpu.memref_squeeze %dma_wait3A_1168 : memref<1x800x8xf32, #tpu.memory_space<vmem>> -> memref<800x8xf32, #tpu.memory_space<vmem>>
      %dma_wait3A_1170 = arith.constant 8000 : i32
      %dma_wait3A_1171 = tpu.memref_slice %arg6[%dma_wait3A_1170] : memref<12000xi32, #tpu.memory_space<vmem>> -> memref<800xi32, #tpu.memory_space<vmem>>
      %dma_wait3A_1172 = arith.constant 0 : i32
      %dma_wait3A_1173 = arith.constant 0 : i32
      %dma_wait3A_1174 = tpu.memref_slice %arg4[%dma_wait3A_1172, %dma_wait3A_1173] : memref<10240x8xf32, #tpu.memory_space<hbm>> -> memref<10240x8xf32, #tpu.memory_space<hbm>>
      %dma_wait3A_1175 = tpu.memref_slice %arg11[%dma_wait3A_1165] : memref<4x!tpu.dma_semaphore, #tpu.memory_space<semaphore_mem>> -> memref<1x!tpu.dma_semaphore, #tpu.memory_space<semaphore_mem>>
      %dma_wait3A_1176 = tpu.memref_squeeze %dma_wait3A_1175 : memref<1x!tpu.dma_semaphore, #tpu.memory_space<semaphore_mem>> -> memref<!tpu.dma_semaphore, #tpu.memory_space<semaphore_mem>>
      tpu.wait_indirect_dma semaphore(%dma_wait3A_1176 : memref<!tpu.dma_semaphore, #tpu.memory_space<semaphore_mem>>) src(%dma_wait3A_1174 : memref<10240x8xf32, #tpu.memory_space<hbm>>) dst(%dma_wait3A_1169 : memref<800x8xf32, #tpu.memory_space<vmem>>)
      %dma_start3A_1177 = arith.constant 2 : i32
      %dma_start3A_1178 = arith.constant 10 : i32
      %dma_start3A_1179 = arith.constant 2 : i32
      %dma_start3A_1180 = arith.constant 0 : i32
      %dma_start3A_1181 = arith.constant 0 : i32
      %dma_start3A_1182 = tpu.memref_slice %arg8[%dma_start3A_1177, %dma_start3A_1180, %dma_start3A_1181] : memref<4x800x8xf32, #tpu.memory_space<vmem>> -> memref<1x800x8xf32, #tpu.memory_space<vmem>>
      %dma_start3A_1183 = tpu.memref_squeeze %dma_start3A_1182 : memref<1x800x8xf32, #tpu.memory_space<vmem>> -> memref<800x8xf32, #tpu.memory_space<vmem>>
      %dma_start3A_1184 = arith.constant 0 : i32
      %dma_start3A_1185 = tpu.memref_slice %arg7[%dma_start3A_1178, %dma_start3A_1184] : memref<15x800xi32, #tpu.memory_space<vmem>> -> memref<1x800xi32, #tpu.memory_space<vmem>>
      %dma_start3A_1186 = tpu.memref_squeeze %dma_start3A_1185 : memref<1x800xi32, #tpu.memory_space<vmem>> -> memref<800xi32, #tpu.memory_space<vmem>>
      %dma_start3A_1187 = arith.constant 0 : i32
      %dma_start3A_1188 = arith.constant 0 : i32
      %dma_start3A_1189 = tpu.memref_slice %arg9[%dma_start3A_1187, %dma_start3A_1188] : memref<10240x8xf32, #tpu.memory_space<vmem_shared>> -> memref<10240x8xf32, #tpu.memory_space<vmem_shared>>
      %dma_start3A_1190 = tpu.memref_slice %arg12[%dma_start3A_1179] : memref<4x!tpu.dma_semaphore, #tpu.memory_space<semaphore_mem>> -> memref<1x!tpu.dma_semaphore, #tpu.memory_space<semaphore_mem>>
      %dma_start3A_1191 = tpu.memref_squeeze %dma_start3A_1190 : memref<1x!tpu.dma_semaphore, #tpu.memory_space<semaphore_mem>> -> memref<!tpu.dma_semaphore, #tpu.memory_space<semaphore_mem>>
      tpu.enqueue_indirect_dma source(%dma_start3A_1183 : memref<800x8xf32, #tpu.memory_space<vmem>>) target(%dma_start3A_1189 : memref<10240x8xf32, #tpu.memory_space<vmem_shared>>) offsets(%dma_start3A_1186 : memref<800xi32, #tpu.memory_space<vmem>>) semaphore(%dma_start3A_1191 : memref<!tpu.dma_semaphore, #tpu.memory_space<semaphore_mem>>) {add = true}
      %dma_wait3A_1192 = arith.constant 1 : i32
      %dma_wait3A_1193 = arith.constant 9 : i32
      %dma_wait3A_1194 = arith.constant 1 : i32
      %dma_wait3A_1195 = arith.constant 0 : i32
      %dma_wait3A_1196 = arith.constant 0 : i32
      %dma_wait3A_1197 = tpu.memref_slice %arg8[%dma_wait3A_1192, %dma_wait3A_1195, %dma_wait3A_1196] : memref<4x800x8xf32, #tpu.memory_space<vmem>> -> memref<1x800x8xf32, #tpu.memory_space<vmem>>
      %dma_wait3A_1198 = tpu.memref_squeeze %dma_wait3A_1197 : memref<1x800x8xf32, #tpu.memory_space<vmem>> -> memref<800x8xf32, #tpu.memory_space<vmem>>
      %dma_wait3A_1199 = arith.constant 0 : i32
      %dma_wait3A_1200 = tpu.memref_slice %arg7[%dma_wait3A_1193, %dma_wait3A_1199] : memref<15x800xi32, #tpu.memory_space<vmem>> -> memref<1x800xi32, #tpu.memory_space<vmem>>
      %dma_wait3A_1201 = tpu.memref_squeeze %dma_wait3A_1200 : memref<1x800xi32, #tpu.memory_space<vmem>> -> memref<800xi32, #tpu.memory_space<vmem>>
      %dma_wait3A_1202 = arith.constant 0 : i32
      %dma_wait3A_1203 = arith.constant 0 : i32
      %dma_wait3A_1204 = tpu.memref_slice %arg9[%dma_wait3A_1202, %dma_wait3A_1203] : memref<10240x8xf32, #tpu.memory_space<vmem_shared>> -> memref<10240x8xf32, #tpu.memory_space<vmem_shared>>
      %dma_wait3A_1205 = tpu.memref_slice %arg12[%dma_wait3A_1194] : memref<4x!tpu.dma_semaphore, #tpu.memory_space<semaphore_mem>> -> memref<1x!tpu.dma_semaphore, #tpu.memory_space<semaphore_mem>>
      %dma_wait3A_1206 = tpu.memref_squeeze %dma_wait3A_1205 : memref<1x!tpu.dma_semaphore, #tpu.memory_space<semaphore_mem>> -> memref<!tpu.dma_semaphore, #tpu.memory_space<semaphore_mem>>
      tpu.wait_indirect_dma semaphore(%dma_wait3A_1206 : memref<!tpu.dma_semaphore, #tpu.memory_space<semaphore_mem>>) src(%dma_wait3A_1198 : memref<800x8xf32, #tpu.memory_space<vmem>>) dst(%dma_wait3A_1204 : memref<10240x8xf32, #tpu.memory_space<vmem_shared>>)
      %dma_start3A_1207 = arith.constant 1 : i32
      %dma_start3A_1208 = arith.constant 1 : i32
      %dma_start3A_1209 = arith.constant 0 : i32
      %dma_start3A_1210 = arith.constant 0 : i32
      %dma_start3A_1211 = tpu.memref_slice %arg8[%dma_start3A_1207, %dma_start3A_1209, %dma_start3A_1210] : memref<4x800x8xf32, #tpu.memory_space<vmem>> -> memref<1x800x8xf32, #tpu.memory_space<vmem>>
      %dma_start3A_1212 = tpu.memref_squeeze %dma_start3A_1211 : memref<1x800x8xf32, #tpu.memory_space<vmem>> -> memref<800x8xf32, #tpu.memory_space<vmem>>
      %dma_start3A_1213 = arith.constant 10400 : i32
      %dma_start3A_1214 = tpu.memref_slice %arg6[%dma_start3A_1213] : memref<12000xi32, #tpu.memory_space<vmem>> -> memref<800xi32, #tpu.memory_space<vmem>>
      %dma_start3A_1215 = arith.constant 0 : i32
      %dma_start3A_1216 = arith.constant 0 : i32
      %dma_start3A_1217 = tpu.memref_slice %arg4[%dma_start3A_1215, %dma_start3A_1216] : memref<10240x8xf32, #tpu.memory_space<hbm>> -> memref<10240x8xf32, #tpu.memory_space<hbm>>
      %dma_start3A_1218 = tpu.memref_slice %arg11[%dma_start3A_1208] : memref<4x!tpu.dma_semaphore, #tpu.memory_space<semaphore_mem>> -> memref<1x!tpu.dma_semaphore, #tpu.memory_space<semaphore_mem>>
      %dma_start3A_1219 = tpu.memref_squeeze %dma_start3A_1218 : memref<1x!tpu.dma_semaphore, #tpu.memory_space<semaphore_mem>> -> memref<!tpu.dma_semaphore, #tpu.memory_space<semaphore_mem>>
      tpu.enqueue_indirect_dma source(%dma_start3A_1217 : memref<10240x8xf32, #tpu.memory_space<hbm>>) target(%dma_start3A_1212 : memref<800x8xf32, #tpu.memory_space<vmem>>) offsets(%dma_start3A_1214 : memref<800xi32, #tpu.memory_space<vmem>>) semaphore(%dma_start3A_1219 : memref<!tpu.dma_semaphore, #tpu.memory_space<semaphore_mem>>)
      %dma_wait3A_1220 = arith.constant 3 : i32
      %dma_wait3A_1221 = arith.constant 3 : i32
      %dma_wait3A_1222 = arith.constant 0 : i32
      %dma_wait3A_1223 = arith.constant 0 : i32
      %dma_wait3A_1224 = tpu.memref_slice %arg8[%dma_wait3A_1220, %dma_wait3A_1222, %dma_wait3A_1223] : memref<4x800x8xf32, #tpu.memory_space<vmem>> -> memref<1x800x8xf32, #tpu.memory_space<vmem>>
      %dma_wait3A_1225 = tpu.memref_squeeze %dma_wait3A_1224 : memref<1x800x8xf32, #tpu.memory_space<vmem>> -> memref<800x8xf32, #tpu.memory_space<vmem>>
      %dma_wait3A_1226 = arith.constant 8800 : i32
      %dma_wait3A_1227 = tpu.memref_slice %arg6[%dma_wait3A_1226] : memref<12000xi32, #tpu.memory_space<vmem>> -> memref<800xi32, #tpu.memory_space<vmem>>
      %dma_wait3A_1228 = arith.constant 0 : i32
      %dma_wait3A_1229 = arith.constant 0 : i32
      %dma_wait3A_1230 = tpu.memref_slice %arg4[%dma_wait3A_1228, %dma_wait3A_1229] : memref<10240x8xf32, #tpu.memory_space<hbm>> -> memref<10240x8xf32, #tpu.memory_space<hbm>>
      %dma_wait3A_1231 = tpu.memref_slice %arg11[%dma_wait3A_1221] : memref<4x!tpu.dma_semaphore, #tpu.memory_space<semaphore_mem>> -> memref<1x!tpu.dma_semaphore, #tpu.memory_space<semaphore_mem>>
      %dma_wait3A_1232 = tpu.memref_squeeze %dma_wait3A_1231 : memref<1x!tpu.dma_semaphore, #tpu.memory_space<semaphore_mem>> -> memref<!tpu.dma_semaphore, #tpu.memory_space<semaphore_mem>>
      tpu.wait_indirect_dma semaphore(%dma_wait3A_1232 : memref<!tpu.dma_semaphore, #tpu.memory_space<semaphore_mem>>) src(%dma_wait3A_1230 : memref<10240x8xf32, #tpu.memory_space<hbm>>) dst(%dma_wait3A_1225 : memref<800x8xf32, #tpu.memory_space<vmem>>)
      %dma_start3A_1233 = arith.constant 3 : i32
      %dma_start3A_1234 = arith.constant 11 : i32
      %dma_start3A_1235 = arith.constant 3 : i32
      %dma_start3A_1236 = arith.constant 0 : i32
      %dma_start3A_1237 = arith.constant 0 : i32
      %dma_start3A_1238 = tpu.memref_slice %arg8[%dma_start3A_1233, %dma_start3A_1236, %dma_start3A_1237] : memref<4x800x8xf32, #tpu.memory_space<vmem>> -> memref<1x800x8xf32, #tpu.memory_space<vmem>>
      %dma_start3A_1239 = tpu.memref_squeeze %dma_start3A_1238 : memref<1x800x8xf32, #tpu.memory_space<vmem>> -> memref<800x8xf32, #tpu.memory_space<vmem>>
      %dma_start3A_1240 = arith.constant 0 : i32
      %dma_start3A_1241 = tpu.memref_slice %arg7[%dma_start3A_1234, %dma_start3A_1240] : memref<15x800xi32, #tpu.memory_space<vmem>> -> memref<1x800xi32, #tpu.memory_space<vmem>>
      %dma_start3A_1242 = tpu.memref_squeeze %dma_start3A_1241 : memref<1x800xi32, #tpu.memory_space<vmem>> -> memref<800xi32, #tpu.memory_space<vmem>>
      %dma_start3A_1243 = arith.constant 0 : i32
      %dma_start3A_1244 = arith.constant 0 : i32
      %dma_start3A_1245 = tpu.memref_slice %arg9[%dma_start3A_1243, %dma_start3A_1244] : memref<10240x8xf32, #tpu.memory_space<vmem_shared>> -> memref<10240x8xf32, #tpu.memory_space<vmem_shared>>
      %dma_start3A_1246 = tpu.memref_slice %arg12[%dma_start3A_1235] : memref<4x!tpu.dma_semaphore, #tpu.memory_space<semaphore_mem>> -> memref<1x!tpu.dma_semaphore, #tpu.memory_space<semaphore_mem>>
      %dma_start3A_1247 = tpu.memref_squeeze %dma_start3A_1246 : memref<1x!tpu.dma_semaphore, #tpu.memory_space<semaphore_mem>> -> memref<!tpu.dma_semaphore, #tpu.memory_space<semaphore_mem>>
      tpu.enqueue_indirect_dma source(%dma_start3A_1239 : memref<800x8xf32, #tpu.memory_space<vmem>>) target(%dma_start3A_1245 : memref<10240x8xf32, #tpu.memory_space<vmem_shared>>) offsets(%dma_start3A_1242 : memref<800xi32, #tpu.memory_space<vmem>>) semaphore(%dma_start3A_1247 : memref<!tpu.dma_semaphore, #tpu.memory_space<semaphore_mem>>) {add = true}
      %dma_wait3A_1248 = arith.constant 2 : i32
      %dma_wait3A_1249 = arith.constant 10 : i32
      %dma_wait3A_1250 = arith.constant 2 : i32
      %dma_wait3A_1251 = arith.constant 0 : i32
      %dma_wait3A_1252 = arith.constant 0 : i32
      %dma_wait3A_1253 = tpu.memref_slice %arg8[%dma_wait3A_1248, %dma_wait3A_1251, %dma_wait3A_1252] : memref<4x800x8xf32, #tpu.memory_space<vmem>> -> memref<1x800x8xf32, #tpu.memory_space<vmem>>
      %dma_wait3A_1254 = tpu.memref_squeeze %dma_wait3A_1253 : memref<1x800x8xf32, #tpu.memory_space<vmem>> -> memref<800x8xf32, #tpu.memory_space<vmem>>
      %dma_wait3A_1255 = arith.constant 0 : i32
      %dma_wait3A_1256 = tpu.memref_slice %arg7[%dma_wait3A_1249, %dma_wait3A_1255] : memref<15x800xi32, #tpu.memory_space<vmem>> -> memref<1x800xi32, #tpu.memory_space<vmem>>
      %dma_wait3A_1257 = tpu.memref_squeeze %dma_wait3A_1256 : memref<1x800xi32, #tpu.memory_space<vmem>> -> memref<800xi32, #tpu.memory_space<vmem>>
      %dma_wait3A_1258 = arith.constant 0 : i32
      %dma_wait3A_1259 = arith.constant 0 : i32
      %dma_wait3A_1260 = tpu.memref_slice %arg9[%dma_wait3A_1258, %dma_wait3A_1259] : memref<10240x8xf32, #tpu.memory_space<vmem_shared>> -> memref<10240x8xf32, #tpu.memory_space<vmem_shared>>
      %dma_wait3A_1261 = tpu.memref_slice %arg12[%dma_wait3A_1250] : memref<4x!tpu.dma_semaphore, #tpu.memory_space<semaphore_mem>> -> memref<1x!tpu.dma_semaphore, #tpu.memory_space<semaphore_mem>>
      %dma_wait3A_1262 = tpu.memref_squeeze %dma_wait3A_1261 : memref<1x!tpu.dma_semaphore, #tpu.memory_space<semaphore_mem>> -> memref<!tpu.dma_semaphore, #tpu.memory_space<semaphore_mem>>
      tpu.wait_indirect_dma semaphore(%dma_wait3A_1262 : memref<!tpu.dma_semaphore, #tpu.memory_space<semaphore_mem>>) src(%dma_wait3A_1254 : memref<800x8xf32, #tpu.memory_space<vmem>>) dst(%dma_wait3A_1260 : memref<10240x8xf32, #tpu.memory_space<vmem_shared>>)
      %dma_start3A_1263 = arith.constant 2 : i32
      %dma_start3A_1264 = arith.constant 2 : i32
      %dma_start3A_1265 = arith.constant 0 : i32
      %dma_start3A_1266 = arith.constant 0 : i32
      %dma_start3A_1267 = tpu.memref_slice %arg8[%dma_start3A_1263, %dma_start3A_1265, %dma_start3A_1266] : memref<4x800x8xf32, #tpu.memory_space<vmem>> -> memref<1x800x8xf32, #tpu.memory_space<vmem>>
      %dma_start3A_1268 = tpu.memref_squeeze %dma_start3A_1267 : memref<1x800x8xf32, #tpu.memory_space<vmem>> -> memref<800x8xf32, #tpu.memory_space<vmem>>
      %dma_start3A_1269 = arith.constant 11200 : i32
      %dma_start3A_1270 = tpu.memref_slice %arg6[%dma_start3A_1269] : memref<12000xi32, #tpu.memory_space<vmem>> -> memref<800xi32, #tpu.memory_space<vmem>>
      %dma_start3A_1271 = arith.constant 0 : i32
      %dma_start3A_1272 = arith.constant 0 : i32
      %dma_start3A_1273 = tpu.memref_slice %arg4[%dma_start3A_1271, %dma_start3A_1272] : memref<10240x8xf32, #tpu.memory_space<hbm>> -> memref<10240x8xf32, #tpu.memory_space<hbm>>
      %dma_start3A_1274 = tpu.memref_slice %arg11[%dma_start3A_1264] : memref<4x!tpu.dma_semaphore, #tpu.memory_space<semaphore_mem>> -> memref<1x!tpu.dma_semaphore, #tpu.memory_space<semaphore_mem>>
      %dma_start3A_1275 = tpu.memref_squeeze %dma_start3A_1274 : memref<1x!tpu.dma_semaphore, #tpu.memory_space<semaphore_mem>> -> memref<!tpu.dma_semaphore, #tpu.memory_space<semaphore_mem>>
      tpu.enqueue_indirect_dma source(%dma_start3A_1273 : memref<10240x8xf32, #tpu.memory_space<hbm>>) target(%dma_start3A_1268 : memref<800x8xf32, #tpu.memory_space<vmem>>) offsets(%dma_start3A_1270 : memref<800xi32, #tpu.memory_space<vmem>>) semaphore(%dma_start3A_1275 : memref<!tpu.dma_semaphore, #tpu.memory_space<semaphore_mem>>)
      %dma_wait3A_1276 = arith.constant 0 : i32
      %dma_wait3A_1277 = arith.constant 0 : i32
      %dma_wait3A_1278 = arith.constant 0 : i32
      %dma_wait3A_1279 = arith.constant 0 : i32
      %dma_wait3A_1280 = tpu.memref_slice %arg8[%dma_wait3A_1276, %dma_wait3A_1278, %dma_wait3A_1279] : memref<4x800x8xf32, #tpu.memory_space<vmem>> -> memref<1x800x8xf32, #tpu.memory_space<vmem>>
      %dma_wait3A_1281 = tpu.memref_squeeze %dma_wait3A_1280 : memref<1x800x8xf32, #tpu.memory_space<vmem>> -> memref<800x8xf32, #tpu.memory_space<vmem>>
      %dma_wait3A_1282 = arith.constant 9600 : i32
      %dma_wait3A_1283 = tpu.memref_slice %arg6[%dma_wait3A_1282] : memref<12000xi32, #tpu.memory_space<vmem>> -> memref<800xi32, #tpu.memory_space<vmem>>
      %dma_wait3A_1284 = arith.constant 0 : i32
      %dma_wait3A_1285 = arith.constant 0 : i32
      %dma_wait3A_1286 = tpu.memref_slice %arg4[%dma_wait3A_1284, %dma_wait3A_1285] : memref<10240x8xf32, #tpu.memory_space<hbm>> -> memref<10240x8xf32, #tpu.memory_space<hbm>>
      %dma_wait3A_1287 = tpu.memref_slice %arg11[%dma_wait3A_1277] : memref<4x!tpu.dma_semaphore, #tpu.memory_space<semaphore_mem>> -> memref<1x!tpu.dma_semaphore, #tpu.memory_space<semaphore_mem>>
      %dma_wait3A_1288 = tpu.memref_squeeze %dma_wait3A_1287 : memref<1x!tpu.dma_semaphore, #tpu.memory_space<semaphore_mem>> -> memref<!tpu.dma_semaphore, #tpu.memory_space<semaphore_mem>>
      tpu.wait_indirect_dma semaphore(%dma_wait3A_1288 : memref<!tpu.dma_semaphore, #tpu.memory_space<semaphore_mem>>) src(%dma_wait3A_1286 : memref<10240x8xf32, #tpu.memory_space<hbm>>) dst(%dma_wait3A_1281 : memref<800x8xf32, #tpu.memory_space<vmem>>)
      %dma_start3A_1289 = arith.constant 0 : i32
      %dma_start3A_1290 = arith.constant 12 : i32
      %dma_start3A_1291 = arith.constant 0 : i32
      %dma_start3A_1292 = arith.constant 0 : i32
      %dma_start3A_1293 = arith.constant 0 : i32
      %dma_start3A_1294 = tpu.memref_slice %arg8[%dma_start3A_1289, %dma_start3A_1292, %dma_start3A_1293] : memref<4x800x8xf32, #tpu.memory_space<vmem>> -> memref<1x800x8xf32, #tpu.memory_space<vmem>>
      %dma_start3A_1295 = tpu.memref_squeeze %dma_start3A_1294 : memref<1x800x8xf32, #tpu.memory_space<vmem>> -> memref<800x8xf32, #tpu.memory_space<vmem>>
      %dma_start3A_1296 = arith.constant 0 : i32
      %dma_start3A_1297 = tpu.memref_slice %arg7[%dma_start3A_1290, %dma_start3A_1296] : memref<15x800xi32, #tpu.memory_space<vmem>> -> memref<1x800xi32, #tpu.memory_space<vmem>>
      %dma_start3A_1298 = tpu.memref_squeeze %dma_start3A_1297 : memref<1x800xi32, #tpu.memory_space<vmem>> -> memref<800xi32, #tpu.memory_space<vmem>>
      %dma_start3A_1299 = arith.constant 0 : i32
      %dma_start3A_1300 = arith.constant 0 : i32
      %dma_start3A_1301 = tpu.memref_slice %arg9[%dma_start3A_1299, %dma_start3A_1300] : memref<10240x8xf32, #tpu.memory_space<vmem_shared>> -> memref<10240x8xf32, #tpu.memory_space<vmem_shared>>
      %dma_start3A_1302 = tpu.memref_slice %arg12[%dma_start3A_1291] : memref<4x!tpu.dma_semaphore, #tpu.memory_space<semaphore_mem>> -> memref<1x!tpu.dma_semaphore, #tpu.memory_space<semaphore_mem>>
      %dma_start3A_1303 = tpu.memref_squeeze %dma_start3A_1302 : memref<1x!tpu.dma_semaphore, #tpu.memory_space<semaphore_mem>> -> memref<!tpu.dma_semaphore, #tpu.memory_space<semaphore_mem>>
      tpu.enqueue_indirect_dma source(%dma_start3A_1295 : memref<800x8xf32, #tpu.memory_space<vmem>>) target(%dma_start3A_1301 : memref<10240x8xf32, #tpu.memory_space<vmem_shared>>) offsets(%dma_start3A_1298 : memref<800xi32, #tpu.memory_space<vmem>>) semaphore(%dma_start3A_1303 : memref<!tpu.dma_semaphore, #tpu.memory_space<semaphore_mem>>) {add = true}
      %dma_wait3A_1304 = arith.constant 1 : i32
      %dma_wait3A_1305 = arith.constant 1 : i32
      %dma_wait3A_1306 = arith.constant 0 : i32
      %dma_wait3A_1307 = arith.constant 0 : i32
      %dma_wait3A_1308 = tpu.memref_slice %arg8[%dma_wait3A_1304, %dma_wait3A_1306, %dma_wait3A_1307] : memref<4x800x8xf32, #tpu.memory_space<vmem>> -> memref<1x800x8xf32, #tpu.memory_space<vmem>>
      %dma_wait3A_1309 = tpu.memref_squeeze %dma_wait3A_1308 : memref<1x800x8xf32, #tpu.memory_space<vmem>> -> memref<800x8xf32, #tpu.memory_space<vmem>>
      %dma_wait3A_1310 = arith.constant 10400 : i32
      %dma_wait3A_1311 = tpu.memref_slice %arg6[%dma_wait3A_1310] : memref<12000xi32, #tpu.memory_space<vmem>> -> memref<800xi32, #tpu.memory_space<vmem>>
      %dma_wait3A_1312 = arith.constant 0 : i32
      %dma_wait3A_1313 = arith.constant 0 : i32
      %dma_wait3A_1314 = tpu.memref_slice %arg4[%dma_wait3A_1312, %dma_wait3A_1313] : memref<10240x8xf32, #tpu.memory_space<hbm>> -> memref<10240x8xf32, #tpu.memory_space<hbm>>
      %dma_wait3A_1315 = tpu.memref_slice %arg11[%dma_wait3A_1305] : memref<4x!tpu.dma_semaphore, #tpu.memory_space<semaphore_mem>> -> memref<1x!tpu.dma_semaphore, #tpu.memory_space<semaphore_mem>>
      %dma_wait3A_1316 = tpu.memref_squeeze %dma_wait3A_1315 : memref<1x!tpu.dma_semaphore, #tpu.memory_space<semaphore_mem>> -> memref<!tpu.dma_semaphore, #tpu.memory_space<semaphore_mem>>
      tpu.wait_indirect_dma semaphore(%dma_wait3A_1316 : memref<!tpu.dma_semaphore, #tpu.memory_space<semaphore_mem>>) src(%dma_wait3A_1314 : memref<10240x8xf32, #tpu.memory_space<hbm>>) dst(%dma_wait3A_1309 : memref<800x8xf32, #tpu.memory_space<vmem>>)
      %dma_start3A_1317 = arith.constant 1 : i32
      %dma_start3A_1318 = arith.constant 13 : i32
      %dma_start3A_1319 = arith.constant 1 : i32
      %dma_start3A_1320 = arith.constant 0 : i32
      %dma_start3A_1321 = arith.constant 0 : i32
      %dma_start3A_1322 = tpu.memref_slice %arg8[%dma_start3A_1317, %dma_start3A_1320, %dma_start3A_1321] : memref<4x800x8xf32, #tpu.memory_space<vmem>> -> memref<1x800x8xf32, #tpu.memory_space<vmem>>
      %dma_start3A_1323 = tpu.memref_squeeze %dma_start3A_1322 : memref<1x800x8xf32, #tpu.memory_space<vmem>> -> memref<800x8xf32, #tpu.memory_space<vmem>>
      %dma_start3A_1324 = arith.constant 0 : i32
      %dma_start3A_1325 = tpu.memref_slice %arg7[%dma_start3A_1318, %dma_start3A_1324] : memref<15x800xi32, #tpu.memory_space<vmem>> -> memref<1x800xi32, #tpu.memory_space<vmem>>
      %dma_start3A_1326 = tpu.memref_squeeze %dma_start3A_1325 : memref<1x800xi32, #tpu.memory_space<vmem>> -> memref<800xi32, #tpu.memory_space<vmem>>
      %dma_start3A_1327 = arith.constant 0 : i32
      %dma_start3A_1328 = arith.constant 0 : i32
      %dma_start3A_1329 = tpu.memref_slice %arg9[%dma_start3A_1327, %dma_start3A_1328] : memref<10240x8xf32, #tpu.memory_space<vmem_shared>> -> memref<10240x8xf32, #tpu.memory_space<vmem_shared>>
      %dma_start3A_1330 = tpu.memref_slice %arg12[%dma_start3A_1319] : memref<4x!tpu.dma_semaphore, #tpu.memory_space<semaphore_mem>> -> memref<1x!tpu.dma_semaphore, #tpu.memory_space<semaphore_mem>>
      %dma_start3A_1331 = tpu.memref_squeeze %dma_start3A_1330 : memref<1x!tpu.dma_semaphore, #tpu.memory_space<semaphore_mem>> -> memref<!tpu.dma_semaphore, #tpu.memory_space<semaphore_mem>>
      tpu.enqueue_indirect_dma source(%dma_start3A_1323 : memref<800x8xf32, #tpu.memory_space<vmem>>) target(%dma_start3A_1329 : memref<10240x8xf32, #tpu.memory_space<vmem_shared>>) offsets(%dma_start3A_1326 : memref<800xi32, #tpu.memory_space<vmem>>) semaphore(%dma_start3A_1331 : memref<!tpu.dma_semaphore, #tpu.memory_space<semaphore_mem>>) {add = true}
      %dma_wait3A_1332 = arith.constant 2 : i32
      %dma_wait3A_1333 = arith.constant 2 : i32
      %dma_wait3A_1334 = arith.constant 0 : i32
      %dma_wait3A_1335 = arith.constant 0 : i32
      %dma_wait3A_1336 = tpu.memref_slice %arg8[%dma_wait3A_1332, %dma_wait3A_1334, %dma_wait3A_1335] : memref<4x800x8xf32, #tpu.memory_space<vmem>> -> memref<1x800x8xf32, #tpu.memory_space<vmem>>
      %dma_wait3A_1337 = tpu.memref_squeeze %dma_wait3A_1336 : memref<1x800x8xf32, #tpu.memory_space<vmem>> -> memref<800x8xf32, #tpu.memory_space<vmem>>
      %dma_wait3A_1338 = arith.constant 11200 : i32
      %dma_wait3A_1339 = tpu.memref_slice %arg6[%dma_wait3A_1338] : memref<12000xi32, #tpu.memory_space<vmem>> -> memref<800xi32, #tpu.memory_space<vmem>>
      %dma_wait3A_1340 = arith.constant 0 : i32
      %dma_wait3A_1341 = arith.constant 0 : i32
      %dma_wait3A_1342 = tpu.memref_slice %arg4[%dma_wait3A_1340, %dma_wait3A_1341] : memref<10240x8xf32, #tpu.memory_space<hbm>> -> memref<10240x8xf32, #tpu.memory_space<hbm>>
      %dma_wait3A_1343 = tpu.memref_slice %arg11[%dma_wait3A_1333] : memref<4x!tpu.dma_semaphore, #tpu.memory_space<semaphore_mem>> -> memref<1x!tpu.dma_semaphore, #tpu.memory_space<semaphore_mem>>
      %dma_wait3A_1344 = tpu.memref_squeeze %dma_wait3A_1343 : memref<1x!tpu.dma_semaphore, #tpu.memory_space<semaphore_mem>> -> memref<!tpu.dma_semaphore, #tpu.memory_space<semaphore_mem>>
      tpu.wait_indirect_dma semaphore(%dma_wait3A_1344 : memref<!tpu.dma_semaphore, #tpu.memory_space<semaphore_mem>>) src(%dma_wait3A_1342 : memref<10240x8xf32, #tpu.memory_space<hbm>>) dst(%dma_wait3A_1337 : memref<800x8xf32, #tpu.memory_space<vmem>>)
      %dma_start3A_1345 = arith.constant 2 : i32
      %dma_start3A_1346 = arith.constant 14 : i32
      %dma_start3A_1347 = arith.constant 2 : i32
      %dma_start3A_1348 = arith.constant 0 : i32
      %dma_start3A_1349 = arith.constant 0 : i32
      %dma_start3A_1350 = tpu.memref_slice %arg8[%dma_start3A_1345, %dma_start3A_1348, %dma_start3A_1349] : memref<4x800x8xf32, #tpu.memory_space<vmem>> -> memref<1x800x8xf32, #tpu.memory_space<vmem>>
      %dma_start3A_1351 = tpu.memref_squeeze %dma_start3A_1350 : memref<1x800x8xf32, #tpu.memory_space<vmem>> -> memref<800x8xf32, #tpu.memory_space<vmem>>
      %dma_start3A_1352 = arith.constant 0 : i32
      %dma_start3A_1353 = tpu.memref_slice %arg7[%dma_start3A_1346, %dma_start3A_1352] : memref<15x800xi32, #tpu.memory_space<vmem>> -> memref<1x800xi32, #tpu.memory_space<vmem>>
      %dma_start3A_1354 = tpu.memref_squeeze %dma_start3A_1353 : memref<1x800xi32, #tpu.memory_space<vmem>> -> memref<800xi32, #tpu.memory_space<vmem>>
      %dma_start3A_1355 = arith.constant 0 : i32
      %dma_start3A_1356 = arith.constant 0 : i32
      %dma_start3A_1357 = tpu.memref_slice %arg9[%dma_start3A_1355, %dma_start3A_1356] : memref<10240x8xf32, #tpu.memory_space<vmem_shared>> -> memref<10240x8xf32, #tpu.memory_space<vmem_shared>>
      %dma_start3A_1358 = tpu.memref_slice %arg12[%dma_start3A_1347] : memref<4x!tpu.dma_semaphore, #tpu.memory_space<semaphore_mem>> -> memref<1x!tpu.dma_semaphore, #tpu.memory_space<semaphore_mem>>
      %dma_start3A_1359 = tpu.memref_squeeze %dma_start3A_1358 : memref<1x!tpu.dma_semaphore, #tpu.memory_space<semaphore_mem>> -> memref<!tpu.dma_semaphore, #tpu.memory_space<semaphore_mem>>
      tpu.enqueue_indirect_dma source(%dma_start3A_1351 : memref<800x8xf32, #tpu.memory_space<vmem>>) target(%dma_start3A_1357 : memref<10240x8xf32, #tpu.memory_space<vmem_shared>>) offsets(%dma_start3A_1354 : memref<800xi32, #tpu.memory_space<vmem>>) semaphore(%dma_start3A_1359 : memref<!tpu.dma_semaphore, #tpu.memory_space<semaphore_mem>>) {add = true}
      %dma_wait3A_1360 = arith.constant 3 : i32
      %dma_wait3A_1361 = arith.constant 11 : i32
      %dma_wait3A_1362 = arith.constant 3 : i32
      %dma_wait3A_1363 = arith.constant 0 : i32
      %dma_wait3A_1364 = arith.constant 0 : i32
      %dma_wait3A_1365 = tpu.memref_slice %arg8[%dma_wait3A_1360, %dma_wait3A_1363, %dma_wait3A_1364] : memref<4x800x8xf32, #tpu.memory_space<vmem>> -> memref<1x800x8xf32, #tpu.memory_space<vmem>>
      %dma_wait3A_1366 = tpu.memref_squeeze %dma_wait3A_1365 : memref<1x800x8xf32, #tpu.memory_space<vmem>> -> memref<800x8xf32, #tpu.memory_space<vmem>>
      %dma_wait3A_1367 = arith.constant 0 : i32
      %dma_wait3A_1368 = tpu.memref_slice %arg7[%dma_wait3A_1361, %dma_wait3A_1367] : memref<15x800xi32, #tpu.memory_space<vmem>> -> memref<1x800xi32, #tpu.memory_space<vmem>>
      %dma_wait3A_1369 = tpu.memref_squeeze %dma_wait3A_1368 : memref<1x800xi32, #tpu.memory_space<vmem>> -> memref<800xi32, #tpu.memory_space<vmem>>
      %dma_wait3A_1370 = arith.constant 0 : i32
      %dma_wait3A_1371 = arith.constant 0 : i32
      %dma_wait3A_1372 = tpu.memref_slice %arg9[%dma_wait3A_1370, %dma_wait3A_1371] : memref<10240x8xf32, #tpu.memory_space<vmem_shared>> -> memref<10240x8xf32, #tpu.memory_space<vmem_shared>>
      %dma_wait3A_1373 = tpu.memref_slice %arg12[%dma_wait3A_1362] : memref<4x!tpu.dma_semaphore, #tpu.memory_space<semaphore_mem>> -> memref<1x!tpu.dma_semaphore, #tpu.memory_space<semaphore_mem>>
      %dma_wait3A_1374 = tpu.memref_squeeze %dma_wait3A_1373 : memref<1x!tpu.dma_semaphore, #tpu.memory_space<semaphore_mem>> -> memref<!tpu.dma_semaphore, #tpu.memory_space<semaphore_mem>>
      tpu.wait_indirect_dma semaphore(%dma_wait3A_1374 : memref<!tpu.dma_semaphore, #tpu.memory_space<semaphore_mem>>) src(%dma_wait3A_1366 : memref<800x8xf32, #tpu.memory_space<vmem>>) dst(%dma_wait3A_1372 : memref<10240x8xf32, #tpu.memory_space<vmem_shared>>)
      %dma_wait3A_1375 = arith.constant 0 : i32
      %dma_wait3A_1376 = arith.constant 12 : i32
      %dma_wait3A_1377 = arith.constant 0 : i32
      %dma_wait3A_1378 = arith.constant 0 : i32
      %dma_wait3A_1379 = arith.constant 0 : i32
      %dma_wait3A_1380 = tpu.memref_slice %arg8[%dma_wait3A_1375, %dma_wait3A_1378, %dma_wait3A_1379] : memref<4x800x8xf32, #tpu.memory_space<vmem>> -> memref<1x800x8xf32, #tpu.memory_space<vmem>>
      %dma_wait3A_1381 = tpu.memref_squeeze %dma_wait3A_1380 : memref<1x800x8xf32, #tpu.memory_space<vmem>> -> memref<800x8xf32, #tpu.memory_space<vmem>>
      %dma_wait3A_1382 = arith.constant 0 : i32
      %dma_wait3A_1383 = tpu.memref_slice %arg7[%dma_wait3A_1376, %dma_wait3A_1382] : memref<15x800xi32, #tpu.memory_space<vmem>> -> memref<1x800xi32, #tpu.memory_space<vmem>>
      %dma_wait3A_1384 = tpu.memref_squeeze %dma_wait3A_1383 : memref<1x800xi32, #tpu.memory_space<vmem>> -> memref<800xi32, #tpu.memory_space<vmem>>
      %dma_wait3A_1385 = arith.constant 0 : i32
      %dma_wait3A_1386 = arith.constant 0 : i32
      %dma_wait3A_1387 = tpu.memref_slice %arg9[%dma_wait3A_1385, %dma_wait3A_1386] : memref<10240x8xf32, #tpu.memory_space<vmem_shared>> -> memref<10240x8xf32, #tpu.memory_space<vmem_shared>>
      %dma_wait3A_1388 = tpu.memref_slice %arg12[%dma_wait3A_1377] : memref<4x!tpu.dma_semaphore, #tpu.memory_space<semaphore_mem>> -> memref<1x!tpu.dma_semaphore, #tpu.memory_space<semaphore_mem>>
      %dma_wait3A_1389 = tpu.memref_squeeze %dma_wait3A_1388 : memref<1x!tpu.dma_semaphore, #tpu.memory_space<semaphore_mem>> -> memref<!tpu.dma_semaphore, #tpu.memory_space<semaphore_mem>>
      tpu.wait_indirect_dma semaphore(%dma_wait3A_1389 : memref<!tpu.dma_semaphore, #tpu.memory_space<semaphore_mem>>) src(%dma_wait3A_1381 : memref<800x8xf32, #tpu.memory_space<vmem>>) dst(%dma_wait3A_1387 : memref<10240x8xf32, #tpu.memory_space<vmem_shared>>)
      %dma_wait3A_1390 = arith.constant 1 : i32
      %dma_wait3A_1391 = arith.constant 13 : i32
      %dma_wait3A_1392 = arith.constant 1 : i32
      %dma_wait3A_1393 = arith.constant 0 : i32
      %dma_wait3A_1394 = arith.constant 0 : i32
      %dma_wait3A_1395 = tpu.memref_slice %arg8[%dma_wait3A_1390, %dma_wait3A_1393, %dma_wait3A_1394] : memref<4x800x8xf32, #tpu.memory_space<vmem>> -> memref<1x800x8xf32, #tpu.memory_space<vmem>>
      %dma_wait3A_1396 = tpu.memref_squeeze %dma_wait3A_1395 : memref<1x800x8xf32, #tpu.memory_space<vmem>> -> memref<800x8xf32, #tpu.memory_space<vmem>>
      %dma_wait3A_1397 = arith.constant 0 : i32
      %dma_wait3A_1398 = tpu.memref_slice %arg7[%dma_wait3A_1391, %dma_wait3A_1397] : memref<15x800xi32, #tpu.memory_space<vmem>> -> memref<1x800xi32, #tpu.memory_space<vmem>>
      %dma_wait3A_1399 = tpu.memref_squeeze %dma_wait3A_1398 : memref<1x800xi32, #tpu.memory_space<vmem>> -> memref<800xi32, #tpu.memory_space<vmem>>
      %dma_wait3A_1400 = arith.constant 0 : i32
      %dma_wait3A_1401 = arith.constant 0 : i32
      %dma_wait3A_1402 = tpu.memref_slice %arg9[%dma_wait3A_1400, %dma_wait3A_1401] : memref<10240x8xf32, #tpu.memory_space<vmem_shared>> -> memref<10240x8xf32, #tpu.memory_space<vmem_shared>>
      %dma_wait3A_1403 = tpu.memref_slice %arg12[%dma_wait3A_1392] : memref<4x!tpu.dma_semaphore, #tpu.memory_space<semaphore_mem>> -> memref<1x!tpu.dma_semaphore, #tpu.memory_space<semaphore_mem>>
      %dma_wait3A_1404 = tpu.memref_squeeze %dma_wait3A_1403 : memref<1x!tpu.dma_semaphore, #tpu.memory_space<semaphore_mem>> -> memref<!tpu.dma_semaphore, #tpu.memory_space<semaphore_mem>>
      tpu.wait_indirect_dma semaphore(%dma_wait3A_1404 : memref<!tpu.dma_semaphore, #tpu.memory_space<semaphore_mem>>) src(%dma_wait3A_1396 : memref<800x8xf32, #tpu.memory_space<vmem>>) dst(%dma_wait3A_1402 : memref<10240x8xf32, #tpu.memory_space<vmem_shared>>)
      %dma_wait3A_1405 = arith.constant 2 : i32
      %dma_wait3A_1406 = arith.constant 14 : i32
      %dma_wait3A_1407 = arith.constant 2 : i32
      %dma_wait3A_1408 = arith.constant 0 : i32
      %dma_wait3A_1409 = arith.constant 0 : i32
      %dma_wait3A_1410 = tpu.memref_slice %arg8[%dma_wait3A_1405, %dma_wait3A_1408, %dma_wait3A_1409] : memref<4x800x8xf32, #tpu.memory_space<vmem>> -> memref<1x800x8xf32, #tpu.memory_space<vmem>>
      %dma_wait3A_1411 = tpu.memref_squeeze %dma_wait3A_1410 : memref<1x800x8xf32, #tpu.memory_space<vmem>> -> memref<800x8xf32, #tpu.memory_space<vmem>>
      %dma_wait3A_1412 = arith.constant 0 : i32
      %dma_wait3A_1413 = tpu.memref_slice %arg7[%dma_wait3A_1406, %dma_wait3A_1412] : memref<15x800xi32, #tpu.memory_space<vmem>> -> memref<1x800xi32, #tpu.memory_space<vmem>>
      %dma_wait3A_1414 = tpu.memref_squeeze %dma_wait3A_1413 : memref<1x800xi32, #tpu.memory_space<vmem>> -> memref<800xi32, #tpu.memory_space<vmem>>
      %dma_wait3A_1415 = arith.constant 0 : i32
      %dma_wait3A_1416 = arith.constant 0 : i32
      %dma_wait3A_1417 = tpu.memref_slice %arg9[%dma_wait3A_1415, %dma_wait3A_1416] : memref<10240x8xf32, #tpu.memory_space<vmem_shared>> -> memref<10240x8xf32, #tpu.memory_space<vmem_shared>>
      %dma_wait3A_1418 = tpu.memref_slice %arg12[%dma_wait3A_1407] : memref<4x!tpu.dma_semaphore, #tpu.memory_space<semaphore_mem>> -> memref<1x!tpu.dma_semaphore, #tpu.memory_space<semaphore_mem>>
      %dma_wait3A_1419 = tpu.memref_squeeze %dma_wait3A_1418 : memref<1x!tpu.dma_semaphore, #tpu.memory_space<semaphore_mem>> -> memref<!tpu.dma_semaphore, #tpu.memory_space<semaphore_mem>>
      tpu.wait_indirect_dma semaphore(%dma_wait3A_1419 : memref<!tpu.dma_semaphore, #tpu.memory_space<semaphore_mem>>) src(%dma_wait3A_1411 : memref<800x8xf32, #tpu.memory_space<vmem>>) dst(%dma_wait3A_1417 : memref<10240x8xf32, #tpu.memory_space<vmem_shared>>)
    } else {
    }
    %eq3A_5 = arith.constant 1 : i32
    %eq3A_6 = arith.cmpi eq, %arg0, %eq3A_5 : i32
    %convert_element_type3A_7 = arith.extui %eq3A_6 : i1 to i32
    %cond3A_8 = arith.constant 0 : i32
    %cond3A_9 = arith.cmpi ne, %convert_element_type3A_7, %cond3A_8 : i32
    scf.if %cond3A_9 {
      %mul3A_14 = arith.constant 8000 : i32
      %mul3A_15 = arith.muli %arg1, %mul3A_14 : i32
      %add3A = arith.constant 192000 : i32
      %add3A_16 = arith.addi %add3A, %mul3A_15 : i32
      %dma_start3A = arith.constant 0 : i32
      %dma_start3A_17 = arith.constant 0 : i32
      %dma_start3A_18 = tpu.memref_slice %arg6[%dma_start3A_17] : memref<12000xi32, #tpu.memory_space<vmem>> -> memref<8000xi32, #tpu.memory_space<vmem>>
      %dma_start3A_19 = arith.constant 0 : i32
      %dma_start3A_20 = tpu.memref_slice %arg2[%dma_start3A, %dma_start3A_19] : memref<2x320000xi32, #tpu.memory_space<hbm>> -> memref<1x320000xi32, #tpu.memory_space<hbm>>
      %dma_start3A_21 = tpu.memref_squeeze %dma_start3A_20 : memref<1x320000xi32, #tpu.memory_space<hbm>> -> memref<320000xi32, #tpu.memory_space<hbm>>
      %dma_start3A_22 = tpu.memref_slice %dma_start3A_21[%add3A_16] : memref<320000xi32, #tpu.memory_space<hbm>> -> memref<8000xi32, #tpu.memory_space<hbm>>
      %dma_start3A_23 = arith.constant 0 : i32
      %dma_start3A_24 = tpu.memref_slice %arg6[%dma_start3A_23] : memref<12000xi32, #tpu.memory_space<vmem>> -> memref<8000xi32, #tpu.memory_space<vmem>>
      %dma_start3A_25 = arith.constant 0 : i32
      %dma_start3A_26 = tpu.memref_slice %arg2[%dma_start3A, %dma_start3A_25] : memref<2x320000xi32, #tpu.memory_space<hbm>> -> memref<1x320000xi32, #tpu.memory_space<hbm>>
      %dma_start3A_27 = tpu.memref_squeeze %dma_start3A_26 : memref<1x320000xi32, #tpu.memory_space<hbm>> -> memref<320000xi32, #tpu.memory_space<hbm>>
      %dma_start3A_28 = tpu.memref_slice %dma_start3A_27[%add3A_16] : memref<320000xi32, #tpu.memory_space<hbm>> -> memref<8000xi32, #tpu.memory_space<hbm>>
      tpu.enqueue_dma source(%dma_start3A_28 : memref<8000xi32, #tpu.memory_space<hbm>>) target(%dma_start3A_24 : memref<8000xi32, #tpu.memory_space<vmem>>) target_semaphore(%arg10 : memref<!tpu.dma_semaphore, #tpu.memory_space<semaphore_mem>>)
      %add3A_29 = arith.constant 0 : i32
      %add3A_30 = arith.addi %add3A_16, %add3A_29 : i32
      %dma_start3A_31 = arith.constant 1 : i32
      %dma_start3A_32 = arith.constant 0 : i32
      %dma_start3A_33 = arith.constant 0 : i32
      %dma_start3A_34 = tpu.memref_slice %arg7[%dma_start3A_32, %dma_start3A_33] : memref<15x800xi32, #tpu.memory_space<vmem>> -> memref<1x800xi32, #tpu.memory_space<vmem>>
      %dma_start3A_35 = tpu.memref_squeeze %dma_start3A_34 : memref<1x800xi32, #tpu.memory_space<vmem>> -> memref<800xi32, #tpu.memory_space<vmem>>
      %dma_start3A_36 = arith.constant 0 : i32
      %dma_start3A_37 = tpu.memref_slice %arg2[%dma_start3A_31, %dma_start3A_36] : memref<2x320000xi32, #tpu.memory_space<hbm>> -> memref<1x320000xi32, #tpu.memory_space<hbm>>
      %dma_start3A_38 = tpu.memref_squeeze %dma_start3A_37 : memref<1x320000xi32, #tpu.memory_space<hbm>> -> memref<320000xi32, #tpu.memory_space<hbm>>
      %dma_start3A_39 = tpu.memref_slice %dma_start3A_38[%add3A_30] : memref<320000xi32, #tpu.memory_space<hbm>> -> memref<800xi32, #tpu.memory_space<hbm>>
      %dma_start3A_40 = arith.constant 0 : i32
      %dma_start3A_41 = tpu.memref_slice %arg7[%dma_start3A_32, %dma_start3A_40] : memref<15x800xi32, #tpu.memory_space<vmem>> -> memref<1x800xi32, #tpu.memory_space<vmem>>
      %dma_start3A_42 = tpu.memref_squeeze %dma_start3A_41 : memref<1x800xi32, #tpu.memory_space<vmem>> -> memref<800xi32, #tpu.memory_space<vmem>>
      %dma_start3A_43 = arith.constant 0 : i32
      %dma_start3A_44 = tpu.memref_slice %arg2[%dma_start3A_31, %dma_start3A_43] : memref<2x320000xi32, #tpu.memory_space<hbm>> -> memref<1x320000xi32, #tpu.memory_space<hbm>>
      %dma_start3A_45 = tpu.memref_squeeze %dma_start3A_44 : memref<1x320000xi32, #tpu.memory_space<hbm>> -> memref<320000xi32, #tpu.memory_space<hbm>>
      %dma_start3A_46 = tpu.memref_slice %dma_start3A_45[%add3A_30] : memref<320000xi32, #tpu.memory_space<hbm>> -> memref<800xi32, #tpu.memory_space<hbm>>
      tpu.enqueue_dma source(%dma_start3A_46 : memref<800xi32, #tpu.memory_space<hbm>>) target(%dma_start3A_42 : memref<800xi32, #tpu.memory_space<vmem>>) target_semaphore(%arg10 : memref<!tpu.dma_semaphore, #tpu.memory_space<semaphore_mem>>)
      %add3A_47 = arith.constant 800 : i32
      %add3A_48 = arith.addi %add3A_16, %add3A_47 : i32
      %dma_start3A_49 = arith.constant 1 : i32
      %dma_start3A_50 = arith.constant 1 : i32
      %dma_start3A_51 = arith.constant 0 : i32
      %dma_start3A_52 = tpu.memref_slice %arg7[%dma_start3A_50, %dma_start3A_51] : memref<15x800xi32, #tpu.memory_space<vmem>> -> memref<1x800xi32, #tpu.memory_space<vmem>>
      %dma_start3A_53 = tpu.memref_squeeze %dma_start3A_52 : memref<1x800xi32, #tpu.memory_space<vmem>> -> memref<800xi32, #tpu.memory_space<vmem>>
      %dma_start3A_54 = arith.constant 0 : i32
      %dma_start3A_55 = tpu.memref_slice %arg2[%dma_start3A_49, %dma_start3A_54] : memref<2x320000xi32, #tpu.memory_space<hbm>> -> memref<1x320000xi32, #tpu.memory_space<hbm>>
      %dma_start3A_56 = tpu.memref_squeeze %dma_start3A_55 : memref<1x320000xi32, #tpu.memory_space<hbm>> -> memref<320000xi32, #tpu.memory_space<hbm>>
      %dma_start3A_57 = tpu.memref_slice %dma_start3A_56[%add3A_48] : memref<320000xi32, #tpu.memory_space<hbm>> -> memref<800xi32, #tpu.memory_space<hbm>>
      %dma_start3A_58 = arith.constant 0 : i32
      %dma_start3A_59 = tpu.memref_slice %arg7[%dma_start3A_50, %dma_start3A_58] : memref<15x800xi32, #tpu.memory_space<vmem>> -> memref<1x800xi32, #tpu.memory_space<vmem>>
      %dma_start3A_60 = tpu.memref_squeeze %dma_start3A_59 : memref<1x800xi32, #tpu.memory_space<vmem>> -> memref<800xi32, #tpu.memory_space<vmem>>
      %dma_start3A_61 = arith.constant 0 : i32
      %dma_start3A_62 = tpu.memref_slice %arg2[%dma_start3A_49, %dma_start3A_61] : memref<2x320000xi32, #tpu.memory_space<hbm>> -> memref<1x320000xi32, #tpu.memory_space<hbm>>
      %dma_start3A_63 = tpu.memref_squeeze %dma_start3A_62 : memref<1x320000xi32, #tpu.memory_space<hbm>> -> memref<320000xi32, #tpu.memory_space<hbm>>
      %dma_start3A_64 = tpu.memref_slice %dma_start3A_63[%add3A_48] : memref<320000xi32, #tpu.memory_space<hbm>> -> memref<800xi32, #tpu.memory_space<hbm>>
      tpu.enqueue_dma source(%dma_start3A_64 : memref<800xi32, #tpu.memory_space<hbm>>) target(%dma_start3A_60 : memref<800xi32, #tpu.memory_space<vmem>>) target_semaphore(%arg10 : memref<!tpu.dma_semaphore, #tpu.memory_space<semaphore_mem>>)
      %add3A_65 = arith.constant 1600 : i32
      %add3A_66 = arith.addi %add3A_16, %add3A_65 : i32
      %dma_start3A_67 = arith.constant 1 : i32
      %dma_start3A_68 = arith.constant 2 : i32
      %dma_start3A_69 = arith.constant 0 : i32
      %dma_start3A_70 = tpu.memref_slice %arg7[%dma_start3A_68, %dma_start3A_69] : memref<15x800xi32, #tpu.memory_space<vmem>> -> memref<1x800xi32, #tpu.memory_space<vmem>>
      %dma_start3A_71 = tpu.memref_squeeze %dma_start3A_70 : memref<1x800xi32, #tpu.memory_space<vmem>> -> memref<800xi32, #tpu.memory_space<vmem>>
      %dma_start3A_72 = arith.constant 0 : i32
      %dma_start3A_73 = tpu.memref_slice %arg2[%dma_start3A_67, %dma_start3A_72] : memref<2x320000xi32, #tpu.memory_space<hbm>> -> memref<1x320000xi32, #tpu.memory_space<hbm>>
      %dma_start3A_74 = tpu.memref_squeeze %dma_start3A_73 : memref<1x320000xi32, #tpu.memory_space<hbm>> -> memref<320000xi32, #tpu.memory_space<hbm>>
      %dma_start3A_75 = tpu.memref_slice %dma_start3A_74[%add3A_66] : memref<320000xi32, #tpu.memory_space<hbm>> -> memref<800xi32, #tpu.memory_space<hbm>>
      %dma_start3A_76 = arith.constant 0 : i32
      %dma_start3A_77 = tpu.memref_slice %arg7[%dma_start3A_68, %dma_start3A_76] : memref<15x800xi32, #tpu.memory_space<vmem>> -> memref<1x800xi32, #tpu.memory_space<vmem>>
      %dma_start3A_78 = tpu.memref_squeeze %dma_start3A_77 : memref<1x800xi32, #tpu.memory_space<vmem>> -> memref<800xi32, #tpu.memory_space<vmem>>
      %dma_start3A_79 = arith.constant 0 : i32
      %dma_start3A_80 = tpu.memref_slice %arg2[%dma_start3A_67, %dma_start3A_79] : memref<2x320000xi32, #tpu.memory_space<hbm>> -> memref<1x320000xi32, #tpu.memory_space<hbm>>
      %dma_start3A_81 = tpu.memref_squeeze %dma_start3A_80 : memref<1x320000xi32, #tpu.memory_space<hbm>> -> memref<320000xi32, #tpu.memory_space<hbm>>
      %dma_start3A_82 = tpu.memref_slice %dma_start3A_81[%add3A_66] : memref<320000xi32, #tpu.memory_space<hbm>> -> memref<800xi32, #tpu.memory_space<hbm>>
      tpu.enqueue_dma source(%dma_start3A_82 : memref<800xi32, #tpu.memory_space<hbm>>) target(%dma_start3A_78 : memref<800xi32, #tpu.memory_space<vmem>>) target_semaphore(%arg10 : memref<!tpu.dma_semaphore, #tpu.memory_space<semaphore_mem>>)
      %add3A_83 = arith.constant 2400 : i32
      %add3A_84 = arith.addi %add3A_16, %add3A_83 : i32
      %dma_start3A_85 = arith.constant 1 : i32
      %dma_start3A_86 = arith.constant 3 : i32
      %dma_start3A_87 = arith.constant 0 : i32
      %dma_start3A_88 = tpu.memref_slice %arg7[%dma_start3A_86, %dma_start3A_87] : memref<15x800xi32, #tpu.memory_space<vmem>> -> memref<1x800xi32, #tpu.memory_space<vmem>>
      %dma_start3A_89 = tpu.memref_squeeze %dma_start3A_88 : memref<1x800xi32, #tpu.memory_space<vmem>> -> memref<800xi32, #tpu.memory_space<vmem>>
      %dma_start3A_90 = arith.constant 0 : i32
      %dma_start3A_91 = tpu.memref_slice %arg2[%dma_start3A_85, %dma_start3A_90] : memref<2x320000xi32, #tpu.memory_space<hbm>> -> memref<1x320000xi32, #tpu.memory_space<hbm>>
      %dma_start3A_92 = tpu.memref_squeeze %dma_start3A_91 : memref<1x320000xi32, #tpu.memory_space<hbm>> -> memref<320000xi32, #tpu.memory_space<hbm>>
      %dma_start3A_93 = tpu.memref_slice %dma_start3A_92[%add3A_84] : memref<320000xi32, #tpu.memory_space<hbm>> -> memref<800xi32, #tpu.memory_space<hbm>>
      %dma_start3A_94 = arith.constant 0 : i32
      %dma_start3A_95 = tpu.memref_slice %arg7[%dma_start3A_86, %dma_start3A_94] : memref<15x800xi32, #tpu.memory_space<vmem>> -> memref<1x800xi32, #tpu.memory_space<vmem>>
      %dma_start3A_96 = tpu.memref_squeeze %dma_start3A_95 : memref<1x800xi32, #tpu.memory_space<vmem>> -> memref<800xi32, #tpu.memory_space<vmem>>
      %dma_start3A_97 = arith.constant 0 : i32
      %dma_start3A_98 = tpu.memref_slice %arg2[%dma_start3A_85, %dma_start3A_97] : memref<2x320000xi32, #tpu.memory_space<hbm>> -> memref<1x320000xi32, #tpu.memory_space<hbm>>
      %dma_start3A_99 = tpu.memref_squeeze %dma_start3A_98 : memref<1x320000xi32, #tpu.memory_space<hbm>> -> memref<320000xi32, #tpu.memory_space<hbm>>
      %dma_start3A_100 = tpu.memref_slice %dma_start3A_99[%add3A_84] : memref<320000xi32, #tpu.memory_space<hbm>> -> memref<800xi32, #tpu.memory_space<hbm>>
      tpu.enqueue_dma source(%dma_start3A_100 : memref<800xi32, #tpu.memory_space<hbm>>) target(%dma_start3A_96 : memref<800xi32, #tpu.memory_space<vmem>>) target_semaphore(%arg10 : memref<!tpu.dma_semaphore, #tpu.memory_space<semaphore_mem>>)
      %add3A_101 = arith.constant 3200 : i32
      %add3A_102 = arith.addi %add3A_16, %add3A_101 : i32
      %dma_start3A_103 = arith.constant 1 : i32
      %dma_start3A_104 = arith.constant 4 : i32
      %dma_start3A_105 = arith.constant 0 : i32
      %dma_start3A_106 = tpu.memref_slice %arg7[%dma_start3A_104, %dma_start3A_105] : memref<15x800xi32, #tpu.memory_space<vmem>> -> memref<1x800xi32, #tpu.memory_space<vmem>>
      %dma_start3A_107 = tpu.memref_squeeze %dma_start3A_106 : memref<1x800xi32, #tpu.memory_space<vmem>> -> memref<800xi32, #tpu.memory_space<vmem>>
      %dma_start3A_108 = arith.constant 0 : i32
      %dma_start3A_109 = tpu.memref_slice %arg2[%dma_start3A_103, %dma_start3A_108] : memref<2x320000xi32, #tpu.memory_space<hbm>> -> memref<1x320000xi32, #tpu.memory_space<hbm>>
      %dma_start3A_110 = tpu.memref_squeeze %dma_start3A_109 : memref<1x320000xi32, #tpu.memory_space<hbm>> -> memref<320000xi32, #tpu.memory_space<hbm>>
      %dma_start3A_111 = tpu.memref_slice %dma_start3A_110[%add3A_102] : memref<320000xi32, #tpu.memory_space<hbm>> -> memref<800xi32, #tpu.memory_space<hbm>>
      %dma_start3A_112 = arith.constant 0 : i32
      %dma_start3A_113 = tpu.memref_slice %arg7[%dma_start3A_104, %dma_start3A_112] : memref<15x800xi32, #tpu.memory_space<vmem>> -> memref<1x800xi32, #tpu.memory_space<vmem>>
      %dma_start3A_114 = tpu.memref_squeeze %dma_start3A_113 : memref<1x800xi32, #tpu.memory_space<vmem>> -> memref<800xi32, #tpu.memory_space<vmem>>
      %dma_start3A_115 = arith.constant 0 : i32
      %dma_start3A_116 = tpu.memref_slice %arg2[%dma_start3A_103, %dma_start3A_115] : memref<2x320000xi32, #tpu.memory_space<hbm>> -> memref<1x320000xi32, #tpu.memory_space<hbm>>
      %dma_start3A_117 = tpu.memref_squeeze %dma_start3A_116 : memref<1x320000xi32, #tpu.memory_space<hbm>> -> memref<320000xi32, #tpu.memory_space<hbm>>
      %dma_start3A_118 = tpu.memref_slice %dma_start3A_117[%add3A_102] : memref<320000xi32, #tpu.memory_space<hbm>> -> memref<800xi32, #tpu.memory_space<hbm>>
      tpu.enqueue_dma source(%dma_start3A_118 : memref<800xi32, #tpu.memory_space<hbm>>) target(%dma_start3A_114 : memref<800xi32, #tpu.memory_space<vmem>>) target_semaphore(%arg10 : memref<!tpu.dma_semaphore, #tpu.memory_space<semaphore_mem>>)
      %add3A_119 = arith.constant 4000 : i32
      %add3A_120 = arith.addi %add3A_16, %add3A_119 : i32
      %dma_start3A_121 = arith.constant 1 : i32
      %dma_start3A_122 = arith.constant 5 : i32
      %dma_start3A_123 = arith.constant 0 : i32
      %dma_start3A_124 = tpu.memref_slice %arg7[%dma_start3A_122, %dma_start3A_123] : memref<15x800xi32, #tpu.memory_space<vmem>> -> memref<1x800xi32, #tpu.memory_space<vmem>>
      %dma_start3A_125 = tpu.memref_squeeze %dma_start3A_124 : memref<1x800xi32, #tpu.memory_space<vmem>> -> memref<800xi32, #tpu.memory_space<vmem>>
      %dma_start3A_126 = arith.constant 0 : i32
      %dma_start3A_127 = tpu.memref_slice %arg2[%dma_start3A_121, %dma_start3A_126] : memref<2x320000xi32, #tpu.memory_space<hbm>> -> memref<1x320000xi32, #tpu.memory_space<hbm>>
      %dma_start3A_128 = tpu.memref_squeeze %dma_start3A_127 : memref<1x320000xi32, #tpu.memory_space<hbm>> -> memref<320000xi32, #tpu.memory_space<hbm>>
      %dma_start3A_129 = tpu.memref_slice %dma_start3A_128[%add3A_120] : memref<320000xi32, #tpu.memory_space<hbm>> -> memref<800xi32, #tpu.memory_space<hbm>>
      %dma_start3A_130 = arith.constant 0 : i32
      %dma_start3A_131 = tpu.memref_slice %arg7[%dma_start3A_122, %dma_start3A_130] : memref<15x800xi32, #tpu.memory_space<vmem>> -> memref<1x800xi32, #tpu.memory_space<vmem>>
      %dma_start3A_132 = tpu.memref_squeeze %dma_start3A_131 : memref<1x800xi32, #tpu.memory_space<vmem>> -> memref<800xi32, #tpu.memory_space<vmem>>
      %dma_start3A_133 = arith.constant 0 : i32
      %dma_start3A_134 = tpu.memref_slice %arg2[%dma_start3A_121, %dma_start3A_133] : memref<2x320000xi32, #tpu.memory_space<hbm>> -> memref<1x320000xi32, #tpu.memory_space<hbm>>
      %dma_start3A_135 = tpu.memref_squeeze %dma_start3A_134 : memref<1x320000xi32, #tpu.memory_space<hbm>> -> memref<320000xi32, #tpu.memory_space<hbm>>
      %dma_start3A_136 = tpu.memref_slice %dma_start3A_135[%add3A_120] : memref<320000xi32, #tpu.memory_space<hbm>> -> memref<800xi32, #tpu.memory_space<hbm>>
      tpu.enqueue_dma source(%dma_start3A_136 : memref<800xi32, #tpu.memory_space<hbm>>) target(%dma_start3A_132 : memref<800xi32, #tpu.memory_space<vmem>>) target_semaphore(%arg10 : memref<!tpu.dma_semaphore, #tpu.memory_space<semaphore_mem>>)
      %add3A_137 = arith.constant 4800 : i32
      %add3A_138 = arith.addi %add3A_16, %add3A_137 : i32
      %dma_start3A_139 = arith.constant 1 : i32
      %dma_start3A_140 = arith.constant 6 : i32
      %dma_start3A_141 = arith.constant 0 : i32
      %dma_start3A_142 = tpu.memref_slice %arg7[%dma_start3A_140, %dma_start3A_141] : memref<15x800xi32, #tpu.memory_space<vmem>> -> memref<1x800xi32, #tpu.memory_space<vmem>>
      %dma_start3A_143 = tpu.memref_squeeze %dma_start3A_142 : memref<1x800xi32, #tpu.memory_space<vmem>> -> memref<800xi32, #tpu.memory_space<vmem>>
      %dma_start3A_144 = arith.constant 0 : i32
      %dma_start3A_145 = tpu.memref_slice %arg2[%dma_start3A_139, %dma_start3A_144] : memref<2x320000xi32, #tpu.memory_space<hbm>> -> memref<1x320000xi32, #tpu.memory_space<hbm>>
      %dma_start3A_146 = tpu.memref_squeeze %dma_start3A_145 : memref<1x320000xi32, #tpu.memory_space<hbm>> -> memref<320000xi32, #tpu.memory_space<hbm>>
      %dma_start3A_147 = tpu.memref_slice %dma_start3A_146[%add3A_138] : memref<320000xi32, #tpu.memory_space<hbm>> -> memref<800xi32, #tpu.memory_space<hbm>>
      %dma_start3A_148 = arith.constant 0 : i32
      %dma_start3A_149 = tpu.memref_slice %arg7[%dma_start3A_140, %dma_start3A_148] : memref<15x800xi32, #tpu.memory_space<vmem>> -> memref<1x800xi32, #tpu.memory_space<vmem>>
      %dma_start3A_150 = tpu.memref_squeeze %dma_start3A_149 : memref<1x800xi32, #tpu.memory_space<vmem>> -> memref<800xi32, #tpu.memory_space<vmem>>
      %dma_start3A_151 = arith.constant 0 : i32
      %dma_start3A_152 = tpu.memref_slice %arg2[%dma_start3A_139, %dma_start3A_151] : memref<2x320000xi32, #tpu.memory_space<hbm>> -> memref<1x320000xi32, #tpu.memory_space<hbm>>
      %dma_start3A_153 = tpu.memref_squeeze %dma_start3A_152 : memref<1x320000xi32, #tpu.memory_space<hbm>> -> memref<320000xi32, #tpu.memory_space<hbm>>
      %dma_start3A_154 = tpu.memref_slice %dma_start3A_153[%add3A_138] : memref<320000xi32, #tpu.memory_space<hbm>> -> memref<800xi32, #tpu.memory_space<hbm>>
      tpu.enqueue_dma source(%dma_start3A_154 : memref<800xi32, #tpu.memory_space<hbm>>) target(%dma_start3A_150 : memref<800xi32, #tpu.memory_space<vmem>>) target_semaphore(%arg10 : memref<!tpu.dma_semaphore, #tpu.memory_space<semaphore_mem>>)
      %add3A_155 = arith.constant 5600 : i32
      %add3A_156 = arith.addi %add3A_16, %add3A_155 : i32
      %dma_start3A_157 = arith.constant 1 : i32
      %dma_start3A_158 = arith.constant 7 : i32
      %dma_start3A_159 = arith.constant 0 : i32
      %dma_start3A_160 = tpu.memref_slice %arg7[%dma_start3A_158, %dma_start3A_159] : memref<15x800xi32, #tpu.memory_space<vmem>> -> memref<1x800xi32, #tpu.memory_space<vmem>>
      %dma_start3A_161 = tpu.memref_squeeze %dma_start3A_160 : memref<1x800xi32, #tpu.memory_space<vmem>> -> memref<800xi32, #tpu.memory_space<vmem>>
      %dma_start3A_162 = arith.constant 0 : i32
      %dma_start3A_163 = tpu.memref_slice %arg2[%dma_start3A_157, %dma_start3A_162] : memref<2x320000xi32, #tpu.memory_space<hbm>> -> memref<1x320000xi32, #tpu.memory_space<hbm>>
      %dma_start3A_164 = tpu.memref_squeeze %dma_start3A_163 : memref<1x320000xi32, #tpu.memory_space<hbm>> -> memref<320000xi32, #tpu.memory_space<hbm>>
      %dma_start3A_165 = tpu.memref_slice %dma_start3A_164[%add3A_156] : memref<320000xi32, #tpu.memory_space<hbm>> -> memref<800xi32, #tpu.memory_space<hbm>>
      %dma_start3A_166 = arith.constant 0 : i32
      %dma_start3A_167 = tpu.memref_slice %arg7[%dma_start3A_158, %dma_start3A_166] : memref<15x800xi32, #tpu.memory_space<vmem>> -> memref<1x800xi32, #tpu.memory_space<vmem>>
      %dma_start3A_168 = tpu.memref_squeeze %dma_start3A_167 : memref<1x800xi32, #tpu.memory_space<vmem>> -> memref<800xi32, #tpu.memory_space<vmem>>
      %dma_start3A_169 = arith.constant 0 : i32
      %dma_start3A_170 = tpu.memref_slice %arg2[%dma_start3A_157, %dma_start3A_169] : memref<2x320000xi32, #tpu.memory_space<hbm>> -> memref<1x320000xi32, #tpu.memory_space<hbm>>
      %dma_start3A_171 = tpu.memref_squeeze %dma_start3A_170 : memref<1x320000xi32, #tpu.memory_space<hbm>> -> memref<320000xi32, #tpu.memory_space<hbm>>
      %dma_start3A_172 = tpu.memref_slice %dma_start3A_171[%add3A_156] : memref<320000xi32, #tpu.memory_space<hbm>> -> memref<800xi32, #tpu.memory_space<hbm>>
      tpu.enqueue_dma source(%dma_start3A_172 : memref<800xi32, #tpu.memory_space<hbm>>) target(%dma_start3A_168 : memref<800xi32, #tpu.memory_space<vmem>>) target_semaphore(%arg10 : memref<!tpu.dma_semaphore, #tpu.memory_space<semaphore_mem>>)
      %add3A_173 = arith.constant 6400 : i32
      %add3A_174 = arith.addi %add3A_16, %add3A_173 : i32
      %dma_start3A_175 = arith.constant 1 : i32
      %dma_start3A_176 = arith.constant 8 : i32
      %dma_start3A_177 = arith.constant 0 : i32
      %dma_start3A_178 = tpu.memref_slice %arg7[%dma_start3A_176, %dma_start3A_177] : memref<15x800xi32, #tpu.memory_space<vmem>> -> memref<1x800xi32, #tpu.memory_space<vmem>>
      %dma_start3A_179 = tpu.memref_squeeze %dma_start3A_178 : memref<1x800xi32, #tpu.memory_space<vmem>> -> memref<800xi32, #tpu.memory_space<vmem>>
      %dma_start3A_180 = arith.constant 0 : i32
      %dma_start3A_181 = tpu.memref_slice %arg2[%dma_start3A_175, %dma_start3A_180] : memref<2x320000xi32, #tpu.memory_space<hbm>> -> memref<1x320000xi32, #tpu.memory_space<hbm>>
      %dma_start3A_182 = tpu.memref_squeeze %dma_start3A_181 : memref<1x320000xi32, #tpu.memory_space<hbm>> -> memref<320000xi32, #tpu.memory_space<hbm>>
      %dma_start3A_183 = tpu.memref_slice %dma_start3A_182[%add3A_174] : memref<320000xi32, #tpu.memory_space<hbm>> -> memref<800xi32, #tpu.memory_space<hbm>>
      %dma_start3A_184 = arith.constant 0 : i32
      %dma_start3A_185 = tpu.memref_slice %arg7[%dma_start3A_176, %dma_start3A_184] : memref<15x800xi32, #tpu.memory_space<vmem>> -> memref<1x800xi32, #tpu.memory_space<vmem>>
      %dma_start3A_186 = tpu.memref_squeeze %dma_start3A_185 : memref<1x800xi32, #tpu.memory_space<vmem>> -> memref<800xi32, #tpu.memory_space<vmem>>
      %dma_start3A_187 = arith.constant 0 : i32
      %dma_start3A_188 = tpu.memref_slice %arg2[%dma_start3A_175, %dma_start3A_187] : memref<2x320000xi32, #tpu.memory_space<hbm>> -> memref<1x320000xi32, #tpu.memory_space<hbm>>
      %dma_start3A_189 = tpu.memref_squeeze %dma_start3A_188 : memref<1x320000xi32, #tpu.memory_space<hbm>> -> memref<320000xi32, #tpu.memory_space<hbm>>
      %dma_start3A_190 = tpu.memref_slice %dma_start3A_189[%add3A_174] : memref<320000xi32, #tpu.memory_space<hbm>> -> memref<800xi32, #tpu.memory_space<hbm>>
      tpu.enqueue_dma source(%dma_start3A_190 : memref<800xi32, #tpu.memory_space<hbm>>) target(%dma_start3A_186 : memref<800xi32, #tpu.memory_space<vmem>>) target_semaphore(%arg10 : memref<!tpu.dma_semaphore, #tpu.memory_space<semaphore_mem>>)
      %add3A_191 = arith.constant 7200 : i32
      %add3A_192 = arith.addi %add3A_16, %add3A_191 : i32
      %dma_start3A_193 = arith.constant 1 : i32
      %dma_start3A_194 = arith.constant 9 : i32
      %dma_start3A_195 = arith.constant 0 : i32
      %dma_start3A_196 = tpu.memref_slice %arg7[%dma_start3A_194, %dma_start3A_195] : memref<15x800xi32, #tpu.memory_space<vmem>> -> memref<1x800xi32, #tpu.memory_space<vmem>>
      %dma_start3A_197 = tpu.memref_squeeze %dma_start3A_196 : memref<1x800xi32, #tpu.memory_space<vmem>> -> memref<800xi32, #tpu.memory_space<vmem>>
      %dma_start3A_198 = arith.constant 0 : i32
      %dma_start3A_199 = tpu.memref_slice %arg2[%dma_start3A_193, %dma_start3A_198] : memref<2x320000xi32, #tpu.memory_space<hbm>> -> memref<1x320000xi32, #tpu.memory_space<hbm>>
      %dma_start3A_200 = tpu.memref_squeeze %dma_start3A_199 : memref<1x320000xi32, #tpu.memory_space<hbm>> -> memref<320000xi32, #tpu.memory_space<hbm>>
      %dma_start3A_201 = tpu.memref_slice %dma_start3A_200[%add3A_192] : memref<320000xi32, #tpu.memory_space<hbm>> -> memref<800xi32, #tpu.memory_space<hbm>>
      %dma_start3A_202 = arith.constant 0 : i32
      %dma_start3A_203 = tpu.memref_slice %arg7[%dma_start3A_194, %dma_start3A_202] : memref<15x800xi32, #tpu.memory_space<vmem>> -> memref<1x800xi32, #tpu.memory_space<vmem>>
      %dma_start3A_204 = tpu.memref_squeeze %dma_start3A_203 : memref<1x800xi32, #tpu.memory_space<vmem>> -> memref<800xi32, #tpu.memory_space<vmem>>
      %dma_start3A_205 = arith.constant 0 : i32
      %dma_start3A_206 = tpu.memref_slice %arg2[%dma_start3A_193, %dma_start3A_205] : memref<2x320000xi32, #tpu.memory_space<hbm>> -> memref<1x320000xi32, #tpu.memory_space<hbm>>
      %dma_start3A_207 = tpu.memref_squeeze %dma_start3A_206 : memref<1x320000xi32, #tpu.memory_space<hbm>> -> memref<320000xi32, #tpu.memory_space<hbm>>
      %dma_start3A_208 = tpu.memref_slice %dma_start3A_207[%add3A_192] : memref<320000xi32, #tpu.memory_space<hbm>> -> memref<800xi32, #tpu.memory_space<hbm>>
      tpu.enqueue_dma source(%dma_start3A_208 : memref<800xi32, #tpu.memory_space<hbm>>) target(%dma_start3A_204 : memref<800xi32, #tpu.memory_space<vmem>>) target_semaphore(%arg10 : memref<!tpu.dma_semaphore, #tpu.memory_space<semaphore_mem>>)
      %dma_wait3A = arith.constant 0 : i32
      %dma_wait3A_209 = arith.constant 0 : i32
      %dma_wait3A_210 = tpu.memref_slice %arg6[%dma_wait3A_209] : memref<12000xi32, #tpu.memory_space<vmem>> -> memref<8000xi32, #tpu.memory_space<vmem>>
      %dma_wait3A_211 = arith.constant 0 : i32
      %dma_wait3A_212 = tpu.memref_slice %arg2[%dma_wait3A, %dma_wait3A_211] : memref<2x320000xi32, #tpu.memory_space<hbm>> -> memref<1x320000xi32, #tpu.memory_space<hbm>>
      %dma_wait3A_213 = tpu.memref_squeeze %dma_wait3A_212 : memref<1x320000xi32, #tpu.memory_space<hbm>> -> memref<320000xi32, #tpu.memory_space<hbm>>
      %dma_wait3A_214 = tpu.memref_slice %dma_wait3A_213[%add3A_16] : memref<320000xi32, #tpu.memory_space<hbm>> -> memref<8000xi32, #tpu.memory_space<hbm>>
      %dma_wait3A_215 = arith.constant 0 : i32
      %dma_wait3A_216 = tpu.memref_slice %arg6[%dma_wait3A_215] : memref<12000xi32, #tpu.memory_space<vmem>> -> memref<8000xi32, #tpu.memory_space<vmem>>
      %dma_wait3A_217 = arith.constant 0 : i32
      %dma_wait3A_218 = tpu.memref_slice %arg2[%dma_wait3A, %dma_wait3A_217] : memref<2x320000xi32, #tpu.memory_space<hbm>> -> memref<1x320000xi32, #tpu.memory_space<hbm>>
      %dma_wait3A_219 = tpu.memref_squeeze %dma_wait3A_218 : memref<1x320000xi32, #tpu.memory_space<hbm>> -> memref<320000xi32, #tpu.memory_space<hbm>>
      %dma_wait3A_220 = tpu.memref_slice %dma_wait3A_219[%add3A_16] : memref<320000xi32, #tpu.memory_space<hbm>> -> memref<8000xi32, #tpu.memory_space<hbm>>
      tpu.wait_dma2 semaphore(%arg10 : memref<!tpu.dma_semaphore, #tpu.memory_space<semaphore_mem>>) src(%dma_wait3A_220 : memref<8000xi32, #tpu.memory_space<hbm>>) dst(%dma_wait3A_216 : memref<8000xi32, #tpu.memory_space<vmem>>)
      %add3A_221 = arith.constant 0 : i32
      %add3A_222 = arith.addi %add3A_16, %add3A_221 : i32
      %dma_wait3A_223 = arith.constant 1 : i32
      %dma_wait3A_224 = arith.constant 0 : i32
      %dma_wait3A_225 = arith.constant 0 : i32
      %dma_wait3A_226 = tpu.memref_slice %arg7[%dma_wait3A_224, %dma_wait3A_225] : memref<15x800xi32, #tpu.memory_space<vmem>> -> memref<1x800xi32, #tpu.memory_space<vmem>>
      %dma_wait3A_227 = tpu.memref_squeeze %dma_wait3A_226 : memref<1x800xi32, #tpu.memory_space<vmem>> -> memref<800xi32, #tpu.memory_space<vmem>>
      %dma_wait3A_228 = arith.constant 0 : i32
      %dma_wait3A_229 = tpu.memref_slice %arg2[%dma_wait3A_223, %dma_wait3A_228] : memref<2x320000xi32, #tpu.memory_space<hbm>> -> memref<1x320000xi32, #tpu.memory_space<hbm>>
      %dma_wait3A_230 = tpu.memref_squeeze %dma_wait3A_229 : memref<1x320000xi32, #tpu.memory_space<hbm>> -> memref<320000xi32, #tpu.memory_space<hbm>>
      %dma_wait3A_231 = tpu.memref_slice %dma_wait3A_230[%add3A_222] : memref<320000xi32, #tpu.memory_space<hbm>> -> memref<800xi32, #tpu.memory_space<hbm>>
      %dma_wait3A_232 = arith.constant 0 : i32
      %dma_wait3A_233 = tpu.memref_slice %arg7[%dma_wait3A_224, %dma_wait3A_232] : memref<15x800xi32, #tpu.memory_space<vmem>> -> memref<1x800xi32, #tpu.memory_space<vmem>>
      %dma_wait3A_234 = tpu.memref_squeeze %dma_wait3A_233 : memref<1x800xi32, #tpu.memory_space<vmem>> -> memref<800xi32, #tpu.memory_space<vmem>>
      %dma_wait3A_235 = arith.constant 0 : i32
      %dma_wait3A_236 = tpu.memref_slice %arg2[%dma_wait3A_223, %dma_wait3A_235] : memref<2x320000xi32, #tpu.memory_space<hbm>> -> memref<1x320000xi32, #tpu.memory_space<hbm>>
      %dma_wait3A_237 = tpu.memref_squeeze %dma_wait3A_236 : memref<1x320000xi32, #tpu.memory_space<hbm>> -> memref<320000xi32, #tpu.memory_space<hbm>>
      %dma_wait3A_238 = tpu.memref_slice %dma_wait3A_237[%add3A_222] : memref<320000xi32, #tpu.memory_space<hbm>> -> memref<800xi32, #tpu.memory_space<hbm>>
      tpu.wait_dma2 semaphore(%arg10 : memref<!tpu.dma_semaphore, #tpu.memory_space<semaphore_mem>>) src(%dma_wait3A_238 : memref<800xi32, #tpu.memory_space<hbm>>) dst(%dma_wait3A_234 : memref<800xi32, #tpu.memory_space<vmem>>)
      %add3A_239 = arith.constant 800 : i32
      %add3A_240 = arith.addi %add3A_16, %add3A_239 : i32
      %dma_wait3A_241 = arith.constant 1 : i32
      %dma_wait3A_242 = arith.constant 1 : i32
      %dma_wait3A_243 = arith.constant 0 : i32
      %dma_wait3A_244 = tpu.memref_slice %arg7[%dma_wait3A_242, %dma_wait3A_243] : memref<15x800xi32, #tpu.memory_space<vmem>> -> memref<1x800xi32, #tpu.memory_space<vmem>>
      %dma_wait3A_245 = tpu.memref_squeeze %dma_wait3A_244 : memref<1x800xi32, #tpu.memory_space<vmem>> -> memref<800xi32, #tpu.memory_space<vmem>>
      %dma_wait3A_246 = arith.constant 0 : i32
      %dma_wait3A_247 = tpu.memref_slice %arg2[%dma_wait3A_241, %dma_wait3A_246] : memref<2x320000xi32, #tpu.memory_space<hbm>> -> memref<1x320000xi32, #tpu.memory_space<hbm>>
      %dma_wait3A_248 = tpu.memref_squeeze %dma_wait3A_247 : memref<1x320000xi32, #tpu.memory_space<hbm>> -> memref<320000xi32, #tpu.memory_space<hbm>>
      %dma_wait3A_249 = tpu.memref_slice %dma_wait3A_248[%add3A_240] : memref<320000xi32, #tpu.memory_space<hbm>> -> memref<800xi32, #tpu.memory_space<hbm>>
      %dma_wait3A_250 = arith.constant 0 : i32
      %dma_wait3A_251 = tpu.memref_slice %arg7[%dma_wait3A_242, %dma_wait3A_250] : memref<15x800xi32, #tpu.memory_space<vmem>> -> memref<1x800xi32, #tpu.memory_space<vmem>>
      %dma_wait3A_252 = tpu.memref_squeeze %dma_wait3A_251 : memref<1x800xi32, #tpu.memory_space<vmem>> -> memref<800xi32, #tpu.memory_space<vmem>>
      %dma_wait3A_253 = arith.constant 0 : i32
      %dma_wait3A_254 = tpu.memref_slice %arg2[%dma_wait3A_241, %dma_wait3A_253] : memref<2x320000xi32, #tpu.memory_space<hbm>> -> memref<1x320000xi32, #tpu.memory_space<hbm>>
      %dma_wait3A_255 = tpu.memref_squeeze %dma_wait3A_254 : memref<1x320000xi32, #tpu.memory_space<hbm>> -> memref<320000xi32, #tpu.memory_space<hbm>>
      %dma_wait3A_256 = tpu.memref_slice %dma_wait3A_255[%add3A_240] : memref<320000xi32, #tpu.memory_space<hbm>> -> memref<800xi32, #tpu.memory_space<hbm>>
      tpu.wait_dma2 semaphore(%arg10 : memref<!tpu.dma_semaphore, #tpu.memory_space<semaphore_mem>>) src(%dma_wait3A_256 : memref<800xi32, #tpu.memory_space<hbm>>) dst(%dma_wait3A_252 : memref<800xi32, #tpu.memory_space<vmem>>)
      %add3A_257 = arith.constant 1600 : i32
      %add3A_258 = arith.addi %add3A_16, %add3A_257 : i32
      %dma_wait3A_259 = arith.constant 1 : i32
      %dma_wait3A_260 = arith.constant 2 : i32
      %dma_wait3A_261 = arith.constant 0 : i32
      %dma_wait3A_262 = tpu.memref_slice %arg7[%dma_wait3A_260, %dma_wait3A_261] : memref<15x800xi32, #tpu.memory_space<vmem>> -> memref<1x800xi32, #tpu.memory_space<vmem>>
      %dma_wait3A_263 = tpu.memref_squeeze %dma_wait3A_262 : memref<1x800xi32, #tpu.memory_space<vmem>> -> memref<800xi32, #tpu.memory_space<vmem>>
      %dma_wait3A_264 = arith.constant 0 : i32
      %dma_wait3A_265 = tpu.memref_slice %arg2[%dma_wait3A_259, %dma_wait3A_264] : memref<2x320000xi32, #tpu.memory_space<hbm>> -> memref<1x320000xi32, #tpu.memory_space<hbm>>
      %dma_wait3A_266 = tpu.memref_squeeze %dma_wait3A_265 : memref<1x320000xi32, #tpu.memory_space<hbm>> -> memref<320000xi32, #tpu.memory_space<hbm>>
      %dma_wait3A_267 = tpu.memref_slice %dma_wait3A_266[%add3A_258] : memref<320000xi32, #tpu.memory_space<hbm>> -> memref<800xi32, #tpu.memory_space<hbm>>
      %dma_wait3A_268 = arith.constant 0 : i32
      %dma_wait3A_269 = tpu.memref_slice %arg7[%dma_wait3A_260, %dma_wait3A_268] : memref<15x800xi32, #tpu.memory_space<vmem>> -> memref<1x800xi32, #tpu.memory_space<vmem>>
      %dma_wait3A_270 = tpu.memref_squeeze %dma_wait3A_269 : memref<1x800xi32, #tpu.memory_space<vmem>> -> memref<800xi32, #tpu.memory_space<vmem>>
      %dma_wait3A_271 = arith.constant 0 : i32
      %dma_wait3A_272 = tpu.memref_slice %arg2[%dma_wait3A_259, %dma_wait3A_271] : memref<2x320000xi32, #tpu.memory_space<hbm>> -> memref<1x320000xi32, #tpu.memory_space<hbm>>
      %dma_wait3A_273 = tpu.memref_squeeze %dma_wait3A_272 : memref<1x320000xi32, #tpu.memory_space<hbm>> -> memref<320000xi32, #tpu.memory_space<hbm>>
      %dma_wait3A_274 = tpu.memref_slice %dma_wait3A_273[%add3A_258] : memref<320000xi32, #tpu.memory_space<hbm>> -> memref<800xi32, #tpu.memory_space<hbm>>
      tpu.wait_dma2 semaphore(%arg10 : memref<!tpu.dma_semaphore, #tpu.memory_space<semaphore_mem>>) src(%dma_wait3A_274 : memref<800xi32, #tpu.memory_space<hbm>>) dst(%dma_wait3A_270 : memref<800xi32, #tpu.memory_space<vmem>>)
      %add3A_275 = arith.constant 2400 : i32
      %add3A_276 = arith.addi %add3A_16, %add3A_275 : i32
      %dma_wait3A_277 = arith.constant 1 : i32
      %dma_wait3A_278 = arith.constant 3 : i32
      %dma_wait3A_279 = arith.constant 0 : i32
      %dma_wait3A_280 = tpu.memref_slice %arg7[%dma_wait3A_278, %dma_wait3A_279] : memref<15x800xi32, #tpu.memory_space<vmem>> -> memref<1x800xi32, #tpu.memory_space<vmem>>
      %dma_wait3A_281 = tpu.memref_squeeze %dma_wait3A_280 : memref<1x800xi32, #tpu.memory_space<vmem>> -> memref<800xi32, #tpu.memory_space<vmem>>
      %dma_wait3A_282 = arith.constant 0 : i32
      %dma_wait3A_283 = tpu.memref_slice %arg2[%dma_wait3A_277, %dma_wait3A_282] : memref<2x320000xi32, #tpu.memory_space<hbm>> -> memref<1x320000xi32, #tpu.memory_space<hbm>>
      %dma_wait3A_284 = tpu.memref_squeeze %dma_wait3A_283 : memref<1x320000xi32, #tpu.memory_space<hbm>> -> memref<320000xi32, #tpu.memory_space<hbm>>
      %dma_wait3A_285 = tpu.memref_slice %dma_wait3A_284[%add3A_276] : memref<320000xi32, #tpu.memory_space<hbm>> -> memref<800xi32, #tpu.memory_space<hbm>>
      %dma_wait3A_286 = arith.constant 0 : i32
      %dma_wait3A_287 = tpu.memref_slice %arg7[%dma_wait3A_278, %dma_wait3A_286] : memref<15x800xi32, #tpu.memory_space<vmem>> -> memref<1x800xi32, #tpu.memory_space<vmem>>
      %dma_wait3A_288 = tpu.memref_squeeze %dma_wait3A_287 : memref<1x800xi32, #tpu.memory_space<vmem>> -> memref<800xi32, #tpu.memory_space<vmem>>
      %dma_wait3A_289 = arith.constant 0 : i32
      %dma_wait3A_290 = tpu.memref_slice %arg2[%dma_wait3A_277, %dma_wait3A_289] : memref<2x320000xi32, #tpu.memory_space<hbm>> -> memref<1x320000xi32, #tpu.memory_space<hbm>>
      %dma_wait3A_291 = tpu.memref_squeeze %dma_wait3A_290 : memref<1x320000xi32, #tpu.memory_space<hbm>> -> memref<320000xi32, #tpu.memory_space<hbm>>
      %dma_wait3A_292 = tpu.memref_slice %dma_wait3A_291[%add3A_276] : memref<320000xi32, #tpu.memory_space<hbm>> -> memref<800xi32, #tpu.memory_space<hbm>>
      tpu.wait_dma2 semaphore(%arg10 : memref<!tpu.dma_semaphore, #tpu.memory_space<semaphore_mem>>) src(%dma_wait3A_292 : memref<800xi32, #tpu.memory_space<hbm>>) dst(%dma_wait3A_288 : memref<800xi32, #tpu.memory_space<vmem>>)
      %add3A_293 = arith.constant 3200 : i32
      %add3A_294 = arith.addi %add3A_16, %add3A_293 : i32
      %dma_wait3A_295 = arith.constant 1 : i32
      %dma_wait3A_296 = arith.constant 4 : i32
      %dma_wait3A_297 = arith.constant 0 : i32
      %dma_wait3A_298 = tpu.memref_slice %arg7[%dma_wait3A_296, %dma_wait3A_297] : memref<15x800xi32, #tpu.memory_space<vmem>> -> memref<1x800xi32, #tpu.memory_space<vmem>>
      %dma_wait3A_299 = tpu.memref_squeeze %dma_wait3A_298 : memref<1x800xi32, #tpu.memory_space<vmem>> -> memref<800xi32, #tpu.memory_space<vmem>>
      %dma_wait3A_300 = arith.constant 0 : i32
      %dma_wait3A_301 = tpu.memref_slice %arg2[%dma_wait3A_295, %dma_wait3A_300] : memref<2x320000xi32, #tpu.memory_space<hbm>> -> memref<1x320000xi32, #tpu.memory_space<hbm>>
      %dma_wait3A_302 = tpu.memref_squeeze %dma_wait3A_301 : memref<1x320000xi32, #tpu.memory_space<hbm>> -> memref<320000xi32, #tpu.memory_space<hbm>>
      %dma_wait3A_303 = tpu.memref_slice %dma_wait3A_302[%add3A_294] : memref<320000xi32, #tpu.memory_space<hbm>> -> memref<800xi32, #tpu.memory_space<hbm>>
      %dma_wait3A_304 = arith.constant 0 : i32
      %dma_wait3A_305 = tpu.memref_slice %arg7[%dma_wait3A_296, %dma_wait3A_304] : memref<15x800xi32, #tpu.memory_space<vmem>> -> memref<1x800xi32, #tpu.memory_space<vmem>>
      %dma_wait3A_306 = tpu.memref_squeeze %dma_wait3A_305 : memref<1x800xi32, #tpu.memory_space<vmem>> -> memref<800xi32, #tpu.memory_space<vmem>>
      %dma_wait3A_307 = arith.constant 0 : i32
      %dma_wait3A_308 = tpu.memref_slice %arg2[%dma_wait3A_295, %dma_wait3A_307] : memref<2x320000xi32, #tpu.memory_space<hbm>> -> memref<1x320000xi32, #tpu.memory_space<hbm>>
      %dma_wait3A_309 = tpu.memref_squeeze %dma_wait3A_308 : memref<1x320000xi32, #tpu.memory_space<hbm>> -> memref<320000xi32, #tpu.memory_space<hbm>>
      %dma_wait3A_310 = tpu.memref_slice %dma_wait3A_309[%add3A_294] : memref<320000xi32, #tpu.memory_space<hbm>> -> memref<800xi32, #tpu.memory_space<hbm>>
      tpu.wait_dma2 semaphore(%arg10 : memref<!tpu.dma_semaphore, #tpu.memory_space<semaphore_mem>>) src(%dma_wait3A_310 : memref<800xi32, #tpu.memory_space<hbm>>) dst(%dma_wait3A_306 : memref<800xi32, #tpu.memory_space<vmem>>)
      %add3A_311 = arith.constant 4000 : i32
      %add3A_312 = arith.addi %add3A_16, %add3A_311 : i32
      %dma_wait3A_313 = arith.constant 1 : i32
      %dma_wait3A_314 = arith.constant 5 : i32
      %dma_wait3A_315 = arith.constant 0 : i32
      %dma_wait3A_316 = tpu.memref_slice %arg7[%dma_wait3A_314, %dma_wait3A_315] : memref<15x800xi32, #tpu.memory_space<vmem>> -> memref<1x800xi32, #tpu.memory_space<vmem>>
      %dma_wait3A_317 = tpu.memref_squeeze %dma_wait3A_316 : memref<1x800xi32, #tpu.memory_space<vmem>> -> memref<800xi32, #tpu.memory_space<vmem>>
      %dma_wait3A_318 = arith.constant 0 : i32
      %dma_wait3A_319 = tpu.memref_slice %arg2[%dma_wait3A_313, %dma_wait3A_318] : memref<2x320000xi32, #tpu.memory_space<hbm>> -> memref<1x320000xi32, #tpu.memory_space<hbm>>
      %dma_wait3A_320 = tpu.memref_squeeze %dma_wait3A_319 : memref<1x320000xi32, #tpu.memory_space<hbm>> -> memref<320000xi32, #tpu.memory_space<hbm>>
      %dma_wait3A_321 = tpu.memref_slice %dma_wait3A_320[%add3A_312] : memref<320000xi32, #tpu.memory_space<hbm>> -> memref<800xi32, #tpu.memory_space<hbm>>
      %dma_wait3A_322 = arith.constant 0 : i32
      %dma_wait3A_323 = tpu.memref_slice %arg7[%dma_wait3A_314, %dma_wait3A_322] : memref<15x800xi32, #tpu.memory_space<vmem>> -> memref<1x800xi32, #tpu.memory_space<vmem>>
      %dma_wait3A_324 = tpu.memref_squeeze %dma_wait3A_323 : memref<1x800xi32, #tpu.memory_space<vmem>> -> memref<800xi32, #tpu.memory_space<vmem>>
      %dma_wait3A_325 = arith.constant 0 : i32
      %dma_wait3A_326 = tpu.memref_slice %arg2[%dma_wait3A_313, %dma_wait3A_325] : memref<2x320000xi32, #tpu.memory_space<hbm>> -> memref<1x320000xi32, #tpu.memory_space<hbm>>
      %dma_wait3A_327 = tpu.memref_squeeze %dma_wait3A_326 : memref<1x320000xi32, #tpu.memory_space<hbm>> -> memref<320000xi32, #tpu.memory_space<hbm>>
      %dma_wait3A_328 = tpu.memref_slice %dma_wait3A_327[%add3A_312] : memref<320000xi32, #tpu.memory_space<hbm>> -> memref<800xi32, #tpu.memory_space<hbm>>
      tpu.wait_dma2 semaphore(%arg10 : memref<!tpu.dma_semaphore, #tpu.memory_space<semaphore_mem>>) src(%dma_wait3A_328 : memref<800xi32, #tpu.memory_space<hbm>>) dst(%dma_wait3A_324 : memref<800xi32, #tpu.memory_space<vmem>>)
      %add3A_329 = arith.constant 4800 : i32
      %add3A_330 = arith.addi %add3A_16, %add3A_329 : i32
      %dma_wait3A_331 = arith.constant 1 : i32
      %dma_wait3A_332 = arith.constant 6 : i32
      %dma_wait3A_333 = arith.constant 0 : i32
      %dma_wait3A_334 = tpu.memref_slice %arg7[%dma_wait3A_332, %dma_wait3A_333] : memref<15x800xi32, #tpu.memory_space<vmem>> -> memref<1x800xi32, #tpu.memory_space<vmem>>
      %dma_wait3A_335 = tpu.memref_squeeze %dma_wait3A_334 : memref<1x800xi32, #tpu.memory_space<vmem>> -> memref<800xi32, #tpu.memory_space<vmem>>
      %dma_wait3A_336 = arith.constant 0 : i32
      %dma_wait3A_337 = tpu.memref_slice %arg2[%dma_wait3A_331, %dma_wait3A_336] : memref<2x320000xi32, #tpu.memory_space<hbm>> -> memref<1x320000xi32, #tpu.memory_space<hbm>>
      %dma_wait3A_338 = tpu.memref_squeeze %dma_wait3A_337 : memref<1x320000xi32, #tpu.memory_space<hbm>> -> memref<320000xi32, #tpu.memory_space<hbm>>
      %dma_wait3A_339 = tpu.memref_slice %dma_wait3A_338[%add3A_330] : memref<320000xi32, #tpu.memory_space<hbm>> -> memref<800xi32, #tpu.memory_space<hbm>>
      %dma_wait3A_340 = arith.constant 0 : i32
      %dma_wait3A_341 = tpu.memref_slice %arg7[%dma_wait3A_332, %dma_wait3A_340] : memref<15x800xi32, #tpu.memory_space<vmem>> -> memref<1x800xi32, #tpu.memory_space<vmem>>
      %dma_wait3A_342 = tpu.memref_squeeze %dma_wait3A_341 : memref<1x800xi32, #tpu.memory_space<vmem>> -> memref<800xi32, #tpu.memory_space<vmem>>
      %dma_wait3A_343 = arith.constant 0 : i32
      %dma_wait3A_344 = tpu.memref_slice %arg2[%dma_wait3A_331, %dma_wait3A_343] : memref<2x320000xi32, #tpu.memory_space<hbm>> -> memref<1x320000xi32, #tpu.memory_space<hbm>>
      %dma_wait3A_345 = tpu.memref_squeeze %dma_wait3A_344 : memref<1x320000xi32, #tpu.memory_space<hbm>> -> memref<320000xi32, #tpu.memory_space<hbm>>
      %dma_wait3A_346 = tpu.memref_slice %dma_wait3A_345[%add3A_330] : memref<320000xi32, #tpu.memory_space<hbm>> -> memref<800xi32, #tpu.memory_space<hbm>>
      tpu.wait_dma2 semaphore(%arg10 : memref<!tpu.dma_semaphore, #tpu.memory_space<semaphore_mem>>) src(%dma_wait3A_346 : memref<800xi32, #tpu.memory_space<hbm>>) dst(%dma_wait3A_342 : memref<800xi32, #tpu.memory_space<vmem>>)
      %add3A_347 = arith.constant 5600 : i32
      %add3A_348 = arith.addi %add3A_16, %add3A_347 : i32
      %dma_wait3A_349 = arith.constant 1 : i32
      %dma_wait3A_350 = arith.constant 7 : i32
      %dma_wait3A_351 = arith.constant 0 : i32
      %dma_wait3A_352 = tpu.memref_slice %arg7[%dma_wait3A_350, %dma_wait3A_351] : memref<15x800xi32, #tpu.memory_space<vmem>> -> memref<1x800xi32, #tpu.memory_space<vmem>>
      %dma_wait3A_353 = tpu.memref_squeeze %dma_wait3A_352 : memref<1x800xi32, #tpu.memory_space<vmem>> -> memref<800xi32, #tpu.memory_space<vmem>>
      %dma_wait3A_354 = arith.constant 0 : i32
      %dma_wait3A_355 = tpu.memref_slice %arg2[%dma_wait3A_349, %dma_wait3A_354] : memref<2x320000xi32, #tpu.memory_space<hbm>> -> memref<1x320000xi32, #tpu.memory_space<hbm>>
      %dma_wait3A_356 = tpu.memref_squeeze %dma_wait3A_355 : memref<1x320000xi32, #tpu.memory_space<hbm>> -> memref<320000xi32, #tpu.memory_space<hbm>>
      %dma_wait3A_357 = tpu.memref_slice %dma_wait3A_356[%add3A_348] : memref<320000xi32, #tpu.memory_space<hbm>> -> memref<800xi32, #tpu.memory_space<hbm>>
      %dma_wait3A_358 = arith.constant 0 : i32
      %dma_wait3A_359 = tpu.memref_slice %arg7[%dma_wait3A_350, %dma_wait3A_358] : memref<15x800xi32, #tpu.memory_space<vmem>> -> memref<1x800xi32, #tpu.memory_space<vmem>>
      %dma_wait3A_360 = tpu.memref_squeeze %dma_wait3A_359 : memref<1x800xi32, #tpu.memory_space<vmem>> -> memref<800xi32, #tpu.memory_space<vmem>>
      %dma_wait3A_361 = arith.constant 0 : i32
      %dma_wait3A_362 = tpu.memref_slice %arg2[%dma_wait3A_349, %dma_wait3A_361] : memref<2x320000xi32, #tpu.memory_space<hbm>> -> memref<1x320000xi32, #tpu.memory_space<hbm>>
      %dma_wait3A_363 = tpu.memref_squeeze %dma_wait3A_362 : memref<1x320000xi32, #tpu.memory_space<hbm>> -> memref<320000xi32, #tpu.memory_space<hbm>>
      %dma_wait3A_364 = tpu.memref_slice %dma_wait3A_363[%add3A_348] : memref<320000xi32, #tpu.memory_space<hbm>> -> memref<800xi32, #tpu.memory_space<hbm>>
      tpu.wait_dma2 semaphore(%arg10 : memref<!tpu.dma_semaphore, #tpu.memory_space<semaphore_mem>>) src(%dma_wait3A_364 : memref<800xi32, #tpu.memory_space<hbm>>) dst(%dma_wait3A_360 : memref<800xi32, #tpu.memory_space<vmem>>)
      %add3A_365 = arith.constant 6400 : i32
      %add3A_366 = arith.addi %add3A_16, %add3A_365 : i32
      %dma_wait3A_367 = arith.constant 1 : i32
      %dma_wait3A_368 = arith.constant 8 : i32
      %dma_wait3A_369 = arith.constant 0 : i32
      %dma_wait3A_370 = tpu.memref_slice %arg7[%dma_wait3A_368, %dma_wait3A_369] : memref<15x800xi32, #tpu.memory_space<vmem>> -> memref<1x800xi32, #tpu.memory_space<vmem>>
      %dma_wait3A_371 = tpu.memref_squeeze %dma_wait3A_370 : memref<1x800xi32, #tpu.memory_space<vmem>> -> memref<800xi32, #tpu.memory_space<vmem>>
      %dma_wait3A_372 = arith.constant 0 : i32
      %dma_wait3A_373 = tpu.memref_slice %arg2[%dma_wait3A_367, %dma_wait3A_372] : memref<2x320000xi32, #tpu.memory_space<hbm>> -> memref<1x320000xi32, #tpu.memory_space<hbm>>
      %dma_wait3A_374 = tpu.memref_squeeze %dma_wait3A_373 : memref<1x320000xi32, #tpu.memory_space<hbm>> -> memref<320000xi32, #tpu.memory_space<hbm>>
      %dma_wait3A_375 = tpu.memref_slice %dma_wait3A_374[%add3A_366] : memref<320000xi32, #tpu.memory_space<hbm>> -> memref<800xi32, #tpu.memory_space<hbm>>
      %dma_wait3A_376 = arith.constant 0 : i32
      %dma_wait3A_377 = tpu.memref_slice %arg7[%dma_wait3A_368, %dma_wait3A_376] : memref<15x800xi32, #tpu.memory_space<vmem>> -> memref<1x800xi32, #tpu.memory_space<vmem>>
      %dma_wait3A_378 = tpu.memref_squeeze %dma_wait3A_377 : memref<1x800xi32, #tpu.memory_space<vmem>> -> memref<800xi32, #tpu.memory_space<vmem>>
      %dma_wait3A_379 = arith.constant 0 : i32
      %dma_wait3A_380 = tpu.memref_slice %arg2[%dma_wait3A_367, %dma_wait3A_379] : memref<2x320000xi32, #tpu.memory_space<hbm>> -> memref<1x320000xi32, #tpu.memory_space<hbm>>
      %dma_wait3A_381 = tpu.memref_squeeze %dma_wait3A_380 : memref<1x320000xi32, #tpu.memory_space<hbm>> -> memref<320000xi32, #tpu.memory_space<hbm>>
      %dma_wait3A_382 = tpu.memref_slice %dma_wait3A_381[%add3A_366] : memref<320000xi32, #tpu.memory_space<hbm>> -> memref<800xi32, #tpu.memory_space<hbm>>
      tpu.wait_dma2 semaphore(%arg10 : memref<!tpu.dma_semaphore, #tpu.memory_space<semaphore_mem>>) src(%dma_wait3A_382 : memref<800xi32, #tpu.memory_space<hbm>>) dst(%dma_wait3A_378 : memref<800xi32, #tpu.memory_space<vmem>>)
      %add3A_383 = arith.constant 7200 : i32
      %add3A_384 = arith.addi %add3A_16, %add3A_383 : i32
      %dma_wait3A_385 = arith.constant 1 : i32
      %dma_wait3A_386 = arith.constant 9 : i32
      %dma_wait3A_387 = arith.constant 0 : i32
      %dma_wait3A_388 = tpu.memref_slice %arg7[%dma_wait3A_386, %dma_wait3A_387] : memref<15x800xi32, #tpu.memory_space<vmem>> -> memref<1x800xi32, #tpu.memory_space<vmem>>
      %dma_wait3A_389 = tpu.memref_squeeze %dma_wait3A_388 : memref<1x800xi32, #tpu.memory_space<vmem>> -> memref<800xi32, #tpu.memory_space<vmem>>
      %dma_wait3A_390 = arith.constant 0 : i32
      %dma_wait3A_391 = tpu.memref_slice %arg2[%dma_wait3A_385, %dma_wait3A_390] : memref<2x320000xi32, #tpu.memory_space<hbm>> -> memref<1x320000xi32, #tpu.memory_space<hbm>>
      %dma_wait3A_392 = tpu.memref_squeeze %dma_wait3A_391 : memref<1x320000xi32, #tpu.memory_space<hbm>> -> memref<320000xi32, #tpu.memory_space<hbm>>
      %dma_wait3A_393 = tpu.memref_slice %dma_wait3A_392[%add3A_384] : memref<320000xi32, #tpu.memory_space<hbm>> -> memref<800xi32, #tpu.memory_space<hbm>>
      %dma_wait3A_394 = arith.constant 0 : i32
      %dma_wait3A_395 = tpu.memref_slice %arg7[%dma_wait3A_386, %dma_wait3A_394] : memref<15x800xi32, #tpu.memory_space<vmem>> -> memref<1x800xi32, #tpu.memory_space<vmem>>
      %dma_wait3A_396 = tpu.memref_squeeze %dma_wait3A_395 : memref<1x800xi32, #tpu.memory_space<vmem>> -> memref<800xi32, #tpu.memory_space<vmem>>
      %dma_wait3A_397 = arith.constant 0 : i32
      %dma_wait3A_398 = tpu.memref_slice %arg2[%dma_wait3A_385, %dma_wait3A_397] : memref<2x320000xi32, #tpu.memory_space<hbm>> -> memref<1x320000xi32, #tpu.memory_space<hbm>>
      %dma_wait3A_399 = tpu.memref_squeeze %dma_wait3A_398 : memref<1x320000xi32, #tpu.memory_space<hbm>> -> memref<320000xi32, #tpu.memory_space<hbm>>
      %dma_wait3A_400 = tpu.memref_slice %dma_wait3A_399[%add3A_384] : memref<320000xi32, #tpu.memory_space<hbm>> -> memref<800xi32, #tpu.memory_space<hbm>>
      tpu.wait_dma2 semaphore(%arg10 : memref<!tpu.dma_semaphore, #tpu.memory_space<semaphore_mem>>) src(%dma_wait3A_400 : memref<800xi32, #tpu.memory_space<hbm>>) dst(%dma_wait3A_396 : memref<800xi32, #tpu.memory_space<vmem>>)
      %barrier3A_401 = arith.constant 0 : index
      tpu.barrier barrier_id(%barrier3A_401)
      %dma_start3A_402 = arith.constant 0 : i32
      %dma_start3A_403 = arith.constant 0 : i32
      %dma_start3A_404 = arith.constant 0 : i32
      %dma_start3A_405 = arith.constant 0 : i32
      %dma_start3A_406 = tpu.memref_slice %arg8[%dma_start3A_402, %dma_start3A_404, %dma_start3A_405] : memref<4x800x8xf32, #tpu.memory_space<vmem>> -> memref<1x800x8xf32, #tpu.memory_space<vmem>>
      %dma_start3A_407 = tpu.memref_squeeze %dma_start3A_406 : memref<1x800x8xf32, #tpu.memory_space<vmem>> -> memref<800x8xf32, #tpu.memory_space<vmem>>
      %dma_start3A_408 = arith.constant 0 : i32
      %dma_start3A_409 = tpu.memref_slice %arg6[%dma_start3A_408] : memref<12000xi32, #tpu.memory_space<vmem>> -> memref<800xi32, #tpu.memory_space<vmem>>
      %dma_start3A_410 = arith.constant 0 : i32
      %dma_start3A_411 = arith.constant 0 : i32
      %dma_start3A_412 = tpu.memref_slice %arg4[%dma_start3A_410, %dma_start3A_411] : memref<10240x8xf32, #tpu.memory_space<hbm>> -> memref<10240x8xf32, #tpu.memory_space<hbm>>
      %dma_start3A_413 = tpu.memref_slice %arg11[%dma_start3A_403] : memref<4x!tpu.dma_semaphore, #tpu.memory_space<semaphore_mem>> -> memref<1x!tpu.dma_semaphore, #tpu.memory_space<semaphore_mem>>
      %dma_start3A_414 = tpu.memref_squeeze %dma_start3A_413 : memref<1x!tpu.dma_semaphore, #tpu.memory_space<semaphore_mem>> -> memref<!tpu.dma_semaphore, #tpu.memory_space<semaphore_mem>>
      tpu.enqueue_indirect_dma source(%dma_start3A_412 : memref<10240x8xf32, #tpu.memory_space<hbm>>) target(%dma_start3A_407 : memref<800x8xf32, #tpu.memory_space<vmem>>) offsets(%dma_start3A_409 : memref<800xi32, #tpu.memory_space<vmem>>) semaphore(%dma_start3A_414 : memref<!tpu.dma_semaphore, #tpu.memory_space<semaphore_mem>>)
      %dma_start3A_415 = arith.constant 1 : i32
      %dma_start3A_416 = arith.constant 1 : i32
      %dma_start3A_417 = arith.constant 0 : i32
      %dma_start3A_418 = arith.constant 0 : i32
      %dma_start3A_419 = tpu.memref_slice %arg8[%dma_start3A_415, %dma_start3A_417, %dma_start3A_418] : memref<4x800x8xf32, #tpu.memory_space<vmem>> -> memref<1x800x8xf32, #tpu.memory_space<vmem>>
      %dma_start3A_420 = tpu.memref_squeeze %dma_start3A_419 : memref<1x800x8xf32, #tpu.memory_space<vmem>> -> memref<800x8xf32, #tpu.memory_space<vmem>>
      %dma_start3A_421 = arith.constant 800 : i32
      %dma_start3A_422 = tpu.memref_slice %arg6[%dma_start3A_421] : memref<12000xi32, #tpu.memory_space<vmem>> -> memref<800xi32, #tpu.memory_space<vmem>>
      %dma_start3A_423 = arith.constant 0 : i32
      %dma_start3A_424 = arith.constant 0 : i32
      %dma_start3A_425 = tpu.memref_slice %arg4[%dma_start3A_423, %dma_start3A_424] : memref<10240x8xf32, #tpu.memory_space<hbm>> -> memref<10240x8xf32, #tpu.memory_space<hbm>>
      %dma_start3A_426 = tpu.memref_slice %arg11[%dma_start3A_416] : memref<4x!tpu.dma_semaphore, #tpu.memory_space<semaphore_mem>> -> memref<1x!tpu.dma_semaphore, #tpu.memory_space<semaphore_mem>>
      %dma_start3A_427 = tpu.memref_squeeze %dma_start3A_426 : memref<1x!tpu.dma_semaphore, #tpu.memory_space<semaphore_mem>> -> memref<!tpu.dma_semaphore, #tpu.memory_space<semaphore_mem>>
      tpu.enqueue_indirect_dma source(%dma_start3A_425 : memref<10240x8xf32, #tpu.memory_space<hbm>>) target(%dma_start3A_420 : memref<800x8xf32, #tpu.memory_space<vmem>>) offsets(%dma_start3A_422 : memref<800xi32, #tpu.memory_space<vmem>>) semaphore(%dma_start3A_427 : memref<!tpu.dma_semaphore, #tpu.memory_space<semaphore_mem>>)
      %dma_start3A_428 = arith.constant 2 : i32
      %dma_start3A_429 = arith.constant 2 : i32
      %dma_start3A_430 = arith.constant 0 : i32
      %dma_start3A_431 = arith.constant 0 : i32
      %dma_start3A_432 = tpu.memref_slice %arg8[%dma_start3A_428, %dma_start3A_430, %dma_start3A_431] : memref<4x800x8xf32, #tpu.memory_space<vmem>> -> memref<1x800x8xf32, #tpu.memory_space<vmem>>
      %dma_start3A_433 = tpu.memref_squeeze %dma_start3A_432 : memref<1x800x8xf32, #tpu.memory_space<vmem>> -> memref<800x8xf32, #tpu.memory_space<vmem>>
      %dma_start3A_434 = arith.constant 1600 : i32
      %dma_start3A_435 = tpu.memref_slice %arg6[%dma_start3A_434] : memref<12000xi32, #tpu.memory_space<vmem>> -> memref<800xi32, #tpu.memory_space<vmem>>
      %dma_start3A_436 = arith.constant 0 : i32
      %dma_start3A_437 = arith.constant 0 : i32
      %dma_start3A_438 = tpu.memref_slice %arg4[%dma_start3A_436, %dma_start3A_437] : memref<10240x8xf32, #tpu.memory_space<hbm>> -> memref<10240x8xf32, #tpu.memory_space<hbm>>
      %dma_start3A_439 = tpu.memref_slice %arg11[%dma_start3A_429] : memref<4x!tpu.dma_semaphore, #tpu.memory_space<semaphore_mem>> -> memref<1x!tpu.dma_semaphore, #tpu.memory_space<semaphore_mem>>
      %dma_start3A_440 = tpu.memref_squeeze %dma_start3A_439 : memref<1x!tpu.dma_semaphore, #tpu.memory_space<semaphore_mem>> -> memref<!tpu.dma_semaphore, #tpu.memory_space<semaphore_mem>>
      tpu.enqueue_indirect_dma source(%dma_start3A_438 : memref<10240x8xf32, #tpu.memory_space<hbm>>) target(%dma_start3A_433 : memref<800x8xf32, #tpu.memory_space<vmem>>) offsets(%dma_start3A_435 : memref<800xi32, #tpu.memory_space<vmem>>) semaphore(%dma_start3A_440 : memref<!tpu.dma_semaphore, #tpu.memory_space<semaphore_mem>>)
      %dma_wait3A_441 = arith.constant 0 : i32
      %dma_wait3A_442 = arith.constant 0 : i32
      %dma_wait3A_443 = arith.constant 0 : i32
      %dma_wait3A_444 = arith.constant 0 : i32
      %dma_wait3A_445 = tpu.memref_slice %arg8[%dma_wait3A_441, %dma_wait3A_443, %dma_wait3A_444] : memref<4x800x8xf32, #tpu.memory_space<vmem>> -> memref<1x800x8xf32, #tpu.memory_space<vmem>>
      %dma_wait3A_446 = tpu.memref_squeeze %dma_wait3A_445 : memref<1x800x8xf32, #tpu.memory_space<vmem>> -> memref<800x8xf32, #tpu.memory_space<vmem>>
      %dma_wait3A_447 = arith.constant 0 : i32
      %dma_wait3A_448 = tpu.memref_slice %arg6[%dma_wait3A_447] : memref<12000xi32, #tpu.memory_space<vmem>> -> memref<800xi32, #tpu.memory_space<vmem>>
      %dma_wait3A_449 = arith.constant 0 : i32
      %dma_wait3A_450 = arith.constant 0 : i32
      %dma_wait3A_451 = tpu.memref_slice %arg4[%dma_wait3A_449, %dma_wait3A_450] : memref<10240x8xf32, #tpu.memory_space<hbm>> -> memref<10240x8xf32, #tpu.memory_space<hbm>>
      %dma_wait3A_452 = tpu.memref_slice %arg11[%dma_wait3A_442] : memref<4x!tpu.dma_semaphore, #tpu.memory_space<semaphore_mem>> -> memref<1x!tpu.dma_semaphore, #tpu.memory_space<semaphore_mem>>
      %dma_wait3A_453 = tpu.memref_squeeze %dma_wait3A_452 : memref<1x!tpu.dma_semaphore, #tpu.memory_space<semaphore_mem>> -> memref<!tpu.dma_semaphore, #tpu.memory_space<semaphore_mem>>
      tpu.wait_indirect_dma semaphore(%dma_wait3A_453 : memref<!tpu.dma_semaphore, #tpu.memory_space<semaphore_mem>>) src(%dma_wait3A_451 : memref<10240x8xf32, #tpu.memory_space<hbm>>) dst(%dma_wait3A_446 : memref<800x8xf32, #tpu.memory_space<vmem>>)
      %dma_start3A_454 = arith.constant 0 : i32
      %dma_start3A_455 = arith.constant 0 : i32
      %dma_start3A_456 = arith.constant 0 : i32
      %dma_start3A_457 = arith.constant 0 : i32
      %dma_start3A_458 = arith.constant 0 : i32
      %dma_start3A_459 = tpu.memref_slice %arg8[%dma_start3A_454, %dma_start3A_457, %dma_start3A_458] : memref<4x800x8xf32, #tpu.memory_space<vmem>> -> memref<1x800x8xf32, #tpu.memory_space<vmem>>
      %dma_start3A_460 = tpu.memref_squeeze %dma_start3A_459 : memref<1x800x8xf32, #tpu.memory_space<vmem>> -> memref<800x8xf32, #tpu.memory_space<vmem>>
      %dma_start3A_461 = arith.constant 0 : i32
      %dma_start3A_462 = tpu.memref_slice %arg7[%dma_start3A_455, %dma_start3A_461] : memref<15x800xi32, #tpu.memory_space<vmem>> -> memref<1x800xi32, #tpu.memory_space<vmem>>
      %dma_start3A_463 = tpu.memref_squeeze %dma_start3A_462 : memref<1x800xi32, #tpu.memory_space<vmem>> -> memref<800xi32, #tpu.memory_space<vmem>>
      %dma_start3A_464 = arith.constant 0 : i32
      %dma_start3A_465 = arith.constant 0 : i32
      %dma_start3A_466 = tpu.memref_slice %arg9[%dma_start3A_464, %dma_start3A_465] : memref<10240x8xf32, #tpu.memory_space<vmem_shared>> -> memref<10240x8xf32, #tpu.memory_space<vmem_shared>>
      %dma_start3A_467 = tpu.memref_slice %arg12[%dma_start3A_456] : memref<4x!tpu.dma_semaphore, #tpu.memory_space<semaphore_mem>> -> memref<1x!tpu.dma_semaphore, #tpu.memory_space<semaphore_mem>>
      %dma_start3A_468 = tpu.memref_squeeze %dma_start3A_467 : memref<1x!tpu.dma_semaphore, #tpu.memory_space<semaphore_mem>> -> memref<!tpu.dma_semaphore, #tpu.memory_space<semaphore_mem>>
      tpu.enqueue_indirect_dma source(%dma_start3A_460 : memref<800x8xf32, #tpu.memory_space<vmem>>) target(%dma_start3A_466 : memref<10240x8xf32, #tpu.memory_space<vmem_shared>>) offsets(%dma_start3A_463 : memref<800xi32, #tpu.memory_space<vmem>>) semaphore(%dma_start3A_468 : memref<!tpu.dma_semaphore, #tpu.memory_space<semaphore_mem>>) {add = true}
      %dma_start3A_469 = arith.constant 3 : i32
      %dma_start3A_470 = arith.constant 3 : i32
      %dma_start3A_471 = arith.constant 0 : i32
      %dma_start3A_472 = arith.constant 0 : i32
      %dma_start3A_473 = tpu.memref_slice %arg8[%dma_start3A_469, %dma_start3A_471, %dma_start3A_472] : memref<4x800x8xf32, #tpu.memory_space<vmem>> -> memref<1x800x8xf32, #tpu.memory_space<vmem>>
      %dma_start3A_474 = tpu.memref_squeeze %dma_start3A_473 : memref<1x800x8xf32, #tpu.memory_space<vmem>> -> memref<800x8xf32, #tpu.memory_space<vmem>>
      %dma_start3A_475 = arith.constant 2400 : i32
      %dma_start3A_476 = tpu.memref_slice %arg6[%dma_start3A_475] : memref<12000xi32, #tpu.memory_space<vmem>> -> memref<800xi32, #tpu.memory_space<vmem>>
      %dma_start3A_477 = arith.constant 0 : i32
      %dma_start3A_478 = arith.constant 0 : i32
      %dma_start3A_479 = tpu.memref_slice %arg4[%dma_start3A_477, %dma_start3A_478] : memref<10240x8xf32, #tpu.memory_space<hbm>> -> memref<10240x8xf32, #tpu.memory_space<hbm>>
      %dma_start3A_480 = tpu.memref_slice %arg11[%dma_start3A_470] : memref<4x!tpu.dma_semaphore, #tpu.memory_space<semaphore_mem>> -> memref<1x!tpu.dma_semaphore, #tpu.memory_space<semaphore_mem>>
      %dma_start3A_481 = tpu.memref_squeeze %dma_start3A_480 : memref<1x!tpu.dma_semaphore, #tpu.memory_space<semaphore_mem>> -> memref<!tpu.dma_semaphore, #tpu.memory_space<semaphore_mem>>
      tpu.enqueue_indirect_dma source(%dma_start3A_479 : memref<10240x8xf32, #tpu.memory_space<hbm>>) target(%dma_start3A_474 : memref<800x8xf32, #tpu.memory_space<vmem>>) offsets(%dma_start3A_476 : memref<800xi32, #tpu.memory_space<vmem>>) semaphore(%dma_start3A_481 : memref<!tpu.dma_semaphore, #tpu.memory_space<semaphore_mem>>)
      %dma_wait3A_482 = arith.constant 1 : i32
      %dma_wait3A_483 = arith.constant 1 : i32
      %dma_wait3A_484 = arith.constant 0 : i32
      %dma_wait3A_485 = arith.constant 0 : i32
      %dma_wait3A_486 = tpu.memref_slice %arg8[%dma_wait3A_482, %dma_wait3A_484, %dma_wait3A_485] : memref<4x800x8xf32, #tpu.memory_space<vmem>> -> memref<1x800x8xf32, #tpu.memory_space<vmem>>
      %dma_wait3A_487 = tpu.memref_squeeze %dma_wait3A_486 : memref<1x800x8xf32, #tpu.memory_space<vmem>> -> memref<800x8xf32, #tpu.memory_space<vmem>>
      %dma_wait3A_488 = arith.constant 800 : i32
      %dma_wait3A_489 = tpu.memref_slice %arg6[%dma_wait3A_488] : memref<12000xi32, #tpu.memory_space<vmem>> -> memref<800xi32, #tpu.memory_space<vmem>>
      %dma_wait3A_490 = arith.constant 0 : i32
      %dma_wait3A_491 = arith.constant 0 : i32
      %dma_wait3A_492 = tpu.memref_slice %arg4[%dma_wait3A_490, %dma_wait3A_491] : memref<10240x8xf32, #tpu.memory_space<hbm>> -> memref<10240x8xf32, #tpu.memory_space<hbm>>
      %dma_wait3A_493 = tpu.memref_slice %arg11[%dma_wait3A_483] : memref<4x!tpu.dma_semaphore, #tpu.memory_space<semaphore_mem>> -> memref<1x!tpu.dma_semaphore, #tpu.memory_space<semaphore_mem>>
      %dma_wait3A_494 = tpu.memref_squeeze %dma_wait3A_493 : memref<1x!tpu.dma_semaphore, #tpu.memory_space<semaphore_mem>> -> memref<!tpu.dma_semaphore, #tpu.memory_space<semaphore_mem>>
      tpu.wait_indirect_dma semaphore(%dma_wait3A_494 : memref<!tpu.dma_semaphore, #tpu.memory_space<semaphore_mem>>) src(%dma_wait3A_492 : memref<10240x8xf32, #tpu.memory_space<hbm>>) dst(%dma_wait3A_487 : memref<800x8xf32, #tpu.memory_space<vmem>>)
      %dma_start3A_495 = arith.constant 1 : i32
      %dma_start3A_496 = arith.constant 1 : i32
      %dma_start3A_497 = arith.constant 1 : i32
      %dma_start3A_498 = arith.constant 0 : i32
      %dma_start3A_499 = arith.constant 0 : i32
      %dma_start3A_500 = tpu.memref_slice %arg8[%dma_start3A_495, %dma_start3A_498, %dma_start3A_499] : memref<4x800x8xf32, #tpu.memory_space<vmem>> -> memref<1x800x8xf32, #tpu.memory_space<vmem>>
      %dma_start3A_501 = tpu.memref_squeeze %dma_start3A_500 : memref<1x800x8xf32, #tpu.memory_space<vmem>> -> memref<800x8xf32, #tpu.memory_space<vmem>>
      %dma_start3A_502 = arith.constant 0 : i32
      %dma_start3A_503 = tpu.memref_slice %arg7[%dma_start3A_496, %dma_start3A_502] : memref<15x800xi32, #tpu.memory_space<vmem>> -> memref<1x800xi32, #tpu.memory_space<vmem>>
      %dma_start3A_504 = tpu.memref_squeeze %dma_start3A_503 : memref<1x800xi32, #tpu.memory_space<vmem>> -> memref<800xi32, #tpu.memory_space<vmem>>
      %dma_start3A_505 = arith.constant 0 : i32
      %dma_start3A_506 = arith.constant 0 : i32
      %dma_start3A_507 = tpu.memref_slice %arg9[%dma_start3A_505, %dma_start3A_506] : memref<10240x8xf32, #tpu.memory_space<vmem_shared>> -> memref<10240x8xf32, #tpu.memory_space<vmem_shared>>
      %dma_start3A_508 = tpu.memref_slice %arg12[%dma_start3A_497] : memref<4x!tpu.dma_semaphore, #tpu.memory_space<semaphore_mem>> -> memref<1x!tpu.dma_semaphore, #tpu.memory_space<semaphore_mem>>
      %dma_start3A_509 = tpu.memref_squeeze %dma_start3A_508 : memref<1x!tpu.dma_semaphore, #tpu.memory_space<semaphore_mem>> -> memref<!tpu.dma_semaphore, #tpu.memory_space<semaphore_mem>>
      tpu.enqueue_indirect_dma source(%dma_start3A_501 : memref<800x8xf32, #tpu.memory_space<vmem>>) target(%dma_start3A_507 : memref<10240x8xf32, #tpu.memory_space<vmem_shared>>) offsets(%dma_start3A_504 : memref<800xi32, #tpu.memory_space<vmem>>) semaphore(%dma_start3A_509 : memref<!tpu.dma_semaphore, #tpu.memory_space<semaphore_mem>>) {add = true}
      %dma_wait3A_510 = arith.constant 0 : i32
      %dma_wait3A_511 = arith.constant 0 : i32
      %dma_wait3A_512 = arith.constant 0 : i32
      %dma_wait3A_513 = arith.constant 0 : i32
      %dma_wait3A_514 = arith.constant 0 : i32
      %dma_wait3A_515 = tpu.memref_slice %arg8[%dma_wait3A_510, %dma_wait3A_513, %dma_wait3A_514] : memref<4x800x8xf32, #tpu.memory_space<vmem>> -> memref<1x800x8xf32, #tpu.memory_space<vmem>>
      %dma_wait3A_516 = tpu.memref_squeeze %dma_wait3A_515 : memref<1x800x8xf32, #tpu.memory_space<vmem>> -> memref<800x8xf32, #tpu.memory_space<vmem>>
      %dma_wait3A_517 = arith.constant 0 : i32
      %dma_wait3A_518 = tpu.memref_slice %arg7[%dma_wait3A_511, %dma_wait3A_517] : memref<15x800xi32, #tpu.memory_space<vmem>> -> memref<1x800xi32, #tpu.memory_space<vmem>>
      %dma_wait3A_519 = tpu.memref_squeeze %dma_wait3A_518 : memref<1x800xi32, #tpu.memory_space<vmem>> -> memref<800xi32, #tpu.memory_space<vmem>>
      %dma_wait3A_520 = arith.constant 0 : i32
      %dma_wait3A_521 = arith.constant 0 : i32
      %dma_wait3A_522 = tpu.memref_slice %arg9[%dma_wait3A_520, %dma_wait3A_521] : memref<10240x8xf32, #tpu.memory_space<vmem_shared>> -> memref<10240x8xf32, #tpu.memory_space<vmem_shared>>
      %dma_wait3A_523 = tpu.memref_slice %arg12[%dma_wait3A_512] : memref<4x!tpu.dma_semaphore, #tpu.memory_space<semaphore_mem>> -> memref<1x!tpu.dma_semaphore, #tpu.memory_space<semaphore_mem>>
      %dma_wait3A_524 = tpu.memref_squeeze %dma_wait3A_523 : memref<1x!tpu.dma_semaphore, #tpu.memory_space<semaphore_mem>> -> memref<!tpu.dma_semaphore, #tpu.memory_space<semaphore_mem>>
      tpu.wait_indirect_dma semaphore(%dma_wait3A_524 : memref<!tpu.dma_semaphore, #tpu.memory_space<semaphore_mem>>) src(%dma_wait3A_516 : memref<800x8xf32, #tpu.memory_space<vmem>>) dst(%dma_wait3A_522 : memref<10240x8xf32, #tpu.memory_space<vmem_shared>>)
      %dma_start3A_525 = arith.constant 0 : i32
      %dma_start3A_526 = arith.constant 0 : i32
      %dma_start3A_527 = arith.constant 0 : i32
      %dma_start3A_528 = arith.constant 0 : i32
      %dma_start3A_529 = tpu.memref_slice %arg8[%dma_start3A_525, %dma_start3A_527, %dma_start3A_528] : memref<4x800x8xf32, #tpu.memory_space<vmem>> -> memref<1x800x8xf32, #tpu.memory_space<vmem>>
      %dma_start3A_530 = tpu.memref_squeeze %dma_start3A_529 : memref<1x800x8xf32, #tpu.memory_space<vmem>> -> memref<800x8xf32, #tpu.memory_space<vmem>>
      %dma_start3A_531 = arith.constant 3200 : i32
      %dma_start3A_532 = tpu.memref_slice %arg6[%dma_start3A_531] : memref<12000xi32, #tpu.memory_space<vmem>> -> memref<800xi32, #tpu.memory_space<vmem>>
      %dma_start3A_533 = arith.constant 0 : i32
      %dma_start3A_534 = arith.constant 0 : i32
      %dma_start3A_535 = tpu.memref_slice %arg4[%dma_start3A_533, %dma_start3A_534] : memref<10240x8xf32, #tpu.memory_space<hbm>> -> memref<10240x8xf32, #tpu.memory_space<hbm>>
      %dma_start3A_536 = tpu.memref_slice %arg11[%dma_start3A_526] : memref<4x!tpu.dma_semaphore, #tpu.memory_space<semaphore_mem>> -> memref<1x!tpu.dma_semaphore, #tpu.memory_space<semaphore_mem>>
      %dma_start3A_537 = tpu.memref_squeeze %dma_start3A_536 : memref<1x!tpu.dma_semaphore, #tpu.memory_space<semaphore_mem>> -> memref<!tpu.dma_semaphore, #tpu.memory_space<semaphore_mem>>
      tpu.enqueue_indirect_dma source(%dma_start3A_535 : memref<10240x8xf32, #tpu.memory_space<hbm>>) target(%dma_start3A_530 : memref<800x8xf32, #tpu.memory_space<vmem>>) offsets(%dma_start3A_532 : memref<800xi32, #tpu.memory_space<vmem>>) semaphore(%dma_start3A_537 : memref<!tpu.dma_semaphore, #tpu.memory_space<semaphore_mem>>)
      %dma_wait3A_538 = arith.constant 2 : i32
      %dma_wait3A_539 = arith.constant 2 : i32
      %dma_wait3A_540 = arith.constant 0 : i32
      %dma_wait3A_541 = arith.constant 0 : i32
      %dma_wait3A_542 = tpu.memref_slice %arg8[%dma_wait3A_538, %dma_wait3A_540, %dma_wait3A_541] : memref<4x800x8xf32, #tpu.memory_space<vmem>> -> memref<1x800x8xf32, #tpu.memory_space<vmem>>
      %dma_wait3A_543 = tpu.memref_squeeze %dma_wait3A_542 : memref<1x800x8xf32, #tpu.memory_space<vmem>> -> memref<800x8xf32, #tpu.memory_space<vmem>>
      %dma_wait3A_544 = arith.constant 1600 : i32
      %dma_wait3A_545 = tpu.memref_slice %arg6[%dma_wait3A_544] : memref<12000xi32, #tpu.memory_space<vmem>> -> memref<800xi32, #tpu.memory_space<vmem>>
      %dma_wait3A_546 = arith.constant 0 : i32
      %dma_wait3A_547 = arith.constant 0 : i32
      %dma_wait3A_548 = tpu.memref_slice %arg4[%dma_wait3A_546, %dma_wait3A_547] : memref<10240x8xf32, #tpu.memory_space<hbm>> -> memref<10240x8xf32, #tpu.memory_space<hbm>>
      %dma_wait3A_549 = tpu.memref_slice %arg11[%dma_wait3A_539] : memref<4x!tpu.dma_semaphore, #tpu.memory_space<semaphore_mem>> -> memref<1x!tpu.dma_semaphore, #tpu.memory_space<semaphore_mem>>
      %dma_wait3A_550 = tpu.memref_squeeze %dma_wait3A_549 : memref<1x!tpu.dma_semaphore, #tpu.memory_space<semaphore_mem>> -> memref<!tpu.dma_semaphore, #tpu.memory_space<semaphore_mem>>
      tpu.wait_indirect_dma semaphore(%dma_wait3A_550 : memref<!tpu.dma_semaphore, #tpu.memory_space<semaphore_mem>>) src(%dma_wait3A_548 : memref<10240x8xf32, #tpu.memory_space<hbm>>) dst(%dma_wait3A_543 : memref<800x8xf32, #tpu.memory_space<vmem>>)
      %dma_start3A_551 = arith.constant 2 : i32
      %dma_start3A_552 = arith.constant 2 : i32
      %dma_start3A_553 = arith.constant 2 : i32
      %dma_start3A_554 = arith.constant 0 : i32
      %dma_start3A_555 = arith.constant 0 : i32
      %dma_start3A_556 = tpu.memref_slice %arg8[%dma_start3A_551, %dma_start3A_554, %dma_start3A_555] : memref<4x800x8xf32, #tpu.memory_space<vmem>> -> memref<1x800x8xf32, #tpu.memory_space<vmem>>
      %dma_start3A_557 = tpu.memref_squeeze %dma_start3A_556 : memref<1x800x8xf32, #tpu.memory_space<vmem>> -> memref<800x8xf32, #tpu.memory_space<vmem>>
      %dma_start3A_558 = arith.constant 0 : i32
      %dma_start3A_559 = tpu.memref_slice %arg7[%dma_start3A_552, %dma_start3A_558] : memref<15x800xi32, #tpu.memory_space<vmem>> -> memref<1x800xi32, #tpu.memory_space<vmem>>
      %dma_start3A_560 = tpu.memref_squeeze %dma_start3A_559 : memref<1x800xi32, #tpu.memory_space<vmem>> -> memref<800xi32, #tpu.memory_space<vmem>>
      %dma_start3A_561 = arith.constant 0 : i32
      %dma_start3A_562 = arith.constant 0 : i32
      %dma_start3A_563 = tpu.memref_slice %arg9[%dma_start3A_561, %dma_start3A_562] : memref<10240x8xf32, #tpu.memory_space<vmem_shared>> -> memref<10240x8xf32, #tpu.memory_space<vmem_shared>>
      %dma_start3A_564 = tpu.memref_slice %arg12[%dma_start3A_553] : memref<4x!tpu.dma_semaphore, #tpu.memory_space<semaphore_mem>> -> memref<1x!tpu.dma_semaphore, #tpu.memory_space<semaphore_mem>>
      %dma_start3A_565 = tpu.memref_squeeze %dma_start3A_564 : memref<1x!tpu.dma_semaphore, #tpu.memory_space<semaphore_mem>> -> memref<!tpu.dma_semaphore, #tpu.memory_space<semaphore_mem>>
      tpu.enqueue_indirect_dma source(%dma_start3A_557 : memref<800x8xf32, #tpu.memory_space<vmem>>) target(%dma_start3A_563 : memref<10240x8xf32, #tpu.memory_space<vmem_shared>>) offsets(%dma_start3A_560 : memref<800xi32, #tpu.memory_space<vmem>>) semaphore(%dma_start3A_565 : memref<!tpu.dma_semaphore, #tpu.memory_space<semaphore_mem>>) {add = true}
      %dma_wait3A_566 = arith.constant 1 : i32
      %dma_wait3A_567 = arith.constant 1 : i32
      %dma_wait3A_568 = arith.constant 1 : i32
      %dma_wait3A_569 = arith.constant 0 : i32
      %dma_wait3A_570 = arith.constant 0 : i32
      %dma_wait3A_571 = tpu.memref_slice %arg8[%dma_wait3A_566, %dma_wait3A_569, %dma_wait3A_570] : memref<4x800x8xf32, #tpu.memory_space<vmem>> -> memref<1x800x8xf32, #tpu.memory_space<vmem>>
      %dma_wait3A_572 = tpu.memref_squeeze %dma_wait3A_571 : memref<1x800x8xf32, #tpu.memory_space<vmem>> -> memref<800x8xf32, #tpu.memory_space<vmem>>
      %dma_wait3A_573 = arith.constant 0 : i32
      %dma_wait3A_574 = tpu.memref_slice %arg7[%dma_wait3A_567, %dma_wait3A_573] : memref<15x800xi32, #tpu.memory_space<vmem>> -> memref<1x800xi32, #tpu.memory_space<vmem>>
      %dma_wait3A_575 = tpu.memref_squeeze %dma_wait3A_574 : memref<1x800xi32, #tpu.memory_space<vmem>> -> memref<800xi32, #tpu.memory_space<vmem>>
      %dma_wait3A_576 = arith.constant 0 : i32
      %dma_wait3A_577 = arith.constant 0 : i32
      %dma_wait3A_578 = tpu.memref_slice %arg9[%dma_wait3A_576, %dma_wait3A_577] : memref<10240x8xf32, #tpu.memory_space<vmem_shared>> -> memref<10240x8xf32, #tpu.memory_space<vmem_shared>>
      %dma_wait3A_579 = tpu.memref_slice %arg12[%dma_wait3A_568] : memref<4x!tpu.dma_semaphore, #tpu.memory_space<semaphore_mem>> -> memref<1x!tpu.dma_semaphore, #tpu.memory_space<semaphore_mem>>
      %dma_wait3A_580 = tpu.memref_squeeze %dma_wait3A_579 : memref<1x!tpu.dma_semaphore, #tpu.memory_space<semaphore_mem>> -> memref<!tpu.dma_semaphore, #tpu.memory_space<semaphore_mem>>
      tpu.wait_indirect_dma semaphore(%dma_wait3A_580 : memref<!tpu.dma_semaphore, #tpu.memory_space<semaphore_mem>>) src(%dma_wait3A_572 : memref<800x8xf32, #tpu.memory_space<vmem>>) dst(%dma_wait3A_578 : memref<10240x8xf32, #tpu.memory_space<vmem_shared>>)
      %dma_start3A_581 = arith.constant 1 : i32
      %dma_start3A_582 = arith.constant 1 : i32
      %dma_start3A_583 = arith.constant 0 : i32
      %dma_start3A_584 = arith.constant 0 : i32
      %dma_start3A_585 = tpu.memref_slice %arg8[%dma_start3A_581, %dma_start3A_583, %dma_start3A_584] : memref<4x800x8xf32, #tpu.memory_space<vmem>> -> memref<1x800x8xf32, #tpu.memory_space<vmem>>
      %dma_start3A_586 = tpu.memref_squeeze %dma_start3A_585 : memref<1x800x8xf32, #tpu.memory_space<vmem>> -> memref<800x8xf32, #tpu.memory_space<vmem>>
      %dma_start3A_587 = arith.constant 4000 : i32
      %dma_start3A_588 = tpu.memref_slice %arg6[%dma_start3A_587] : memref<12000xi32, #tpu.memory_space<vmem>> -> memref<800xi32, #tpu.memory_space<vmem>>
      %dma_start3A_589 = arith.constant 0 : i32
      %dma_start3A_590 = arith.constant 0 : i32
      %dma_start3A_591 = tpu.memref_slice %arg4[%dma_start3A_589, %dma_start3A_590] : memref<10240x8xf32, #tpu.memory_space<hbm>> -> memref<10240x8xf32, #tpu.memory_space<hbm>>
      %dma_start3A_592 = tpu.memref_slice %arg11[%dma_start3A_582] : memref<4x!tpu.dma_semaphore, #tpu.memory_space<semaphore_mem>> -> memref<1x!tpu.dma_semaphore, #tpu.memory_space<semaphore_mem>>
      %dma_start3A_593 = tpu.memref_squeeze %dma_start3A_592 : memref<1x!tpu.dma_semaphore, #tpu.memory_space<semaphore_mem>> -> memref<!tpu.dma_semaphore, #tpu.memory_space<semaphore_mem>>
      tpu.enqueue_indirect_dma source(%dma_start3A_591 : memref<10240x8xf32, #tpu.memory_space<hbm>>) target(%dma_start3A_586 : memref<800x8xf32, #tpu.memory_space<vmem>>) offsets(%dma_start3A_588 : memref<800xi32, #tpu.memory_space<vmem>>) semaphore(%dma_start3A_593 : memref<!tpu.dma_semaphore, #tpu.memory_space<semaphore_mem>>)
      %dma_wait3A_594 = arith.constant 3 : i32
      %dma_wait3A_595 = arith.constant 3 : i32
      %dma_wait3A_596 = arith.constant 0 : i32
      %dma_wait3A_597 = arith.constant 0 : i32
      %dma_wait3A_598 = tpu.memref_slice %arg8[%dma_wait3A_594, %dma_wait3A_596, %dma_wait3A_597] : memref<4x800x8xf32, #tpu.memory_space<vmem>> -> memref<1x800x8xf32, #tpu.memory_space<vmem>>
      %dma_wait3A_599 = tpu.memref_squeeze %dma_wait3A_598 : memref<1x800x8xf32, #tpu.memory_space<vmem>> -> memref<800x8xf32, #tpu.memory_space<vmem>>
      %dma_wait3A_600 = arith.constant 2400 : i32
      %dma_wait3A_601 = tpu.memref_slice %arg6[%dma_wait3A_600] : memref<12000xi32, #tpu.memory_space<vmem>> -> memref<800xi32, #tpu.memory_space<vmem>>
      %dma_wait3A_602 = arith.constant 0 : i32
      %dma_wait3A_603 = arith.constant 0 : i32
      %dma_wait3A_604 = tpu.memref_slice %arg4[%dma_wait3A_602, %dma_wait3A_603] : memref<10240x8xf32, #tpu.memory_space<hbm>> -> memref<10240x8xf32, #tpu.memory_space<hbm>>
      %dma_wait3A_605 = tpu.memref_slice %arg11[%dma_wait3A_595] : memref<4x!tpu.dma_semaphore, #tpu.memory_space<semaphore_mem>> -> memref<1x!tpu.dma_semaphore, #tpu.memory_space<semaphore_mem>>
      %dma_wait3A_606 = tpu.memref_squeeze %dma_wait3A_605 : memref<1x!tpu.dma_semaphore, #tpu.memory_space<semaphore_mem>> -> memref<!tpu.dma_semaphore, #tpu.memory_space<semaphore_mem>>
      tpu.wait_indirect_dma semaphore(%dma_wait3A_606 : memref<!tpu.dma_semaphore, #tpu.memory_space<semaphore_mem>>) src(%dma_wait3A_604 : memref<10240x8xf32, #tpu.memory_space<hbm>>) dst(%dma_wait3A_599 : memref<800x8xf32, #tpu.memory_space<vmem>>)
      %dma_start3A_607 = arith.constant 3 : i32
      %dma_start3A_608 = arith.constant 3 : i32
      %dma_start3A_609 = arith.constant 3 : i32
      %dma_start3A_610 = arith.constant 0 : i32
      %dma_start3A_611 = arith.constant 0 : i32
      %dma_start3A_612 = tpu.memref_slice %arg8[%dma_start3A_607, %dma_start3A_610, %dma_start3A_611] : memref<4x800x8xf32, #tpu.memory_space<vmem>> -> memref<1x800x8xf32, #tpu.memory_space<vmem>>
      %dma_start3A_613 = tpu.memref_squeeze %dma_start3A_612 : memref<1x800x8xf32, #tpu.memory_space<vmem>> -> memref<800x8xf32, #tpu.memory_space<vmem>>
      %dma_start3A_614 = arith.constant 0 : i32
      %dma_start3A_615 = tpu.memref_slice %arg7[%dma_start3A_608, %dma_start3A_614] : memref<15x800xi32, #tpu.memory_space<vmem>> -> memref<1x800xi32, #tpu.memory_space<vmem>>
      %dma_start3A_616 = tpu.memref_squeeze %dma_start3A_615 : memref<1x800xi32, #tpu.memory_space<vmem>> -> memref<800xi32, #tpu.memory_space<vmem>>
      %dma_start3A_617 = arith.constant 0 : i32
      %dma_start3A_618 = arith.constant 0 : i32
      %dma_start3A_619 = tpu.memref_slice %arg9[%dma_start3A_617, %dma_start3A_618] : memref<10240x8xf32, #tpu.memory_space<vmem_shared>> -> memref<10240x8xf32, #tpu.memory_space<vmem_shared>>
      %dma_start3A_620 = tpu.memref_slice %arg12[%dma_start3A_609] : memref<4x!tpu.dma_semaphore, #tpu.memory_space<semaphore_mem>> -> memref<1x!tpu.dma_semaphore, #tpu.memory_space<semaphore_mem>>
      %dma_start3A_621 = tpu.memref_squeeze %dma_start3A_620 : memref<1x!tpu.dma_semaphore, #tpu.memory_space<semaphore_mem>> -> memref<!tpu.dma_semaphore, #tpu.memory_space<semaphore_mem>>
      tpu.enqueue_indirect_dma source(%dma_start3A_613 : memref<800x8xf32, #tpu.memory_space<vmem>>) target(%dma_start3A_619 : memref<10240x8xf32, #tpu.memory_space<vmem_shared>>) offsets(%dma_start3A_616 : memref<800xi32, #tpu.memory_space<vmem>>) semaphore(%dma_start3A_621 : memref<!tpu.dma_semaphore, #tpu.memory_space<semaphore_mem>>) {add = true}
      %dma_wait3A_622 = arith.constant 2 : i32
      %dma_wait3A_623 = arith.constant 2 : i32
      %dma_wait3A_624 = arith.constant 2 : i32
      %dma_wait3A_625 = arith.constant 0 : i32
      %dma_wait3A_626 = arith.constant 0 : i32
      %dma_wait3A_627 = tpu.memref_slice %arg8[%dma_wait3A_622, %dma_wait3A_625, %dma_wait3A_626] : memref<4x800x8xf32, #tpu.memory_space<vmem>> -> memref<1x800x8xf32, #tpu.memory_space<vmem>>
      %dma_wait3A_628 = tpu.memref_squeeze %dma_wait3A_627 : memref<1x800x8xf32, #tpu.memory_space<vmem>> -> memref<800x8xf32, #tpu.memory_space<vmem>>
      %dma_wait3A_629 = arith.constant 0 : i32
      %dma_wait3A_630 = tpu.memref_slice %arg7[%dma_wait3A_623, %dma_wait3A_629] : memref<15x800xi32, #tpu.memory_space<vmem>> -> memref<1x800xi32, #tpu.memory_space<vmem>>
      %dma_wait3A_631 = tpu.memref_squeeze %dma_wait3A_630 : memref<1x800xi32, #tpu.memory_space<vmem>> -> memref<800xi32, #tpu.memory_space<vmem>>
      %dma_wait3A_632 = arith.constant 0 : i32
      %dma_wait3A_633 = arith.constant 0 : i32
      %dma_wait3A_634 = tpu.memref_slice %arg9[%dma_wait3A_632, %dma_wait3A_633] : memref<10240x8xf32, #tpu.memory_space<vmem_shared>> -> memref<10240x8xf32, #tpu.memory_space<vmem_shared>>
      %dma_wait3A_635 = tpu.memref_slice %arg12[%dma_wait3A_624] : memref<4x!tpu.dma_semaphore, #tpu.memory_space<semaphore_mem>> -> memref<1x!tpu.dma_semaphore, #tpu.memory_space<semaphore_mem>>
      %dma_wait3A_636 = tpu.memref_squeeze %dma_wait3A_635 : memref<1x!tpu.dma_semaphore, #tpu.memory_space<semaphore_mem>> -> memref<!tpu.dma_semaphore, #tpu.memory_space<semaphore_mem>>
      tpu.wait_indirect_dma semaphore(%dma_wait3A_636 : memref<!tpu.dma_semaphore, #tpu.memory_space<semaphore_mem>>) src(%dma_wait3A_628 : memref<800x8xf32, #tpu.memory_space<vmem>>) dst(%dma_wait3A_634 : memref<10240x8xf32, #tpu.memory_space<vmem_shared>>)
      %dma_start3A_637 = arith.constant 2 : i32
      %dma_start3A_638 = arith.constant 2 : i32
      %dma_start3A_639 = arith.constant 0 : i32
      %dma_start3A_640 = arith.constant 0 : i32
      %dma_start3A_641 = tpu.memref_slice %arg8[%dma_start3A_637, %dma_start3A_639, %dma_start3A_640] : memref<4x800x8xf32, #tpu.memory_space<vmem>> -> memref<1x800x8xf32, #tpu.memory_space<vmem>>
      %dma_start3A_642 = tpu.memref_squeeze %dma_start3A_641 : memref<1x800x8xf32, #tpu.memory_space<vmem>> -> memref<800x8xf32, #tpu.memory_space<vmem>>
      %dma_start3A_643 = arith.constant 4800 : i32
      %dma_start3A_644 = tpu.memref_slice %arg6[%dma_start3A_643] : memref<12000xi32, #tpu.memory_space<vmem>> -> memref<800xi32, #tpu.memory_space<vmem>>
      %dma_start3A_645 = arith.constant 0 : i32
      %dma_start3A_646 = arith.constant 0 : i32
      %dma_start3A_647 = tpu.memref_slice %arg4[%dma_start3A_645, %dma_start3A_646] : memref<10240x8xf32, #tpu.memory_space<hbm>> -> memref<10240x8xf32, #tpu.memory_space<hbm>>
      %dma_start3A_648 = tpu.memref_slice %arg11[%dma_start3A_638] : memref<4x!tpu.dma_semaphore, #tpu.memory_space<semaphore_mem>> -> memref<1x!tpu.dma_semaphore, #tpu.memory_space<semaphore_mem>>
      %dma_start3A_649 = tpu.memref_squeeze %dma_start3A_648 : memref<1x!tpu.dma_semaphore, #tpu.memory_space<semaphore_mem>> -> memref<!tpu.dma_semaphore, #tpu.memory_space<semaphore_mem>>
      tpu.enqueue_indirect_dma source(%dma_start3A_647 : memref<10240x8xf32, #tpu.memory_space<hbm>>) target(%dma_start3A_642 : memref<800x8xf32, #tpu.memory_space<vmem>>) offsets(%dma_start3A_644 : memref<800xi32, #tpu.memory_space<vmem>>) semaphore(%dma_start3A_649 : memref<!tpu.dma_semaphore, #tpu.memory_space<semaphore_mem>>)
      %dma_wait3A_650 = arith.constant 0 : i32
      %dma_wait3A_651 = arith.constant 0 : i32
      %dma_wait3A_652 = arith.constant 0 : i32
      %dma_wait3A_653 = arith.constant 0 : i32
      %dma_wait3A_654 = tpu.memref_slice %arg8[%dma_wait3A_650, %dma_wait3A_652, %dma_wait3A_653] : memref<4x800x8xf32, #tpu.memory_space<vmem>> -> memref<1x800x8xf32, #tpu.memory_space<vmem>>
      %dma_wait3A_655 = tpu.memref_squeeze %dma_wait3A_654 : memref<1x800x8xf32, #tpu.memory_space<vmem>> -> memref<800x8xf32, #tpu.memory_space<vmem>>
      %dma_wait3A_656 = arith.constant 3200 : i32
      %dma_wait3A_657 = tpu.memref_slice %arg6[%dma_wait3A_656] : memref<12000xi32, #tpu.memory_space<vmem>> -> memref<800xi32, #tpu.memory_space<vmem>>
      %dma_wait3A_658 = arith.constant 0 : i32
      %dma_wait3A_659 = arith.constant 0 : i32
      %dma_wait3A_660 = tpu.memref_slice %arg4[%dma_wait3A_658, %dma_wait3A_659] : memref<10240x8xf32, #tpu.memory_space<hbm>> -> memref<10240x8xf32, #tpu.memory_space<hbm>>
      %dma_wait3A_661 = tpu.memref_slice %arg11[%dma_wait3A_651] : memref<4x!tpu.dma_semaphore, #tpu.memory_space<semaphore_mem>> -> memref<1x!tpu.dma_semaphore, #tpu.memory_space<semaphore_mem>>
      %dma_wait3A_662 = tpu.memref_squeeze %dma_wait3A_661 : memref<1x!tpu.dma_semaphore, #tpu.memory_space<semaphore_mem>> -> memref<!tpu.dma_semaphore, #tpu.memory_space<semaphore_mem>>
      tpu.wait_indirect_dma semaphore(%dma_wait3A_662 : memref<!tpu.dma_semaphore, #tpu.memory_space<semaphore_mem>>) src(%dma_wait3A_660 : memref<10240x8xf32, #tpu.memory_space<hbm>>) dst(%dma_wait3A_655 : memref<800x8xf32, #tpu.memory_space<vmem>>)
      %dma_start3A_663 = arith.constant 0 : i32
      %dma_start3A_664 = arith.constant 4 : i32
      %dma_start3A_665 = arith.constant 0 : i32
      %dma_start3A_666 = arith.constant 0 : i32
      %dma_start3A_667 = arith.constant 0 : i32
      %dma_start3A_668 = tpu.memref_slice %arg8[%dma_start3A_663, %dma_start3A_666, %dma_start3A_667] : memref<4x800x8xf32, #tpu.memory_space<vmem>> -> memref<1x800x8xf32, #tpu.memory_space<vmem>>
      %dma_start3A_669 = tpu.memref_squeeze %dma_start3A_668 : memref<1x800x8xf32, #tpu.memory_space<vmem>> -> memref<800x8xf32, #tpu.memory_space<vmem>>
      %dma_start3A_670 = arith.constant 0 : i32
      %dma_start3A_671 = tpu.memref_slice %arg7[%dma_start3A_664, %dma_start3A_670] : memref<15x800xi32, #tpu.memory_space<vmem>> -> memref<1x800xi32, #tpu.memory_space<vmem>>
      %dma_start3A_672 = tpu.memref_squeeze %dma_start3A_671 : memref<1x800xi32, #tpu.memory_space<vmem>> -> memref<800xi32, #tpu.memory_space<vmem>>
      %dma_start3A_673 = arith.constant 0 : i32
      %dma_start3A_674 = arith.constant 0 : i32
      %dma_start3A_675 = tpu.memref_slice %arg9[%dma_start3A_673, %dma_start3A_674] : memref<10240x8xf32, #tpu.memory_space<vmem_shared>> -> memref<10240x8xf32, #tpu.memory_space<vmem_shared>>
      %dma_start3A_676 = tpu.memref_slice %arg12[%dma_start3A_665] : memref<4x!tpu.dma_semaphore, #tpu.memory_space<semaphore_mem>> -> memref<1x!tpu.dma_semaphore, #tpu.memory_space<semaphore_mem>>
      %dma_start3A_677 = tpu.memref_squeeze %dma_start3A_676 : memref<1x!tpu.dma_semaphore, #tpu.memory_space<semaphore_mem>> -> memref<!tpu.dma_semaphore, #tpu.memory_space<semaphore_mem>>
      tpu.enqueue_indirect_dma source(%dma_start3A_669 : memref<800x8xf32, #tpu.memory_space<vmem>>) target(%dma_start3A_675 : memref<10240x8xf32, #tpu.memory_space<vmem_shared>>) offsets(%dma_start3A_672 : memref<800xi32, #tpu.memory_space<vmem>>) semaphore(%dma_start3A_677 : memref<!tpu.dma_semaphore, #tpu.memory_space<semaphore_mem>>) {add = true}
      %dma_wait3A_678 = arith.constant 3 : i32
      %dma_wait3A_679 = arith.constant 3 : i32
      %dma_wait3A_680 = arith.constant 3 : i32
      %dma_wait3A_681 = arith.constant 0 : i32
      %dma_wait3A_682 = arith.constant 0 : i32
      %dma_wait3A_683 = tpu.memref_slice %arg8[%dma_wait3A_678, %dma_wait3A_681, %dma_wait3A_682] : memref<4x800x8xf32, #tpu.memory_space<vmem>> -> memref<1x800x8xf32, #tpu.memory_space<vmem>>
      %dma_wait3A_684 = tpu.memref_squeeze %dma_wait3A_683 : memref<1x800x8xf32, #tpu.memory_space<vmem>> -> memref<800x8xf32, #tpu.memory_space<vmem>>
      %dma_wait3A_685 = arith.constant 0 : i32
      %dma_wait3A_686 = tpu.memref_slice %arg7[%dma_wait3A_679, %dma_wait3A_685] : memref<15x800xi32, #tpu.memory_space<vmem>> -> memref<1x800xi32, #tpu.memory_space<vmem>>
      %dma_wait3A_687 = tpu.memref_squeeze %dma_wait3A_686 : memref<1x800xi32, #tpu.memory_space<vmem>> -> memref<800xi32, #tpu.memory_space<vmem>>
      %dma_wait3A_688 = arith.constant 0 : i32
      %dma_wait3A_689 = arith.constant 0 : i32
      %dma_wait3A_690 = tpu.memref_slice %arg9[%dma_wait3A_688, %dma_wait3A_689] : memref<10240x8xf32, #tpu.memory_space<vmem_shared>> -> memref<10240x8xf32, #tpu.memory_space<vmem_shared>>
      %dma_wait3A_691 = tpu.memref_slice %arg12[%dma_wait3A_680] : memref<4x!tpu.dma_semaphore, #tpu.memory_space<semaphore_mem>> -> memref<1x!tpu.dma_semaphore, #tpu.memory_space<semaphore_mem>>
      %dma_wait3A_692 = tpu.memref_squeeze %dma_wait3A_691 : memref<1x!tpu.dma_semaphore, #tpu.memory_space<semaphore_mem>> -> memref<!tpu.dma_semaphore, #tpu.memory_space<semaphore_mem>>
      tpu.wait_indirect_dma semaphore(%dma_wait3A_692 : memref<!tpu.dma_semaphore, #tpu.memory_space<semaphore_mem>>) src(%dma_wait3A_684 : memref<800x8xf32, #tpu.memory_space<vmem>>) dst(%dma_wait3A_690 : memref<10240x8xf32, #tpu.memory_space<vmem_shared>>)
      %dma_start3A_693 = arith.constant 3 : i32
      %dma_start3A_694 = arith.constant 3 : i32
      %dma_start3A_695 = arith.constant 0 : i32
      %dma_start3A_696 = arith.constant 0 : i32
      %dma_start3A_697 = tpu.memref_slice %arg8[%dma_start3A_693, %dma_start3A_695, %dma_start3A_696] : memref<4x800x8xf32, #tpu.memory_space<vmem>> -> memref<1x800x8xf32, #tpu.memory_space<vmem>>
      %dma_start3A_698 = tpu.memref_squeeze %dma_start3A_697 : memref<1x800x8xf32, #tpu.memory_space<vmem>> -> memref<800x8xf32, #tpu.memory_space<vmem>>
      %dma_start3A_699 = arith.constant 5600 : i32
      %dma_start3A_700 = tpu.memref_slice %arg6[%dma_start3A_699] : memref<12000xi32, #tpu.memory_space<vmem>> -> memref<800xi32, #tpu.memory_space<vmem>>
      %dma_start3A_701 = arith.constant 0 : i32
      %dma_start3A_702 = arith.constant 0 : i32
      %dma_start3A_703 = tpu.memref_slice %arg4[%dma_start3A_701, %dma_start3A_702] : memref<10240x8xf32, #tpu.memory_space<hbm>> -> memref<10240x8xf32, #tpu.memory_space<hbm>>
      %dma_start3A_704 = tpu.memref_slice %arg11[%dma_start3A_694] : memref<4x!tpu.dma_semaphore, #tpu.memory_space<semaphore_mem>> -> memref<1x!tpu.dma_semaphore, #tpu.memory_space<semaphore_mem>>
      %dma_start3A_705 = tpu.memref_squeeze %dma_start3A_704 : memref<1x!tpu.dma_semaphore, #tpu.memory_space<semaphore_mem>> -> memref<!tpu.dma_semaphore, #tpu.memory_space<semaphore_mem>>
      tpu.enqueue_indirect_dma source(%dma_start3A_703 : memref<10240x8xf32, #tpu.memory_space<hbm>>) target(%dma_start3A_698 : memref<800x8xf32, #tpu.memory_space<vmem>>) offsets(%dma_start3A_700 : memref<800xi32, #tpu.memory_space<vmem>>) semaphore(%dma_start3A_705 : memref<!tpu.dma_semaphore, #tpu.memory_space<semaphore_mem>>)
      %dma_wait3A_706 = arith.constant 1 : i32
      %dma_wait3A_707 = arith.constant 1 : i32
      %dma_wait3A_708 = arith.constant 0 : i32
      %dma_wait3A_709 = arith.constant 0 : i32
      %dma_wait3A_710 = tpu.memref_slice %arg8[%dma_wait3A_706, %dma_wait3A_708, %dma_wait3A_709] : memref<4x800x8xf32, #tpu.memory_space<vmem>> -> memref<1x800x8xf32, #tpu.memory_space<vmem>>
      %dma_wait3A_711 = tpu.memref_squeeze %dma_wait3A_710 : memref<1x800x8xf32, #tpu.memory_space<vmem>> -> memref<800x8xf32, #tpu.memory_space<vmem>>
      %dma_wait3A_712 = arith.constant 4000 : i32
      %dma_wait3A_713 = tpu.memref_slice %arg6[%dma_wait3A_712] : memref<12000xi32, #tpu.memory_space<vmem>> -> memref<800xi32, #tpu.memory_space<vmem>>
      %dma_wait3A_714 = arith.constant 0 : i32
      %dma_wait3A_715 = arith.constant 0 : i32
      %dma_wait3A_716 = tpu.memref_slice %arg4[%dma_wait3A_714, %dma_wait3A_715] : memref<10240x8xf32, #tpu.memory_space<hbm>> -> memref<10240x8xf32, #tpu.memory_space<hbm>>
      %dma_wait3A_717 = tpu.memref_slice %arg11[%dma_wait3A_707] : memref<4x!tpu.dma_semaphore, #tpu.memory_space<semaphore_mem>> -> memref<1x!tpu.dma_semaphore, #tpu.memory_space<semaphore_mem>>
      %dma_wait3A_718 = tpu.memref_squeeze %dma_wait3A_717 : memref<1x!tpu.dma_semaphore, #tpu.memory_space<semaphore_mem>> -> memref<!tpu.dma_semaphore, #tpu.memory_space<semaphore_mem>>
      tpu.wait_indirect_dma semaphore(%dma_wait3A_718 : memref<!tpu.dma_semaphore, #tpu.memory_space<semaphore_mem>>) src(%dma_wait3A_716 : memref<10240x8xf32, #tpu.memory_space<hbm>>) dst(%dma_wait3A_711 : memref<800x8xf32, #tpu.memory_space<vmem>>)
      %dma_start3A_719 = arith.constant 1 : i32
      %dma_start3A_720 = arith.constant 5 : i32
      %dma_start3A_721 = arith.constant 1 : i32
      %dma_start3A_722 = arith.constant 0 : i32
      %dma_start3A_723 = arith.constant 0 : i32
      %dma_start3A_724 = tpu.memref_slice %arg8[%dma_start3A_719, %dma_start3A_722, %dma_start3A_723] : memref<4x800x8xf32, #tpu.memory_space<vmem>> -> memref<1x800x8xf32, #tpu.memory_space<vmem>>
      %dma_start3A_725 = tpu.memref_squeeze %dma_start3A_724 : memref<1x800x8xf32, #tpu.memory_space<vmem>> -> memref<800x8xf32, #tpu.memory_space<vmem>>
      %dma_start3A_726 = arith.constant 0 : i32
      %dma_start3A_727 = tpu.memref_slice %arg7[%dma_start3A_720, %dma_start3A_726] : memref<15x800xi32, #tpu.memory_space<vmem>> -> memref<1x800xi32, #tpu.memory_space<vmem>>
      %dma_start3A_728 = tpu.memref_squeeze %dma_start3A_727 : memref<1x800xi32, #tpu.memory_space<vmem>> -> memref<800xi32, #tpu.memory_space<vmem>>
      %dma_start3A_729 = arith.constant 0 : i32
      %dma_start3A_730 = arith.constant 0 : i32
      %dma_start3A_731 = tpu.memref_slice %arg9[%dma_start3A_729, %dma_start3A_730] : memref<10240x8xf32, #tpu.memory_space<vmem_shared>> -> memref<10240x8xf32, #tpu.memory_space<vmem_shared>>
      %dma_start3A_732 = tpu.memref_slice %arg12[%dma_start3A_721] : memref<4x!tpu.dma_semaphore, #tpu.memory_space<semaphore_mem>> -> memref<1x!tpu.dma_semaphore, #tpu.memory_space<semaphore_mem>>
      %dma_start3A_733 = tpu.memref_squeeze %dma_start3A_732 : memref<1x!tpu.dma_semaphore, #tpu.memory_space<semaphore_mem>> -> memref<!tpu.dma_semaphore, #tpu.memory_space<semaphore_mem>>
      tpu.enqueue_indirect_dma source(%dma_start3A_725 : memref<800x8xf32, #tpu.memory_space<vmem>>) target(%dma_start3A_731 : memref<10240x8xf32, #tpu.memory_space<vmem_shared>>) offsets(%dma_start3A_728 : memref<800xi32, #tpu.memory_space<vmem>>) semaphore(%dma_start3A_733 : memref<!tpu.dma_semaphore, #tpu.memory_space<semaphore_mem>>) {add = true}
      %dma_wait3A_734 = arith.constant 0 : i32
      %dma_wait3A_735 = arith.constant 4 : i32
      %dma_wait3A_736 = arith.constant 0 : i32
      %dma_wait3A_737 = arith.constant 0 : i32
      %dma_wait3A_738 = arith.constant 0 : i32
      %dma_wait3A_739 = tpu.memref_slice %arg8[%dma_wait3A_734, %dma_wait3A_737, %dma_wait3A_738] : memref<4x800x8xf32, #tpu.memory_space<vmem>> -> memref<1x800x8xf32, #tpu.memory_space<vmem>>
      %dma_wait3A_740 = tpu.memref_squeeze %dma_wait3A_739 : memref<1x800x8xf32, #tpu.memory_space<vmem>> -> memref<800x8xf32, #tpu.memory_space<vmem>>
      %dma_wait3A_741 = arith.constant 0 : i32
      %dma_wait3A_742 = tpu.memref_slice %arg7[%dma_wait3A_735, %dma_wait3A_741] : memref<15x800xi32, #tpu.memory_space<vmem>> -> memref<1x800xi32, #tpu.memory_space<vmem>>
      %dma_wait3A_743 = tpu.memref_squeeze %dma_wait3A_742 : memref<1x800xi32, #tpu.memory_space<vmem>> -> memref<800xi32, #tpu.memory_space<vmem>>
      %dma_wait3A_744 = arith.constant 0 : i32
      %dma_wait3A_745 = arith.constant 0 : i32
      %dma_wait3A_746 = tpu.memref_slice %arg9[%dma_wait3A_744, %dma_wait3A_745] : memref<10240x8xf32, #tpu.memory_space<vmem_shared>> -> memref<10240x8xf32, #tpu.memory_space<vmem_shared>>
      %dma_wait3A_747 = tpu.memref_slice %arg12[%dma_wait3A_736] : memref<4x!tpu.dma_semaphore, #tpu.memory_space<semaphore_mem>> -> memref<1x!tpu.dma_semaphore, #tpu.memory_space<semaphore_mem>>
      %dma_wait3A_748 = tpu.memref_squeeze %dma_wait3A_747 : memref<1x!tpu.dma_semaphore, #tpu.memory_space<semaphore_mem>> -> memref<!tpu.dma_semaphore, #tpu.memory_space<semaphore_mem>>
      tpu.wait_indirect_dma semaphore(%dma_wait3A_748 : memref<!tpu.dma_semaphore, #tpu.memory_space<semaphore_mem>>) src(%dma_wait3A_740 : memref<800x8xf32, #tpu.memory_space<vmem>>) dst(%dma_wait3A_746 : memref<10240x8xf32, #tpu.memory_space<vmem_shared>>)
      %dma_start3A_749 = arith.constant 0 : i32
      %dma_start3A_750 = arith.constant 0 : i32
      %dma_start3A_751 = arith.constant 0 : i32
      %dma_start3A_752 = arith.constant 0 : i32
      %dma_start3A_753 = tpu.memref_slice %arg8[%dma_start3A_749, %dma_start3A_751, %dma_start3A_752] : memref<4x800x8xf32, #tpu.memory_space<vmem>> -> memref<1x800x8xf32, #tpu.memory_space<vmem>>
      %dma_start3A_754 = tpu.memref_squeeze %dma_start3A_753 : memref<1x800x8xf32, #tpu.memory_space<vmem>> -> memref<800x8xf32, #tpu.memory_space<vmem>>
      %dma_start3A_755 = arith.constant 6400 : i32
      %dma_start3A_756 = tpu.memref_slice %arg6[%dma_start3A_755] : memref<12000xi32, #tpu.memory_space<vmem>> -> memref<800xi32, #tpu.memory_space<vmem>>
      %dma_start3A_757 = arith.constant 0 : i32
      %dma_start3A_758 = arith.constant 0 : i32
      %dma_start3A_759 = tpu.memref_slice %arg4[%dma_start3A_757, %dma_start3A_758] : memref<10240x8xf32, #tpu.memory_space<hbm>> -> memref<10240x8xf32, #tpu.memory_space<hbm>>
      %dma_start3A_760 = tpu.memref_slice %arg11[%dma_start3A_750] : memref<4x!tpu.dma_semaphore, #tpu.memory_space<semaphore_mem>> -> memref<1x!tpu.dma_semaphore, #tpu.memory_space<semaphore_mem>>
      %dma_start3A_761 = tpu.memref_squeeze %dma_start3A_760 : memref<1x!tpu.dma_semaphore, #tpu.memory_space<semaphore_mem>> -> memref<!tpu.dma_semaphore, #tpu.memory_space<semaphore_mem>>
      tpu.enqueue_indirect_dma source(%dma_start3A_759 : memref<10240x8xf32, #tpu.memory_space<hbm>>) target(%dma_start3A_754 : memref<800x8xf32, #tpu.memory_space<vmem>>) offsets(%dma_start3A_756 : memref<800xi32, #tpu.memory_space<vmem>>) semaphore(%dma_start3A_761 : memref<!tpu.dma_semaphore, #tpu.memory_space<semaphore_mem>>)
      %dma_wait3A_762 = arith.constant 2 : i32
      %dma_wait3A_763 = arith.constant 2 : i32
      %dma_wait3A_764 = arith.constant 0 : i32
      %dma_wait3A_765 = arith.constant 0 : i32
      %dma_wait3A_766 = tpu.memref_slice %arg8[%dma_wait3A_762, %dma_wait3A_764, %dma_wait3A_765] : memref<4x800x8xf32, #tpu.memory_space<vmem>> -> memref<1x800x8xf32, #tpu.memory_space<vmem>>
      %dma_wait3A_767 = tpu.memref_squeeze %dma_wait3A_766 : memref<1x800x8xf32, #tpu.memory_space<vmem>> -> memref<800x8xf32, #tpu.memory_space<vmem>>
      %dma_wait3A_768 = arith.constant 4800 : i32
      %dma_wait3A_769 = tpu.memref_slice %arg6[%dma_wait3A_768] : memref<12000xi32, #tpu.memory_space<vmem>> -> memref<800xi32, #tpu.memory_space<vmem>>
      %dma_wait3A_770 = arith.constant 0 : i32
      %dma_wait3A_771 = arith.constant 0 : i32
      %dma_wait3A_772 = tpu.memref_slice %arg4[%dma_wait3A_770, %dma_wait3A_771] : memref<10240x8xf32, #tpu.memory_space<hbm>> -> memref<10240x8xf32, #tpu.memory_space<hbm>>
      %dma_wait3A_773 = tpu.memref_slice %arg11[%dma_wait3A_763] : memref<4x!tpu.dma_semaphore, #tpu.memory_space<semaphore_mem>> -> memref<1x!tpu.dma_semaphore, #tpu.memory_space<semaphore_mem>>
      %dma_wait3A_774 = tpu.memref_squeeze %dma_wait3A_773 : memref<1x!tpu.dma_semaphore, #tpu.memory_space<semaphore_mem>> -> memref<!tpu.dma_semaphore, #tpu.memory_space<semaphore_mem>>
      tpu.wait_indirect_dma semaphore(%dma_wait3A_774 : memref<!tpu.dma_semaphore, #tpu.memory_space<semaphore_mem>>) src(%dma_wait3A_772 : memref<10240x8xf32, #tpu.memory_space<hbm>>) dst(%dma_wait3A_767 : memref<800x8xf32, #tpu.memory_space<vmem>>)
      %dma_start3A_775 = arith.constant 2 : i32
      %dma_start3A_776 = arith.constant 6 : i32
      %dma_start3A_777 = arith.constant 2 : i32
      %dma_start3A_778 = arith.constant 0 : i32
      %dma_start3A_779 = arith.constant 0 : i32
      %dma_start3A_780 = tpu.memref_slice %arg8[%dma_start3A_775, %dma_start3A_778, %dma_start3A_779] : memref<4x800x8xf32, #tpu.memory_space<vmem>> -> memref<1x800x8xf32, #tpu.memory_space<vmem>>
      %dma_start3A_781 = tpu.memref_squeeze %dma_start3A_780 : memref<1x800x8xf32, #tpu.memory_space<vmem>> -> memref<800x8xf32, #tpu.memory_space<vmem>>
      %dma_start3A_782 = arith.constant 0 : i32
      %dma_start3A_783 = tpu.memref_slice %arg7[%dma_start3A_776, %dma_start3A_782] : memref<15x800xi32, #tpu.memory_space<vmem>> -> memref<1x800xi32, #tpu.memory_space<vmem>>
      %dma_start3A_784 = tpu.memref_squeeze %dma_start3A_783 : memref<1x800xi32, #tpu.memory_space<vmem>> -> memref<800xi32, #tpu.memory_space<vmem>>
      %dma_start3A_785 = arith.constant 0 : i32
      %dma_start3A_786 = arith.constant 0 : i32
      %dma_start3A_787 = tpu.memref_slice %arg9[%dma_start3A_785, %dma_start3A_786] : memref<10240x8xf32, #tpu.memory_space<vmem_shared>> -> memref<10240x8xf32, #tpu.memory_space<vmem_shared>>
      %dma_start3A_788 = tpu.memref_slice %arg12[%dma_start3A_777] : memref<4x!tpu.dma_semaphore, #tpu.memory_space<semaphore_mem>> -> memref<1x!tpu.dma_semaphore, #tpu.memory_space<semaphore_mem>>
      %dma_start3A_789 = tpu.memref_squeeze %dma_start3A_788 : memref<1x!tpu.dma_semaphore, #tpu.memory_space<semaphore_mem>> -> memref<!tpu.dma_semaphore, #tpu.memory_space<semaphore_mem>>
      tpu.enqueue_indirect_dma source(%dma_start3A_781 : memref<800x8xf32, #tpu.memory_space<vmem>>) target(%dma_start3A_787 : memref<10240x8xf32, #tpu.memory_space<vmem_shared>>) offsets(%dma_start3A_784 : memref<800xi32, #tpu.memory_space<vmem>>) semaphore(%dma_start3A_789 : memref<!tpu.dma_semaphore, #tpu.memory_space<semaphore_mem>>) {add = true}
      %dma_wait3A_790 = arith.constant 1 : i32
      %dma_wait3A_791 = arith.constant 5 : i32
      %dma_wait3A_792 = arith.constant 1 : i32
      %dma_wait3A_793 = arith.constant 0 : i32
      %dma_wait3A_794 = arith.constant 0 : i32
      %dma_wait3A_795 = tpu.memref_slice %arg8[%dma_wait3A_790, %dma_wait3A_793, %dma_wait3A_794] : memref<4x800x8xf32, #tpu.memory_space<vmem>> -> memref<1x800x8xf32, #tpu.memory_space<vmem>>
      %dma_wait3A_796 = tpu.memref_squeeze %dma_wait3A_795 : memref<1x800x8xf32, #tpu.memory_space<vmem>> -> memref<800x8xf32, #tpu.memory_space<vmem>>
      %dma_wait3A_797 = arith.constant 0 : i32
      %dma_wait3A_798 = tpu.memref_slice %arg7[%dma_wait3A_791, %dma_wait3A_797] : memref<15x800xi32, #tpu.memory_space<vmem>> -> memref<1x800xi32, #tpu.memory_space<vmem>>
      %dma_wait3A_799 = tpu.memref_squeeze %dma_wait3A_798 : memref<1x800xi32, #tpu.memory_space<vmem>> -> memref<800xi32, #tpu.memory_space<vmem>>
      %dma_wait3A_800 = arith.constant 0 : i32
      %dma_wait3A_801 = arith.constant 0 : i32
      %dma_wait3A_802 = tpu.memref_slice %arg9[%dma_wait3A_800, %dma_wait3A_801] : memref<10240x8xf32, #tpu.memory_space<vmem_shared>> -> memref<10240x8xf32, #tpu.memory_space<vmem_shared>>
      %dma_wait3A_803 = tpu.memref_slice %arg12[%dma_wait3A_792] : memref<4x!tpu.dma_semaphore, #tpu.memory_space<semaphore_mem>> -> memref<1x!tpu.dma_semaphore, #tpu.memory_space<semaphore_mem>>
      %dma_wait3A_804 = tpu.memref_squeeze %dma_wait3A_803 : memref<1x!tpu.dma_semaphore, #tpu.memory_space<semaphore_mem>> -> memref<!tpu.dma_semaphore, #tpu.memory_space<semaphore_mem>>
      tpu.wait_indirect_dma semaphore(%dma_wait3A_804 : memref<!tpu.dma_semaphore, #tpu.memory_space<semaphore_mem>>) src(%dma_wait3A_796 : memref<800x8xf32, #tpu.memory_space<vmem>>) dst(%dma_wait3A_802 : memref<10240x8xf32, #tpu.memory_space<vmem_shared>>)
      %dma_start3A_805 = arith.constant 1 : i32
      %dma_start3A_806 = arith.constant 1 : i32
      %dma_start3A_807 = arith.constant 0 : i32
      %dma_start3A_808 = arith.constant 0 : i32
      %dma_start3A_809 = tpu.memref_slice %arg8[%dma_start3A_805, %dma_start3A_807, %dma_start3A_808] : memref<4x800x8xf32, #tpu.memory_space<vmem>> -> memref<1x800x8xf32, #tpu.memory_space<vmem>>
      %dma_start3A_810 = tpu.memref_squeeze %dma_start3A_809 : memref<1x800x8xf32, #tpu.memory_space<vmem>> -> memref<800x8xf32, #tpu.memory_space<vmem>>
      %dma_start3A_811 = arith.constant 7200 : i32
      %dma_start3A_812 = tpu.memref_slice %arg6[%dma_start3A_811] : memref<12000xi32, #tpu.memory_space<vmem>> -> memref<800xi32, #tpu.memory_space<vmem>>
      %dma_start3A_813 = arith.constant 0 : i32
      %dma_start3A_814 = arith.constant 0 : i32
      %dma_start3A_815 = tpu.memref_slice %arg4[%dma_start3A_813, %dma_start3A_814] : memref<10240x8xf32, #tpu.memory_space<hbm>> -> memref<10240x8xf32, #tpu.memory_space<hbm>>
      %dma_start3A_816 = tpu.memref_slice %arg11[%dma_start3A_806] : memref<4x!tpu.dma_semaphore, #tpu.memory_space<semaphore_mem>> -> memref<1x!tpu.dma_semaphore, #tpu.memory_space<semaphore_mem>>
      %dma_start3A_817 = tpu.memref_squeeze %dma_start3A_816 : memref<1x!tpu.dma_semaphore, #tpu.memory_space<semaphore_mem>> -> memref<!tpu.dma_semaphore, #tpu.memory_space<semaphore_mem>>
      tpu.enqueue_indirect_dma source(%dma_start3A_815 : memref<10240x8xf32, #tpu.memory_space<hbm>>) target(%dma_start3A_810 : memref<800x8xf32, #tpu.memory_space<vmem>>) offsets(%dma_start3A_812 : memref<800xi32, #tpu.memory_space<vmem>>) semaphore(%dma_start3A_817 : memref<!tpu.dma_semaphore, #tpu.memory_space<semaphore_mem>>)
      %dma_wait3A_818 = arith.constant 3 : i32
      %dma_wait3A_819 = arith.constant 3 : i32
      %dma_wait3A_820 = arith.constant 0 : i32
      %dma_wait3A_821 = arith.constant 0 : i32
      %dma_wait3A_822 = tpu.memref_slice %arg8[%dma_wait3A_818, %dma_wait3A_820, %dma_wait3A_821] : memref<4x800x8xf32, #tpu.memory_space<vmem>> -> memref<1x800x8xf32, #tpu.memory_space<vmem>>
      %dma_wait3A_823 = tpu.memref_squeeze %dma_wait3A_822 : memref<1x800x8xf32, #tpu.memory_space<vmem>> -> memref<800x8xf32, #tpu.memory_space<vmem>>
      %dma_wait3A_824 = arith.constant 5600 : i32
      %dma_wait3A_825 = tpu.memref_slice %arg6[%dma_wait3A_824] : memref<12000xi32, #tpu.memory_space<vmem>> -> memref<800xi32, #tpu.memory_space<vmem>>
      %dma_wait3A_826 = arith.constant 0 : i32
      %dma_wait3A_827 = arith.constant 0 : i32
      %dma_wait3A_828 = tpu.memref_slice %arg4[%dma_wait3A_826, %dma_wait3A_827] : memref<10240x8xf32, #tpu.memory_space<hbm>> -> memref<10240x8xf32, #tpu.memory_space<hbm>>
      %dma_wait3A_829 = tpu.memref_slice %arg11[%dma_wait3A_819] : memref<4x!tpu.dma_semaphore, #tpu.memory_space<semaphore_mem>> -> memref<1x!tpu.dma_semaphore, #tpu.memory_space<semaphore_mem>>
      %dma_wait3A_830 = tpu.memref_squeeze %dma_wait3A_829 : memref<1x!tpu.dma_semaphore, #tpu.memory_space<semaphore_mem>> -> memref<!tpu.dma_semaphore, #tpu.memory_space<semaphore_mem>>
      tpu.wait_indirect_dma semaphore(%dma_wait3A_830 : memref<!tpu.dma_semaphore, #tpu.memory_space<semaphore_mem>>) src(%dma_wait3A_828 : memref<10240x8xf32, #tpu.memory_space<hbm>>) dst(%dma_wait3A_823 : memref<800x8xf32, #tpu.memory_space<vmem>>)
      %dma_start3A_831 = arith.constant 3 : i32
      %dma_start3A_832 = arith.constant 7 : i32
      %dma_start3A_833 = arith.constant 3 : i32
      %dma_start3A_834 = arith.constant 0 : i32
      %dma_start3A_835 = arith.constant 0 : i32
      %dma_start3A_836 = tpu.memref_slice %arg8[%dma_start3A_831, %dma_start3A_834, %dma_start3A_835] : memref<4x800x8xf32, #tpu.memory_space<vmem>> -> memref<1x800x8xf32, #tpu.memory_space<vmem>>
      %dma_start3A_837 = tpu.memref_squeeze %dma_start3A_836 : memref<1x800x8xf32, #tpu.memory_space<vmem>> -> memref<800x8xf32, #tpu.memory_space<vmem>>
      %dma_start3A_838 = arith.constant 0 : i32
      %dma_start3A_839 = tpu.memref_slice %arg7[%dma_start3A_832, %dma_start3A_838] : memref<15x800xi32, #tpu.memory_space<vmem>> -> memref<1x800xi32, #tpu.memory_space<vmem>>
      %dma_start3A_840 = tpu.memref_squeeze %dma_start3A_839 : memref<1x800xi32, #tpu.memory_space<vmem>> -> memref<800xi32, #tpu.memory_space<vmem>>
      %dma_start3A_841 = arith.constant 0 : i32
      %dma_start3A_842 = arith.constant 0 : i32
      %dma_start3A_843 = tpu.memref_slice %arg9[%dma_start3A_841, %dma_start3A_842] : memref<10240x8xf32, #tpu.memory_space<vmem_shared>> -> memref<10240x8xf32, #tpu.memory_space<vmem_shared>>
      %dma_start3A_844 = tpu.memref_slice %arg12[%dma_start3A_833] : memref<4x!tpu.dma_semaphore, #tpu.memory_space<semaphore_mem>> -> memref<1x!tpu.dma_semaphore, #tpu.memory_space<semaphore_mem>>
      %dma_start3A_845 = tpu.memref_squeeze %dma_start3A_844 : memref<1x!tpu.dma_semaphore, #tpu.memory_space<semaphore_mem>> -> memref<!tpu.dma_semaphore, #tpu.memory_space<semaphore_mem>>
      tpu.enqueue_indirect_dma source(%dma_start3A_837 : memref<800x8xf32, #tpu.memory_space<vmem>>) target(%dma_start3A_843 : memref<10240x8xf32, #tpu.memory_space<vmem_shared>>) offsets(%dma_start3A_840 : memref<800xi32, #tpu.memory_space<vmem>>) semaphore(%dma_start3A_845 : memref<!tpu.dma_semaphore, #tpu.memory_space<semaphore_mem>>) {add = true}
      %dma_wait3A_846 = arith.constant 0 : i32
      %dma_wait3A_847 = arith.constant 0 : i32
      %dma_wait3A_848 = arith.constant 0 : i32
      %dma_wait3A_849 = arith.constant 0 : i32
      %dma_wait3A_850 = tpu.memref_slice %arg8[%dma_wait3A_846, %dma_wait3A_848, %dma_wait3A_849] : memref<4x800x8xf32, #tpu.memory_space<vmem>> -> memref<1x800x8xf32, #tpu.memory_space<vmem>>
      %dma_wait3A_851 = tpu.memref_squeeze %dma_wait3A_850 : memref<1x800x8xf32, #tpu.memory_space<vmem>> -> memref<800x8xf32, #tpu.memory_space<vmem>>
      %dma_wait3A_852 = arith.constant 6400 : i32
      %dma_wait3A_853 = tpu.memref_slice %arg6[%dma_wait3A_852] : memref<12000xi32, #tpu.memory_space<vmem>> -> memref<800xi32, #tpu.memory_space<vmem>>
      %dma_wait3A_854 = arith.constant 0 : i32
      %dma_wait3A_855 = arith.constant 0 : i32
      %dma_wait3A_856 = tpu.memref_slice %arg4[%dma_wait3A_854, %dma_wait3A_855] : memref<10240x8xf32, #tpu.memory_space<hbm>> -> memref<10240x8xf32, #tpu.memory_space<hbm>>
      %dma_wait3A_857 = tpu.memref_slice %arg11[%dma_wait3A_847] : memref<4x!tpu.dma_semaphore, #tpu.memory_space<semaphore_mem>> -> memref<1x!tpu.dma_semaphore, #tpu.memory_space<semaphore_mem>>
      %dma_wait3A_858 = tpu.memref_squeeze %dma_wait3A_857 : memref<1x!tpu.dma_semaphore, #tpu.memory_space<semaphore_mem>> -> memref<!tpu.dma_semaphore, #tpu.memory_space<semaphore_mem>>
      tpu.wait_indirect_dma semaphore(%dma_wait3A_858 : memref<!tpu.dma_semaphore, #tpu.memory_space<semaphore_mem>>) src(%dma_wait3A_856 : memref<10240x8xf32, #tpu.memory_space<hbm>>) dst(%dma_wait3A_851 : memref<800x8xf32, #tpu.memory_space<vmem>>)
      %dma_start3A_859 = arith.constant 0 : i32
      %dma_start3A_860 = arith.constant 8 : i32
      %dma_start3A_861 = arith.constant 0 : i32
      %dma_start3A_862 = arith.constant 0 : i32
      %dma_start3A_863 = arith.constant 0 : i32
      %dma_start3A_864 = tpu.memref_slice %arg8[%dma_start3A_859, %dma_start3A_862, %dma_start3A_863] : memref<4x800x8xf32, #tpu.memory_space<vmem>> -> memref<1x800x8xf32, #tpu.memory_space<vmem>>
      %dma_start3A_865 = tpu.memref_squeeze %dma_start3A_864 : memref<1x800x8xf32, #tpu.memory_space<vmem>> -> memref<800x8xf32, #tpu.memory_space<vmem>>
      %dma_start3A_866 = arith.constant 0 : i32
      %dma_start3A_867 = tpu.memref_slice %arg7[%dma_start3A_860, %dma_start3A_866] : memref<15x800xi32, #tpu.memory_space<vmem>> -> memref<1x800xi32, #tpu.memory_space<vmem>>
      %dma_start3A_868 = tpu.memref_squeeze %dma_start3A_867 : memref<1x800xi32, #tpu.memory_space<vmem>> -> memref<800xi32, #tpu.memory_space<vmem>>
      %dma_start3A_869 = arith.constant 0 : i32
      %dma_start3A_870 = arith.constant 0 : i32
      %dma_start3A_871 = tpu.memref_slice %arg9[%dma_start3A_869, %dma_start3A_870] : memref<10240x8xf32, #tpu.memory_space<vmem_shared>> -> memref<10240x8xf32, #tpu.memory_space<vmem_shared>>
      %dma_start3A_872 = tpu.memref_slice %arg12[%dma_start3A_861] : memref<4x!tpu.dma_semaphore, #tpu.memory_space<semaphore_mem>> -> memref<1x!tpu.dma_semaphore, #tpu.memory_space<semaphore_mem>>
      %dma_start3A_873 = tpu.memref_squeeze %dma_start3A_872 : memref<1x!tpu.dma_semaphore, #tpu.memory_space<semaphore_mem>> -> memref<!tpu.dma_semaphore, #tpu.memory_space<semaphore_mem>>
      tpu.enqueue_indirect_dma source(%dma_start3A_865 : memref<800x8xf32, #tpu.memory_space<vmem>>) target(%dma_start3A_871 : memref<10240x8xf32, #tpu.memory_space<vmem_shared>>) offsets(%dma_start3A_868 : memref<800xi32, #tpu.memory_space<vmem>>) semaphore(%dma_start3A_873 : memref<!tpu.dma_semaphore, #tpu.memory_space<semaphore_mem>>) {add = true}
      %dma_wait3A_874 = arith.constant 1 : i32
      %dma_wait3A_875 = arith.constant 1 : i32
      %dma_wait3A_876 = arith.constant 0 : i32
      %dma_wait3A_877 = arith.constant 0 : i32
      %dma_wait3A_878 = tpu.memref_slice %arg8[%dma_wait3A_874, %dma_wait3A_876, %dma_wait3A_877] : memref<4x800x8xf32, #tpu.memory_space<vmem>> -> memref<1x800x8xf32, #tpu.memory_space<vmem>>
      %dma_wait3A_879 = tpu.memref_squeeze %dma_wait3A_878 : memref<1x800x8xf32, #tpu.memory_space<vmem>> -> memref<800x8xf32, #tpu.memory_space<vmem>>
      %dma_wait3A_880 = arith.constant 7200 : i32
      %dma_wait3A_881 = tpu.memref_slice %arg6[%dma_wait3A_880] : memref<12000xi32, #tpu.memory_space<vmem>> -> memref<800xi32, #tpu.memory_space<vmem>>
      %dma_wait3A_882 = arith.constant 0 : i32
      %dma_wait3A_883 = arith.constant 0 : i32
      %dma_wait3A_884 = tpu.memref_slice %arg4[%dma_wait3A_882, %dma_wait3A_883] : memref<10240x8xf32, #tpu.memory_space<hbm>> -> memref<10240x8xf32, #tpu.memory_space<hbm>>
      %dma_wait3A_885 = tpu.memref_slice %arg11[%dma_wait3A_875] : memref<4x!tpu.dma_semaphore, #tpu.memory_space<semaphore_mem>> -> memref<1x!tpu.dma_semaphore, #tpu.memory_space<semaphore_mem>>
      %dma_wait3A_886 = tpu.memref_squeeze %dma_wait3A_885 : memref<1x!tpu.dma_semaphore, #tpu.memory_space<semaphore_mem>> -> memref<!tpu.dma_semaphore, #tpu.memory_space<semaphore_mem>>
      tpu.wait_indirect_dma semaphore(%dma_wait3A_886 : memref<!tpu.dma_semaphore, #tpu.memory_space<semaphore_mem>>) src(%dma_wait3A_884 : memref<10240x8xf32, #tpu.memory_space<hbm>>) dst(%dma_wait3A_879 : memref<800x8xf32, #tpu.memory_space<vmem>>)
      %dma_start3A_887 = arith.constant 1 : i32
      %dma_start3A_888 = arith.constant 9 : i32
      %dma_start3A_889 = arith.constant 1 : i32
      %dma_start3A_890 = arith.constant 0 : i32
      %dma_start3A_891 = arith.constant 0 : i32
      %dma_start3A_892 = tpu.memref_slice %arg8[%dma_start3A_887, %dma_start3A_890, %dma_start3A_891] : memref<4x800x8xf32, #tpu.memory_space<vmem>> -> memref<1x800x8xf32, #tpu.memory_space<vmem>>
      %dma_start3A_893 = tpu.memref_squeeze %dma_start3A_892 : memref<1x800x8xf32, #tpu.memory_space<vmem>> -> memref<800x8xf32, #tpu.memory_space<vmem>>
      %dma_start3A_894 = arith.constant 0 : i32
      %dma_start3A_895 = tpu.memref_slice %arg7[%dma_start3A_888, %dma_start3A_894] : memref<15x800xi32, #tpu.memory_space<vmem>> -> memref<1x800xi32, #tpu.memory_space<vmem>>
      %dma_start3A_896 = tpu.memref_squeeze %dma_start3A_895 : memref<1x800xi32, #tpu.memory_space<vmem>> -> memref<800xi32, #tpu.memory_space<vmem>>
      %dma_start3A_897 = arith.constant 0 : i32
      %dma_start3A_898 = arith.constant 0 : i32
      %dma_start3A_899 = tpu.memref_slice %arg9[%dma_start3A_897, %dma_start3A_898] : memref<10240x8xf32, #tpu.memory_space<vmem_shared>> -> memref<10240x8xf32, #tpu.memory_space<vmem_shared>>
      %dma_start3A_900 = tpu.memref_slice %arg12[%dma_start3A_889] : memref<4x!tpu.dma_semaphore, #tpu.memory_space<semaphore_mem>> -> memref<1x!tpu.dma_semaphore, #tpu.memory_space<semaphore_mem>>
      %dma_start3A_901 = tpu.memref_squeeze %dma_start3A_900 : memref<1x!tpu.dma_semaphore, #tpu.memory_space<semaphore_mem>> -> memref<!tpu.dma_semaphore, #tpu.memory_space<semaphore_mem>>
      tpu.enqueue_indirect_dma source(%dma_start3A_893 : memref<800x8xf32, #tpu.memory_space<vmem>>) target(%dma_start3A_899 : memref<10240x8xf32, #tpu.memory_space<vmem_shared>>) offsets(%dma_start3A_896 : memref<800xi32, #tpu.memory_space<vmem>>) semaphore(%dma_start3A_901 : memref<!tpu.dma_semaphore, #tpu.memory_space<semaphore_mem>>) {add = true}
      %dma_wait3A_902 = arith.constant 2 : i32
      %dma_wait3A_903 = arith.constant 6 : i32
      %dma_wait3A_904 = arith.constant 2 : i32
      %dma_wait3A_905 = arith.constant 0 : i32
      %dma_wait3A_906 = arith.constant 0 : i32
      %dma_wait3A_907 = tpu.memref_slice %arg8[%dma_wait3A_902, %dma_wait3A_905, %dma_wait3A_906] : memref<4x800x8xf32, #tpu.memory_space<vmem>> -> memref<1x800x8xf32, #tpu.memory_space<vmem>>
      %dma_wait3A_908 = tpu.memref_squeeze %dma_wait3A_907 : memref<1x800x8xf32, #tpu.memory_space<vmem>> -> memref<800x8xf32, #tpu.memory_space<vmem>>
      %dma_wait3A_909 = arith.constant 0 : i32
      %dma_wait3A_910 = tpu.memref_slice %arg7[%dma_wait3A_903, %dma_wait3A_909] : memref<15x800xi32, #tpu.memory_space<vmem>> -> memref<1x800xi32, #tpu.memory_space<vmem>>
      %dma_wait3A_911 = tpu.memref_squeeze %dma_wait3A_910 : memref<1x800xi32, #tpu.memory_space<vmem>> -> memref<800xi32, #tpu.memory_space<vmem>>
      %dma_wait3A_912 = arith.constant 0 : i32
      %dma_wait3A_913 = arith.constant 0 : i32
      %dma_wait3A_914 = tpu.memref_slice %arg9[%dma_wait3A_912, %dma_wait3A_913] : memref<10240x8xf32, #tpu.memory_space<vmem_shared>> -> memref<10240x8xf32, #tpu.memory_space<vmem_shared>>
      %dma_wait3A_915 = tpu.memref_slice %arg12[%dma_wait3A_904] : memref<4x!tpu.dma_semaphore, #tpu.memory_space<semaphore_mem>> -> memref<1x!tpu.dma_semaphore, #tpu.memory_space<semaphore_mem>>
      %dma_wait3A_916 = tpu.memref_squeeze %dma_wait3A_915 : memref<1x!tpu.dma_semaphore, #tpu.memory_space<semaphore_mem>> -> memref<!tpu.dma_semaphore, #tpu.memory_space<semaphore_mem>>
      tpu.wait_indirect_dma semaphore(%dma_wait3A_916 : memref<!tpu.dma_semaphore, #tpu.memory_space<semaphore_mem>>) src(%dma_wait3A_908 : memref<800x8xf32, #tpu.memory_space<vmem>>) dst(%dma_wait3A_914 : memref<10240x8xf32, #tpu.memory_space<vmem_shared>>)
      %dma_wait3A_917 = arith.constant 3 : i32
      %dma_wait3A_918 = arith.constant 7 : i32
      %dma_wait3A_919 = arith.constant 3 : i32
      %dma_wait3A_920 = arith.constant 0 : i32
      %dma_wait3A_921 = arith.constant 0 : i32
      %dma_wait3A_922 = tpu.memref_slice %arg8[%dma_wait3A_917, %dma_wait3A_920, %dma_wait3A_921] : memref<4x800x8xf32, #tpu.memory_space<vmem>> -> memref<1x800x8xf32, #tpu.memory_space<vmem>>
      %dma_wait3A_923 = tpu.memref_squeeze %dma_wait3A_922 : memref<1x800x8xf32, #tpu.memory_space<vmem>> -> memref<800x8xf32, #tpu.memory_space<vmem>>
      %dma_wait3A_924 = arith.constant 0 : i32
      %dma_wait3A_925 = tpu.memref_slice %arg7[%dma_wait3A_918, %dma_wait3A_924] : memref<15x800xi32, #tpu.memory_space<vmem>> -> memref<1x800xi32, #tpu.memory_space<vmem>>
      %dma_wait3A_926 = tpu.memref_squeeze %dma_wait3A_925 : memref<1x800xi32, #tpu.memory_space<vmem>> -> memref<800xi32, #tpu.memory_space<vmem>>
      %dma_wait3A_927 = arith.constant 0 : i32
      %dma_wait3A_928 = arith.constant 0 : i32
      %dma_wait3A_929 = tpu.memref_slice %arg9[%dma_wait3A_927, %dma_wait3A_928] : memref<10240x8xf32, #tpu.memory_space<vmem_shared>> -> memref<10240x8xf32, #tpu.memory_space<vmem_shared>>
      %dma_wait3A_930 = tpu.memref_slice %arg12[%dma_wait3A_919] : memref<4x!tpu.dma_semaphore, #tpu.memory_space<semaphore_mem>> -> memref<1x!tpu.dma_semaphore, #tpu.memory_space<semaphore_mem>>
      %dma_wait3A_931 = tpu.memref_squeeze %dma_wait3A_930 : memref<1x!tpu.dma_semaphore, #tpu.memory_space<semaphore_mem>> -> memref<!tpu.dma_semaphore, #tpu.memory_space<semaphore_mem>>
      tpu.wait_indirect_dma semaphore(%dma_wait3A_931 : memref<!tpu.dma_semaphore, #tpu.memory_space<semaphore_mem>>) src(%dma_wait3A_923 : memref<800x8xf32, #tpu.memory_space<vmem>>) dst(%dma_wait3A_929 : memref<10240x8xf32, #tpu.memory_space<vmem_shared>>)
      %dma_wait3A_932 = arith.constant 0 : i32
      %dma_wait3A_933 = arith.constant 8 : i32
      %dma_wait3A_934 = arith.constant 0 : i32
      %dma_wait3A_935 = arith.constant 0 : i32
      %dma_wait3A_936 = arith.constant 0 : i32
      %dma_wait3A_937 = tpu.memref_slice %arg8[%dma_wait3A_932, %dma_wait3A_935, %dma_wait3A_936] : memref<4x800x8xf32, #tpu.memory_space<vmem>> -> memref<1x800x8xf32, #tpu.memory_space<vmem>>
      %dma_wait3A_938 = tpu.memref_squeeze %dma_wait3A_937 : memref<1x800x8xf32, #tpu.memory_space<vmem>> -> memref<800x8xf32, #tpu.memory_space<vmem>>
      %dma_wait3A_939 = arith.constant 0 : i32
      %dma_wait3A_940 = tpu.memref_slice %arg7[%dma_wait3A_933, %dma_wait3A_939] : memref<15x800xi32, #tpu.memory_space<vmem>> -> memref<1x800xi32, #tpu.memory_space<vmem>>
      %dma_wait3A_941 = tpu.memref_squeeze %dma_wait3A_940 : memref<1x800xi32, #tpu.memory_space<vmem>> -> memref<800xi32, #tpu.memory_space<vmem>>
      %dma_wait3A_942 = arith.constant 0 : i32
      %dma_wait3A_943 = arith.constant 0 : i32
      %dma_wait3A_944 = tpu.memref_slice %arg9[%dma_wait3A_942, %dma_wait3A_943] : memref<10240x8xf32, #tpu.memory_space<vmem_shared>> -> memref<10240x8xf32, #tpu.memory_space<vmem_shared>>
      %dma_wait3A_945 = tpu.memref_slice %arg12[%dma_wait3A_934] : memref<4x!tpu.dma_semaphore, #tpu.memory_space<semaphore_mem>> -> memref<1x!tpu.dma_semaphore, #tpu.memory_space<semaphore_mem>>
      %dma_wait3A_946 = tpu.memref_squeeze %dma_wait3A_945 : memref<1x!tpu.dma_semaphore, #tpu.memory_space<semaphore_mem>> -> memref<!tpu.dma_semaphore, #tpu.memory_space<semaphore_mem>>
      tpu.wait_indirect_dma semaphore(%dma_wait3A_946 : memref<!tpu.dma_semaphore, #tpu.memory_space<semaphore_mem>>) src(%dma_wait3A_938 : memref<800x8xf32, #tpu.memory_space<vmem>>) dst(%dma_wait3A_944 : memref<10240x8xf32, #tpu.memory_space<vmem_shared>>)
      %dma_wait3A_947 = arith.constant 1 : i32
      %dma_wait3A_948 = arith.constant 9 : i32
      %dma_wait3A_949 = arith.constant 1 : i32
      %dma_wait3A_950 = arith.constant 0 : i32
      %dma_wait3A_951 = arith.constant 0 : i32
      %dma_wait3A_952 = tpu.memref_slice %arg8[%dma_wait3A_947, %dma_wait3A_950, %dma_wait3A_951] : memref<4x800x8xf32, #tpu.memory_space<vmem>> -> memref<1x800x8xf32, #tpu.memory_space<vmem>>
      %dma_wait3A_953 = tpu.memref_squeeze %dma_wait3A_952 : memref<1x800x8xf32, #tpu.memory_space<vmem>> -> memref<800x8xf32, #tpu.memory_space<vmem>>
      %dma_wait3A_954 = arith.constant 0 : i32
      %dma_wait3A_955 = tpu.memref_slice %arg7[%dma_wait3A_948, %dma_wait3A_954] : memref<15x800xi32, #tpu.memory_space<vmem>> -> memref<1x800xi32, #tpu.memory_space<vmem>>
      %dma_wait3A_956 = tpu.memref_squeeze %dma_wait3A_955 : memref<1x800xi32, #tpu.memory_space<vmem>> -> memref<800xi32, #tpu.memory_space<vmem>>
      %dma_wait3A_957 = arith.constant 0 : i32
      %dma_wait3A_958 = arith.constant 0 : i32
      %dma_wait3A_959 = tpu.memref_slice %arg9[%dma_wait3A_957, %dma_wait3A_958] : memref<10240x8xf32, #tpu.memory_space<vmem_shared>> -> memref<10240x8xf32, #tpu.memory_space<vmem_shared>>
      %dma_wait3A_960 = tpu.memref_slice %arg12[%dma_wait3A_949] : memref<4x!tpu.dma_semaphore, #tpu.memory_space<semaphore_mem>> -> memref<1x!tpu.dma_semaphore, #tpu.memory_space<semaphore_mem>>
      %dma_wait3A_961 = tpu.memref_squeeze %dma_wait3A_960 : memref<1x!tpu.dma_semaphore, #tpu.memory_space<semaphore_mem>> -> memref<!tpu.dma_semaphore, #tpu.memory_space<semaphore_mem>>
      tpu.wait_indirect_dma semaphore(%dma_wait3A_961 : memref<!tpu.dma_semaphore, #tpu.memory_space<semaphore_mem>>) src(%dma_wait3A_953 : memref<800x8xf32, #tpu.memory_space<vmem>>) dst(%dma_wait3A_959 : memref<10240x8xf32, #tpu.memory_space<vmem_shared>>)
    } else {
    }
    %barrier3A = arith.constant 0 : index
    tpu.barrier barrier_id(%barrier3A)
    %mul3A_10 = arith.constant 640 : i32
    %mul3A_11 = arith.muli %arg1, %mul3A_10 : i32
    %mul3A_12 = arith.constant 640 : i32
    %mul3A_13 = arith.muli %arg1, %mul3A_12 : i32
    "tpu.region"() ({
      %run_scoped3A = tpu.sem_alloc : memref<!tpu.dma_semaphore, #tpu.memory_space<semaphore_mem>>
      %dma_start3A = arith.constant 0 : i32
      %dma_start3A_14 = arith.constant 0 : i32
      %dma_start3A_15 = tpu.memref_slice %arg5[%arg0, %dma_start3A, %dma_start3A_14] : memref<2x10240x8xf32, #tpu.memory_space<hbm>> -> memref<1x10240x8xf32, #tpu.memory_space<hbm>>
      %dma_start3A_16 = tpu.memref_squeeze %dma_start3A_15 : memref<1x10240x8xf32, #tpu.memory_space<hbm>> -> memref<10240x8xf32, #tpu.memory_space<hbm>>
      %dma_start3A_17 = arith.constant 0 : i32
      %dma_start3A_18 = tpu.memref_slice %dma_start3A_16[%mul3A_13, %dma_start3A_17] : memref<10240x8xf32, #tpu.memory_space<hbm>> -> memref<640x8xf32, #tpu.memory_space<hbm>>
      %dma_start3A_19 = arith.constant 0 : i32
      %dma_start3A_20 = tpu.memref_slice %arg9[%mul3A_11, %dma_start3A_19] : memref<10240x8xf32, #tpu.memory_space<vmem_shared>> -> memref<640x8xf32, #tpu.memory_space<vmem_shared>>
      tpu.enqueue_dma source(%dma_start3A_20 : memref<640x8xf32, #tpu.memory_space<vmem_shared>>) target(%dma_start3A_18 : memref<640x8xf32, #tpu.memory_space<hbm>>) target_semaphore(%run_scoped3A : memref<!tpu.dma_semaphore, #tpu.memory_space<semaphore_mem>>)
      %dma_wait3A = arith.constant 0 : i32
      %dma_wait3A_21 = arith.constant 0 : i32
      %dma_wait3A_22 = tpu.memref_slice %arg5[%arg0, %dma_wait3A, %dma_wait3A_21] : memref<2x10240x8xf32, #tpu.memory_space<hbm>> -> memref<1x10240x8xf32, #tpu.memory_space<hbm>>
      %dma_wait3A_23 = tpu.memref_squeeze %dma_wait3A_22 : memref<1x10240x8xf32, #tpu.memory_space<hbm>> -> memref<10240x8xf32, #tpu.memory_space<hbm>>
      %dma_wait3A_24 = arith.constant 0 : i32
      %dma_wait3A_25 = tpu.memref_slice %dma_wait3A_23[%mul3A_13, %dma_wait3A_24] : memref<10240x8xf32, #tpu.memory_space<hbm>> -> memref<640x8xf32, #tpu.memory_space<hbm>>
      %dma_wait3A_26 = arith.constant 0 : i32
      %dma_wait3A_27 = tpu.memref_slice %arg9[%mul3A_11, %dma_wait3A_26] : memref<10240x8xf32, #tpu.memory_space<vmem_shared>> -> memref<640x8xf32, #tpu.memory_space<vmem_shared>>
      tpu.wait_dma2 semaphore(%run_scoped3A : memref<!tpu.dma_semaphore, #tpu.memory_space<semaphore_mem>>) src(%dma_wait3A_27 : memref<640x8xf32, #tpu.memory_space<vmem_shared>>) dst(%dma_wait3A_25 : memref<640x8xf32, #tpu.memory_space<hbm>>)
      tpu.yield
    }) : () -> ()
    return
  }
}

#map = affine_map<(d0, d1) -> (0, 0)>
#map1 = affine_map<(d0, d1) -> (0)>
module attributes {stable_mosaic.version = 14 : i64} {
  func.func @_gather_rows(%arg0: i32, %arg1: i32, %arg2: memref<100000x128xf32, #tpu.memory_space<hbm>>, %arg3: memref<10240xi32, #tpu.memory_space<hbm>>, %arg4: memref<10240x128xf32, #tpu.memory_space<hbm>>, %arg5: memref<640xi32, #tpu.memory_space<vmem>>, %arg6: memref<640x128xf32, #tpu.memory_space<vmem>>, %arg7: memref<!tpu.dma_semaphore, #tpu.memory_space<semaphore_mem>>, %arg8: memref<!tpu.dma_semaphore, #tpu.memory_space<semaphore_mem>>) attributes {dimension_semantics = [#tpu.dimension_semantics<core_parallel>, #tpu.dimension_semantics<subcore_parallel>], iteration_bounds = array<i64: 2, 16>, scalar_prefetch = 0 : i64, scratch_operands = 4 : i64, tpu.core_type = #tpu.core_type<sc_vector_subcore>, window_params = [{transform_indices = #map}, {transform_indices = #map1}, {transform_indices = #map}]} {
    %eq3A = arith.constant 0 : i32
    %eq3A_0 = arith.cmpi eq, %arg0, %eq3A : i32
    %convert_element_type3A = arith.extui %eq3A_0 : i1 to i32
    %cond3A = arith.constant 0 : i32
    %cond3A_1 = arith.cmpi ne, %convert_element_type3A, %cond3A : i32
    scf.if %cond3A_1 {
      %mul3A = arith.constant 640 : i32
      %mul3A_2 = arith.muli %arg1, %mul3A : i32
      "tpu.region"() ({
        %run_scoped3A = tpu.sem_alloc : memref<!tpu.dma_semaphore, #tpu.memory_space<semaphore_mem>>
        %dma_start3A_320 = arith.constant 0 : i32
        %dma_start3A_321 = tpu.memref_slice %arg5[%dma_start3A_320] : memref<640xi32, #tpu.memory_space<vmem>> -> memref<640xi32, #tpu.memory_space<vmem>>
        %dma_start3A_322 = tpu.memref_slice %arg3[%mul3A_2] : memref<10240xi32, #tpu.memory_space<hbm>> -> memref<640xi32, #tpu.memory_space<hbm>>
        %dma_start3A_323 = arith.constant 0 : i32
        %dma_start3A_324 = tpu.memref_slice %arg5[%dma_start3A_323] : memref<640xi32, #tpu.memory_space<vmem>> -> memref<640xi32, #tpu.memory_space<vmem>>
        %dma_start3A_325 = tpu.memref_slice %arg3[%mul3A_2] : memref<10240xi32, #tpu.memory_space<hbm>> -> memref<640xi32, #tpu.memory_space<hbm>>
        tpu.enqueue_dma source(%dma_start3A_325 : memref<640xi32, #tpu.memory_space<hbm>>) target(%dma_start3A_324 : memref<640xi32, #tpu.memory_space<vmem>>) target_semaphore(%run_scoped3A : memref<!tpu.dma_semaphore, #tpu.memory_space<semaphore_mem>>)
        %dma_wait3A_326 = arith.constant 0 : i32
        %dma_wait3A_327 = tpu.memref_slice %arg5[%dma_wait3A_326] : memref<640xi32, #tpu.memory_space<vmem>> -> memref<640xi32, #tpu.memory_space<vmem>>
        %dma_wait3A_328 = tpu.memref_slice %arg3[%mul3A_2] : memref<10240xi32, #tpu.memory_space<hbm>> -> memref<640xi32, #tpu.memory_space<hbm>>
        %dma_wait3A_329 = arith.constant 0 : i32
        %dma_wait3A_330 = tpu.memref_slice %arg5[%dma_wait3A_329] : memref<640xi32, #tpu.memory_space<vmem>> -> memref<640xi32, #tpu.memory_space<vmem>>
        %dma_wait3A_331 = tpu.memref_slice %arg3[%mul3A_2] : memref<10240xi32, #tpu.memory_space<hbm>> -> memref<640xi32, #tpu.memory_space<hbm>>
        tpu.wait_dma2 semaphore(%run_scoped3A : memref<!tpu.dma_semaphore, #tpu.memory_space<semaphore_mem>>) src(%dma_wait3A_331 : memref<640xi32, #tpu.memory_space<hbm>>) dst(%dma_wait3A_330 : memref<640xi32, #tpu.memory_space<vmem>>)
        tpu.yield
      }) : () -> ()
      %dma_start3A = arith.constant 0 : i32
      %dma_start3A_3 = arith.constant 0 : i32
      %dma_start3A_4 = tpu.memref_slice %arg6[%dma_start3A, %dma_start3A_3] : memref<640x128xf32, #tpu.memory_space<vmem>> -> memref<80x128xf32, #tpu.memory_space<vmem>>
      %dma_start3A_5 = arith.constant 0 : i32
      %dma_start3A_6 = tpu.memref_slice %arg5[%dma_start3A_5] : memref<640xi32, #tpu.memory_space<vmem>> -> memref<80xi32, #tpu.memory_space<vmem>>
      %dma_start3A_7 = arith.constant 0 : i32
      %dma_start3A_8 = arith.constant 0 : i32
      %dma_start3A_9 = tpu.memref_slice %arg2[%dma_start3A_7, %dma_start3A_8] : memref<100000x128xf32, #tpu.memory_space<hbm>> -> memref<100000x128xf32, #tpu.memory_space<hbm>>
      tpu.enqueue_indirect_dma source(%dma_start3A_9 : memref<100000x128xf32, #tpu.memory_space<hbm>>) target(%dma_start3A_4 : memref<80x128xf32, #tpu.memory_space<vmem>>) offsets(%dma_start3A_6 : memref<80xi32, #tpu.memory_space<vmem>>) semaphore(%arg7 : memref<!tpu.dma_semaphore, #tpu.memory_space<semaphore_mem>>)
      %dma_start3A_10 = arith.constant 80 : i32
      %dma_start3A_11 = arith.constant 0 : i32
      %dma_start3A_12 = tpu.memref_slice %arg6[%dma_start3A_10, %dma_start3A_11] : memref<640x128xf32, #tpu.memory_space<vmem>> -> memref<80x128xf32, #tpu.memory_space<vmem>>
      %dma_start3A_13 = arith.constant 80 : i32
      %dma_start3A_14 = tpu.memref_slice %arg5[%dma_start3A_13] : memref<640xi32, #tpu.memory_space<vmem>> -> memref<80xi32, #tpu.memory_space<vmem>>
      %dma_start3A_15 = arith.constant 0 : i32
      %dma_start3A_16 = arith.constant 0 : i32
      %dma_start3A_17 = tpu.memref_slice %arg2[%dma_start3A_15, %dma_start3A_16] : memref<100000x128xf32, #tpu.memory_space<hbm>> -> memref<100000x128xf32, #tpu.memory_space<hbm>>
      tpu.enqueue_indirect_dma source(%dma_start3A_17 : memref<100000x128xf32, #tpu.memory_space<hbm>>) target(%dma_start3A_12 : memref<80x128xf32, #tpu.memory_space<vmem>>) offsets(%dma_start3A_14 : memref<80xi32, #tpu.memory_space<vmem>>) semaphore(%arg7 : memref<!tpu.dma_semaphore, #tpu.memory_space<semaphore_mem>>)
      %dma_start3A_18 = arith.constant 160 : i32
      %dma_start3A_19 = arith.constant 0 : i32
      %dma_start3A_20 = tpu.memref_slice %arg6[%dma_start3A_18, %dma_start3A_19] : memref<640x128xf32, #tpu.memory_space<vmem>> -> memref<80x128xf32, #tpu.memory_space<vmem>>
      %dma_start3A_21 = arith.constant 160 : i32
      %dma_start3A_22 = tpu.memref_slice %arg5[%dma_start3A_21] : memref<640xi32, #tpu.memory_space<vmem>> -> memref<80xi32, #tpu.memory_space<vmem>>
      %dma_start3A_23 = arith.constant 0 : i32
      %dma_start3A_24 = arith.constant 0 : i32
      %dma_start3A_25 = tpu.memref_slice %arg2[%dma_start3A_23, %dma_start3A_24] : memref<100000x128xf32, #tpu.memory_space<hbm>> -> memref<100000x128xf32, #tpu.memory_space<hbm>>
      tpu.enqueue_indirect_dma source(%dma_start3A_25 : memref<100000x128xf32, #tpu.memory_space<hbm>>) target(%dma_start3A_20 : memref<80x128xf32, #tpu.memory_space<vmem>>) offsets(%dma_start3A_22 : memref<80xi32, #tpu.memory_space<vmem>>) semaphore(%arg7 : memref<!tpu.dma_semaphore, #tpu.memory_space<semaphore_mem>>)
      %dma_start3A_26 = arith.constant 240 : i32
      %dma_start3A_27 = arith.constant 0 : i32
      %dma_start3A_28 = tpu.memref_slice %arg6[%dma_start3A_26, %dma_start3A_27] : memref<640x128xf32, #tpu.memory_space<vmem>> -> memref<80x128xf32, #tpu.memory_space<vmem>>
      %dma_start3A_29 = arith.constant 240 : i32
      %dma_start3A_30 = tpu.memref_slice %arg5[%dma_start3A_29] : memref<640xi32, #tpu.memory_space<vmem>> -> memref<80xi32, #tpu.memory_space<vmem>>
      %dma_start3A_31 = arith.constant 0 : i32
      %dma_start3A_32 = arith.constant 0 : i32
      %dma_start3A_33 = tpu.memref_slice %arg2[%dma_start3A_31, %dma_start3A_32] : memref<100000x128xf32, #tpu.memory_space<hbm>> -> memref<100000x128xf32, #tpu.memory_space<hbm>>
      tpu.enqueue_indirect_dma source(%dma_start3A_33 : memref<100000x128xf32, #tpu.memory_space<hbm>>) target(%dma_start3A_28 : memref<80x128xf32, #tpu.memory_space<vmem>>) offsets(%dma_start3A_30 : memref<80xi32, #tpu.memory_space<vmem>>) semaphore(%arg7 : memref<!tpu.dma_semaphore, #tpu.memory_space<semaphore_mem>>)
      %dma_start3A_34 = arith.constant 320 : i32
      %dma_start3A_35 = arith.constant 0 : i32
      %dma_start3A_36 = tpu.memref_slice %arg6[%dma_start3A_34, %dma_start3A_35] : memref<640x128xf32, #tpu.memory_space<vmem>> -> memref<80x128xf32, #tpu.memory_space<vmem>>
      %dma_start3A_37 = arith.constant 320 : i32
      %dma_start3A_38 = tpu.memref_slice %arg5[%dma_start3A_37] : memref<640xi32, #tpu.memory_space<vmem>> -> memref<80xi32, #tpu.memory_space<vmem>>
      %dma_start3A_39 = arith.constant 0 : i32
      %dma_start3A_40 = arith.constant 0 : i32
      %dma_start3A_41 = tpu.memref_slice %arg2[%dma_start3A_39, %dma_start3A_40] : memref<100000x128xf32, #tpu.memory_space<hbm>> -> memref<100000x128xf32, #tpu.memory_space<hbm>>
      tpu.enqueue_indirect_dma source(%dma_start3A_41 : memref<100000x128xf32, #tpu.memory_space<hbm>>) target(%dma_start3A_36 : memref<80x128xf32, #tpu.memory_space<vmem>>) offsets(%dma_start3A_38 : memref<80xi32, #tpu.memory_space<vmem>>) semaphore(%arg7 : memref<!tpu.dma_semaphore, #tpu.memory_space<semaphore_mem>>)
      %dma_start3A_42 = arith.constant 400 : i32
      %dma_start3A_43 = arith.constant 0 : i32
      %dma_start3A_44 = tpu.memref_slice %arg6[%dma_start3A_42, %dma_start3A_43] : memref<640x128xf32, #tpu.memory_space<vmem>> -> memref<80x128xf32, #tpu.memory_space<vmem>>
      %dma_start3A_45 = arith.constant 400 : i32
      %dma_start3A_46 = tpu.memref_slice %arg5[%dma_start3A_45] : memref<640xi32, #tpu.memory_space<vmem>> -> memref<80xi32, #tpu.memory_space<vmem>>
      %dma_start3A_47 = arith.constant 0 : i32
      %dma_start3A_48 = arith.constant 0 : i32
      %dma_start3A_49 = tpu.memref_slice %arg2[%dma_start3A_47, %dma_start3A_48] : memref<100000x128xf32, #tpu.memory_space<hbm>> -> memref<100000x128xf32, #tpu.memory_space<hbm>>
      tpu.enqueue_indirect_dma source(%dma_start3A_49 : memref<100000x128xf32, #tpu.memory_space<hbm>>) target(%dma_start3A_44 : memref<80x128xf32, #tpu.memory_space<vmem>>) offsets(%dma_start3A_46 : memref<80xi32, #tpu.memory_space<vmem>>) semaphore(%arg7 : memref<!tpu.dma_semaphore, #tpu.memory_space<semaphore_mem>>)
      %dma_start3A_50 = arith.constant 480 : i32
      %dma_start3A_51 = arith.constant 0 : i32
      %dma_start3A_52 = tpu.memref_slice %arg6[%dma_start3A_50, %dma_start3A_51] : memref<640x128xf32, #tpu.memory_space<vmem>> -> memref<80x128xf32, #tpu.memory_space<vmem>>
      %dma_start3A_53 = arith.constant 480 : i32
      %dma_start3A_54 = tpu.memref_slice %arg5[%dma_start3A_53] : memref<640xi32, #tpu.memory_space<vmem>> -> memref<80xi32, #tpu.memory_space<vmem>>
      %dma_start3A_55 = arith.constant 0 : i32
      %dma_start3A_56 = arith.constant 0 : i32
      %dma_start3A_57 = tpu.memref_slice %arg2[%dma_start3A_55, %dma_start3A_56] : memref<100000x128xf32, #tpu.memory_space<hbm>> -> memref<100000x128xf32, #tpu.memory_space<hbm>>
      tpu.enqueue_indirect_dma source(%dma_start3A_57 : memref<100000x128xf32, #tpu.memory_space<hbm>>) target(%dma_start3A_52 : memref<80x128xf32, #tpu.memory_space<vmem>>) offsets(%dma_start3A_54 : memref<80xi32, #tpu.memory_space<vmem>>) semaphore(%arg7 : memref<!tpu.dma_semaphore, #tpu.memory_space<semaphore_mem>>)
      %dma_start3A_58 = arith.constant 560 : i32
      %dma_start3A_59 = arith.constant 0 : i32
      %dma_start3A_60 = tpu.memref_slice %arg6[%dma_start3A_58, %dma_start3A_59] : memref<640x128xf32, #tpu.memory_space<vmem>> -> memref<80x128xf32, #tpu.memory_space<vmem>>
      %dma_start3A_61 = arith.constant 560 : i32
      %dma_start3A_62 = tpu.memref_slice %arg5[%dma_start3A_61] : memref<640xi32, #tpu.memory_space<vmem>> -> memref<80xi32, #tpu.memory_space<vmem>>
      %dma_start3A_63 = arith.constant 0 : i32
      %dma_start3A_64 = arith.constant 0 : i32
      %dma_start3A_65 = tpu.memref_slice %arg2[%dma_start3A_63, %dma_start3A_64] : memref<100000x128xf32, #tpu.memory_space<hbm>> -> memref<100000x128xf32, #tpu.memory_space<hbm>>
      tpu.enqueue_indirect_dma source(%dma_start3A_65 : memref<100000x128xf32, #tpu.memory_space<hbm>>) target(%dma_start3A_60 : memref<80x128xf32, #tpu.memory_space<vmem>>) offsets(%dma_start3A_62 : memref<80xi32, #tpu.memory_space<vmem>>) semaphore(%arg7 : memref<!tpu.dma_semaphore, #tpu.memory_space<semaphore_mem>>)
      %dma_wait3A = arith.constant 0 : i32
      %dma_wait3A_66 = arith.constant 0 : i32
      %dma_wait3A_67 = tpu.memref_slice %arg6[%dma_wait3A, %dma_wait3A_66] : memref<640x128xf32, #tpu.memory_space<vmem>> -> memref<80x128xf32, #tpu.memory_space<vmem>>
      %dma_wait3A_68 = arith.constant 0 : i32
      %dma_wait3A_69 = tpu.memref_slice %arg5[%dma_wait3A_68] : memref<640xi32, #tpu.memory_space<vmem>> -> memref<80xi32, #tpu.memory_space<vmem>>
      %dma_wait3A_70 = arith.constant 0 : i32
      %dma_wait3A_71 = arith.constant 0 : i32
      %dma_wait3A_72 = tpu.memref_slice %arg2[%dma_wait3A_70, %dma_wait3A_71] : memref<100000x128xf32, #tpu.memory_space<hbm>> -> memref<100000x128xf32, #tpu.memory_space<hbm>>
      tpu.wait_indirect_dma semaphore(%arg7 : memref<!tpu.dma_semaphore, #tpu.memory_space<semaphore_mem>>) src(%dma_wait3A_72 : memref<100000x128xf32, #tpu.memory_space<hbm>>) dst(%dma_wait3A_67 : memref<80x128xf32, #tpu.memory_space<vmem>>)
      %add3A = arith.constant 0 : i32
      %add3A_73 = arith.addi %mul3A_2, %add3A : i32
      %dma_start3A_74 = arith.constant 0 : i32
      %dma_start3A_75 = arith.constant 0 : i32
      %dma_start3A_76 = tpu.memref_slice %arg6[%dma_start3A_74, %dma_start3A_75] : memref<640x128xf32, #tpu.memory_space<vmem>> -> memref<80x128xf32, #tpu.memory_space<vmem>>
      %dma_start3A_77 = arith.constant 0 : i32
      %dma_start3A_78 = tpu.memref_slice %arg4[%add3A_73, %dma_start3A_77] : memref<10240x128xf32, #tpu.memory_space<hbm>> -> memref<80x128xf32, #tpu.memory_space<hbm>>
      %dma_start3A_79 = arith.constant 0 : i32
      %dma_start3A_80 = tpu.memref_slice %arg4[%add3A_73, %dma_start3A_79] : memref<10240x128xf32, #tpu.memory_space<hbm>> -> memref<80x128xf32, #tpu.memory_space<hbm>>
      %dma_start3A_81 = arith.constant 0 : i32
      %dma_start3A_82 = arith.constant 0 : i32
      %dma_start3A_83 = tpu.memref_slice %arg6[%dma_start3A_81, %dma_start3A_82] : memref<640x128xf32, #tpu.memory_space<vmem>> -> memref<80x128xf32, #tpu.memory_space<vmem>>
      tpu.enqueue_dma source(%dma_start3A_83 : memref<80x128xf32, #tpu.memory_space<vmem>>) target(%dma_start3A_80 : memref<80x128xf32, #tpu.memory_space<hbm>>) target_semaphore(%arg8 : memref<!tpu.dma_semaphore, #tpu.memory_space<semaphore_mem>>)
      %dma_wait3A_84 = arith.constant 80 : i32
      %dma_wait3A_85 = arith.constant 0 : i32
      %dma_wait3A_86 = tpu.memref_slice %arg6[%dma_wait3A_84, %dma_wait3A_85] : memref<640x128xf32, #tpu.memory_space<vmem>> -> memref<80x128xf32, #tpu.memory_space<vmem>>
      %dma_wait3A_87 = arith.constant 80 : i32
      %dma_wait3A_88 = tpu.memref_slice %arg5[%dma_wait3A_87] : memref<640xi32, #tpu.memory_space<vmem>> -> memref<80xi32, #tpu.memory_space<vmem>>
      %dma_wait3A_89 = arith.constant 0 : i32
      %dma_wait3A_90 = arith.constant 0 : i32
      %dma_wait3A_91 = tpu.memref_slice %arg2[%dma_wait3A_89, %dma_wait3A_90] : memref<100000x128xf32, #tpu.memory_space<hbm>> -> memref<100000x128xf32, #tpu.memory_space<hbm>>
      tpu.wait_indirect_dma semaphore(%arg7 : memref<!tpu.dma_semaphore, #tpu.memory_space<semaphore_mem>>) src(%dma_wait3A_91 : memref<100000x128xf32, #tpu.memory_space<hbm>>) dst(%dma_wait3A_86 : memref<80x128xf32, #tpu.memory_space<vmem>>)
      %add3A_92 = arith.constant 80 : i32
      %add3A_93 = arith.addi %mul3A_2, %add3A_92 : i32
      %dma_start3A_94 = arith.constant 80 : i32
      %dma_start3A_95 = arith.constant 0 : i32
      %dma_start3A_96 = tpu.memref_slice %arg6[%dma_start3A_94, %dma_start3A_95] : memref<640x128xf32, #tpu.memory_space<vmem>> -> memref<80x128xf32, #tpu.memory_space<vmem>>
      %dma_start3A_97 = arith.constant 0 : i32
      %dma_start3A_98 = tpu.memref_slice %arg4[%add3A_93, %dma_start3A_97] : memref<10240x128xf32, #tpu.memory_space<hbm>> -> memref<80x128xf32, #tpu.memory_space<hbm>>
      %dma_start3A_99 = arith.constant 0 : i32
      %dma_start3A_100 = tpu.memref_slice %arg4[%add3A_93, %dma_start3A_99] : memref<10240x128xf32, #tpu.memory_space<hbm>> -> memref<80x128xf32, #tpu.memory_space<hbm>>
      %dma_start3A_101 = arith.constant 80 : i32
      %dma_start3A_102 = arith.constant 0 : i32
      %dma_start3A_103 = tpu.memref_slice %arg6[%dma_start3A_101, %dma_start3A_102] : memref<640x128xf32, #tpu.memory_space<vmem>> -> memref<80x128xf32, #tpu.memory_space<vmem>>
      tpu.enqueue_dma source(%dma_start3A_103 : memref<80x128xf32, #tpu.memory_space<vmem>>) target(%dma_start3A_100 : memref<80x128xf32, #tpu.memory_space<hbm>>) target_semaphore(%arg8 : memref<!tpu.dma_semaphore, #tpu.memory_space<semaphore_mem>>)
      %dma_wait3A_104 = arith.constant 160 : i32
      %dma_wait3A_105 = arith.constant 0 : i32
      %dma_wait3A_106 = tpu.memref_slice %arg6[%dma_wait3A_104, %dma_wait3A_105] : memref<640x128xf32, #tpu.memory_space<vmem>> -> memref<80x128xf32, #tpu.memory_space<vmem>>
      %dma_wait3A_107 = arith.constant 160 : i32
      %dma_wait3A_108 = tpu.memref_slice %arg5[%dma_wait3A_107] : memref<640xi32, #tpu.memory_space<vmem>> -> memref<80xi32, #tpu.memory_space<vmem>>
      %dma_wait3A_109 = arith.constant 0 : i32
      %dma_wait3A_110 = arith.constant 0 : i32
      %dma_wait3A_111 = tpu.memref_slice %arg2[%dma_wait3A_109, %dma_wait3A_110] : memref<100000x128xf32, #tpu.memory_space<hbm>> -> memref<100000x128xf32, #tpu.memory_space<hbm>>
      tpu.wait_indirect_dma semaphore(%arg7 : memref<!tpu.dma_semaphore, #tpu.memory_space<semaphore_mem>>) src(%dma_wait3A_111 : memref<100000x128xf32, #tpu.memory_space<hbm>>) dst(%dma_wait3A_106 : memref<80x128xf32, #tpu.memory_space<vmem>>)
      %add3A_112 = arith.constant 160 : i32
      %add3A_113 = arith.addi %mul3A_2, %add3A_112 : i32
      %dma_start3A_114 = arith.constant 160 : i32
      %dma_start3A_115 = arith.constant 0 : i32
      %dma_start3A_116 = tpu.memref_slice %arg6[%dma_start3A_114, %dma_start3A_115] : memref<640x128xf32, #tpu.memory_space<vmem>> -> memref<80x128xf32, #tpu.memory_space<vmem>>
      %dma_start3A_117 = arith.constant 0 : i32
      %dma_start3A_118 = tpu.memref_slice %arg4[%add3A_113, %dma_start3A_117] : memref<10240x128xf32, #tpu.memory_space<hbm>> -> memref<80x128xf32, #tpu.memory_space<hbm>>
      %dma_start3A_119 = arith.constant 0 : i32
      %dma_start3A_120 = tpu.memref_slice %arg4[%add3A_113, %dma_start3A_119] : memref<10240x128xf32, #tpu.memory_space<hbm>> -> memref<80x128xf32, #tpu.memory_space<hbm>>
      %dma_start3A_121 = arith.constant 160 : i32
      %dma_start3A_122 = arith.constant 0 : i32
      %dma_start3A_123 = tpu.memref_slice %arg6[%dma_start3A_121, %dma_start3A_122] : memref<640x128xf32, #tpu.memory_space<vmem>> -> memref<80x128xf32, #tpu.memory_space<vmem>>
      tpu.enqueue_dma source(%dma_start3A_123 : memref<80x128xf32, #tpu.memory_space<vmem>>) target(%dma_start3A_120 : memref<80x128xf32, #tpu.memory_space<hbm>>) target_semaphore(%arg8 : memref<!tpu.dma_semaphore, #tpu.memory_space<semaphore_mem>>)
      %dma_wait3A_124 = arith.constant 240 : i32
      %dma_wait3A_125 = arith.constant 0 : i32
      %dma_wait3A_126 = tpu.memref_slice %arg6[%dma_wait3A_124, %dma_wait3A_125] : memref<640x128xf32, #tpu.memory_space<vmem>> -> memref<80x128xf32, #tpu.memory_space<vmem>>
      %dma_wait3A_127 = arith.constant 240 : i32
      %dma_wait3A_128 = tpu.memref_slice %arg5[%dma_wait3A_127] : memref<640xi32, #tpu.memory_space<vmem>> -> memref<80xi32, #tpu.memory_space<vmem>>
      %dma_wait3A_129 = arith.constant 0 : i32
      %dma_wait3A_130 = arith.constant 0 : i32
      %dma_wait3A_131 = tpu.memref_slice %arg2[%dma_wait3A_129, %dma_wait3A_130] : memref<100000x128xf32, #tpu.memory_space<hbm>> -> memref<100000x128xf32, #tpu.memory_space<hbm>>
      tpu.wait_indirect_dma semaphore(%arg7 : memref<!tpu.dma_semaphore, #tpu.memory_space<semaphore_mem>>) src(%dma_wait3A_131 : memref<100000x128xf32, #tpu.memory_space<hbm>>) dst(%dma_wait3A_126 : memref<80x128xf32, #tpu.memory_space<vmem>>)
      %add3A_132 = arith.constant 240 : i32
      %add3A_133 = arith.addi %mul3A_2, %add3A_132 : i32
      %dma_start3A_134 = arith.constant 240 : i32
      %dma_start3A_135 = arith.constant 0 : i32
      %dma_start3A_136 = tpu.memref_slice %arg6[%dma_start3A_134, %dma_start3A_135] : memref<640x128xf32, #tpu.memory_space<vmem>> -> memref<80x128xf32, #tpu.memory_space<vmem>>
      %dma_start3A_137 = arith.constant 0 : i32
      %dma_start3A_138 = tpu.memref_slice %arg4[%add3A_133, %dma_start3A_137] : memref<10240x128xf32, #tpu.memory_space<hbm>> -> memref<80x128xf32, #tpu.memory_space<hbm>>
      %dma_start3A_139 = arith.constant 0 : i32
      %dma_start3A_140 = tpu.memref_slice %arg4[%add3A_133, %dma_start3A_139] : memref<10240x128xf32, #tpu.memory_space<hbm>> -> memref<80x128xf32, #tpu.memory_space<hbm>>
      %dma_start3A_141 = arith.constant 240 : i32
      %dma_start3A_142 = arith.constant 0 : i32
      %dma_start3A_143 = tpu.memref_slice %arg6[%dma_start3A_141, %dma_start3A_142] : memref<640x128xf32, #tpu.memory_space<vmem>> -> memref<80x128xf32, #tpu.memory_space<vmem>>
      tpu.enqueue_dma source(%dma_start3A_143 : memref<80x128xf32, #tpu.memory_space<vmem>>) target(%dma_start3A_140 : memref<80x128xf32, #tpu.memory_space<hbm>>) target_semaphore(%arg8 : memref<!tpu.dma_semaphore, #tpu.memory_space<semaphore_mem>>)
      %dma_wait3A_144 = arith.constant 320 : i32
      %dma_wait3A_145 = arith.constant 0 : i32
      %dma_wait3A_146 = tpu.memref_slice %arg6[%dma_wait3A_144, %dma_wait3A_145] : memref<640x128xf32, #tpu.memory_space<vmem>> -> memref<80x128xf32, #tpu.memory_space<vmem>>
      %dma_wait3A_147 = arith.constant 320 : i32
      %dma_wait3A_148 = tpu.memref_slice %arg5[%dma_wait3A_147] : memref<640xi32, #tpu.memory_space<vmem>> -> memref<80xi32, #tpu.memory_space<vmem>>
      %dma_wait3A_149 = arith.constant 0 : i32
      %dma_wait3A_150 = arith.constant 0 : i32
      %dma_wait3A_151 = tpu.memref_slice %arg2[%dma_wait3A_149, %dma_wait3A_150] : memref<100000x128xf32, #tpu.memory_space<hbm>> -> memref<100000x128xf32, #tpu.memory_space<hbm>>
      tpu.wait_indirect_dma semaphore(%arg7 : memref<!tpu.dma_semaphore, #tpu.memory_space<semaphore_mem>>) src(%dma_wait3A_151 : memref<100000x128xf32, #tpu.memory_space<hbm>>) dst(%dma_wait3A_146 : memref<80x128xf32, #tpu.memory_space<vmem>>)
      %add3A_152 = arith.constant 320 : i32
      %add3A_153 = arith.addi %mul3A_2, %add3A_152 : i32
      %dma_start3A_154 = arith.constant 320 : i32
      %dma_start3A_155 = arith.constant 0 : i32
      %dma_start3A_156 = tpu.memref_slice %arg6[%dma_start3A_154, %dma_start3A_155] : memref<640x128xf32, #tpu.memory_space<vmem>> -> memref<80x128xf32, #tpu.memory_space<vmem>>
      %dma_start3A_157 = arith.constant 0 : i32
      %dma_start3A_158 = tpu.memref_slice %arg4[%add3A_153, %dma_start3A_157] : memref<10240x128xf32, #tpu.memory_space<hbm>> -> memref<80x128xf32, #tpu.memory_space<hbm>>
      %dma_start3A_159 = arith.constant 0 : i32
      %dma_start3A_160 = tpu.memref_slice %arg4[%add3A_153, %dma_start3A_159] : memref<10240x128xf32, #tpu.memory_space<hbm>> -> memref<80x128xf32, #tpu.memory_space<hbm>>
      %dma_start3A_161 = arith.constant 320 : i32
      %dma_start3A_162 = arith.constant 0 : i32
      %dma_start3A_163 = tpu.memref_slice %arg6[%dma_start3A_161, %dma_start3A_162] : memref<640x128xf32, #tpu.memory_space<vmem>> -> memref<80x128xf32, #tpu.memory_space<vmem>>
      tpu.enqueue_dma source(%dma_start3A_163 : memref<80x128xf32, #tpu.memory_space<vmem>>) target(%dma_start3A_160 : memref<80x128xf32, #tpu.memory_space<hbm>>) target_semaphore(%arg8 : memref<!tpu.dma_semaphore, #tpu.memory_space<semaphore_mem>>)
      %dma_wait3A_164 = arith.constant 400 : i32
      %dma_wait3A_165 = arith.constant 0 : i32
      %dma_wait3A_166 = tpu.memref_slice %arg6[%dma_wait3A_164, %dma_wait3A_165] : memref<640x128xf32, #tpu.memory_space<vmem>> -> memref<80x128xf32, #tpu.memory_space<vmem>>
      %dma_wait3A_167 = arith.constant 400 : i32
      %dma_wait3A_168 = tpu.memref_slice %arg5[%dma_wait3A_167] : memref<640xi32, #tpu.memory_space<vmem>> -> memref<80xi32, #tpu.memory_space<vmem>>
      %dma_wait3A_169 = arith.constant 0 : i32
      %dma_wait3A_170 = arith.constant 0 : i32
      %dma_wait3A_171 = tpu.memref_slice %arg2[%dma_wait3A_169, %dma_wait3A_170] : memref<100000x128xf32, #tpu.memory_space<hbm>> -> memref<100000x128xf32, #tpu.memory_space<hbm>>
      tpu.wait_indirect_dma semaphore(%arg7 : memref<!tpu.dma_semaphore, #tpu.memory_space<semaphore_mem>>) src(%dma_wait3A_171 : memref<100000x128xf32, #tpu.memory_space<hbm>>) dst(%dma_wait3A_166 : memref<80x128xf32, #tpu.memory_space<vmem>>)
      %add3A_172 = arith.constant 400 : i32
      %add3A_173 = arith.addi %mul3A_2, %add3A_172 : i32
      %dma_start3A_174 = arith.constant 400 : i32
      %dma_start3A_175 = arith.constant 0 : i32
      %dma_start3A_176 = tpu.memref_slice %arg6[%dma_start3A_174, %dma_start3A_175] : memref<640x128xf32, #tpu.memory_space<vmem>> -> memref<80x128xf32, #tpu.memory_space<vmem>>
      %dma_start3A_177 = arith.constant 0 : i32
      %dma_start3A_178 = tpu.memref_slice %arg4[%add3A_173, %dma_start3A_177] : memref<10240x128xf32, #tpu.memory_space<hbm>> -> memref<80x128xf32, #tpu.memory_space<hbm>>
      %dma_start3A_179 = arith.constant 0 : i32
      %dma_start3A_180 = tpu.memref_slice %arg4[%add3A_173, %dma_start3A_179] : memref<10240x128xf32, #tpu.memory_space<hbm>> -> memref<80x128xf32, #tpu.memory_space<hbm>>
      %dma_start3A_181 = arith.constant 400 : i32
      %dma_start3A_182 = arith.constant 0 : i32
      %dma_start3A_183 = tpu.memref_slice %arg6[%dma_start3A_181, %dma_start3A_182] : memref<640x128xf32, #tpu.memory_space<vmem>> -> memref<80x128xf32, #tpu.memory_space<vmem>>
      tpu.enqueue_dma source(%dma_start3A_183 : memref<80x128xf32, #tpu.memory_space<vmem>>) target(%dma_start3A_180 : memref<80x128xf32, #tpu.memory_space<hbm>>) target_semaphore(%arg8 : memref<!tpu.dma_semaphore, #tpu.memory_space<semaphore_mem>>)
      %dma_wait3A_184 = arith.constant 480 : i32
      %dma_wait3A_185 = arith.constant 0 : i32
      %dma_wait3A_186 = tpu.memref_slice %arg6[%dma_wait3A_184, %dma_wait3A_185] : memref<640x128xf32, #tpu.memory_space<vmem>> -> memref<80x128xf32, #tpu.memory_space<vmem>>
      %dma_wait3A_187 = arith.constant 480 : i32
      %dma_wait3A_188 = tpu.memref_slice %arg5[%dma_wait3A_187] : memref<640xi32, #tpu.memory_space<vmem>> -> memref<80xi32, #tpu.memory_space<vmem>>
      %dma_wait3A_189 = arith.constant 0 : i32
      %dma_wait3A_190 = arith.constant 0 : i32
      %dma_wait3A_191 = tpu.memref_slice %arg2[%dma_wait3A_189, %dma_wait3A_190] : memref<100000x128xf32, #tpu.memory_space<hbm>> -> memref<100000x128xf32, #tpu.memory_space<hbm>>
      tpu.wait_indirect_dma semaphore(%arg7 : memref<!tpu.dma_semaphore, #tpu.memory_space<semaphore_mem>>) src(%dma_wait3A_191 : memref<100000x128xf32, #tpu.memory_space<hbm>>) dst(%dma_wait3A_186 : memref<80x128xf32, #tpu.memory_space<vmem>>)
      %add3A_192 = arith.constant 480 : i32
      %add3A_193 = arith.addi %mul3A_2, %add3A_192 : i32
      %dma_start3A_194 = arith.constant 480 : i32
      %dma_start3A_195 = arith.constant 0 : i32
      %dma_start3A_196 = tpu.memref_slice %arg6[%dma_start3A_194, %dma_start3A_195] : memref<640x128xf32, #tpu.memory_space<vmem>> -> memref<80x128xf32, #tpu.memory_space<vmem>>
      %dma_start3A_197 = arith.constant 0 : i32
      %dma_start3A_198 = tpu.memref_slice %arg4[%add3A_193, %dma_start3A_197] : memref<10240x128xf32, #tpu.memory_space<hbm>> -> memref<80x128xf32, #tpu.memory_space<hbm>>
      %dma_start3A_199 = arith.constant 0 : i32
      %dma_start3A_200 = tpu.memref_slice %arg4[%add3A_193, %dma_start3A_199] : memref<10240x128xf32, #tpu.memory_space<hbm>> -> memref<80x128xf32, #tpu.memory_space<hbm>>
      %dma_start3A_201 = arith.constant 480 : i32
      %dma_start3A_202 = arith.constant 0 : i32
      %dma_start3A_203 = tpu.memref_slice %arg6[%dma_start3A_201, %dma_start3A_202] : memref<640x128xf32, #tpu.memory_space<vmem>> -> memref<80x128xf32, #tpu.memory_space<vmem>>
      tpu.enqueue_dma source(%dma_start3A_203 : memref<80x128xf32, #tpu.memory_space<vmem>>) target(%dma_start3A_200 : memref<80x128xf32, #tpu.memory_space<hbm>>) target_semaphore(%arg8 : memref<!tpu.dma_semaphore, #tpu.memory_space<semaphore_mem>>)
      %dma_wait3A_204 = arith.constant 560 : i32
      %dma_wait3A_205 = arith.constant 0 : i32
      %dma_wait3A_206 = tpu.memref_slice %arg6[%dma_wait3A_204, %dma_wait3A_205] : memref<640x128xf32, #tpu.memory_space<vmem>> -> memref<80x128xf32, #tpu.memory_space<vmem>>
      %dma_wait3A_207 = arith.constant 560 : i32
      %dma_wait3A_208 = tpu.memref_slice %arg5[%dma_wait3A_207] : memref<640xi32, #tpu.memory_space<vmem>> -> memref<80xi32, #tpu.memory_space<vmem>>
      %dma_wait3A_209 = arith.constant 0 : i32
      %dma_wait3A_210 = arith.constant 0 : i32
      %dma_wait3A_211 = tpu.memref_slice %arg2[%dma_wait3A_209, %dma_wait3A_210] : memref<100000x128xf32, #tpu.memory_space<hbm>> -> memref<100000x128xf32, #tpu.memory_space<hbm>>
      tpu.wait_indirect_dma semaphore(%arg7 : memref<!tpu.dma_semaphore, #tpu.memory_space<semaphore_mem>>) src(%dma_wait3A_211 : memref<100000x128xf32, #tpu.memory_space<hbm>>) dst(%dma_wait3A_206 : memref<80x128xf32, #tpu.memory_space<vmem>>)
      %add3A_212 = arith.constant 560 : i32
      %add3A_213 = arith.addi %mul3A_2, %add3A_212 : i32
      %dma_start3A_214 = arith.constant 560 : i32
      %dma_start3A_215 = arith.constant 0 : i32
      %dma_start3A_216 = tpu.memref_slice %arg6[%dma_start3A_214, %dma_start3A_215] : memref<640x128xf32, #tpu.memory_space<vmem>> -> memref<80x128xf32, #tpu.memory_space<vmem>>
      %dma_start3A_217 = arith.constant 0 : i32
      %dma_start3A_218 = tpu.memref_slice %arg4[%add3A_213, %dma_start3A_217] : memref<10240x128xf32, #tpu.memory_space<hbm>> -> memref<80x128xf32, #tpu.memory_space<hbm>>
      %dma_start3A_219 = arith.constant 0 : i32
      %dma_start3A_220 = tpu.memref_slice %arg4[%add3A_213, %dma_start3A_219] : memref<10240x128xf32, #tpu.memory_space<hbm>> -> memref<80x128xf32, #tpu.memory_space<hbm>>
      %dma_start3A_221 = arith.constant 560 : i32
      %dma_start3A_222 = arith.constant 0 : i32
      %dma_start3A_223 = tpu.memref_slice %arg6[%dma_start3A_221, %dma_start3A_222] : memref<640x128xf32, #tpu.memory_space<vmem>> -> memref<80x128xf32, #tpu.memory_space<vmem>>
      tpu.enqueue_dma source(%dma_start3A_223 : memref<80x128xf32, #tpu.memory_space<vmem>>) target(%dma_start3A_220 : memref<80x128xf32, #tpu.memory_space<hbm>>) target_semaphore(%arg8 : memref<!tpu.dma_semaphore, #tpu.memory_space<semaphore_mem>>)
      %add3A_224 = arith.constant 0 : i32
      %add3A_225 = arith.addi %mul3A_2, %add3A_224 : i32
      %dma_wait3A_226 = arith.constant 0 : i32
      %dma_wait3A_227 = arith.constant 0 : i32
      %dma_wait3A_228 = tpu.memref_slice %arg6[%dma_wait3A_226, %dma_wait3A_227] : memref<640x128xf32, #tpu.memory_space<vmem>> -> memref<80x128xf32, #tpu.memory_space<vmem>>
      %dma_wait3A_229 = arith.constant 0 : i32
      %dma_wait3A_230 = tpu.memref_slice %arg4[%add3A_225, %dma_wait3A_229] : memref<10240x128xf32, #tpu.memory_space<hbm>> -> memref<80x128xf32, #tpu.memory_space<hbm>>
      %dma_wait3A_231 = arith.constant 0 : i32
      %dma_wait3A_232 = tpu.memref_slice %arg4[%add3A_225, %dma_wait3A_231] : memref<10240x128xf32, #tpu.memory_space<hbm>> -> memref<80x128xf32, #tpu.memory_space<hbm>>
      %dma_wait3A_233 = arith.constant 0 : i32
      %dma_wait3A_234 = arith.constant 0 : i32
      %dma_wait3A_235 = tpu.memref_slice %arg6[%dma_wait3A_233, %dma_wait3A_234] : memref<640x128xf32, #tpu.memory_space<vmem>> -> memref<80x128xf32, #tpu.memory_space<vmem>>
      tpu.wait_dma2 semaphore(%arg8 : memref<!tpu.dma_semaphore, #tpu.memory_space<semaphore_mem>>) src(%dma_wait3A_235 : memref<80x128xf32, #tpu.memory_space<vmem>>) dst(%dma_wait3A_232 : memref<80x128xf32, #tpu.memory_space<hbm>>)
      %add3A_236 = arith.constant 80 : i32
      %add3A_237 = arith.addi %mul3A_2, %add3A_236 : i32
      %dma_wait3A_238 = arith.constant 80 : i32
      %dma_wait3A_239 = arith.constant 0 : i32
      %dma_wait3A_240 = tpu.memref_slice %arg6[%dma_wait3A_238, %dma_wait3A_239] : memref<640x128xf32, #tpu.memory_space<vmem>> -> memref<80x128xf32, #tpu.memory_space<vmem>>
      %dma_wait3A_241 = arith.constant 0 : i32
      %dma_wait3A_242 = tpu.memref_slice %arg4[%add3A_237, %dma_wait3A_241] : memref<10240x128xf32, #tpu.memory_space<hbm>> -> memref<80x128xf32, #tpu.memory_space<hbm>>
      %dma_wait3A_243 = arith.constant 0 : i32
      %dma_wait3A_244 = tpu.memref_slice %arg4[%add3A_237, %dma_wait3A_243] : memref<10240x128xf32, #tpu.memory_space<hbm>> -> memref<80x128xf32, #tpu.memory_space<hbm>>
      %dma_wait3A_245 = arith.constant 80 : i32
      %dma_wait3A_246 = arith.constant 0 : i32
      %dma_wait3A_247 = tpu.memref_slice %arg6[%dma_wait3A_245, %dma_wait3A_246] : memref<640x128xf32, #tpu.memory_space<vmem>> -> memref<80x128xf32, #tpu.memory_space<vmem>>
      tpu.wait_dma2 semaphore(%arg8 : memref<!tpu.dma_semaphore, #tpu.memory_space<semaphore_mem>>) src(%dma_wait3A_247 : memref<80x128xf32, #tpu.memory_space<vmem>>) dst(%dma_wait3A_244 : memref<80x128xf32, #tpu.memory_space<hbm>>)
      %add3A_248 = arith.constant 160 : i32
      %add3A_249 = arith.addi %mul3A_2, %add3A_248 : i32
      %dma_wait3A_250 = arith.constant 160 : i32
      %dma_wait3A_251 = arith.constant 0 : i32
      %dma_wait3A_252 = tpu.memref_slice %arg6[%dma_wait3A_250, %dma_wait3A_251] : memref<640x128xf32, #tpu.memory_space<vmem>> -> memref<80x128xf32, #tpu.memory_space<vmem>>
      %dma_wait3A_253 = arith.constant 0 : i32
      %dma_wait3A_254 = tpu.memref_slice %arg4[%add3A_249, %dma_wait3A_253] : memref<10240x128xf32, #tpu.memory_space<hbm>> -> memref<80x128xf32, #tpu.memory_space<hbm>>
      %dma_wait3A_255 = arith.constant 0 : i32
      %dma_wait3A_256 = tpu.memref_slice %arg4[%add3A_249, %dma_wait3A_255] : memref<10240x128xf32, #tpu.memory_space<hbm>> -> memref<80x128xf32, #tpu.memory_space<hbm>>
      %dma_wait3A_257 = arith.constant 160 : i32
      %dma_wait3A_258 = arith.constant 0 : i32
      %dma_wait3A_259 = tpu.memref_slice %arg6[%dma_wait3A_257, %dma_wait3A_258] : memref<640x128xf32, #tpu.memory_space<vmem>> -> memref<80x128xf32, #tpu.memory_space<vmem>>
      tpu.wait_dma2 semaphore(%arg8 : memref<!tpu.dma_semaphore, #tpu.memory_space<semaphore_mem>>) src(%dma_wait3A_259 : memref<80x128xf32, #tpu.memory_space<vmem>>) dst(%dma_wait3A_256 : memref<80x128xf32, #tpu.memory_space<hbm>>)
      %add3A_260 = arith.constant 240 : i32
      %add3A_261 = arith.addi %mul3A_2, %add3A_260 : i32
      %dma_wait3A_262 = arith.constant 240 : i32
      %dma_wait3A_263 = arith.constant 0 : i32
      %dma_wait3A_264 = tpu.memref_slice %arg6[%dma_wait3A_262, %dma_wait3A_263] : memref<640x128xf32, #tpu.memory_space<vmem>> -> memref<80x128xf32, #tpu.memory_space<vmem>>
      %dma_wait3A_265 = arith.constant 0 : i32
      %dma_wait3A_266 = tpu.memref_slice %arg4[%add3A_261, %dma_wait3A_265] : memref<10240x128xf32, #tpu.memory_space<hbm>> -> memref<80x128xf32, #tpu.memory_space<hbm>>
      %dma_wait3A_267 = arith.constant 0 : i32
      %dma_wait3A_268 = tpu.memref_slice %arg4[%add3A_261, %dma_wait3A_267] : memref<10240x128xf32, #tpu.memory_space<hbm>> -> memref<80x128xf32, #tpu.memory_space<hbm>>
      %dma_wait3A_269 = arith.constant 240 : i32
      %dma_wait3A_270 = arith.constant 0 : i32
      %dma_wait3A_271 = tpu.memref_slice %arg6[%dma_wait3A_269, %dma_wait3A_270] : memref<640x128xf32, #tpu.memory_space<vmem>> -> memref<80x128xf32, #tpu.memory_space<vmem>>
      tpu.wait_dma2 semaphore(%arg8 : memref<!tpu.dma_semaphore, #tpu.memory_space<semaphore_mem>>) src(%dma_wait3A_271 : memref<80x128xf32, #tpu.memory_space<vmem>>) dst(%dma_wait3A_268 : memref<80x128xf32, #tpu.memory_space<hbm>>)
      %add3A_272 = arith.constant 320 : i32
      %add3A_273 = arith.addi %mul3A_2, %add3A_272 : i32
      %dma_wait3A_274 = arith.constant 320 : i32
      %dma_wait3A_275 = arith.constant 0 : i32
      %dma_wait3A_276 = tpu.memref_slice %arg6[%dma_wait3A_274, %dma_wait3A_275] : memref<640x128xf32, #tpu.memory_space<vmem>> -> memref<80x128xf32, #tpu.memory_space<vmem>>
      %dma_wait3A_277 = arith.constant 0 : i32
      %dma_wait3A_278 = tpu.memref_slice %arg4[%add3A_273, %dma_wait3A_277] : memref<10240x128xf32, #tpu.memory_space<hbm>> -> memref<80x128xf32, #tpu.memory_space<hbm>>
      %dma_wait3A_279 = arith.constant 0 : i32
      %dma_wait3A_280 = tpu.memref_slice %arg4[%add3A_273, %dma_wait3A_279] : memref<10240x128xf32, #tpu.memory_space<hbm>> -> memref<80x128xf32, #tpu.memory_space<hbm>>
      %dma_wait3A_281 = arith.constant 320 : i32
      %dma_wait3A_282 = arith.constant 0 : i32
      %dma_wait3A_283 = tpu.memref_slice %arg6[%dma_wait3A_281, %dma_wait3A_282] : memref<640x128xf32, #tpu.memory_space<vmem>> -> memref<80x128xf32, #tpu.memory_space<vmem>>
      tpu.wait_dma2 semaphore(%arg8 : memref<!tpu.dma_semaphore, #tpu.memory_space<semaphore_mem>>) src(%dma_wait3A_283 : memref<80x128xf32, #tpu.memory_space<vmem>>) dst(%dma_wait3A_280 : memref<80x128xf32, #tpu.memory_space<hbm>>)
      %add3A_284 = arith.constant 400 : i32
      %add3A_285 = arith.addi %mul3A_2, %add3A_284 : i32
      %dma_wait3A_286 = arith.constant 400 : i32
      %dma_wait3A_287 = arith.constant 0 : i32
      %dma_wait3A_288 = tpu.memref_slice %arg6[%dma_wait3A_286, %dma_wait3A_287] : memref<640x128xf32, #tpu.memory_space<vmem>> -> memref<80x128xf32, #tpu.memory_space<vmem>>
      %dma_wait3A_289 = arith.constant 0 : i32
      %dma_wait3A_290 = tpu.memref_slice %arg4[%add3A_285, %dma_wait3A_289] : memref<10240x128xf32, #tpu.memory_space<hbm>> -> memref<80x128xf32, #tpu.memory_space<hbm>>
      %dma_wait3A_291 = arith.constant 0 : i32
      %dma_wait3A_292 = tpu.memref_slice %arg4[%add3A_285, %dma_wait3A_291] : memref<10240x128xf32, #tpu.memory_space<hbm>> -> memref<80x128xf32, #tpu.memory_space<hbm>>
      %dma_wait3A_293 = arith.constant 400 : i32
      %dma_wait3A_294 = arith.constant 0 : i32
      %dma_wait3A_295 = tpu.memref_slice %arg6[%dma_wait3A_293, %dma_wait3A_294] : memref<640x128xf32, #tpu.memory_space<vmem>> -> memref<80x128xf32, #tpu.memory_space<vmem>>
      tpu.wait_dma2 semaphore(%arg8 : memref<!tpu.dma_semaphore, #tpu.memory_space<semaphore_mem>>) src(%dma_wait3A_295 : memref<80x128xf32, #tpu.memory_space<vmem>>) dst(%dma_wait3A_292 : memref<80x128xf32, #tpu.memory_space<hbm>>)
      %add3A_296 = arith.constant 480 : i32
      %add3A_297 = arith.addi %mul3A_2, %add3A_296 : i32
      %dma_wait3A_298 = arith.constant 480 : i32
      %dma_wait3A_299 = arith.constant 0 : i32
      %dma_wait3A_300 = tpu.memref_slice %arg6[%dma_wait3A_298, %dma_wait3A_299] : memref<640x128xf32, #tpu.memory_space<vmem>> -> memref<80x128xf32, #tpu.memory_space<vmem>>
      %dma_wait3A_301 = arith.constant 0 : i32
      %dma_wait3A_302 = tpu.memref_slice %arg4[%add3A_297, %dma_wait3A_301] : memref<10240x128xf32, #tpu.memory_space<hbm>> -> memref<80x128xf32, #tpu.memory_space<hbm>>
      %dma_wait3A_303 = arith.constant 0 : i32
      %dma_wait3A_304 = tpu.memref_slice %arg4[%add3A_297, %dma_wait3A_303] : memref<10240x128xf32, #tpu.memory_space<hbm>> -> memref<80x128xf32, #tpu.memory_space<hbm>>
      %dma_wait3A_305 = arith.constant 480 : i32
      %dma_wait3A_306 = arith.constant 0 : i32
      %dma_wait3A_307 = tpu.memref_slice %arg6[%dma_wait3A_305, %dma_wait3A_306] : memref<640x128xf32, #tpu.memory_space<vmem>> -> memref<80x128xf32, #tpu.memory_space<vmem>>
      tpu.wait_dma2 semaphore(%arg8 : memref<!tpu.dma_semaphore, #tpu.memory_space<semaphore_mem>>) src(%dma_wait3A_307 : memref<80x128xf32, #tpu.memory_space<vmem>>) dst(%dma_wait3A_304 : memref<80x128xf32, #tpu.memory_space<hbm>>)
      %add3A_308 = arith.constant 560 : i32
      %add3A_309 = arith.addi %mul3A_2, %add3A_308 : i32
      %dma_wait3A_310 = arith.constant 560 : i32
      %dma_wait3A_311 = arith.constant 0 : i32
      %dma_wait3A_312 = tpu.memref_slice %arg6[%dma_wait3A_310, %dma_wait3A_311] : memref<640x128xf32, #tpu.memory_space<vmem>> -> memref<80x128xf32, #tpu.memory_space<vmem>>
      %dma_wait3A_313 = arith.constant 0 : i32
      %dma_wait3A_314 = tpu.memref_slice %arg4[%add3A_309, %dma_wait3A_313] : memref<10240x128xf32, #tpu.memory_space<hbm>> -> memref<80x128xf32, #tpu.memory_space<hbm>>
      %dma_wait3A_315 = arith.constant 0 : i32
      %dma_wait3A_316 = tpu.memref_slice %arg4[%add3A_309, %dma_wait3A_315] : memref<10240x128xf32, #tpu.memory_space<hbm>> -> memref<80x128xf32, #tpu.memory_space<hbm>>
      %dma_wait3A_317 = arith.constant 560 : i32
      %dma_wait3A_318 = arith.constant 0 : i32
      %dma_wait3A_319 = tpu.memref_slice %arg6[%dma_wait3A_317, %dma_wait3A_318] : memref<640x128xf32, #tpu.memory_space<vmem>> -> memref<80x128xf32, #tpu.memory_space<vmem>>
      tpu.wait_dma2 semaphore(%arg8 : memref<!tpu.dma_semaphore, #tpu.memory_space<semaphore_mem>>) src(%dma_wait3A_319 : memref<80x128xf32, #tpu.memory_space<vmem>>) dst(%dma_wait3A_316 : memref<80x128xf32, #tpu.memory_space<hbm>>)
    } else {
    }
    return
  }
}

module attributes {stable_mosaic.version = 14 : i64} {
  func.func @_project_body(%arg0: memref<10240x128xf32, #tpu.memory_space<vmem>>, %arg1: memref<128x256xf32, #tpu.memory_space<vmem>>, %arg2: memref<256x3xf32, #tpu.memory_space<vmem>>, %arg3: memref<10240x8xf32, #tpu.memory_space<vmem>>) attributes {dimension_semantics = [], scalar_prefetch = 0 : i64, scratch_operands = 0 : i64, tpu.core_type = #tpu.core_type<tc>} {
    %get3A = arith.constant 0 : index
    %get3A_0 = arith.constant 0 : index
    %get3A_1 = vector.load %arg1[%get3A, %get3A_0] : memref<128x256xf32, #tpu.memory_space<vmem>>, vector<128x256xf32>
    %get3A_2 = arith.constant 0 : index
    %get3A_3 = arith.constant 0 : index
    %get3A_4 = vector.load %arg2[%get3A_2, %get3A_3] : memref<256x3xf32, #tpu.memory_space<vmem>>, vector<256x3xf32>
    %dot_general3A = arith.constant dense<0.000000e+00> : vector<128x3xf32>
    %dot_general3A_5 = tpu.matmul %get3A_1, %get3A_4, %dot_general3A {dimension_numbers = #tpu.dot_dimension_numbers<[1], [0], [0], [1], [0, 0, 1, 1], [], []>, transpose_lhs_hint = false} : vector<128x256xf32>, vector<256x3xf32>, vector<128x3xf32> -> vector<128x3xf32>
    %get3A_6 = arith.constant 0 : index
    %get3A_7 = arith.constant 0 : index
    %get3A_8 = vector.load %arg0[%get3A_6, %get3A_7] : memref<10240x128xf32, #tpu.memory_space<vmem>>, vector<10240x128xf32>
    %dot_general3A_9 = arith.constant dense<0.000000e+00> : vector<10240x3xf32>
    %dot_general3A_10 = tpu.matmul %get3A_8, %dot_general3A_5, %dot_general3A_9 {dimension_numbers = #tpu.dot_dimension_numbers<[1], [0], [0], [1], [0, 0, 1, 1], [], []>, transpose_lhs_hint = false} : vector<10240x128xf32>, vector<128x3xf32>, vector<10240x3xf32> -> vector<10240x3xf32>
    %swap3A = arith.constant 0 : index
    %swap3A_11 = arith.constant 0 : index
    %swap3A_12 = vector.load %arg3[%swap3A, %swap3A_11] : memref<10240x8xf32, #tpu.memory_space<vmem>>, vector<10240x3xf32>
    tpu.vector_store %arg3[%swap3A, %swap3A_11], %dot_general3A_10 {strides = array<i32>} : memref<10240x8xf32, #tpu.memory_space<vmem>>, vector<10240x3xf32>,
    %broadcast_in_dim3A = arith.constant 1.000000e+00 : f32
    %broadcast_in_dim3A_13 = vector.broadcast %broadcast_in_dim3A : f32 to vector<10240x1xf32>
    %swap3A_14 = arith.constant 0 : index
    %swap3A_15 = arith.constant 3 : index
    %swap3A_16 = vector.load %arg3[%swap3A_14, %swap3A_15] : memref<10240x8xf32, #tpu.memory_space<vmem>>, vector<10240x1xf32>
    tpu.vector_store %arg3[%swap3A_14, %swap3A_15], %broadcast_in_dim3A_13 {strides = array<i32>} : memref<10240x8xf32, #tpu.memory_space<vmem>>, vector<10240x1xf32>,
    %broadcast_in_dim3A_17 = arith.constant 0.000000e+00 : f32
    %broadcast_in_dim3A_18 = vector.broadcast %broadcast_in_dim3A_17 : f32 to vector<10240x4xf32>
    %swap3A_19 = arith.constant 0 : index
    %swap3A_20 = arith.constant 4 : index
    %swap3A_21 = vector.load %arg3[%swap3A_19, %swap3A_20] : memref<10240x8xf32, #tpu.memory_space<vmem>>, vector<10240x4xf32>
    tpu.vector_store %arg3[%swap3A_19, %swap3A_20], %broadcast_in_dim3A_18 {strides = array<i32>} : memref<10240x8xf32, #tpu.memory_space<vmem>>, vector<10240x4xf32>,
    return
  }
}

module attributes {stable_mosaic.version = 14 : i64} {
  func.func @_finalize_body(%arg0: memref<2x640x128xf32, #tpu.memory_space<vmem>>, %arg1: memref<256x3xf32, #tpu.memory_space<vmem>>, %arg2: memref<256xf32, #tpu.memory_space<vmem>>, %arg3: memref<3xf32, #tpu.memory_space<vmem>>, %arg4: memref<640x128xf32, #tpu.memory_space<vmem>>) attributes {dimension_semantics = [], scalar_prefetch = 0 : i64, scratch_operands = 0 : i64, tpu.core_type = #tpu.core_type<tc>} {
    %get3A = arith.constant 0 : index
    %get3A_0 = arith.constant 0 : index
    %get3A_1 = arith.constant 0 : index
    %get3A_2 = vector.load %arg0[%get3A, %get3A_0, %get3A_1] : memref<2x640x128xf32, #tpu.memory_space<vmem>>, vector<1x640x128xf32>
    %get3A_3 = vector.shape_cast %get3A_2 : vector<1x640x128xf32> to vector<640x128xf32>
    %get3A_4 = arith.constant 1 : index
    %get3A_5 = arith.constant 0 : index
    %get3A_6 = arith.constant 0 : index
    %get3A_7 = vector.load %arg0[%get3A_4, %get3A_5, %get3A_6] : memref<2x640x128xf32, #tpu.memory_space<vmem>>, vector<1x640x128xf32>
    %get3A_8 = vector.shape_cast %get3A_7 : vector<1x640x128xf32> to vector<640x128xf32>
    %add3A = arith.addf %get3A_3, %get3A_8 : vector<640x128xf32>
    %iota3A = tpu.iota {dimensions = array<i32: 1>} : vector<1x128xi32>
    %jit3A = arith.constant 8 : i32
    %eq3A = arith.constant 0 : i32
    %eq3A_9 = arith.cmpi eq, %jit3A, %eq3A : i32
    %jit3A_10 = arith.constant 1 : i32
    %select_n3A = arith.select %eq3A_9, %jit3A_10, %jit3A : i32
    %rem3A = vector.broadcast %select_n3A : i32 to vector<1x128xi32>
    %rem3A_11 = arith.remsi %iota3A, %rem3A : vector<1x128xi32>
    %ne3A = arith.constant 0 : i32
    %ne3A_12 = vector.broadcast %ne3A : i32 to vector<1x128xi32>
    %ne3A_13 = arith.cmpi ne, %rem3A_11, %ne3A_12 : vector<1x128xi32>
    %lt3A = arith.constant 0 : i32
    %lt3A_14 = vector.broadcast %lt3A : i32 to vector<1x128xi32>
    %lt3A_15 = arith.cmpi slt, %rem3A_11, %lt3A_14 : vector<1x128xi32>
    %lt3A_16 = arith.constant 0 : i32
    %lt3A_17 = arith.cmpi slt, %select_n3A, %lt3A_16 : i32
    %ne3A_18 = vector.broadcast %lt3A_17 : i1 to vector<1x128xi1>
    %ne3A_19 = vector.broadcast %ne3A_18 : vector<1x128xi1> to vector<1x128xi1>
    %ne3A_20 = arith.xori %lt3A_15, %ne3A_19 : vector<1x128xi1>
    %and3A = arith.andi %ne3A_20, %ne3A_13 : vector<1x128xi1>
    %add3A_21 = vector.broadcast %select_n3A : i32 to vector<1x128xi32>
    %add3A_22 = arith.addi %rem3A_11, %add3A_21 : vector<1x128xi32>
    %select_n3A_23 = arith.select %and3A, %add3A_22, %rem3A_11 : vector<1x128xi1>, vector<1x128xi32>
    %get3A_24 = arith.constant 0 : index
    %get3A_25 = vector.load %arg2[%get3A_24] : memref<256xf32, #tpu.memory_space<vmem>>, vector<256xf32>
    %reshape3A = vector.shape_cast %get3A_25 : vector<256xf32> to vector<1x256xf32>
    %get3A_26 = arith.constant 0 : index
    %get3A_27 = arith.constant 0 : index
    %get3A_28 = vector.load %arg1[%get3A_26, %get3A_27] : memref<256x3xf32, #tpu.memory_space<vmem>>, vector<256x3xf32>
    %dot_general3A = arith.constant dense<0.000000e+00> : vector<1x3xf32>
    %dot_general3A_29 = tpu.matmul %reshape3A, %get3A_28, %dot_general3A {dimension_numbers = #tpu.dot_dimension_numbers<[1], [0], [0], [1], [0, 0, 1, 1], [], []>, transpose_lhs_hint = false} : vector<1x256xf32>, vector<256x3xf32>, vector<1x3xf32> -> vector<1x3xf32>
    %get3A_30 = arith.constant 0 : index
    %get3A_31 = vector.load %arg3[%get3A_30] : memref<3xf32, #tpu.memory_space<vmem>>, vector<3xf32>
    %reshape3A_32 = vector.shape_cast %get3A_31 : vector<3xf32> to vector<1x3xf32>
    %add3A_33 = arith.addf %dot_general3A_29, %reshape3A_32 : vector<1x3xf32>
    %eq3A_34 = arith.constant 0 : i32
    %eq3A_35 = vector.broadcast %eq3A_34 : i32 to vector<1x128xi32>
    %eq3A_36 = arith.cmpi eq, %select_n3A_23, %eq3A_35 : vector<1x128xi32>
    %slice3A = vector.extract_strided_slice %add3A_33 {offsets = [0, 0], sizes = [1, 1], strides = [1, 1]} : vector<1x3xf32> to vector<1x1xf32>
    %squeeze3A = vector.extract %slice3A[0, 0] : f32 from vector<1x1xf32>
    %jit3A_37 = arith.constant 0.000000e+00 : f32
    %broadcast_in_dim3A = vector.broadcast %squeeze3A : f32 to vector<1x128xf32>
    %broadcast_in_dim3A_38 = vector.broadcast %jit3A_37 : f32 to vector<1x128xf32>
    %select_n3A_39 = arith.select %eq3A_36, %broadcast_in_dim3A, %broadcast_in_dim3A_38 : vector<1x128xi1>, vector<1x128xf32>
    %eq3A_40 = arith.constant 1 : i32
    %eq3A_41 = vector.broadcast %eq3A_40 : i32 to vector<1x128xi32>
    %eq3A_42 = arith.cmpi eq, %select_n3A_23, %eq3A_41 : vector<1x128xi32>
    %slice3A_43 = vector.extract_strided_slice %add3A_33 {offsets = [0, 1], sizes = [1, 1], strides = [1, 1]} : vector<1x3xf32> to vector<1x1xf32>
    %squeeze3A_44 = vector.extract %slice3A_43[0, 0] : f32 from vector<1x1xf32>
    %jit3A_45 = arith.constant 0.000000e+00 : f32
    %broadcast_in_dim3A_46 = vector.broadcast %squeeze3A_44 : f32 to vector<1x128xf32>
    %broadcast_in_dim3A_47 = vector.broadcast %jit3A_45 : f32 to vector<1x128xf32>
    %select_n3A_48 = arith.select %eq3A_42, %broadcast_in_dim3A_46, %broadcast_in_dim3A_47 : vector<1x128xi1>, vector<1x128xf32>
    %add3A_49 = arith.addf %select_n3A_39, %select_n3A_48 : vector<1x128xf32>
    %eq3A_50 = arith.constant 2 : i32
    %eq3A_51 = vector.broadcast %eq3A_50 : i32 to vector<1x128xi32>
    %eq3A_52 = arith.cmpi eq, %select_n3A_23, %eq3A_51 : vector<1x128xi32>
    %slice3A_53 = vector.extract_strided_slice %add3A_33 {offsets = [0, 2], sizes = [1, 1], strides = [1, 1]} : vector<1x3xf32> to vector<1x1xf32>
    %squeeze3A_54 = vector.extract %slice3A_53[0, 0] : f32 from vector<1x1xf32>
    %jit3A_55 = arith.constant 0.000000e+00 : f32
    %broadcast_in_dim3A_56 = vector.broadcast %squeeze3A_54 : f32 to vector<1x128xf32>
    %broadcast_in_dim3A_57 = vector.broadcast %jit3A_55 : f32 to vector<1x128xf32>
    %select_n3A_58 = arith.select %eq3A_52, %broadcast_in_dim3A_56, %broadcast_in_dim3A_57 : vector<1x128xi1>, vector<1x128xf32>
    %add3A_59 = arith.addf %add3A_49, %select_n3A_58 : vector<1x128xf32>
    %eq3A_60 = arith.constant 0 : i32
    %eq3A_61 = vector.broadcast %eq3A_60 : i32 to vector<1x128xi32>
    %eq3A_62 = arith.cmpi eq, %select_n3A_23, %eq3A_61 : vector<1x128xi32>
    %slice3A_63 = vector.extract_strided_slice %add3A {offsets = [0, 3], sizes = [640, 125], strides = [1, 1]} : vector<640x128xf32> to vector<640x125xf32>
    %slice3A_64 = vector.extract_strided_slice %add3A {offsets = [0, 0], sizes = [640, 3], strides = [1, 1]} : vector<640x128xf32> to vector<640x3xf32>
    %concatenate3A = tpu.concatenate %slice3A_63, %slice3A_64 in 1 : vector<640x125xf32>, vector<640x3xf32> -> vector<640x128xf32>
    %eq3A_65 = arith.constant 1 : i32
    %eq3A_66 = vector.broadcast %eq3A_65 : i32 to vector<1x128xi32>
    %eq3A_67 = arith.cmpi eq, %select_n3A_23, %eq3A_66 : vector<1x128xi32>
    %slice3A_68 = vector.extract_strided_slice %add3A {offsets = [0, 2], sizes = [640, 126], strides = [1, 1]} : vector<640x128xf32> to vector<640x126xf32>
    %slice3A_69 = vector.extract_strided_slice %add3A {offsets = [0, 0], sizes = [640, 2], strides = [1, 1]} : vector<640x128xf32> to vector<640x2xf32>
    %concatenate3A_70 = tpu.concatenate %slice3A_68, %slice3A_69 in 1 : vector<640x126xf32>, vector<640x2xf32> -> vector<640x128xf32>
    %slice3A_71 = vector.extract_strided_slice %add3A {offsets = [0, 1], sizes = [640, 127], strides = [1, 1]} : vector<640x128xf32> to vector<640x127xf32>
    %slice3A_72 = vector.extract_strided_slice %add3A {offsets = [0, 0], sizes = [640, 1], strides = [1, 1]} : vector<640x128xf32> to vector<640x1xf32>
    %concatenate3A_73 = tpu.concatenate %slice3A_71, %slice3A_72 in 1 : vector<640x127xf32>, vector<640x1xf32> -> vector<640x128xf32>
    %broadcast_in_dim3A_74 = vector.shape_cast %eq3A_67 : vector<1x128xi1> to vector<1x128xi1>
    %broadcast_in_dim3A_75 = vector.broadcast %broadcast_in_dim3A_74 : vector<1x128xi1> to vector<640x128xi1>
    %select_n3A_76 = arith.select %broadcast_in_dim3A_75, %concatenate3A_70, %concatenate3A_73 : vector<640x128xi1>, vector<640x128xf32>
    %broadcast_in_dim3A_77 = vector.shape_cast %eq3A_62 : vector<1x128xi1> to vector<1x128xi1>
    %broadcast_in_dim3A_78 = vector.broadcast %broadcast_in_dim3A_77 : vector<1x128xi1> to vector<640x128xi1>
    %select_n3A_79 = arith.select %broadcast_in_dim3A_78, %concatenate3A, %select_n3A_76 : vector<640x128xi1>, vector<640x128xf32>
    %jit3A_80 = arith.constant 1.000000e+00 : f32
    %max3A = vector.broadcast %jit3A_80 : f32 to vector<640x128xf32>
    %max3A_81 = arith.maximumf %max3A, %select_n3A_79 : vector<640x128xf32>
    %div3A = arith.divf %add3A, %max3A_81 : vector<640x128xf32>
    %add3A_82 = vector.broadcast %add3A_59 : vector<1x128xf32> to vector<640x128xf32>
    %add3A_83 = arith.addf %div3A, %add3A_82 : vector<640x128xf32>
    %lt3A_84 = arith.constant 3 : i32
    %lt3A_85 = vector.broadcast %lt3A_84 : i32 to vector<1x128xi32>
    %lt3A_86 = arith.cmpi slt, %select_n3A_23, %lt3A_85 : vector<1x128xi32>
    %jit3A_87 = arith.constant 0xFF800000 : f32
    %broadcast_in_dim3A_88 = vector.shape_cast %lt3A_86 : vector<1x128xi1> to vector<1x128xi1>
    %broadcast_in_dim3A_89 = vector.broadcast %broadcast_in_dim3A_88 : vector<1x128xi1> to vector<640x128xi1>
    %broadcast_in_dim3A_90 = vector.broadcast %jit3A_87 : f32 to vector<640x128xf32>
    %select_n3A_91 = arith.select %broadcast_in_dim3A_89, %add3A_83, %broadcast_in_dim3A_90 : vector<640x128xi1>, vector<640x128xf32>
    %slice3A_92 = vector.extract_strided_slice %select_n3A_91 {offsets = [0, 2], sizes = [640, 126], strides = [1, 1]} : vector<640x128xf32> to vector<640x126xf32>
    %slice3A_93 = vector.extract_strided_slice %select_n3A_91 {offsets = [0, 0], sizes = [640, 2], strides = [1, 1]} : vector<640x128xf32> to vector<640x2xf32>
    %concatenate3A_94 = tpu.concatenate %slice3A_92, %slice3A_93 in 1 : vector<640x126xf32>, vector<640x2xf32> -> vector<640x128xf32>
    %slice3A_95 = vector.extract_strided_slice %select_n3A_91 {offsets = [0, 1], sizes = [640, 127], strides = [1, 1]} : vector<640x128xf32> to vector<640x127xf32>
    %slice3A_96 = vector.extract_strided_slice %select_n3A_91 {offsets = [0, 0], sizes = [640, 1], strides = [1, 1]} : vector<640x128xf32> to vector<640x1xf32>
    %concatenate3A_97 = tpu.concatenate %slice3A_95, %slice3A_96 in 1 : vector<640x127xf32>, vector<640x1xf32> -> vector<640x128xf32>
    %max3A_98 = arith.maximumf %concatenate3A_94, %concatenate3A_97 : vector<640x128xf32>
    %max3A_99 = arith.maximumf %max3A_98, %select_n3A_91 : vector<640x128xf32>
    %slice3A_100 = vector.extract_strided_slice %select_n3A_91 {offsets = [0, 127], sizes = [640, 1], strides = [1, 1]} : vector<640x128xf32> to vector<640x1xf32>
    %slice3A_101 = vector.extract_strided_slice %select_n3A_91 {offsets = [0, 0], sizes = [640, 127], strides = [1, 1]} : vector<640x128xf32> to vector<640x127xf32>
    %concatenate3A_102 = tpu.concatenate %slice3A_100, %slice3A_101 in 1 : vector<640x1xf32>, vector<640x127xf32> -> vector<640x128xf32>
    %slice3A_103 = vector.extract_strided_slice %select_n3A_91 {offsets = [0, 126], sizes = [640, 2], strides = [1, 1]} : vector<640x128xf32> to vector<640x2xf32>
    %slice3A_104 = vector.extract_strided_slice %select_n3A_91 {offsets = [0, 0], sizes = [640, 126], strides = [1, 1]} : vector<640x128xf32> to vector<640x126xf32>
    %concatenate3A_105 = tpu.concatenate %slice3A_103, %slice3A_104 in 1 : vector<640x2xf32>, vector<640x126xf32> -> vector<640x128xf32>
    %max3A_106 = arith.maximumf %concatenate3A_102, %concatenate3A_105 : vector<640x128xf32>
    %max3A_107 = arith.maximumf %max3A_99, %max3A_106 : vector<640x128xf32>
    %sub3A = arith.subf %select_n3A_91, %max3A_107 : vector<640x128xf32>
    %exp3A = math.exp %sub3A : vector<640x128xf32>
    %jit3A_108 = arith.constant 0.000000e+00 : f32
    %broadcast_in_dim3A_109 = vector.shape_cast %lt3A_86 : vector<1x128xi1> to vector<1x128xi1>
    %broadcast_in_dim3A_110 = vector.broadcast %broadcast_in_dim3A_109 : vector<1x128xi1> to vector<640x128xi1>
    %broadcast_in_dim3A_111 = vector.broadcast %jit3A_108 : f32 to vector<640x128xf32>
    %select_n3A_112 = arith.select %broadcast_in_dim3A_110, %exp3A, %broadcast_in_dim3A_111 : vector<640x128xi1>, vector<640x128xf32>
    %slice3A_113 = vector.extract_strided_slice %select_n3A_112 {offsets = [0, 2], sizes = [640, 126], strides = [1, 1]} : vector<640x128xf32> to vector<640x126xf32>
    %slice3A_114 = vector.extract_strided_slice %select_n3A_112 {offsets = [0, 0], sizes = [640, 2], strides = [1, 1]} : vector<640x128xf32> to vector<640x2xf32>
    %concatenate3A_115 = tpu.concatenate %slice3A_113, %slice3A_114 in 1 : vector<640x126xf32>, vector<640x2xf32> -> vector<640x128xf32>
    %slice3A_116 = vector.extract_strided_slice %select_n3A_112 {offsets = [0, 1], sizes = [640, 127], strides = [1, 1]} : vector<640x128xf32> to vector<640x127xf32>
    %slice3A_117 = vector.extract_strided_slice %select_n3A_112 {offsets = [0, 0], sizes = [640, 1], strides = [1, 1]} : vector<640x128xf32> to vector<640x1xf32>
    %concatenate3A_118 = tpu.concatenate %slice3A_116, %slice3A_117 in 1 : vector<640x127xf32>, vector<640x1xf32> -> vector<640x128xf32>
    %add3A_119 = arith.addf %concatenate3A_115, %concatenate3A_118 : vector<640x128xf32>
    %add3A_120 = arith.addf %add3A_119, %select_n3A_112 : vector<640x128xf32>
    %slice3A_121 = vector.extract_strided_slice %select_n3A_112 {offsets = [0, 127], sizes = [640, 1], strides = [1, 1]} : vector<640x128xf32> to vector<640x1xf32>
    %slice3A_122 = vector.extract_strided_slice %select_n3A_112 {offsets = [0, 0], sizes = [640, 127], strides = [1, 1]} : vector<640x128xf32> to vector<640x127xf32>
    %concatenate3A_123 = tpu.concatenate %slice3A_121, %slice3A_122 in 1 : vector<640x1xf32>, vector<640x127xf32> -> vector<640x128xf32>
    %add3A_124 = arith.addf %add3A_120, %concatenate3A_123 : vector<640x128xf32>
    %slice3A_125 = vector.extract_strided_slice %select_n3A_112 {offsets = [0, 126], sizes = [640, 2], strides = [1, 1]} : vector<640x128xf32> to vector<640x2xf32>
    %slice3A_126 = vector.extract_strided_slice %select_n3A_112 {offsets = [0, 0], sizes = [640, 126], strides = [1, 1]} : vector<640x128xf32> to vector<640x126xf32>
    %concatenate3A_127 = tpu.concatenate %slice3A_125, %slice3A_126 in 1 : vector<640x2xf32>, vector<640x126xf32> -> vector<640x128xf32>
    %add3A_128 = arith.addf %add3A_124, %concatenate3A_127 : vector<640x128xf32>
    %sub3A_129 = arith.subf %select_n3A_91, %max3A_107 : vector<640x128xf32>
    %log3A = math.log %add3A_128 : vector<640x128xf32>
    %sub3A_130 = arith.subf %sub3A_129, %log3A : vector<640x128xf32>
    %jit3A_131 = arith.constant 0.000000e+00 : f32
    %broadcast_in_dim3A_132 = vector.shape_cast %lt3A_86 : vector<1x128xi1> to vector<1x128xi1>
    %broadcast_in_dim3A_133 = vector.broadcast %broadcast_in_dim3A_132 : vector<1x128xi1> to vector<640x128xi1>
    %broadcast_in_dim3A_134 = vector.broadcast %jit3A_131 : f32 to vector<640x128xf32>
    %select_n3A_135 = arith.select %broadcast_in_dim3A_133, %sub3A_130, %broadcast_in_dim3A_134 : vector<640x128xi1>, vector<640x128xf32>
    %swap3A = arith.constant 0 : index
    %swap3A_136 = arith.constant 0 : index
    %swap3A_137 = vector.load %arg4[%swap3A, %swap3A_136] : memref<640x128xf32, #tpu.memory_space<vmem>>, vector<640x128xf32>
    tpu.vector_store %arg4[%swap3A, %swap3A_136], %select_n3A_135 {strides = array<i32>} : memref<640x128xf32, #tpu.memory_space<vmem>>, vector<640x128xf32>,
    return
  }
}

</mosaic_0001>

<sc_bundles>
// kernel: kernel.6.cloned.1.call-start
scs
__scs_entry_jumppad:
0x0: {  	(pc) =	sbr.rel $0x88, $3  }
0x1: {  	(tag) =	ssettag $0x0;
	lr =	simm.s32 $0x1  }
0x2: {  	[smem:$0x3F9A] =	sst lr;
	_ =	strace $0xD0000000  }
0x3: {  	_ = 	snop  }
0x4: {  	_ = 	snop  }
0x5: {  	_ = 	snop  }
0x6: {  	_ = 	snop  }
0x7: {  	_ = 	snop  }
__scs_overlays_trampoline_lowered:
0x8: {  	[smem:$0x3FA9] =	sst s0  }
0x9: {  	[smem:$0x3FAA] =	sst s1  }
0xa: {  	[smem:$0x3FAB] =	sst s2  }
0xb: {  	[smem:$0x3FAC] =	sst s3  }
0xc: {  	[smem:$0x3FAD] =	sst s4  }
0xd: {  	[smem:$0x3FAE] =	sst s5  }
0xe: {  	[smem:$0x3FAF] =	sst s6  }
0xf: {  	[smem:$0x3FB0] =	sst s7  }
0x10: {  	[smem:$0x3FB1] =	sst s8  }
0x11: {  	[smem:$0x3FB2] =	sst s9;
	s0 =	simm.s32 @!p0 $0x0  }
0x12: {  	s1 =	sld [smem:$0x3F98];
	s0 =	simm.s32 @p0 $0x1  }
0x13: {  	[smem:$0x3FB3] =	sst s0;
	s0 =	simm.s32 @!p1 $0x0  }
0x14: {  	s2 =	sld [smem:$0x3F97];
	s0 =	simm.s32 @p1 $0x1  }
0x15: {  	[smem:$0x3FB4] =	sst s0;
	s0 =	simm.s32 @!p2 $0x0  }
0x16: {  	s3 =	sld [smem:$0x3FDB];
	s0 =	simm.s32 @p2 $0x1  }
0x17: {  	s4 =	simm.s32 $0x1BF5;
	[smem:$0x3FB6] =	sst s0  }
0x18: {  	s0 =	sld [smem:$0x3F99];
	_ =	swait.ge [sflag:s4], $0x0  }
0x19: {  	s7 =	sld [smem:$0x3F9A]  }
0x1a: {  	s8 =	sadd.s32 $0xFFFFE003, lr  }
0x1b: {  	s9 =	sadd.s32 $0xFFFFFEF7, lr;
	s5 =	simm.s32 $0xFFFFFFFF;
	p2 =	slt.u32 s8, $0xFFFFF086  }
0x1c: {  	p1 =	slt.u32 s9, $0xF7A;
	s5 =	simm.s32 @!p2 $0x0  }
0x1d: {  	s5 =	simm.s32 @p1 $0x1;
	p0 =	seq.s32 s7, s2  }
0x1e: {  	s7 =	smul.u32 @!p0 $0xF7A, s2;
	p2 =	seq.s32 @!p0 s5, $0x0  }
0x1f: {  	s9 =	smul.u32 $0xF7A, s1;
	s8 =	simm.s32 @!p0 $0x1BF5;
	p2 =	por !p2, p0  }
0x20: {  	[sflag:s8] =	ssyncset.s32 @!p0 $0xFFFFF086;
	s6 =	sadd.s32 @!p0 s3, s7;
	s7 =	simm.s32 @!p0 $0x108  }
0x21: {  	s3 =	sadd.s32 s3, s9;
	s6 =	sadd.s32 @!p0 $0x88, s6;
	s7 =	simm.s32 @p2 $0x1082  }
0x22: {  	[simem:s7], [sflag:s8] =	dma.local @!p0 [hbm:s6], $0xF7A  }
0x23: {  	s9 =	sor.u32 $0xD0000000, s2;
	s6 =	simm.s32 $0x108;
	_ =	swait.ge @!p0 [sflag:s8], $0x0  }
0x24: {  	s3 =	sadd.s32 $0x88, s3;
	s6 =	simm.s32 @!p1 $0x1082;
	[sflag:s4] =	ssyncset.s32 $0xFFFFF086  }
0x25: {  	[simem:s6], [sflag:s4] =	dma.local [hbm:s3], $0xF7A  }
0x26: {  	[smem:$0x3F9A] =	sst s1;
	(tag) =	ssettag s2;
	_ =	strace s9  }
0x27: {  	s1 =	sld [smem:$0x3FAA]  }
0x28: {  	s2 =	sld [smem:$0x3FAB]  }
0x29: {  	s4 =	sld [smem:$0x3FAD]  }
0x2a: {  	p0 =	seq.s32 s5, $0x0;
	s5 =	sld [smem:$0x3FAE]  }
0x2b: {  	s6 =	sld [smem:$0x3FAF]  }
0x2c: {  	s7 =	sld [smem:$0x3FB0]  }
0x2d: {  	s3 =	simm.s32 $0x108;
	s8 =	sld [smem:$0x3FB1]  }
0x2e: {  	s3 =	simm.s32 @!p0 $0x1082;
	s9 =	sld [smem:$0x3FB2]  }
0x2f: {  	lr =	sadd.s32 s0, s3;
	s0 =	sld [smem:$0x3FA9]  }
0x30: {  	s3 =	sld [smem:$0x3FAC]  }
0x31: {  	[smem:$0x3FB5] =	sst s10  }
0x32: {  	s10 =	sld [smem:$0x3FB3];
	_ =	sdelay $0x3  }
0x33: {  	p0 =	seq.s32 s10, $0x1;
	s10 =	sld [smem:$0x3FB5];
	_ =	sdelay $0x3  }
0x34: {  	[smem:$0x3FB5] =	sst s10  }
0x35: {  	s10 =	sld [smem:$0x3FB4];
	_ =	sdelay $0x3  }
0x36: {  	p1 =	seq.s32 s10, $0x1;
	s10 =	sld [smem:$0x3FB5];
	_ =	sdelay $0x3  }
0x37: {  	[smem:$0x3FB5] =	sst s10  }
0x38: {  	s10 =	sld [smem:$0x3FB6]  }
0x39: {  	_ = 	snop;
	(pc) =	sbr.ind lr, $3  }
0x3a: {  	_ = 	snop  }
0x3b: {  	_ = 	snop  }
0x3c: {  	p2 =	seq.s32 s10, $0x1;
	s10 =	sld [smem:$0x3FB5]  }
0x3d: {  	_ =	shalt  }
0x3e: {  	_ =	shalt  }
0x3f: {  	_ =	shalt  }
0x40: {  	_ =	shalt  }
0x41: {  	_ =	shalt  }
0x42: {  	_ =	shalt  }
0x43: {  	_ =	shalt  }
0x44: {  	_ =	shalt  }
0x45: {  	_ =	shalt  }
0x46: {  	_ =	shalt  }
0x47: {  	_ =	shalt  }
0x48: {  	_ =	shalt  }
0x49: {  	_ =	shalt  }
0x4a: {  	_ =	shalt  }
0x4b: {  	_ =	shalt  }
0x4c: {  	_ =	shalt  }
0x4d: {  	_ =	shalt  }
0x4e: {  	_ =	shalt  }
0x4f: {  	_ =	shalt  }
0x50: {  	_ =	shalt  }
0x51: {  	_ =	shalt  }
0x52: {  	_ =	shalt  }
0x53: {  	_ =	shalt  }
0x54: {  	_ =	shalt  }
0x55: {  	_ =	shalt  }
0x56: {  	_ =	shalt  }
0x57: {  	_ =	shalt  }
0x58: {  	_ =	shalt  }
0x59: {  	_ =	shalt  }
0x5a: {  	_ =	shalt  }
0x5b: {  	_ =	shalt  }
0x5c: {  	_ =	shalt  }
0x5d: {  	_ =	shalt  }
0x5e: {  	_ =	shalt  }
0x5f: {  	_ =	shalt  }
0x60: {  	_ =	shalt  }
0x61: {  	_ =	shalt  }
0x62: {  	_ =	shalt  }
0x63: {  	_ =	shalt  }
0x64: {  	_ =	shalt  }
0x65: {  	_ =	shalt  }
0x66: {  	_ =	shalt  }
0x67: {  	_ =	shalt  }
0x68: {  	_ =	shalt  }
0x69: {  	_ =	shalt  }
0x6a: {  	_ =	shalt  }
0x6b: {  	_ =	shalt  }
0x6c: {  	_ =	shalt  }
0x6d: {  	_ =	shalt  }
0x6e: {  	_ =	shalt  }
0x6f: {  	_ =	shalt  }
0x70: {  	_ =	shalt  }
0x71: {  	_ =	shalt  }
0x72: {  	_ =	shalt  }
0x73: {  	_ =	shalt  }
0x74: {  	_ =	shalt  }
0x75: {  	_ =	shalt  }
0x76: {  	_ =	shalt  }
0x77: {  	_ =	shalt  }
0x78: {  	_ =	shalt  }
0x79: {  	_ =	shalt  }
0x7a: {  	_ =	shalt  }
0x7b: {  	_ =	shalt  }
0x7c: {  	_ =	shalt  }
0x7d: {  	_ =	shalt  }
0x7e: {  	_ =	shalt  }
0x7f: {  	_ =	shalt  }
0x80: {  	_ =	shalt  }
0x81: {  	_ =	shalt  }
0x82: {  	_ =	shalt  }
0x83: {  	_ =	shalt  }
0x84: {  	_ =	shalt  }
0x85: {  	_ =	shalt  }
0x86: {  	_ =	shalt  }
0x87: {  	_ =	shalt  }
.Lfunc_end0:
.L_simem_size_0:
called_computation_lowered:
.L_overlay_start_0:
0x88: {  	s2 =	sld [smem:$0x3FD9]  }
0x89: {  	s3 =	sld [smem:$0x3FFE];
	_ =	sdelay $0x1  }
0x8a: {  	s1 =	srdreg.scid  }
0x8b: {  	s0 =	sand.u32 $0x1, s1  }
0x8c: {  	s17 =	sshll.u32 s0, $0xA;
	s2 =	sadd.s32 s3, s2  }
0x8d: {  	s2 =	sadd.s32 s2, s17  }
0x8e: {  	[smem:$0x3FC1] =	sst s2  }
0x8f: {  	_ = 	snop  }
0x90: {  	s2 =	sld [smem:$0x3FC9]  }
0x91: {  	s18 =	sld [smem:$0x3FD0];
	(tm) =	ssettm $0x1  }
0x92: {  	s4 =	sld [smem:$0x3FFB];
	_ =	sdelay $0x3  }
0x93: {  	_ =	strace s4  }
0x94: {  	s4 =	sld [smem:$0x3FFC];
	_ =	sdelay $0x3  }
0x95: {  	_ =	strace s4  }
0x96: {  	s4 =	sld [smem:$0x3FFD];
	_ =	sdelay $0x3  }
0x97: {  	_ =	strace s4  }
0x98: {  	_ =	strace $0x8FFFFFFF  }
0x99: {  	s19 =	sld [smem:$0x3FDB];
	_ =	sdelay $0x1  }
0x9a: {  	s5 =	simm.s32 $_scs_section_size  }
0x9b: {  	s6 =	simm.s32 $_size__tile_overlayer_lowered;
	s7 =	simm.s32 $_tile_overlayer_lowered  }
0x9c: {  	s22 =	simm.s32 $0x1BFF;
	s21 =	sshll.u32 s7, $0x1;
	s4 =	sadd.s32 s5, s19  }
0x9d: {  	s8 =	simm.s32 $0x0;
	s20 =	sshll.u32 s6, $0x1;
	s6 =	sadd.s32 s21, s4  }
0x9e: {  	[timem:s8], [sflag:s22] =	dma.local [hbm:s6], s20  }
0x9f: {  	_ =	swait.ge [sflag:s22], s20  }
0xa0: {  	s5 =	ssub.s32 $0x0, s20;
	[sflag:s22] =	ssyncset.done $0x0  }
0xa1: {  	[sflag:s22] =	ssyncadd.s32 s5;
	_ =	sdelay $0x1  }
0xa2: {  	s23 =	simm.s32 $0x1B8B  }
0xa3: {  	_ =	swait.ge [sflag:s23], $0x1  }
0xa4: {  	[sflag:s23] =	ssyncset.done $0x0  }
0xa5: {  	s25 =	simm.s32 $0x1B8E;
	s24 =	sld [smem:$0x3FFE];
	[sflag:s23] =	ssyncadd.s32 $0xFFFFFFFF  }
0xa6: {  	s26 =	simm.s32 $execute0_lowered;
	[smem:$0x3FD2] =	sst s25  }
0xa7: {  	s6 =	sshll.u32 s26, $0x1;
	_ =	strace $0x80000046;
	[dreg:$0x1] =	wrdreg $0xFFFFFFFF  }
0xa8: {  	s28 =	simm.s32 $_size_execute0_lowered;
	s4 =	sadd.s32 s4, s6;
	[dreg:$0x0] =	wrdreg $0x0  }
0xa9: {  	s6 =	sshll.u32 s28, $0x1;
	[dreg:$0x2] =	wrdreg s4  }
0xaa: {  	[dreg:$0x3] =	wrdreg s6  }
0xab: {  	[dreg:$0x4] =	wrdreg $0xC0  }
0xac: {  	_ =	task [dreg:s8], $0x5FFFF  }
0xad: {  	[dreg:$0x1] =	wrdreg $0xFFFFFFFF  }
0xae: {  	[dreg:$0x0] =	wrdreg $0x60  }
0xaf: {  	[dreg:$0x2] =	wrdreg s2  }
0xb0: {  	[dreg:$0x3] =	wrdreg s18  }
0xb1: {  	[dreg:$0x4] =	wrdreg s24  }
0xb2: {  	[dreg:$0x5] =	wrdreg $0x9  }
0xb3: {  	_ =	task.clear_ibuf [dreg:s8], $0x6FFFF;
	_ =	strace $0x90000046  }
0xb4: {  	s29 =	simm.s32 $0x9;
	_ =	strace $0x80000048  }
0xb5: {  	_ =	swait.ge [sflag:s29], $0x1  }
0xb6: {  	[sflag:s29] =	ssyncadd.s32 $0xFFFFFFFF  }
0xb7: {  	_ =	strace $0x90000048  }
0xb8: {  	_ =	sfence  }
0xb9: {  	s30 =	sld [smem:$0x0];
	_ =	sdelay $0x2  }
0xba: {  	s31 =	sshll.u32 s1, $0xD;
	s1 =	sshrl.u32 s1, $0x2  }
0xbb: {  	s3 =	sand.u32 $0x4000, s31;
	s1 =	sadd.s32 s1, s30  }
0xbc: {  	s0 =	sor.u32 s3, s0;
	s1 =	sshll.u32 s1, $0x11  }
0xbd: {  	s0 =	sor.u32 s1, s0  }
0xbe: {  	s0 =	sadd.s32 $0x8F2B, s0  }
0xbf: {  	[sflag:s0] =	ssyncadd.remote.s32 $0x1  }
0xc0: {  	_ =	sfence.sel $0xFFFF  }
0xc1: {  	[dreg:$0x0] =	wrdreg $0xFFFFFFFF;
	(pc) =	sbr.abs _section_cstart, $3  }
0xc2: {  	[dreg:$0x1] =	wrdreg $0xFFFFFFFF  }
0xc3: {  	_ =	task.clear_ibuf [dreg:s8], $0x2FFFF;
	_ =	strace $0x9FFFFFFF  }
0xc4: {  	(tm) =	ssettm $0x7FFFFFFF  }
0xc5: {  	_ =	shalt  }
tec
execute0_lowered:
.L_overlay_start_1:
0x0: {  	(tag) =	ssettag $0x1  }
0x1: {  	s1 =	srdreg.scid  }
0x2: {  	s1 =	sand.u32 $0x1, s1  }
0x3: {  	p0 =	seq.s32 s1, $0x1  }
.Ltmp0:
0x4: {  	s4 =	rddreg [dreg:$0x0];
	(pc) =	sbr.rel @p0 .LBB2_2-.Ltmp0, $4  }
0x5: {  	s5 =	rddreg [dreg:$0x1]  }
0x6: {  	s3 =	rddreg [dreg:$0x2];
	s2 =	simm.s32 $0x0  }
0x7: {  	[smem:$0x7FF] =	sst s2  }
0x8: {  	s0 =	rddreg [dreg:$0x3];
	_ =	strace $0x80000047;
	s1 =	stileid.u32  }
0x9: {  	s6 =	smul.u32 $0x50, s1;
	_ =	sdelay $0x1  }
0xa: {  	s14 =	simm.s32 $0x3;
	s5 =	sadd.s32 s5, s6  }
0xb: {  	[tilespmem:s2], [sflag:$0x3] =	stream.linear.gather [hbm4b:s5+s2], $0x280, $0x38;
	[tilespmem:$0x14280] =	vst v63  }
0xc: {  	_ =	swait.ge [sflag:s14], $0x280  }
0xd: {  	[sflag:s14] =	ssyncset.done $0x0  }
0xe: {  	s15 =	simm.s32 $0x50;
	s16 =	simm.s32 $0x280;
	[sflag:s14] =	ssyncadd.s32 $0xFFFFFD80  }
0xf: {  	[tilespmem:s16], [sflag:$0x1] =	stream.indirect.gather [hbm4b:s4+s15], $0x80, s2, s15, $0xb8;
	[tilespmem:$0x14280] =	vst v63  }
0x10: {  	s7 =	simm.s32 $0x2A80  }
0x11: {  	[tilespmem:s7], [sflag:$0x1] =	stream.indirect.gather [hbm4b:s4+s15], $0x80, s15, s15, $0xb8;
	[tilespmem:$0x14280] =	vst v63  }
0x12: {  	s8 =	simm.s32 $0xA0;
	s9 =	simm.s32 $0x5280  }
0x13: {  	[tilespmem:s9], [sflag:$0x1] =	stream.indirect.gather [hbm4b:s4+s15], $0x80, s8, s15, $0xb8;
	[tilespmem:$0x14280] =	vst v63  }
0x14: {  	s17 =	simm.s32 $0xF0;
	s10 =	simm.s32 $0x7A80  }
0x15: {  	[tilespmem:s10], [sflag:$0x1] =	stream.indirect.gather [hbm4b:s4+s15], $0x80, s17, s15, $0xb8;
	[tilespmem:$0x14280] =	vst v63  }
0x16: {  	s18 =	simm.s32 $0x140;
	s11 =	simm.s32 $0xA280  }
0x17: {  	[tilespmem:s11], [sflag:$0x1] =	stream.indirect.gather [hbm4b:s4+s15], $0x80, s18, s15, $0xb8;
	[tilespmem:$0x14280] =	vst v63  }
0x18: {  	s19 =	simm.s32 $0x190;
	s12 =	simm.s32 $0xCA80  }
0x19: {  	[tilespmem:s12], [sflag:$0x1] =	stream.indirect.gather [hbm4b:s4+s15], $0x80, s19, s15, $0xb8;
	[tilespmem:$0x14280] =	vst v63  }
0x1a: {  	s20 =	simm.s32 $0x1E0;
	s13 =	simm.s32 $0xF280  }
0x1b: {  	[tilespmem:s13], [sflag:$0x1] =	stream.indirect.gather [hbm4b:s4+s15], $0x80, s20, s15, $0xb8;
	[tilespmem:$0x14280] =	vst v63  }
0x1c: {  	s21 =	simm.s32 $0x230;
	s22 =	simm.s32 $0x1;
	s14 =	simm.s32 $0x11A80  }
0x1d: {  	[tilespmem:s14], [sflag:$0x1] =	stream.indirect.gather [hbm4b:s4+s15], $0x80, s21, s15, $0xb8;
	[tilespmem:$0x14280] =	vst v63  }
0x1e: {  	s23 =	smul.u32 $0x2800, s1;
	_ =	swait.ge [sflag:s22], $0x2800  }
0x1f: {  	s3 =	sadd.s32 $0x1600, s3;
	[sflag:s22] =	ssyncset.done $0x0  }
0x20: {  	s5 =	sadd.s32 s3, s23;
	[sflag:s22] =	ssyncadd.s32 $0xFFFFD800  }
0x21: {  	[hbm4b:s5+s2] =	stream.linear.scatter [tilespmem:s16], [sflag:$0x2], $0x2800, $0x38;
	[tilespmem:$0x14280] =	vst v63  }
0x22: {  	_ =	swait.ge [sflag:s22], $0x2800  }
0x23: {  	[sflag:s22] =	ssyncset.done $0x0  }
0x24: {  	s24 =	smul.u32 $0x14000, s1;
	s5 =	sadd.s32 $0x500, s5;
	[sflag:s22] =	ssyncadd.s32 $0xFFFFD800  }
0x25: {  	[hbm4b:s5+s2] =	stream.linear.scatter [tilespmem:s7], [sflag:$0x2], $0x2800, $0x38;
	[tilespmem:$0x14280] =	vst v63  }
0x26: {  	s25 =	sshrl.u32 s24, $0x3;
	_ =	swait.ge [sflag:s22], $0x2800  }
0x27: {  	s3 =	sadd.s32 s3, s25;
	[sflag:s22] =	ssyncset.done $0x0  }
0x28: {  	s5 =	sadd.s32 $0xA00, s3;
	[sflag:s22] =	ssyncadd.s32 $0xFFFFD800  }
0x29: {  	[hbm4b:s5+s2] =	stream.linear.scatter [tilespmem:s9], [sflag:$0x2], $0x2800, $0x38;
	[tilespmem:$0x14280] =	vst v63  }
0x2a: {  	_ =	swait.ge [sflag:s22], $0x2800  }
0x2b: {  	[sflag:s22] =	ssyncset.done $0x0  }
0x2c: {  	s26 =	sadd.s32 $0xF00, s3;
	[sflag:s22] =	ssyncadd.s32 $0xFFFFD800  }
0x2d: {  	[hbm4b:s26+s2] =	stream.linear.scatter [tilespmem:s10], [sflag:$0x2], $0x2800, $0x38;
	[tilespmem:$0x14280] =	vst v63  }
0x2e: {  	_ =	swait.ge [sflag:s22], $0x2800  }
0x2f: {  	[sflag:s22] =	ssyncset.done $0x0  }
0x30: {  	s28 =	sadd.s32 $0x1400, s3;
	[sflag:s22] =	ssyncadd.s32 $0xFFFFD800  }
0x31: {  	[hbm4b:s28+s2] =	stream.linear.scatter [tilespmem:s11], [sflag:$0x2], $0x2800, $0x38;
	[tilespmem:$0x14280] =	vst v63  }
0x32: {  	_ =	swait.ge [sflag:s22], $0x2800  }
0x33: {  	[sflag:s22] =	ssyncset.done $0x0  }
0x34: {  	s29 =	sadd.s32 $0x1900, s3;
	[sflag:s22] =	ssyncadd.s32 $0xFFFFD800  }
0x35: {  	[hbm4b:s29+s2] =	stream.linear.scatter [tilespmem:s12], [sflag:$0x2], $0x2800, $0x38;
	[tilespmem:$0x14280] =	vst v63  }
0x36: {  	_ =	swait.ge [sflag:s22], $0x2800  }
0x37: {  	[sflag:s22] =	ssyncset.done $0x0  }
0x38: {  	s30 =	sadd.s32 $0x1E00, s3;
	[sflag:s22] =	ssyncadd.s32 $0xFFFFD800  }
0x39: {  	[hbm4b:s30+s2] =	stream.linear.scatter [tilespmem:s13], [sflag:$0x2], $0x2800, $0x38;
	[tilespmem:$0x14280] =	vst v63  }
0x3a: {  	_ =	swait.ge [sflag:s22], $0x2800  }
0x3b: {  	[sflag:s22] =	ssyncset.done $0x0  }
0x3c: {  	s31 =	simm.s32 $0x2;
	s3 =	sadd.s32 $0x2300, s3;
	[sflag:s22] =	ssyncadd.s32 $0xFFFFD800  }
0x3d: {  	[hbm4b:s3+s2] =	stream.linear.scatter [tilespmem:s14], [sflag:$0x2], $0x2800, $0x38;
	[tilespmem:$0x14280] =	vst v63  }
0x3e: {  	_ =	swait.ge [sflag:s31], $0x2800  }
0x3f: {  	[sflag:s31] =	ssyncset.done $0x0  }
0x40: {  	[sflag:s31] =	ssyncadd.s32 $0xFFFFD800  }
0x41: {  	_ =	swait.ge [sflag:s31], $0x2800  }
0x42: {  	[sflag:s31] =	ssyncset.done $0x0  }
0x43: {  	[sflag:s31] =	ssyncadd.s32 $0xFFFFD800  }
0x44: {  	_ =	swait.ge [sflag:s31], $0x2800  }
0x45: {  	[sflag:s31] =	ssyncset.done $0x0  }
0x46: {  	[sflag:s31] =	ssyncadd.s32 $0xFFFFD800  }
0x47: {  	_ =	swait.ge [sflag:s31], $0x2800  }
0x48: {  	[sflag:s31] =	ssyncset.done $0x0  }
0x49: {  	[sflag:s31] =	ssyncadd.s32 $0xFFFFD800  }
0x4a: {  	_ =	swait.ge [sflag:s31], $0x2800  }
0x4b: {  	[sflag:s31] =	ssyncset.done $0x0  }
0x4c: {  	[sflag:s31] =	ssyncadd.s32 $0xFFFFD800  }
0x4d: {  	_ =	swait.ge [sflag:s31], $0x2800  }
0x4e: {  	[sflag:s31] =	ssyncset.done $0x0  }
0x4f: {  	[sflag:s31] =	ssyncadd.s32 $0xFFFFD800  }
0x50: {  	_ =	swait.ge [sflag:s31], $0x2800  }
0x51: {  	[sflag:s31] =	ssyncset.done $0x0  }
0x52: {  	[sflag:s31] =	ssyncadd.s32 $0xFFFFD800  }
0x53: {  	_ =	swait.ge [sflag:s31], $0x2800  }
0x54: {  	[sflag:s31] =	ssyncset.done $0x0  }
0x55: {  	[sflag:s31] =	ssyncadd.s32 $0xFFFFD800  }
.LBB2_2:
0x56: {  	_ =	sfence.sel $0x180000  }
0x57: {  	[bflag:$0x0] =	sbarrier.arrive $0xFFFF  }
0x58: {  	p0 =	sne.s32 s1, $0x0;
	_ =	strace $0x90000047  }
0x59: {  	s0 =	sadd.s32 @!p0 $0x100000, s0;
	[bflag:$0x2] =	sbarrier.arrive $0xFFFF  }
0x5a: {  	[sflag:s0] =	ssyncadd.tile.s32 @!p0 $0x1;
	_ =	shalt  }
.Lfunc_end2:
_tile_overlayer_lowered:
.L_overlay_start_2:
0x5b: {  	(tag) =	ssettag $0x2  }
0x5c: {  	s0 =	rddreg [dreg:$0x0];
	s2 =	stileid.u32  }
0x5d: {  	s1 =	rddreg [dreg:$0x1];
	p0 =	sne.s32 s2, $0x0  }
0x5e: {  	s3 =	rddreg [dreg:$0x2];
	[bflag:$0x3] =	sbarrier.arrive $0xFFFF;
	s2 =	simm.s32 @!p0 $0x1C03  }
0x5f: {  	[timem:s3], [sflag:s2] =	dma.local @!p0 [hbm:s0], s1  }
0x60: {  	s0 =	simm.s32 @!p0 $0x3  }
0x61: {  	_ =	swait.ge @!p0 [sflag:s0], s1  }
0x62: {  	s1 =	ssub.s32 @!p0 $0x0, s1;
	[sflag:s0] =	ssyncset.done @!p0 $0x0  }
0x63: {  	[sflag:s0] =	ssyncadd.s32 @!p0 s1  }
0x64: {  	[bflag:$0x3] =	sbarrier.arrive $0xFFFF  }
0x65: {  	_ =	shalt  }

// kernel: kernel.9.cloned.1.call-start
scs
__scs_entry_jumppad:
0x0: {  	(pc) =	sbr.rel $0x88, $3  }
0x1: {  	(tag) =	ssettag $0x0;
	lr =	simm.s32 $0x1  }
0x2: {  	[smem:$0x3F9A] =	sst lr;
	_ =	strace $0xD0000000  }
0x3: {  	_ = 	snop  }
0x4: {  	_ = 	snop  }
0x5: {  	_ = 	snop  }
0x6: {  	_ = 	snop  }
0x7: {  	_ = 	snop  }
__scs_overlays_trampoline_lowered:
0x8: {  	[smem:$0x3FA9] =	sst s0  }
0x9: {  	[smem:$0x3FAA] =	sst s1  }
0xa: {  	[smem:$0x3FAB] =	sst s2  }
0xb: {  	[smem:$0x3FAC] =	sst s3  }
0xc: {  	[smem:$0x3FAD] =	sst s4  }
0xd: {  	[smem:$0x3FAE] =	sst s5  }
0xe: {  	[smem:$0x3FAF] =	sst s6  }
0xf: {  	[smem:$0x3FB0] =	sst s7  }
0x10: {  	[smem:$0x3FB1] =	sst s8  }
0x11: {  	[smem:$0x3FB2] =	sst s9;
	s0 =	simm.s32 @!p0 $0x0  }
0x12: {  	s1 =	sld [smem:$0x3F98];
	s0 =	simm.s32 @p0 $0x1  }
0x13: {  	[smem:$0x3FB3] =	sst s0;
	s0 =	simm.s32 @!p1 $0x0  }
0x14: {  	s2 =	sld [smem:$0x3F97];
	s0 =	simm.s32 @p1 $0x1  }
0x15: {  	[smem:$0x3FB4] =	sst s0;
	s0 =	simm.s32 @!p2 $0x0  }
0x16: {  	s3 =	sld [smem:$0x3FDB];
	s0 =	simm.s32 @p2 $0x1  }
0x17: {  	s4 =	simm.s32 $0x1BF5;
	[smem:$0x3FB6] =	sst s0  }
0x18: {  	s0 =	sld [smem:$0x3F99];
	_ =	swait.ge [sflag:s4], $0x0  }
0x19: {  	s7 =	sld [smem:$0x3F9A]  }
0x1a: {  	s8 =	sadd.s32 $0xFFFFE003, lr  }
0x1b: {  	s9 =	sadd.s32 $0xFFFFFEF7, lr;
	s5 =	simm.s32 $0xFFFFFFFF;
	p2 =	slt.u32 s8, $0xFFFFF086  }
0x1c: {  	p1 =	slt.u32 s9, $0xF7A;
	s5 =	simm.s32 @!p2 $0x0  }
0x1d: {  	s5 =	simm.s32 @p1 $0x1;
	p0 =	seq.s32 s7, s2  }
0x1e: {  	s7 =	smul.u32 @!p0 $0xF7A, s2;
	p2 =	seq.s32 @!p0 s5, $0x0  }
0x1f: {  	s9 =	smul.u32 $0xF7A, s1;
	s8 =	simm.s32 @!p0 $0x1BF5;
	p2 =	por !p2, p0  }
0x20: {  	[sflag:s8] =	ssyncset.s32 @!p0 $0xFFFFF086;
	s6 =	sadd.s32 @!p0 s3, s7;
	s7 =	simm.s32 @!p0 $0x108  }
0x21: {  	s3 =	sadd.s32 s3, s9;
	s6 =	sadd.s32 @!p0 $0x88, s6;
	s7 =	simm.s32 @p2 $0x1082  }
0x22: {  	[simem:s7], [sflag:s8] =	dma.local @!p0 [hbm:s6], $0xF7A  }
0x23: {  	s9 =	sor.u32 $0xD0000000, s2;
	s6 =	simm.s32 $0x108;
	_ =	swait.ge @!p0 [sflag:s8], $0x0  }
0x24: {  	s3 =	sadd.s32 $0x88, s3;
	s6 =	simm.s32 @!p1 $0x1082;
	[sflag:s4] =	ssyncset.s32 $0xFFFFF086  }
0x25: {  	[simem:s6], [sflag:s4] =	dma.local [hbm:s3], $0xF7A  }
0x26: {  	[smem:$0x3F9A] =	sst s1;
	(tag) =	ssettag s2;
	_ =	strace s9  }
0x27: {  	s1 =	sld [smem:$0x3FAA]  }
0x28: {  	s2 =	sld [smem:$0x3FAB]  }
0x29: {  	s4 =	sld [smem:$0x3FAD]  }
0x2a: {  	p0 =	seq.s32 s5, $0x0;
	s5 =	sld [smem:$0x3FAE]  }
0x2b: {  	s6 =	sld [smem:$0x3FAF]  }
0x2c: {  	s7 =	sld [smem:$0x3FB0]  }
0x2d: {  	s3 =	simm.s32 $0x108;
	s8 =	sld [smem:$0x3FB1]  }
0x2e: {  	s3 =	simm.s32 @!p0 $0x1082;
	s9 =	sld [smem:$0x3FB2]  }
0x2f: {  	lr =	sadd.s32 s0, s3;
	s0 =	sld [smem:$0x3FA9]  }
0x30: {  	s3 =	sld [smem:$0x3FAC]  }
0x31: {  	[smem:$0x3FB5] =	sst s10  }
0x32: {  	s10 =	sld [smem:$0x3FB3];
	_ =	sdelay $0x3  }
0x33: {  	p0 =	seq.s32 s10, $0x1;
	s10 =	sld [smem:$0x3FB5];
	_ =	sdelay $0x3  }
0x34: {  	[smem:$0x3FB5] =	sst s10  }
0x35: {  	s10 =	sld [smem:$0x3FB4];
	_ =	sdelay $0x3  }
0x36: {  	p1 =	seq.s32 s10, $0x1;
	s10 =	sld [smem:$0x3FB5];
	_ =	sdelay $0x3  }
0x37: {  	[smem:$0x3FB5] =	sst s10  }
0x38: {  	s10 =	sld [smem:$0x3FB6]  }
0x39: {  	_ = 	snop;
	(pc) =	sbr.ind lr, $3  }
0x3a: {  	_ = 	snop  }
0x3b: {  	_ = 	snop  }
0x3c: {  	p2 =	seq.s32 s10, $0x1;
	s10 =	sld [smem:$0x3FB5]  }
0x3d: {  	_ =	shalt  }
0x3e: {  	_ =	shalt  }
0x3f: {  	_ =	shalt  }
0x40: {  	_ =	shalt  }
0x41: {  	_ =	shalt  }
0x42: {  	_ =	shalt  }
0x43: {  	_ =	shalt  }
0x44: {  	_ =	shalt  }
0x45: {  	_ =	shalt  }
0x46: {  	_ =	shalt  }
0x47: {  	_ =	shalt  }
0x48: {  	_ =	shalt  }
0x49: {  	_ =	shalt  }
0x4a: {  	_ =	shalt  }
0x4b: {  	_ =	shalt  }
0x4c: {  	_ =	shalt  }
0x4d: {  	_ =	shalt  }
0x4e: {  	_ =	shalt  }
0x4f: {  	_ =	shalt  }
0x50: {  	_ =	shalt  }
0x51: {  	_ =	shalt  }
0x52: {  	_ =	shalt  }
0x53: {  	_ =	shalt  }
0x54: {  	_ =	shalt  }
0x55: {  	_ =	shalt  }
0x56: {  	_ =	shalt  }
0x57: {  	_ =	shalt  }
0x58: {  	_ =	shalt  }
0x59: {  	_ =	shalt  }
0x5a: {  	_ =	shalt  }
0x5b: {  	_ =	shalt  }
0x5c: {  	_ =	shalt  }
0x5d: {  	_ =	shalt  }
0x5e: {  	_ =	shalt  }
0x5f: {  	_ =	shalt  }
0x60: {  	_ =	shalt  }
0x61: {  	_ =	shalt  }
0x62: {  	_ =	shalt  }
0x63: {  	_ =	shalt  }
0x64: {  	_ =	shalt  }
0x65: {  	_ =	shalt  }
0x66: {  	_ =	shalt  }
0x67: {  	_ =	shalt  }
0x68: {  	_ =	shalt  }
0x69: {  	_ =	shalt  }
0x6a: {  	_ =	shalt  }
0x6b: {  	_ =	shalt  }
0x6c: {  	_ =	shalt  }
0x6d: {  	_ =	shalt  }
0x6e: {  	_ =	shalt  }
0x6f: {  	_ =	shalt  }
0x70: {  	_ =	shalt  }
0x71: {  	_ =	shalt  }
0x72: {  	_ =	shalt  }
0x73: {  	_ =	shalt  }
0x74: {  	_ =	shalt  }
0x75: {  	_ =	shalt  }
0x76: {  	_ =	shalt  }
0x77: {  	_ =	shalt  }
0x78: {  	_ =	shalt  }
0x79: {  	_ =	shalt  }
0x7a: {  	_ =	shalt  }
0x7b: {  	_ =	shalt  }
0x7c: {  	_ =	shalt  }
0x7d: {  	_ =	shalt  }
0x7e: {  	_ =	shalt  }
0x7f: {  	_ =	shalt  }
0x80: {  	_ =	shalt  }
0x81: {  	_ =	shalt  }
0x82: {  	_ =	shalt  }
0x83: {  	_ =	shalt  }
0x84: {  	_ =	shalt  }
0x85: {  	_ =	shalt  }
0x86: {  	_ =	shalt  }
0x87: {  	_ =	shalt  }
.Lfunc_end0:
.L_simem_size_0:
called_computation.1_lowered:
.L_overlay_start_0:
0x88: {  	s2 =	sld [smem:$0x3FD9]  }
0x89: {  	s3 =	sld [smem:$0x3FFE];
	_ =	sdelay $0x1  }
0x8a: {  	s1 =	srdreg.scid  }
0x8b: {  	s0 =	sand.u32 $0x1, s1  }
0x8c: {  	s16 =	sshll.u32 s0, $0xA;
	s2 =	sadd.s32 s3, s2  }
0x8d: {  	s2 =	sadd.s32 s2, s16  }
0x8e: {  	[smem:$0x3FC1] =	sst s2  }
0x8f: {  	_ = 	snop  }
0x90: {  	(tm) =	ssettm $0x1  }
0x91: {  	s17 =	sld [smem:$0x3FFB];
	_ =	sdelay $0x3  }
0x92: {  	_ =	strace s17  }
0x93: {  	s2 =	sld [smem:$0x3FFC];
	_ =	sdelay $0x3  }
0x94: {  	_ =	strace s2  }
0x95: {  	s2 =	sld [smem:$0x3FFD];
	_ =	sdelay $0x3  }
0x96: {  	_ =	strace s2  }
0x97: {  	_ =	strace $0x8FFFFFFF  }
0x98: {  	s18 =	sld [smem:$0x3FDB];
	_ =	sdelay $0x1  }
0x99: {  	s19 =	simm.s32 $_scs_section_size  }
0x9a: {  	s4 =	simm.s32 $_size__tile_overlayer_lowered;
	s5 =	simm.s32 $_tile_overlayer_lowered  }
0x9b: {  	s22 =	simm.s32 $0x1BFF;
	s21 =	sshll.u32 s5, $0x1;
	s2 =	sadd.s32 s19, s18  }
0x9c: {  	s6 =	simm.s32 $0x0;
	s20 =	sshll.u32 s4, $0x1;
	s4 =	sadd.s32 s21, s2  }
0x9d: {  	[timem:s6], [sflag:s22] =	dma.local [hbm:s4], s20  }
0x9e: {  	_ =	swait.ge [sflag:s22], s20  }
0x9f: {  	s3 =	ssub.s32 $0x0, s20;
	[sflag:s22] =	ssyncset.done $0x0  }
0xa0: {  	[sflag:s22] =	ssyncadd.s32 s3;
	_ =	sdelay $0x1  }
0xa1: {  	s23 =	simm.s32 $0x1B8B  }
0xa2: {  	_ =	swait.ge [sflag:s23], $0x1  }
0xa3: {  	[sflag:s23] =	ssyncset.done $0x0  }
0xa4: {  	s25 =	simm.s32 $0x1B8E;
	s24 =	sld [smem:$0x3FFE];
	[sflag:s23] =	ssyncadd.s32 $0xFFFFFFFF  }
0xa5: {  	s26 =	simm.s32 $execute0_lowered;
	[smem:$0x3FD2] =	sst s25  }
0xa6: {  	s4 =	sshll.u32 s26, $0x1;
	_ =	strace $0x80000049;
	[dreg:$0x1] =	wrdreg $0xFFFFFFFF  }
0xa7: {  	s28 =	simm.s32 $_size_execute0_lowered;
	s2 =	sadd.s32 s2, s4;
	[dreg:$0x0] =	wrdreg $0x0  }
0xa8: {  	s4 =	sshll.u32 s28, $0x1;
	[dreg:$0x2] =	wrdreg s2  }
0xa9: {  	[dreg:$0x3] =	wrdreg s4  }
0xaa: {  	[dreg:$0x4] =	wrdreg $0xC0  }
0xab: {  	_ =	task [dreg:s6], $0x5FFFF  }
0xac: {  	[dreg:$0x1] =	wrdreg $0xFFFFFFFF  }
0xad: {  	[dreg:$0x0] =	wrdreg $0x60  }
0xae: {  	[dreg:$0x2] =	wrdreg s24  }
0xaf: {  	[dreg:$0x3] =	wrdreg $0xC1C00  }
0xb0: {  	[dreg:$0x4] =	wrdreg $0x9  }
0xb1: {  	_ =	task.clear_ibuf [dreg:s6], $0x5FFFF;
	_ =	strace $0x90000049  }
0xb2: {  	s29 =	simm.s32 $0x9;
	_ =	strace $0x8000004B  }
0xb3: {  	_ =	swait.ge [sflag:s29], $0x1  }
0xb4: {  	[sflag:s29] =	ssyncadd.s32 $0xFFFFFFFF  }
0xb5: {  	_ =	strace $0x9000004B  }
0xb6: {  	_ =	sfence  }
0xb7: {  	s30 =	sld [smem:$0x0];
	_ =	sdelay $0x2  }
0xb8: {  	s31 =	sshll.u32 s1, $0xD;
	s1 =	sshrl.u32 s1, $0x2  }
0xb9: {  	s3 =	sand.u32 $0x4000, s31;
	s1 =	sadd.s32 s1, s30  }
0xba: {  	s0 =	sor.u32 s3, s0;
	s1 =	sshll.u32 s1, $0x11  }
0xbb: {  	s0 =	sor.u32 s1, s0  }
0xbc: {  	s0 =	sadd.s32 $0x8F2B, s0  }
0xbd: {  	[sflag:s0] =	ssyncadd.remote.s32 $0x1  }
0xbe: {  	_ =	sfence.sel $0xFFFF  }
0xbf: {  	[dreg:$0x0] =	wrdreg $0xFFFFFFFF;
	(pc) =	sbr.abs _section_cstart, $3  }
0xc0: {  	[dreg:$0x1] =	wrdreg $0xFFFFFFFF  }
0xc1: {  	_ =	task.clear_ibuf [dreg:s6], $0x2FFFF;
	_ =	strace $0x9FFFFFFF  }
0xc2: {  	(tm) =	ssettm $0x7FFFFFFF  }
0xc3: {  	_ =	shalt  }
tec
execute0_lowered:
.L_overlay_start_1:
0x0: {  	(tag) =	ssettag $0x1  }
0x1: {  	s0 =	rddreg [dreg:$0x0]  }
0x2: {  	s2 =	rddreg [dreg:$0x1];
	s13 =	stileid.u32;
	s3 =	simm.s32 $0x0  }
0x3: {  	s4 =	srdreg.scid;
	s29 =	simm.s32 $0x1;
	s30 =	simm.s32 $0x320  }
0x4: {  	s31 =	simm.s32 $0x5DC0;
	s28 =	simm.s32 $0x47E0;
	s1 =	smul.u32 $0x1400, s13  }
0x5: {  	[smem:$0x7FF] =	sst s3;
	s5 =	sand.u32 $0x1, s4;
	s8 =	sadd.s32 $0x29600, s0  }
0x6: {  	s4 =	sadd.s32 $0x1600, s0;
	s17 =	smul.u32 $0x2EE0, s13;
	s19 =	sshll.u32 s13, $0x6  }
0x7: {  	s20 =	smul.u32 $0x1F40, s13;
	s25 =	sadd.s32 $0x33240, s0;
	_ =	strace $0x8000004A  }
0x8: {  	s7 =	smul.u32 $0x2800, s5;
	s10 =	ssub.s32 $0x2, s5;
	p0 =	seq.s32 s5, $0x1  }
0x9: {  	s6 =	sshrl.u32 s1, $0x3;
	s16 =	sshrl.u32 s10, $0x1;
	s1 =	sadd.s32 s1, s2  }
0xa: {  	s21 =	sshrl.u32 s20, $0x3;
	s9 =	sadd.s32 s6, s0;
	s11 =	sadd.s32 s7, s0  }
0xb: {  	s12 =	ssub.s32 s10, s16;
	[dreg:$0x3] =	wrdreg s1;
	s7 =	sor.u32 $0x1C0A, s19  }
0xc: {  	s19 =	sshrl.u32 s17, $0x3;
	s24 =	sadd.s32 $0x5E24, s21;
	s26 =	sadd.s32 $0x5E88, s21  }
0xd: {  	s10 =	sadd.s32 $0x5EEC, s21;
	s15 =	sadd.s32 $0x5F50, s21;
	s16 =	sadd.s32 $0x5FB4, s21  }
0xe: {  	s17 =	sadd.s32 $0x6018, s21;
	s18 =	sadd.s32 $0x3E00, s9;
	[dreg:$0x5] =	wrdreg s19  }
0xf: {  	s0 =	sadd.s32 $0x6144, s21;
	s1 =	sadd.s32 s8, s19;
	[dreg:$0x4] =	wrdreg s18  }
0x10: {  	s22 =	sadd.s32 $0x64, s19;
	s9 =	sadd.s32 $0x5DC0, s21;
	[dreg:$0x6] =	wrdreg s1  }
0x11: {  	s14 =	smax.u32 s12, $0x1;
	s12 =	sadd.s32 s26, s25;
	[dreg:$0x7] =	wrdreg s9  }
0x12: {  	s23 =	sadd.s32 $0xC8, s19;
	s13 =	sadd.s32 s10, s25;
	[dreg:$0xb] =	wrdreg s12  }
0x13: {  	s11 =	sadd.s32 $0x6600, s11;
	s15 =	sadd.s32 s15, s25;
	[dreg:$0xc] =	wrdreg s13  }
0x14: {  	s16 =	sadd.s32 s16, s25;
	s17 =	sadd.s32 s17, s25;
	[dreg:$0xd] =	wrdreg s15  }
0x15: {  	s0 =	sadd.s32 s0, s25;
	s26 =	sadd.s32 $0x1F4, s19;
	[dreg:$0xe] =	wrdreg s16  }
0x16: {  	s10 =	sadd.s32 $0x2BC, s19;
	s8 =	sadd.s32 s8, s9;
	[dreg:$0xf] =	wrdreg s17  }
0x17: {  	s18 =	sadd.s32 $0x607C, s21;
	s6 =	sadd.s32 s6, s11;
	[dreg:$0x12] =	wrdreg s0  }
0x18: {  	s11 =	sadd.s32 $0x60E0, s21;
	s21 =	sadd.s32 s22, s25;
	[dreg:$0x8] =	wrdreg s8  }
0x19: {  	s22 =	sadd.s32 s23, s25;
	s23 =	sadd.s32 $0x12C, s19;
	[dreg:$0x9] =	wrdreg s6  }
0x1a: {  	s9 =	sadd.s32 $0x258, s19;
	s12 =	sadd.s32 s10, s25;
	[dreg:$0x13] =	wrdreg s21  }
0x1b: {  	s15 =	sadd.s32 $0x384, s19;
	s16 =	sadd.s32 $0x3E8, s19;
	[dreg:$0x14] =	wrdreg s22  }
0x1c: {  	s17 =	sadd.s32 $0x44C, s19;
	s8 =	sadd.s32 s24, s25;
	[dreg:$0x19] =	wrdreg s12  }
0x1d: {  	s1 =	simm.s32 $0x5;
	s20 =	sadd.s32 s18, s25;
	[dreg:$0xa] =	wrdreg s8  }
0x1e: {  	s6 =	sadd.s32 s11, s25;
	s24 =	sadd.s32 $0x190, s19;
	[dreg:$0x10] =	wrdreg s20  }
0x1f: {  	s0 =	sadd.s32 s23, s25;
	s11 =	sadd.s32 $0x320, s19;
	[dreg:$0x11] =	wrdreg s6  }
0x20: {  	s18 =	sadd.s32 s16, s25;
	s21 =	sadd.s32 $0x4B0, s19;
	[dreg:$0x15] =	wrdreg s0  }
0x21: {  	s22 =	sadd.s32 $0x514, s19;
	s6 =	sadd.s32 s24, s25;
	[dreg:$0x1c] =	wrdreg s18  }
0x22: {  	s23 =	sadd.s32 $0x578, s19;
	s8 =	sadd.s32 s26, s25;
	[dreg:$0x16] =	wrdreg s6  }
0x23: {  	s12 =	simm.s32 $0x2;
	s0 =	sadd.s32 s9, s25;
	[dreg:$0x17] =	wrdreg s8  }
0x24: {  	s16 =	simm.s32 $0xA8C0;
	s13 =	sadd.s32 s11, s25;
	[dreg:$0x18] =	wrdreg s0  }
0x25: {  	s20 =	sadd.s32 s17, s25;
	s24 =	sadd.s32 s22, s25;
	[dreg:$0x1a] =	wrdreg s13  }
.Ltmp0:
0x26: {  	s26 =	sadd.s32 s23, s25;
	[dreg:$0x1d] =	wrdreg s20;
	(pc) =	sbr.rel .LBB2_1-.Ltmp0, $4  }
0x27: {  	s18 =	simm.s32 $0xA;
	s9 =	simm.s32 $0x8FC0;
	[dreg:$0x1f] =	wrdreg s24  }
0x28: {  	s17 =	simm.s32 $0x3;
	s0 =	sadd.s32 s15, s25;
	[smem:$0x7FD] =	sst s26  }
0x29: {  	s15 =	simm.s32 $0x4;
	[dreg:$0x1b] =	wrdreg s0;
	s0 =	sadd.s32 s21, s25  }
0x2a: {  	s26 =	simm.s32 $0x44C0;
	[dreg:$0x1e] =	wrdreg s0;
	s0 =	simm.s32 $0x76C0  }
.LBB2_3:
0x2b: {  	s5 =	rddreg [dreg:$0x8]  }
0x2c: {  	s21 =	rddreg [dreg:$0x7]  }
0x2d: {  	[tilespmem:s3], [sflag:$0x1] =	stream.linear.gather [hbm4b:s5+s3], $0x1F40, $0x38;
	[tilespmem:$0xD5C0] =	vst v63  }
0x2e: {  	s6 =	simm.s32 $0x2EE0;
	s5 =	sadd.s32 s21, s25  }
0x2f: {  	[tilespmem:s6], [sflag:$0x1] =	stream.linear.gather [hbm4b:s5+s3], $0x320, $0x38;
	[tilespmem:$0xD5C0] =	vst v63  }
0x30: {  	s22 =	rddreg [dreg:$0xa];
	s13 =	simm.s32 $0x3200  }
0x31: {  	[tilespmem:s13], [sflag:$0x1] =	stream.linear.gather [hbm4b:s22+s3], $0x320, $0x38;
	[tilespmem:$0xD5C0] =	vst v63  }
0x32: {  	s23 =	rddreg [dreg:$0xb];
	s19 =	simm.s32 $0x3520  }
0x33: {  	[tilespmem:s19], [sflag:$0x1] =	stream.linear.gather [hbm4b:s23+s3], $0x320, $0x38;
	[tilespmem:$0xD5C0] =	vst v63  }
0x34: {  	s24 =	rddreg [dreg:$0xc];
	s20 =	simm.s32 $0x3840  }
0x35: {  	[tilespmem:s20], [sflag:$0x1] =	stream.linear.gather [hbm4b:s24+s3], $0x320, $0x38;
	[tilespmem:$0xD5C0] =	vst v63  }
0x36: {  	s10 =	rddreg [dreg:$0xd];
	s21 =	simm.s32 $0x3B60  }
0x37: {  	[tilespmem:s21], [sflag:$0x1] =	stream.linear.gather [hbm4b:s10+s3], $0x320, $0x38;
	[tilespmem:$0xD5C0] =	vst v63  }
0x38: {  	s11 =	rddreg [dreg:$0xe];
	s22 =	simm.s32 $0x3E80  }
0x39: {  	[tilespmem:s22], [sflag:$0x1] =	stream.linear.gather [hbm4b:s11+s3], $0x320, $0x38;
	[tilespmem:$0xD5C0] =	vst v63  }
0x3a: {  	s23 =	rddreg [dreg:$0xf];
	s11 =	simm.s32 $0x41A0  }
0x3b: {  	[tilespmem:s11], [sflag:$0x1] =	stream.linear.gather [hbm4b:s23+s3], $0x320, $0x38;
	[tilespmem:$0xD5C0] =	vst v63  }
0x3c: {  	s24 =	rddreg [dreg:$0x10];
	s23 =	simm.s32 $0x44C0  }
0x3d: {  	[tilespmem:s23], [sflag:$0x1] =	stream.linear.gather [hbm4b:s24+s3], $0x320, $0x38;
	[tilespmem:$0xD5C0] =	vst v63  }
0x3e: {  	s10 =	rddreg [dreg:$0x11];
	s24 =	simm.s32 $0x47E0  }
0x3f: {  	[tilespmem:s24], [sflag:$0x1] =	stream.linear.gather [hbm4b:s10+s3], $0x320, $0x38;
	[tilespmem:$0xD5C0] =	vst v63  }
0x40: {  	s5 =	rddreg [dreg:$0x12];
	s10 =	simm.s32 $0x4B00  }
0x41: {  	[tilespmem:s10], [sflag:$0x1] =	stream.linear.gather [hbm4b:s5+s3], $0x320, $0x38;
	[tilespmem:$0xD5C0] =	vst v63  }
0x42: {  	_ =	swait.ge [sflag:s29], $0x1F40  }
0x43: {  	[sflag:s29] =	ssyncset.done $0x0  }
0x44: {  	[sflag:s29] =	ssyncadd.s32 $0xFFFFE0C0  }
0x45: {  	_ =	swait.ge [sflag:s29], $0x320  }
0x46: {  	[sflag:s29] =	ssyncset.done $0x0  }
0x47: {  	[sflag:s29] =	ssyncadd.s32 $0xFFFFFCE0  }
0x48: {  	_ =	swait.ge [sflag:s29], $0x320  }
0x49: {  	[sflag:s29] =	ssyncset.done $0x0  }
0x4a: {  	[sflag:s29] =	ssyncadd.s32 $0xFFFFFCE0  }
0x4b: {  	_ =	swait.ge [sflag:s29], $0x320  }
0x4c: {  	[sflag:s29] =	ssyncset.done $0x0  }
0x4d: {  	[sflag:s29] =	ssyncadd.s32 $0xFFFFFCE0  }
0x4e: {  	_ =	swait.ge [sflag:s29], $0x320  }
0x4f: {  	[sflag:s29] =	ssyncset.done $0x0  }
0x50: {  	[sflag:s29] =	ssyncadd.s32 $0xFFFFFCE0  }
0x51: {  	_ =	swait.ge [sflag:s29], $0x320  }
0x52: {  	[sflag:s29] =	ssyncset.done $0x0  }
0x53: {  	[sflag:s29] =	ssyncadd.s32 $0xFFFFFCE0  }
0x54: {  	_ =	swait.ge [sflag:s29], $0x320  }
0x55: {  	[sflag:s29] =	ssyncset.done $0x0  }
0x56: {  	[sflag:s29] =	ssyncadd.s32 $0xFFFFFCE0  }
0x57: {  	_ =	swait.ge [sflag:s29], $0x320  }
0x58: {  	[sflag:s29] =	ssyncset.done $0x0  }
0x59: {  	[sflag:s29] =	ssyncadd.s32 $0xFFFFFCE0  }
0x5a: {  	_ =	swait.ge [sflag:s29], $0x320  }
0x5b: {  	[sflag:s29] =	ssyncset.done $0x0  }
0x5c: {  	[sflag:s29] =	ssyncadd.s32 $0xFFFFFCE0  }
0x5d: {  	_ =	swait.ge [sflag:s29], $0x320  }
0x5e: {  	[sflag:s29] =	ssyncset.done $0x0  }
0x5f: {  	[sflag:s29] =	ssyncadd.s32 $0xFFFFFCE0  }
0x60: {  	_ =	swait.ge [sflag:s29], $0x320  }
0x61: {  	[sflag:s29] =	ssyncset.done $0x0  }
0x62: {  	[sflag:s29] =	ssyncadd.s32 $0xFFFFFCE0  }
0x63: {  	[bflag:$0x0] =	sbarrier.arrive $0xFFFF  }
0x64: {  	[tilespmem:s31], [sflag:$0x2] =	stream.indirect.gather [hbm4b:s4+s30], $0x8, s3, s30, $0xb8;
	[tilespmem:$0xD5C0] =	vst v63  }
0x65: {  	_ = 	snop  }
0x66: {  	[tilespmem:s0], [sflag:$0x3] =	stream.indirect.gather [hbm4b:s4+s30], $0x8, s30, s30, $0xb8;
	[tilespmem:$0xD5C0] =	vst v63  }
0x67: {  	s5 =	simm.s32 $0x640  }
0x68: {  	[tilespmem:s9], [sflag:$0x4] =	stream.indirect.gather [hbm4b:s4+s30], $0x8, s5, s30, $0xb8;
	[tilespmem:$0xD5C0] =	vst v63  }
0x69: {  	_ =	swait.ge [sflag:s12], $0x1900  }
0x6a: {  	[sflag:s12] =	ssyncset.done $0x0  }
0x6b: {  	[sflag:s12] =	ssyncadd.s32 $0xFFFFE700  }
0x6c: {  	[spmem:s2] =	stream.indirect.scatter.add.f32 [tilespmem:s31], [sflag:$0x6], $0x8, s6, s30, $0xb8;
	[tilespmem:$0xD5C0] =	vst v63  }
0x6d: {  	s6 =	simm.s32 $0x960  }
0x6e: {  	[tilespmem:s16], [sflag:$0x5] =	stream.indirect.gather [hbm4b:s4+s30], $0x8, s6, s30, $0xb8;
	[tilespmem:$0xD5C0] =	vst v63  }
0x6f: {  	_ =	swait.ge [sflag:s17], $0x1900  }
0x70: {  	[sflag:s17] =	ssyncset.done $0x0  }
0x71: {  	s5 =	simm.s32 $0x6;
	[sflag:s17] =	ssyncadd.s32 $0xFFFFE700  }
0x72: {  	[spmem:s2] =	stream.indirect.scatter.add.f32 [tilespmem:s0], [sflag:$0x7], $0x8, s13, s30, $0xb8;
	[tilespmem:$0xD5C0] =	vst v63  }
0x73: {  	_ =	swait.ge [sflag:s5], $0x1900  }
0x74: {  	[sflag:s5] =	ssyncset.done $0x0  }
0x75: {  	s13 =	simm.s32 $0xC80;
	[sflag:s5] =	ssyncadd.s32 $0xFFFFE700  }
0x76: {  	[tilespmem:s31], [sflag:$0x2] =	stream.indirect.gather [hbm4b:s4+s30], $0x8, s13, s30, $0xb8;
	[tilespmem:$0xD5C0] =	vst v63  }
0x77: {  	_ =	swait.ge [sflag:s15], $0x1900  }
0x78: {  	[sflag:s15] =	ssyncset.done $0x0  }
0x79: {  	s6 =	simm.s32 $0x7;
	[sflag:s15] =	ssyncadd.s32 $0xFFFFE700  }
0x7a: {  	[spmem:s2] =	stream.indirect.scatter.add.f32 [tilespmem:s9], [sflag:$0x8], $0x8, s19, s30, $0xb8;
	[tilespmem:$0xD5C0] =	vst v63  }
0x7b: {  	_ =	swait.ge [sflag:s6], $0x1900  }
0x7c: {  	[sflag:s6] =	ssyncset.done $0x0  }
0x7d: {  	s19 =	simm.s32 $0xFA0;
	[sflag:s6] =	ssyncadd.s32 $0xFFFFE700  }
0x7e: {  	[tilespmem:s0], [sflag:$0x3] =	stream.indirect.gather [hbm4b:s4+s30], $0x8, s19, s30, $0xb8;
	[tilespmem:$0xD5C0] =	vst v63  }
0x7f: {  	_ =	swait.ge [sflag:s1], $0x1900  }
0x80: {  	[sflag:s1] =	ssyncset.done $0x0  }
0x81: {  	s19 =	simm.s32 $0x8;
	[sflag:s1] =	ssyncadd.s32 $0xFFFFE700  }
0x82: {  	[spmem:s2] =	stream.indirect.scatter.add.f32 [tilespmem:s16], [sflag:$0x9], $0x8, s20, s30, $0xb8;
	[tilespmem:$0xD5C0] =	vst v63  }
0x83: {  	_ =	swait.ge [sflag:s19], $0x1900  }
0x84: {  	[sflag:s19] =	ssyncset.done $0x0  }
0x85: {  	s20 =	simm.s32 $0x12C0;
	[sflag:s19] =	ssyncadd.s32 $0xFFFFE700  }
0x86: {  	[tilespmem:s9], [sflag:$0x4] =	stream.indirect.gather [hbm4b:s4+s30], $0x8, s20, s30, $0xb8;
	[tilespmem:$0xD5C0] =	vst v63  }
0x87: {  	_ =	swait.ge [sflag:s12], $0x1900  }
0x88: {  	[sflag:s12] =	ssyncset.done $0x0  }
0x89: {  	s13 =	simm.s32 $0x9;
	[sflag:s12] =	ssyncadd.s32 $0xFFFFE700  }
0x8a: {  	[spmem:s2] =	stream.indirect.scatter.add.f32 [tilespmem:s31], [sflag:$0x6], $0x8, s21, s30, $0xb8;
	[tilespmem:$0xD5C0] =	vst v63  }
0x8b: {  	_ =	swait.ge [sflag:s13], $0x1900  }
0x8c: {  	[sflag:s13] =	ssyncset.done $0x0  }
0x8d: {  	s21 =	simm.s32 $0x15E0;
	[sflag:s13] =	ssyncadd.s32 $0xFFFFE700  }
0x8e: {  	[tilespmem:s16], [sflag:$0x5] =	stream.indirect.gather [hbm4b:s4+s30], $0x8, s21, s30, $0xb8;
	[tilespmem:$0xD5C0] =	vst v63  }
0x8f: {  	_ =	swait.ge [sflag:s17], $0x1900  }
0x90: {  	[sflag:s17] =	ssyncset.done $0x0  }
0x91: {  	[sflag:s17] =	ssyncadd.s32 $0xFFFFE700  }
0x92: {  	[spmem:s2] =	stream.indirect.scatter.add.f32 [tilespmem:s0], [sflag:$0x7], $0x8, s22, s30, $0xb8;
	[tilespmem:$0xD5C0] =	vst v63  }
0x93: {  	_ =	swait.ge [sflag:s5], $0x1900  }
0x94: {  	[sflag:s5] =	ssyncset.done $0x0  }
0x95: {  	s21 =	simm.s32 $0x1900;
	[sflag:s5] =	ssyncadd.s32 $0xFFFFE700  }
0x96: {  	[tilespmem:s31], [sflag:$0x2] =	stream.indirect.gather [hbm4b:s4+s30], $0x8, s21, s30, $0xb8;
	[tilespmem:$0xD5C0] =	vst v63  }
0x97: {  	_ =	swait.ge [sflag:s15], $0x1900  }
0x98: {  	[sflag:s15] =	ssyncset.done $0x0  }
0x99: {  	[sflag:s15] =	ssyncadd.s32 $0xFFFFE700  }
0x9a: {  	[spmem:s2] =	stream.indirect.scatter.add.f32 [tilespmem:s9], [sflag:$0x8], $0x8, s11, s30, $0xb8;
	[tilespmem:$0xD5C0] =	vst v63  }
0x9b: {  	_ =	swait.ge [sflag:s6], $0x1900  }
0x9c: {  	[sflag:s6] =	ssyncset.done $0x0  }
0x9d: {  	s22 =	simm.s32 $0x1C20;
	[sflag:s6] =	ssyncadd.s32 $0xFFFFE700  }
0x9e: {  	[tilespmem:s0], [sflag:$0x3] =	stream.indirect.gather [hbm4b:s4+s30], $0x8, s22, s30, $0xb8;
	[tilespmem:$0xD5C0] =	vst v63  }
0x9f: {  	_ =	swait.ge [sflag:s1], $0x1900  }
0xa0: {  	[sflag:s1] =	ssyncset.done $0x0  }
0xa1: {  	[sflag:s1] =	ssyncadd.s32 $0xFFFFE700  }
0xa2: {  	[spmem:s2] =	stream.indirect.scatter.add.f32 [tilespmem:s16], [sflag:$0x9], $0x8, s23, s30, $0xb8;
	[tilespmem:$0xD5C0] =	vst v63  }
0xa3: {  	_ =	swait.ge [sflag:s12], $0x1900  }
0xa4: {  	[sflag:s12] =	ssyncset.done $0x0  }
0xa5: {  	[sflag:s12] =	ssyncadd.s32 $0xFFFFE700  }
0xa6: {  	[spmem:s2] =	stream.indirect.scatter.add.f32 [tilespmem:s31], [sflag:$0x6], $0x8, s24, s30, $0xb8;
	[tilespmem:$0xD5C0] =	vst v63  }
0xa7: {  	_ =	swait.ge [sflag:s17], $0x1900  }
0xa8: {  	[sflag:s17] =	ssyncset.done $0x0  }
0xa9: {  	[sflag:s17] =	ssyncadd.s32 $0xFFFFE700  }
0xaa: {  	[spmem:s2] =	stream.indirect.scatter.add.f32 [tilespmem:s0], [sflag:$0x7], $0x8, s10, s30, $0xb8;
	[tilespmem:$0xD5C0] =	vst v63  }
.LBB2_4:
0xab: {  	_ =	swait.ge [sflag:s19], $0x1900  }
0xac: {  	[sflag:s19] =	ssyncset.done $0x0  }
0xad: {  	[sflag:s19] =	ssyncadd.s32 $0xFFFFE700  }
0xae: {  	_ =	swait.ge [sflag:s13], $0x1900  }
0xaf: {  	[sflag:s13] =	ssyncset.done $0x0  }
0xb0: {  	[sflag:s13] =	ssyncadd.s32 $0xFFFFE700  }
0xb1: {  	_ =	swait.ge [sflag:s5], $0x1900  }
0xb2: {  	[sflag:s5] =	ssyncset.done $0x0  }
0xb3: {  	[sflag:s5] =	ssyncadd.s32 $0xFFFFE700  }
0xb4: {  	_ =	swait.ge [sflag:s6], $0x1900  }
0xb5: {  	[sflag:s6] =	ssyncset.done $0x0  }
0xb6: {  	s14 =	sadd.s32 $0xFFFFFFFF, s14;
	[sflag:s6] =	ssyncadd.s32 $0xFFFFE700  }
0xb7: {  	p1 =	sne.s32 s14, $0x0;
	[bflag:$0x0] =	sbarrier.arrive $0xFFFF  }
.Ltmp1:
0xb8: {  	s24 =	rddreg [dreg:$0x9];
	(pc) =	sbr.rel @!p1 .LBB2_5-.Ltmp1, $4  }
0xb9: {  	[hbm:s24], [sflag:s7] =	dma.local [spmem:s8], $0x280  }
0xba: {  	_ =	swait.ge [sflag:s18], $0x280  }
0xbb: {  	[sflag:s18] =	ssyncset.done $0x0  }
0xbc: {  	[sflag:s18] =	ssyncadd.s32 $0xFFFFFD80  }
.LBB2_1:
0xbd: {  	s5 =	rddreg [dreg:$0x3]  }
.Ltmp2:
0xbe: {  	s24 =	rddreg [dreg:$0x4];
	s8 =	sshrl.u32 s5, $0x3;
	(pc) =	sbr.rel @p0 .LBB2_3-.Ltmp2, $4  }
0xbf: {  	[spmem:s8], [sflag:s7] =	dma.local [hbm:s24], $0x280  }
0xc0: {  	_ =	swait.ge [sflag:s18], $0x280  }
0xc1: {  	[sflag:s18] =	ssyncset.done $0x0  }
0xc2: {  	[sflag:s18] =	ssyncadd.s32 $0xFFFFFD80  }
0xc3: {  	s5 =	rddreg [dreg:$0x6]  }
0xc4: {  	s22 =	rddreg [dreg:$0x5]  }
0xc5: {  	[tilespmem:s3], [sflag:$0x1] =	stream.linear.gather [hbm4b:s5+s3], $0x2EE0, $0x38;
	[tilespmem:$0xD5C0] =	vst v63  }
0xc6: {  	s6 =	simm.s32 $0x2EE0;
	s5 =	sadd.s32 s22, s25  }
0xc7: {  	[tilespmem:s6], [sflag:$0x1] =	stream.linear.gather [hbm4b:s5+s3], $0x320, $0x38;
	[tilespmem:$0xD5C0] =	vst v63  }
0xc8: {  	s23 =	rddreg [dreg:$0x13];
	s13 =	simm.s32 $0x3200  }
0xc9: {  	[tilespmem:s13], [sflag:$0x1] =	stream.linear.gather [hbm4b:s23+s3], $0x320, $0x38;
	[tilespmem:$0xD5C0] =	vst v63  }
0xca: {  	s24 =	rddreg [dreg:$0x14];
	s19 =	simm.s32 $0x3520  }
0xcb: {  	[tilespmem:s19], [sflag:$0x1] =	stream.linear.gather [hbm4b:s24+s3], $0x320, $0x38;
	[tilespmem:$0xD5C0] =	vst v63  }
0xcc: {  	s10 =	rddreg [dreg:$0x15];
	s20 =	simm.s32 $0x3840  }
0xcd: {  	[tilespmem:s20], [sflag:$0x1] =	stream.linear.gather [hbm4b:s10+s3], $0x320, $0x38;
	[tilespmem:$0xD5C0] =	vst v63  }
0xce: {  	s11 =	rddreg [dreg:$0x16];
	s24 =	simm.s32 $0x3B60  }
0xcf: {  	[tilespmem:s24], [sflag:$0x1] =	stream.linear.gather [hbm4b:s11+s3], $0x320, $0x38;
	[tilespmem:$0xD5C0] =	vst v63  }
0xd0: {  	s21 =	rddreg [dreg:$0x17];
	s10 =	simm.s32 $0x3E80  }
0xd1: {  	[tilespmem:s10], [sflag:$0x1] =	stream.linear.gather [hbm4b:s21+s3], $0x320, $0x38;
	[tilespmem:$0xD5C0] =	vst v63  }
0xd2: {  	s22 =	rddreg [dreg:$0x18];
	s11 =	simm.s32 $0x41A0  }
0xd3: {  	[tilespmem:s11], [sflag:$0x1] =	stream.linear.gather [hbm4b:s22+s3], $0x320, $0x38;
	[tilespmem:$0xD5C0] =	vst v63  }
0xd4: {  	s23 =	rddreg [dreg:$0x19]  }
0xd5: {  	[tilespmem:s26], [sflag:$0x1] =	stream.linear.gather [hbm4b:s23+s3], $0x320, $0x38;
	[tilespmem:$0xD5C0] =	vst v63  }
0xd6: {  	s21 =	rddreg [dreg:$0x1a]  }
0xd7: {  	[tilespmem:s28], [sflag:$0x1] =	stream.linear.gather [hbm4b:s21+s3], $0x320, $0x38;
	[tilespmem:$0xD5C0] =	vst v63  }
0xd8: {  	s22 =	rddreg [dreg:$0x1b];
	s21 =	simm.s32 $0x4B00  }
0xd9: {  	[tilespmem:s21], [sflag:$0x1] =	stream.linear.gather [hbm4b:s22+s3], $0x320, $0x38;
	[tilespmem:$0xD5C0] =	vst v63  }
0xda: {  	s23 =	rddreg [dreg:$0x1c];
	s22 =	simm.s32 $0x4E20  }
0xdb: {  	[tilespmem:s22], [sflag:$0x1] =	stream.linear.gather [hbm4b:s23+s3], $0x320, $0x38;
	[tilespmem:$0xD5C0] =	vst v63  }
0xdc: {  	s5 =	rddreg [dreg:$0x1d];
	s23 =	simm.s32 $0x5140  }
0xdd: {  	[tilespmem:s23], [sflag:$0x1] =	stream.linear.gather [hbm4b:s5+s3], $0x320, $0x38;
	[tilespmem:$0xD5C0] =	vst v63  }
0xde: {  	s5 =	rddreg [dreg:$0x1e];
	s23 =	simm.s32 $0x5460  }
0xdf: {  	[tilespmem:s23], [sflag:$0x1] =	stream.linear.gather [hbm4b:s5+s3], $0x320, $0x38;
	[tilespmem:$0xD5C0] =	vst v63  }
0xe0: {  	s5 =	rddreg [dreg:$0x1f];
	s23 =	simm.s32 $0x5780  }
0xe1: {  	[tilespmem:s23], [sflag:$0x1] =	stream.linear.gather [hbm4b:s5+s3], $0x320, $0x38;
	[tilespmem:$0xD5C0] =	vst v63  }
0xe2: {  	s5 =	sld [smem:$0x7FD];
	_ =	sdelay $0x1  }
0xe3: {  	s23 =	simm.s32 $0x5AA0  }
0xe4: {  	[tilespmem:s23], [sflag:$0x1] =	stream.linear.gather [hbm4b:s5+s3], $0x320, $0x38;
	[tilespmem:$0xD5C0] =	vst v63  }
0xe5: {  	_ =	swait.ge [sflag:s29], $0x2EE0  }
0xe6: {  	[sflag:s29] =	ssyncset.done $0x0  }
0xe7: {  	[sflag:s29] =	ssyncadd.s32 $0xFFFFD120  }
0xe8: {  	_ =	swait.ge [sflag:s29], $0x320  }
0xe9: {  	[sflag:s29] =	ssyncset.done $0x0  }
0xea: {  	[sflag:s29] =	ssyncadd.s32 $0xFFFFFCE0  }
0xeb: {  	_ =	swait.ge [sflag:s29], $0x320  }
0xec: {  	[sflag:s29] =	ssyncset.done $0x0  }
0xed: {  	[sflag:s29] =	ssyncadd.s32 $0xFFFFFCE0  }
0xee: {  	_ =	swait.ge [sflag:s29], $0x320  }
0xef: {  	[sflag:s29] =	ssyncset.done $0x0  }
0xf0: {  	[sflag:s29] =	ssyncadd.s32 $0xFFFFFCE0  }
0xf1: {  	_ =	swait.ge [sflag:s29], $0x320  }
0xf2: {  	[sflag:s29] =	ssyncset.done $0x0  }
0xf3: {  	[sflag:s29] =	ssyncadd.s32 $0xFFFFFCE0  }
0xf4: {  	_ =	swait.ge [sflag:s29], $0x320  }
0xf5: {  	[sflag:s29] =	ssyncset.done $0x0  }
0xf6: {  	[sflag:s29] =	ssyncadd.s32 $0xFFFFFCE0  }
0xf7: {  	_ =	swait.ge [sflag:s29], $0x320  }
0xf8: {  	[sflag:s29] =	ssyncset.done $0x0  }
0xf9: {  	[sflag:s29] =	ssyncadd.s32 $0xFFFFFCE0  }
0xfa: {  	_ =	swait.ge [sflag:s29], $0x320  }
0xfb: {  	[sflag:s29] =	ssyncset.done $0x0  }
0xfc: {  	[sflag:s29] =	ssyncadd.s32 $0xFFFFFCE0  }
0xfd: {  	_ =	swait.ge [sflag:s29], $0x320  }
0xfe: {  	[sflag:s29] =	ssyncset.done $0x0  }
0xff: {  	[sflag:s29] =	ssyncadd.s32 $0xFFFFFCE0  }
0x100: {  	_ =	swait.ge [sflag:s29], $0x320  }
0x101: {  	[sflag:s29] =	ssyncset.done $0x0  }
0x102: {  	[sflag:s29] =	ssyncadd.s32 $0xFFFFFCE0  }
0x103: {  	_ =	swait.ge [sflag:s29], $0x320  }
0x104: {  	[sflag:s29] =	ssyncset.done $0x0  }
0x105: {  	[sflag:s29] =	ssyncadd.s32 $0xFFFFFCE0  }
0x106: {  	_ =	swait.ge [sflag:s29], $0x320  }
0x107: {  	[sflag:s29] =	ssyncset.done $0x0  }
0x108: {  	[sflag:s29] =	ssyncadd.s32 $0xFFFFFCE0  }
0x109: {  	_ =	swait.ge [sflag:s29], $0x320  }
0x10a: {  	[sflag:s29] =	ssyncset.done $0x0  }
0x10b: {  	[sflag:s29] =	ssyncadd.s32 $0xFFFFFCE0  }
0x10c: {  	_ =	swait.ge [sflag:s29], $0x320  }
0x10d: {  	[sflag:s29] =	ssyncset.done $0x0  }
0x10e: {  	[sflag:s29] =	ssyncadd.s32 $0xFFFFFCE0  }
0x10f: {  	_ =	swait.ge [sflag:s29], $0x320  }
0x110: {  	[sflag:s29] =	ssyncset.done $0x0  }
0x111: {  	[sflag:s29] =	ssyncadd.s32 $0xFFFFFCE0  }
0x112: {  	_ =	swait.ge [sflag:s29], $0x320  }
0x113: {  	[sflag:s29] =	ssyncset.done $0x0  }
0x114: {  	[sflag:s29] =	ssyncadd.s32 $0xFFFFFCE0  }
0x115: {  	[bflag:$0x0] =	sbarrier.arrive $0xFFFF  }
0x116: {  	[tilespmem:s31], [sflag:$0x2] =	stream.indirect.gather [hbm4b:s4+s30], $0x8, s3, s30, $0xb8;
	[tilespmem:$0xD5C0] =	vst v63  }
0x117: {  	_ = 	snop  }
0x118: {  	[tilespmem:s0], [sflag:$0x3] =	stream.indirect.gather [hbm4b:s4+s30], $0x8, s30, s30, $0xb8;
	[tilespmem:$0xD5C0] =	vst v63  }
0x119: {  	s5 =	simm.s32 $0x640  }
0x11a: {  	[tilespmem:s9], [sflag:$0x4] =	stream.indirect.gather [hbm4b:s4+s30], $0x8, s5, s30, $0xb8;
	[tilespmem:$0xD5C0] =	vst v63  }
0x11b: {  	_ =	swait.ge [sflag:s12], $0x1900  }
0x11c: {  	[sflag:s12] =	ssyncset.done $0x0  }
0x11d: {  	[sflag:s12] =	ssyncadd.s32 $0xFFFFE700  }
0x11e: {  	[spmem:s2] =	stream.indirect.scatter.add.f32 [tilespmem:s31], [sflag:$0x6], $0x8, s6, s30, $0xb8;
	[tilespmem:$0xD5C0] =	vst v63  }
0x11f: {  	s6 =	simm.s32 $0x960  }
0x120: {  	[tilespmem:s16], [sflag:$0x5] =	stream.indirect.gather [hbm4b:s4+s30], $0x8, s6, s30, $0xb8;
	[tilespmem:$0xD5C0] =	vst v63  }
0x121: {  	_ =	swait.ge [sflag:s17], $0x1900  }
0x122: {  	[sflag:s17] =	ssyncset.done $0x0  }
0x123: {  	[sflag:s17] =	ssyncadd.s32 $0xFFFFE700  }
0x124: {  	[spmem:s2] =	stream.indirect.scatter.add.f32 [tilespmem:s0], [sflag:$0x7], $0x8, s13, s30, $0xb8;
	[tilespmem:$0xD5C0] =	vst v63  }
0x125: {  	s13 =	simm.s32 $0x6  }
0x126: {  	_ =	swait.ge [sflag:s13], $0x1900  }
0x127: {  	[sflag:s13] =	ssyncset.done $0x0  }
0x128: {  	s6 =	simm.s32 $0xC80;
	[sflag:s13] =	ssyncadd.s32 $0xFFFFE700  }
0x129: {  	[tilespmem:s31], [sflag:$0x2] =	stream.indirect.gather [hbm4b:s4+s30], $0x8, s6, s30, $0xb8;
	[tilespmem:$0xD5C0] =	vst v63  }
0x12a: {  	_ =	swait.ge [sflag:s15], $0x1900  }
0x12b: {  	[sflag:s15] =	ssyncset.done $0x0  }
0x12c: {  	s5 =	simm.s32 $0x7;
	[sflag:s15] =	ssyncadd.s32 $0xFFFFE700  }
0x12d: {  	[spmem:s2] =	stream.indirect.scatter.add.f32 [tilespmem:s9], [sflag:$0x8], $0x8, s19, s30, $0xb8;
	[tilespmem:$0xD5C0] =	vst v63  }
0x12e: {  	_ =	swait.ge [sflag:s5], $0x1900  }
0x12f: {  	[sflag:s5] =	ssyncset.done $0x0  }
0x130: {  	s19 =	simm.s32 $0xFA0;
	[sflag:s5] =	ssyncadd.s32 $0xFFFFE700  }
0x131: {  	[tilespmem:s0], [sflag:$0x3] =	stream.indirect.gather [hbm4b:s4+s30], $0x8, s19, s30, $0xb8;
	[tilespmem:$0xD5C0] =	vst v63  }
0x132: {  	_ =	swait.ge [sflag:s1], $0x1900  }
0x133: {  	[sflag:s1] =	ssyncset.done $0x0  }
0x134: {  	s6 =	simm.s32 $0x8;
	[sflag:s1] =	ssyncadd.s32 $0xFFFFE700  }
0x135: {  	[spmem:s2] =	stream.indirect.scatter.add.f32 [tilespmem:s16], [sflag:$0x9], $0x8, s20, s30, $0xb8;
	[tilespmem:$0xD5C0] =	vst v63  }
0x136: {  	_ =	swait.ge [sflag:s6], $0x1900  }
0x137: {  	[sflag:s6] =	ssyncset.done $0x0  }
0x138: {  	s20 =	simm.s32 $0x12C0;
	[sflag:s6] =	ssyncadd.s32 $0xFFFFE700  }
0x139: {  	[tilespmem:s9], [sflag:$0x4] =	stream.indirect.gather [hbm4b:s4+s30], $0x8, s20, s30, $0xb8;
	[tilespmem:$0xD5C0] =	vst v63  }
0x13a: {  	_ =	swait.ge [sflag:s12], $0x1900  }
0x13b: {  	[sflag:s12] =	ssyncset.done $0x0  }
0x13c: {  	s19 =	simm.s32 $0x9;
	[sflag:s12] =	ssyncadd.s32 $0xFFFFE700  }
0x13d: {  	[spmem:s2] =	stream.indirect.scatter.add.f32 [tilespmem:s31], [sflag:$0x6], $0x8, s24, s30, $0xb8;
	[tilespmem:$0xD5C0] =	vst v63  }
0x13e: {  	_ =	swait.ge [sflag:s19], $0x1900  }
0x13f: {  	[sflag:s19] =	ssyncset.done $0x0  }
0x140: {  	s24 =	simm.s32 $0x15E0;
	[sflag:s19] =	ssyncadd.s32 $0xFFFFE700  }
0x141: {  	[tilespmem:s16], [sflag:$0x5] =	stream.indirect.gather [hbm4b:s4+s30], $0x8, s24, s30, $0xb8;
	[tilespmem:$0xD5C0] =	vst v63  }
0x142: {  	_ =	swait.ge [sflag:s17], $0x1900  }
0x143: {  	[sflag:s17] =	ssyncset.done $0x0  }
0x144: {  	[sflag:s17] =	ssyncadd.s32 $0xFFFFE700  }
0x145: {  	[spmem:s2] =	stream.indirect.scatter.add.f32 [tilespmem:s0], [sflag:$0x7], $0x8, s10, s30, $0xb8;
	[tilespmem:$0xD5C0] =	vst v63  }
0x146: {  	_ =	swait.ge [sflag:s13], $0x1900  }
0x147: {  	[sflag:s13] =	ssyncset.done $0x0  }
0x148: {  	s24 =	simm.s32 $0x1900;
	[sflag:s13] =	ssyncadd.s32 $0xFFFFE700  }
0x149: {  	[tilespmem:s31], [sflag:$0x2] =	stream.indirect.gather [hbm4b:s4+s30], $0x8, s24, s30, $0xb8;
	[tilespmem:$0xD5C0] =	vst v63  }
0x14a: {  	_ =	swait.ge [sflag:s15], $0x1900  }
0x14b: {  	[sflag:s15] =	ssyncset.done $0x0  }
0x14c: {  	[sflag:s15] =	ssyncadd.s32 $0xFFFFE700  }
0x14d: {  	[spmem:s2] =	stream.indirect.scatter.add.f32 [tilespmem:s9], [sflag:$0x8], $0x8, s11, s30, $0xb8;
	[tilespmem:$0xD5C0] =	vst v63  }
0x14e: {  	_ =	swait.ge [sflag:s5], $0x1900  }
0x14f: {  	[sflag:s5] =	ssyncset.done $0x0  }
0x150: {  	s10 =	simm.s32 $0x1C20;
	[sflag:s5] =	ssyncadd.s32 $0xFFFFE700  }
0x151: {  	[tilespmem:s0], [sflag:$0x3] =	stream.indirect.gather [hbm4b:s4+s30], $0x8, s10, s30, $0xb8;
	[tilespmem:$0xD5C0] =	vst v63  }
0x152: {  	_ =	swait.ge [sflag:s1], $0x1900  }
0x153: {  	[sflag:s1] =	ssyncset.done $0x0  }
0x154: {  	[sflag:s1] =	ssyncadd.s32 $0xFFFFE700  }
0x155: {  	[spmem:s2] =	stream.indirect.scatter.add.f32 [tilespmem:s16], [sflag:$0x9], $0x8, s26, s30, $0xb8;
	[tilespmem:$0xD5C0] =	vst v63  }
0x156: {  	_ =	swait.ge [sflag:s6], $0x1900  }
0x157: {  	[sflag:s6] =	ssyncset.done $0x0  }
0x158: {  	s11 =	simm.s32 $0x1F40;
	[sflag:s6] =	ssyncadd.s32 $0xFFFFE700  }
0x159: {  	[tilespmem:s9], [sflag:$0x4] =	stream.indirect.gather [hbm4b:s4+s30], $0x8, s11, s30, $0xb8;
	[tilespmem:$0xD5C0] =	vst v63  }
0x15a: {  	_ =	swait.ge [sflag:s12], $0x1900  }
0x15b: {  	[sflag:s12] =	ssyncset.done $0x0  }
0x15c: {  	[sflag:s12] =	ssyncadd.s32 $0xFFFFE700  }
0x15d: {  	[spmem:s2] =	stream.indirect.scatter.add.f32 [tilespmem:s31], [sflag:$0x6], $0x8, s28, s30, $0xb8;
	[tilespmem:$0xD5C0] =	vst v63  }
0x15e: {  	_ =	swait.ge [sflag:s19], $0x1900  }
0x15f: {  	[sflag:s19] =	ssyncset.done $0x0  }
0x160: {  	s20 =	simm.s32 $0x2260;
	[sflag:s19] =	ssyncadd.s32 $0xFFFFE700  }
0x161: {  	[tilespmem:s16], [sflag:$0x5] =	stream.indirect.gather [hbm4b:s4+s30], $0x8, s20, s30, $0xb8;
	[tilespmem:$0xD5C0] =	vst v63  }
0x162: {  	_ =	swait.ge [sflag:s17], $0x1900  }
0x163: {  	[sflag:s17] =	ssyncset.done $0x0  }
0x164: {  	[sflag:s17] =	ssyncadd.s32 $0xFFFFE700  }
0x165: {  	[spmem:s2] =	stream.indirect.scatter.add.f32 [tilespmem:s0], [sflag:$0x7], $0x8, s21, s30, $0xb8;
	[tilespmem:$0xD5C0] =	vst v63  }
0x166: {  	_ =	swait.ge [sflag:s13], $0x1900  }
0x167: {  	[sflag:s13] =	ssyncset.done $0x0  }
0x168: {  	s24 =	simm.s32 $0x2580;
	[sflag:s13] =	ssyncadd.s32 $0xFFFFE700  }
0x169: {  	[tilespmem:s31], [sflag:$0x2] =	stream.indirect.gather [hbm4b:s4+s30], $0x8, s24, s30, $0xb8;
	[tilespmem:$0xD5C0] =	vst v63  }
0x16a: {  	_ =	swait.ge [sflag:s15], $0x1900  }
0x16b: {  	[sflag:s15] =	ssyncset.done $0x0  }
0x16c: {  	[sflag:s15] =	ssyncadd.s32 $0xFFFFE700  }
0x16d: {  	[spmem:s2] =	stream.indirect.scatter.add.f32 [tilespmem:s9], [sflag:$0x8], $0x8, s22, s30, $0xb8;
	[tilespmem:$0xD5C0] =	vst v63  }
0x16e: {  	_ =	swait.ge [sflag:s5], $0x1900  }
0x16f: {  	[sflag:s5] =	ssyncset.done $0x0  }
0x170: {  	s11 =	simm.s32 $0x28A0;
	[sflag:s5] =	ssyncadd.s32 $0xFFFFE700  }
0x171: {  	[tilespmem:s0], [sflag:$0x3] =	stream.indirect.gather [hbm4b:s4+s30], $0x8, s11, s30, $0xb8;
	[tilespmem:$0xD5C0] =	vst v63  }
0x172: {  	_ =	swait.ge [sflag:s1], $0x1900  }
0x173: {  	[sflag:s1] =	ssyncset.done $0x0  }
0x174: {  	s20 =	simm.s32 $0x5140;
	[sflag:s1] =	ssyncadd.s32 $0xFFFFE700  }
0x175: {  	[spmem:s2] =	stream.indirect.scatter.add.f32 [tilespmem:s16], [sflag:$0x9], $0x8, s20, s30, $0xb8;
	[tilespmem:$0xD5C0] =	vst v63  }
0x176: {  	_ =	swait.ge [sflag:s6], $0x1900  }
0x177: {  	[sflag:s6] =	ssyncset.done $0x0  }
0x178: {  	s21 =	simm.s32 $0x2BC0;
	[sflag:s6] =	ssyncadd.s32 $0xFFFFE700  }
0x179: {  	[tilespmem:s9], [sflag:$0x4] =	stream.indirect.gather [hbm4b:s4+s30], $0x8, s21, s30, $0xb8;
	[tilespmem:$0xD5C0] =	vst v63  }
0x17a: {  	_ =	swait.ge [sflag:s12], $0x1900  }
0x17b: {  	[sflag:s12] =	ssyncset.done $0x0  }
0x17c: {  	s22 =	simm.s32 $0x5460;
	[sflag:s12] =	ssyncadd.s32 $0xFFFFE700  }
0x17d: {  	[spmem:s2] =	stream.indirect.scatter.add.f32 [tilespmem:s31], [sflag:$0x6], $0x8, s22, s30, $0xb8;
	[tilespmem:$0xD5C0] =	vst v63  }
0x17e: {  	_ =	swait.ge [sflag:s17], $0x1900  }
0x17f: {  	[sflag:s17] =	ssyncset.done $0x0  }
0x180: {  	s24 =	simm.s32 $0x5780;
	[sflag:s17] =	ssyncadd.s32 $0xFFFFE700  }
0x181: {  	[spmem:s2] =	stream.indirect.scatter.add.f32 [tilespmem:s0], [sflag:$0x7], $0x8, s24, s30, $0xb8;
	[tilespmem:$0xD5C0] =	vst v63  }
.Ltmp3:
0x182: {  	_ = 	snop;
	(pc) =	sbr.rel .LBB2_4-.Ltmp3, $4  }
0x183: {  	_ =	swait.ge [sflag:s15], $0x1900  }
0x184: {  	[sflag:s15] =	ssyncset.done $0x0  }
0x185: {  	s23 =	simm.s32 $0x5AA0;
	[sflag:s15] =	ssyncadd.s32 $0xFFFFE700  }
0x186: {  	[spmem:s2] =	stream.indirect.scatter.add.f32 [tilespmem:s9], [sflag:$0x8], $0x8, s23, s30, $0xb8;
	[tilespmem:$0xD5C0] =	vst v63  }
.LBB2_5:
0x187: {  	_ =	sfence.sel $0x180000  }
0x188: {  	[bflag:$0x0] =	sbarrier.arrive $0xFFFF  }
0x189: {  	_ =	strace $0x9000004A  }
0x18a: {  	s0 =	stileid.u32;
	[bflag:$0x2] =	sbarrier.arrive $0xFFFF  }
0x18b: {  	p0 =	sne.s32 s0, $0x0;
	s0 =	rddreg [dreg:$0x2]  }
0x18c: {  	s0 =	sadd.s32 @!p0 $0x100000, s0  }
0x18d: {  	[sflag:s0] =	ssyncadd.tile.s32 @!p0 $0x1;
	_ =	shalt  }
.Lfunc_end2:
_tile_overlayer_lowered:
.L_overlay_start_2:
0x18e: {  	(tag) =	ssettag $0x2  }
0x18f: {  	s0 =	rddreg [dreg:$0x0];
	s2 =	stileid.u32  }
0x190: {  	s1 =	rddreg [dreg:$0x1];
	p0 =	sne.s32 s2, $0x0  }
0x191: {  	s3 =	rddreg [dreg:$0x2];
	[bflag:$0x3] =	sbarrier.arrive $0xFFFF;
	s2 =	simm.s32 @!p0 $0x1C0A  }
0x192: {  	[timem:s3], [sflag:s2] =	dma.local @!p0 [hbm:s0], s1  }
0x193: {  	s0 =	simm.s32 @!p0 $0xA  }
0x194: {  	_ =	swait.ge @!p0 [sflag:s0], s1  }
0x195: {  	s1 =	ssub.s32 @!p0 $0x0, s1;
	[sflag:s0] =	ssyncset.done @!p0 $0x0  }
0x196: {  	[sflag:s0] =	ssyncadd.s32 @!p0 s1  }
0x197: {  	[bflag:$0x3] =	sbarrier.arrive $0xFFFF  }
0x198: {  	_ =	shalt  }

</sc_bundles>
